<compile_context>
chip_gen: v7x
topology: tpu7x:2x2x1
jax: 0.10.2.dev20260603
libtpu: 0.0.44.dev20260713+nightly
codegen_flags: <defaults>
</compile_context>

<pallas_src>
import functools

import jax
import jax.numpy as jnp
from jax import lax
from jax.experimental import pallas as pl
from jax.experimental.pallas import tpu as pltpu
from jax.experimental.pallas import tpu_sc as plsc

HID = 16
NEXP = 8
LANES = 16
NC = 2
NS = 16
NW = NC * NS

TBLK = 16
REP = 128

_mesh = plsc.VectorSubcoreMesh(core_axis_name="c", subcore_axis_name="s")


def _wid():
    return lax.axis_index("s") * NC + lax.axis_index("c")


def _phase_a(chunk, x_hbm, wr_hbm, brp_hbm, part_out, xv, wv, bv, pv, sem):
    wid = _wid()
    base = wid * chunk * HID
    cp = pltpu.async_copy(x_hbm.at[pl.ds(base, chunk * HID)], xv, sem)
    pltpu.sync_copy(wr_hbm, wv)
    pltpu.sync_copy(brp_hbm, bv)
    cp.wait()

    lanes = lax.iota(jnp.int32, LANES)
    nblk = chunk // TBLK

    def body(b, carry):
        us = list(carry[:HID])
        gs = carry[HID]
        flat0 = b * TBLK * HID + lanes * HID
        cols = [plsc.load_gather(xv, [flat0 + h]) for h in range(HID)]
        bvec = bv[:]
        logit = []
        for e in range(NEXP):
            wrow = wv[e, :]
            acc = cols[0] * wrow[0]
            for h in range(1, HID):
                acc = acc + cols[h] * wrow[h]
            logit.append(acc + bvec[e])
        m = logit[0]
        for e in range(1, NEXP):
            m = jnp.maximum(m, logit[e])
        den = jnp.exp(logit[0] - m)
        for e in range(1, NEXP):
            den = den + jnp.exp(logit[e] - m)
        g = 1.0 / den
        us = [us[h] + g * cols[h] for h in range(HID)]
        return tuple(us) + (gs + g,)

    init = tuple(jnp.zeros((LANES,), jnp.float32) for _ in range(HID + 1))
    carry = lax.fori_loop(0, nblk, body, init)

    uvec = jnp.zeros((LANES,), jnp.float32)
    for h in range(HID):
        uvec = jnp.where(lanes == h, jnp.sum(carry[h]), uvec)
    pv[0, :] = uvec
    pv[1, :] = jnp.full((LANES,), jnp.sum(carry[HID]))
    pltpu.sync_copy(pv, part_out.at[wid])


def _phase_b(chunk, part_hbm, wet_hbm, be_hbm, y_out, partv, wetv, bev, repv, sem):
    wid = _wid()
    pltpu.sync_copy(part_hbm, partv)
    pltpu.sync_copy(wet_hbm, wetv)
    pltpu.sync_copy(be_hbm, bev)

    lanes = lax.iota(jnp.int32, LANES)
    zero = jnp.zeros((LANES,), jnp.float32)
    usum = partv[0, 0, :]
    gsum = partv[0, 1, :]
    for w in range(1, NW):
        usum = usum + partv[w, 0, :]
        gsum = gsum + partv[w, 1, :]
    v = bev[:] * gsum
    for h in range(HID):
        uh = jnp.sum(jnp.where(lanes == h, usum, zero))
        v = v + uh * wetv[h, :]

    for r in range(REP):
        repv[r, :] = v

    base = wid * chunk
    cps = [
        pltpu.async_copy(repv, y_out.at[pl.ds(base + i * REP, REP)], sem)
        for i in range(chunk // REP)
    ]
    for cp in cps:
        cp.wait()


def kernel(x, Wr, br, We, be):
    b, s, h = x.shape
    ntok = b * s
    chunk = ntok // NW
    xf = x.reshape(ntok * h)
    brp = jnp.zeros((LANES,), jnp.float32).at[:NEXP].set(br)
    wet = We.T

    parts = pl.kernel(
        functools.partial(_phase_a, chunk),
        out_type=jax.ShapeDtypeStruct((NW, 2, LANES), jnp.float32),
        mesh=_mesh,
        compiler_params=pltpu.CompilerParams(needs_layout_passes=False),
        scratch_types=[
            pltpu.VMEM((chunk * HID,), jnp.float32),
            pltpu.VMEM((NEXP, HID), jnp.float32),
            pltpu.VMEM((LANES,), jnp.float32),
            pltpu.VMEM((2, LANES), jnp.float32),
            pltpu.SemaphoreType.DMA,
        ],
    )(xf, Wr, brp)

    y = pl.kernel(
        functools.partial(_phase_b, chunk),
        out_type=jax.ShapeDtypeStruct((ntok, HID), jnp.float32),
        mesh=_mesh,
        compiler_params=pltpu.CompilerParams(needs_layout_passes=False),
        scratch_types=[
            pltpu.VMEM((NW, 2, LANES), jnp.float32),
            pltpu.VMEM((HID, HID), jnp.float32),
            pltpu.VMEM((LANES,), jnp.float32),
            pltpu.VMEM((REP, HID), jnp.float32),
            pltpu.SemaphoreType.DMA,
        ],
    )(parts, wet, be)

    return y.reshape(b, s, h)

# --- scband reference (transcript-rebuilt; emitter-appended) ---
"""Pipeline reference for scband-expert-ffn-41343355191804 (READ-ONLY COPY).

The authoritative reference and input builder live on the scoring server;
editing this copy changes nothing except your own understanding.
"""

import jax, jax.numpy as jnp
import numpy as np

HID = 16
NEXP = 8
B = 4
S = 8192

def setup_inputs(seed: int = 0) -> dict:
    key = jax.random.key(seed)
    k1, k2, k3 = jax.random.split(key, 3)
    x = jax.random.normal(k1, (B, S, HID), dtype=jnp.float32)
    # router: nn.Linear(hidden_size, num_experts) -> weight [NEXP, HID], bias [NEXP]
    Wr = jax.random.normal(k2, (NEXP, HID), dtype=jnp.float32) * (1.0 / np.sqrt(HID))
    br = jnp.zeros((NEXP,), dtype=jnp.float32)
    # ALL experts are the SAME nn.Linear(16,16) instance in the torch code
    We = jax.random.normal(k3, (HID, HID), dtype=jnp.float32) * (1.0 / np.sqrt(HID))
    be = jnp.zeros((HID,), dtype=jnp.float32)
    return {"x": x, "Wr": Wr, "br": br, "We": We, "be": be}

def reference(x, Wr, br, We, be):
    b, s, h = x.shape
    xf = x.reshape(b * s, h)
    # h = self.router(x)
    logits = xf @ Wr.T + br
    Sm = jax.nn.softmax(logits, axis=-1)
    # G, chosen_expert_index = t.max(S, dim=-1)
    G = jnp.max(Sm, axis=-1)
    idx = jnp.argmax(Sm, axis=-1)
    P = jax.nn.one_hot(idx, NEXP, dtype=xf.dtype)
    # Every token goes through its chosen expert, but all experts share weights,
    # and E is re-assembled in token order -> E[j] = expert(x[j]) for every token j.
    E = xf @ We.T + be
    # einsum('bs_keep num_experts, bs, bs hidden_size -> bs_keep hidden_size', P, G, E)
    # NOTE: 'bs_keep' and 'bs' are DISTINCT axes in the source einsum, so every
    # output row equals sum_j G[j] * E[j, :] (faithful to the original code).
    y = jnp.einsum('ke,b,bh->kh', P, G, E)
    y = y.reshape(b, s, h)
    return y

if __name__ == "__main__":
    import jax
    _d = setup_inputs()
    print(jax.jit(kernel)(*tuple(_d.values())))

</pallas_src>

<mosaic_0001>
#map = affine_map<(d0, d1) -> (0)>
#map1 = affine_map<(d0, d1) -> (0, 0)>
#map2 = affine_map<(d0, d1) -> (0, 0, 0)>
module attributes {stable_mosaic.version = 14 : i64} {
  func.func @_phase_a(%arg0: i32, %arg1: i32, %arg2: memref<524288xf32, #tpu.memory_space<hbm>>, %arg3: memref<8x16xf32, #tpu.memory_space<hbm>>, %arg4: memref<16xf32, #tpu.memory_space<hbm>>, %arg5: memref<32x2x16xf32, #tpu.memory_space<hbm>>, %arg6: memref<16384xf32, #tpu.memory_space<vmem>>, %arg7: memref<8x16xf32, #tpu.memory_space<vmem>>, %arg8: memref<16xf32, #tpu.memory_space<vmem>>, %arg9: memref<2x16xf32, #tpu.memory_space<vmem>>, %arg10: memref<!tpu.dma_semaphore, #tpu.memory_space<semaphore_mem>>) attributes {dimension_semantics = [#tpu.dimension_semantics<core_parallel>, #tpu.dimension_semantics<subcore_parallel>], iteration_bounds = array<i64: 2, 16>, scalar_prefetch = 0 : i64, scratch_operands = 5 : i64, tpu.core_type = #tpu.core_type<sc_vector_subcore>, window_params = [{transform_indices = #map}, {transform_indices = #map1}, {transform_indices = #map}, {transform_indices = #map2}]} {
    %mul3A = arith.constant 2 : i32
    %mul3A_0 = arith.muli %arg1, %mul3A : i32
    %add3A = arith.addi %mul3A_0, %arg0 : i32
    %mul3A_1 = arith.constant 1024 : i32
    %mul3A_2 = arith.muli %add3A, %mul3A_1 : i32
    %mul3A_3 = arith.constant 16 : i32
    %mul3A_4 = arith.muli %mul3A_2, %mul3A_3 : i32
    %dma_start3A = tpu.memref_slice %arg2[%mul3A_4] : memref<524288xf32, #tpu.memory_space<hbm>> -> memref<16384xf32, #tpu.memory_space<hbm>>
    %dma_start3A_5 = tpu.memref_slice %arg2[%mul3A_4] : memref<524288xf32, #tpu.memory_space<hbm>> -> memref<16384xf32, #tpu.memory_space<hbm>>
    tpu.enqueue_dma source(%dma_start3A_5 : memref<16384xf32, #tpu.memory_space<hbm>>) target(%arg6 : memref<16384xf32, #tpu.memory_space<vmem>>) target_semaphore(%arg10 : memref<!tpu.dma_semaphore, #tpu.memory_space<semaphore_mem>>)
    "tpu.region"() ({
      %run_scoped3A = tpu.sem_alloc : memref<!tpu.dma_semaphore, #tpu.memory_space<semaphore_mem>>
      tpu.enqueue_dma source(%arg3 : memref<8x16xf32, #tpu.memory_space<hbm>>) target(%arg7 : memref<8x16xf32, #tpu.memory_space<vmem>>) target_semaphore(%run_scoped3A : memref<!tpu.dma_semaphore, #tpu.memory_space<semaphore_mem>>)
      tpu.wait_dma2 semaphore(%run_scoped3A : memref<!tpu.dma_semaphore, #tpu.memory_space<semaphore_mem>>) src(%arg3 : memref<8x16xf32, #tpu.memory_space<hbm>>) dst(%arg7 : memref<8x16xf32, #tpu.memory_space<vmem>>)
      tpu.yield
    }) : () -> ()
    "tpu.region"() ({
      %run_scoped3A = tpu.sem_alloc : memref<!tpu.dma_semaphore, #tpu.memory_space<semaphore_mem>>
      tpu.enqueue_dma source(%arg4 : memref<16xf32, #tpu.memory_space<hbm>>) target(%arg8 : memref<16xf32, #tpu.memory_space<vmem>>) target_semaphore(%run_scoped3A : memref<!tpu.dma_semaphore, #tpu.memory_space<semaphore_mem>>)
      tpu.wait_dma2 semaphore(%run_scoped3A : memref<!tpu.dma_semaphore, #tpu.memory_space<semaphore_mem>>) src(%arg4 : memref<16xf32, #tpu.memory_space<hbm>>) dst(%arg8 : memref<16xf32, #tpu.memory_space<vmem>>)
      tpu.yield
    }) : () -> ()
    %dma_wait3A = tpu.memref_slice %arg2[%mul3A_4] : memref<524288xf32, #tpu.memory_space<hbm>> -> memref<16384xf32, #tpu.memory_space<hbm>>
    %dma_wait3A_6 = tpu.memref_slice %arg2[%mul3A_4] : memref<524288xf32, #tpu.memory_space<hbm>> -> memref<16384xf32, #tpu.memory_space<hbm>>
    tpu.wait_dma2 semaphore(%arg10 : memref<!tpu.dma_semaphore, #tpu.memory_space<semaphore_mem>>) src(%dma_wait3A_6 : memref<16384xf32, #tpu.memory_space<hbm>>) dst(%arg6 : memref<16384xf32, #tpu.memory_space<vmem>>)
    %iota3A = tpu.iota {dimensions = array<i32: 0>} : vector<16xi32>
    %broadcast_in_dim3A = arith.constant 0.000000e+00 : f32
    %broadcast_in_dim3A_7 = vector.broadcast %broadcast_in_dim3A : f32 to vector<16xf32>
    %broadcast_in_dim3A_8 = arith.constant 0.000000e+00 : f32
    %broadcast_in_dim3A_9 = vector.broadcast %broadcast_in_dim3A_8 : f32 to vector<16xf32>
    %broadcast_in_dim3A_10 = arith.constant 0.000000e+00 : f32
    %broadcast_in_dim3A_11 = vector.broadcast %broadcast_in_dim3A_10 : f32 to vector<16xf32>
    %broadcast_in_dim3A_12 = arith.constant 0.000000e+00 : f32
    %broadcast_in_dim3A_13 = vector.broadcast %broadcast_in_dim3A_12 : f32 to vector<16xf32>
    %broadcast_in_dim3A_14 = arith.constant 0.000000e+00 : f32
    %broadcast_in_dim3A_15 = vector.broadcast %broadcast_in_dim3A_14 : f32 to vector<16xf32>
    %broadcast_in_dim3A_16 = arith.constant 0.000000e+00 : f32
    %broadcast_in_dim3A_17 = vector.broadcast %broadcast_in_dim3A_16 : f32 to vector<16xf32>
    %broadcast_in_dim3A_18 = arith.constant 0.000000e+00 : f32
    %broadcast_in_dim3A_19 = vector.broadcast %broadcast_in_dim3A_18 : f32 to vector<16xf32>
    %broadcast_in_dim3A_20 = arith.constant 0.000000e+00 : f32
    %broadcast_in_dim3A_21 = vector.broadcast %broadcast_in_dim3A_20 : f32 to vector<16xf32>
    %broadcast_in_dim3A_22 = arith.constant 0.000000e+00 : f32
    %broadcast_in_dim3A_23 = vector.broadcast %broadcast_in_dim3A_22 : f32 to vector<16xf32>
    %broadcast_in_dim3A_24 = arith.constant 0.000000e+00 : f32
    %broadcast_in_dim3A_25 = vector.broadcast %broadcast_in_dim3A_24 : f32 to vector<16xf32>
    %broadcast_in_dim3A_26 = arith.constant 0.000000e+00 : f32
    %broadcast_in_dim3A_27 = vector.broadcast %broadcast_in_dim3A_26 : f32 to vector<16xf32>
    %broadcast_in_dim3A_28 = arith.constant 0.000000e+00 : f32
    %broadcast_in_dim3A_29 = vector.broadcast %broadcast_in_dim3A_28 : f32 to vector<16xf32>
    %broadcast_in_dim3A_30 = arith.constant 0.000000e+00 : f32
    %broadcast_in_dim3A_31 = vector.broadcast %broadcast_in_dim3A_30 : f32 to vector<16xf32>
    %broadcast_in_dim3A_32 = arith.constant 0.000000e+00 : f32
    %broadcast_in_dim3A_33 = vector.broadcast %broadcast_in_dim3A_32 : f32 to vector<16xf32>
    %broadcast_in_dim3A_34 = arith.constant 0.000000e+00 : f32
    %broadcast_in_dim3A_35 = vector.broadcast %broadcast_in_dim3A_34 : f32 to vector<16xf32>
    %broadcast_in_dim3A_36 = arith.constant 0.000000e+00 : f32
    %broadcast_in_dim3A_37 = vector.broadcast %broadcast_in_dim3A_36 : f32 to vector<16xf32>
    %broadcast_in_dim3A_38 = arith.constant 0.000000e+00 : f32
    %broadcast_in_dim3A_39 = vector.broadcast %broadcast_in_dim3A_38 : f32 to vector<16xf32>
    %scan3A = arith.constant 0 : i32
    %scan3A_40 = arith.constant 64 : i32
    %scan3A_41 = arith.addi %scan3A, %scan3A_40 : i32
    %scan3A_42 = arith.constant 1 : i32
    %scan3A_43:17 = scf.for %scan3A_200 = %scan3A to %scan3A_41 step %scan3A_42 iter_args(%scan3A_201 = %broadcast_in_dim3A_7, %scan3A_202 = %broadcast_in_dim3A_9, %scan3A_203 = %broadcast_in_dim3A_11, %scan3A_204 = %broadcast_in_dim3A_13, %scan3A_205 = %broadcast_in_dim3A_15, %scan3A_206 = %broadcast_in_dim3A_17, %scan3A_207 = %broadcast_in_dim3A_19, %scan3A_208 = %broadcast_in_dim3A_21, %scan3A_209 = %broadcast_in_dim3A_23, %scan3A_210 = %broadcast_in_dim3A_25, %scan3A_211 = %broadcast_in_dim3A_27, %scan3A_212 = %broadcast_in_dim3A_29, %scan3A_213 = %broadcast_in_dim3A_31, %scan3A_214 = %broadcast_in_dim3A_33, %scan3A_215 = %broadcast_in_dim3A_35, %scan3A_216 = %broadcast_in_dim3A_37, %scan3A_217 = %broadcast_in_dim3A_39) -> (vector<16xf32>, vector<16xf32>, vector<16xf32>, vector<16xf32>, vector<16xf32>, vector<16xf32>, vector<16xf32>, vector<16xf32>, vector<16xf32>, vector<16xf32>, vector<16xf32>, vector<16xf32>, vector<16xf32>, vector<16xf32>, vector<16xf32>, vector<16xf32>, vector<16xf32>)  : i32 {
      %mul3A_218 = arith.constant 16 : i32
      %mul3A_219 = arith.muli %scan3A_200, %mul3A_218 : i32
      %mul3A_220 = arith.constant 16 : i32
      %mul3A_221 = arith.muli %mul3A_219, %mul3A_220 : i32
      %mul3A_222 = arith.constant 16 : i32
      %mul3A_223 = vector.broadcast %mul3A_222 : i32 to vector<16xi32>
      %mul3A_224 = arith.muli %iota3A, %mul3A_223 : vector<16xi32>
      %add3A_225 = vector.broadcast %mul3A_221 : i32 to vector<16xi32>
      %add3A_226 = arith.addi %add3A_225, %mul3A_224 : vector<16xi32>
      %add3A_227 = arith.constant 0 : i32
      %add3A_228 = vector.broadcast %add3A_227 : i32 to vector<16xi32>
      %add3A_229 = arith.addi %add3A_226, %add3A_228 : vector<16xi32>
      %gather3A = tpu.vector_load_idx %arg6[%add3A_229] : memref<16384xf32, #tpu.memory_space<vmem>>[vector<16xi32>], vector<16xf32>,
      %add3A_230 = arith.constant 1 : i32
      %add3A_231 = vector.broadcast %add3A_230 : i32 to vector<16xi32>
      %add3A_232 = arith.addi %add3A_226, %add3A_231 : vector<16xi32>
      %gather3A_233 = tpu.vector_load_idx %arg6[%add3A_232] : memref<16384xf32, #tpu.memory_space<vmem>>[vector<16xi32>], vector<16xf32>,
      %add3A_234 = arith.constant 2 : i32
      %add3A_235 = vector.broadcast %add3A_234 : i32 to vector<16xi32>
      %add3A_236 = arith.addi %add3A_226, %add3A_235 : vector<16xi32>
      %gather3A_237 = tpu.vector_load_idx %arg6[%add3A_236] : memref<16384xf32, #tpu.memory_space<vmem>>[vector<16xi32>], vector<16xf32>,
      %add3A_238 = arith.constant 3 : i32
      %add3A_239 = vector.broadcast %add3A_238 : i32 to vector<16xi32>
      %add3A_240 = arith.addi %add3A_226, %add3A_239 : vector<16xi32>
      %gather3A_241 = tpu.vector_load_idx %arg6[%add3A_240] : memref<16384xf32, #tpu.memory_space<vmem>>[vector<16xi32>], vector<16xf32>,
      %add3A_242 = arith.constant 4 : i32
      %add3A_243 = vector.broadcast %add3A_242 : i32 to vector<16xi32>
      %add3A_244 = arith.addi %add3A_226, %add3A_243 : vector<16xi32>
      %gather3A_245 = tpu.vector_load_idx %arg6[%add3A_244] : memref<16384xf32, #tpu.memory_space<vmem>>[vector<16xi32>], vector<16xf32>,
      %add3A_246 = arith.constant 5 : i32
      %add3A_247 = vector.broadcast %add3A_246 : i32 to vector<16xi32>
      %add3A_248 = arith.addi %add3A_226, %add3A_247 : vector<16xi32>
      %gather3A_249 = tpu.vector_load_idx %arg6[%add3A_248] : memref<16384xf32, #tpu.memory_space<vmem>>[vector<16xi32>], vector<16xf32>,
      %add3A_250 = arith.constant 6 : i32
      %add3A_251 = vector.broadcast %add3A_250 : i32 to vector<16xi32>
      %add3A_252 = arith.addi %add3A_226, %add3A_251 : vector<16xi32>
      %gather3A_253 = tpu.vector_load_idx %arg6[%add3A_252] : memref<16384xf32, #tpu.memory_space<vmem>>[vector<16xi32>], vector<16xf32>,
      %add3A_254 = arith.constant 7 : i32
      %add3A_255 = vector.broadcast %add3A_254 : i32 to vector<16xi32>
      %add3A_256 = arith.addi %add3A_226, %add3A_255 : vector<16xi32>
      %gather3A_257 = tpu.vector_load_idx %arg6[%add3A_256] : memref<16384xf32, #tpu.memory_space<vmem>>[vector<16xi32>], vector<16xf32>,
      %add3A_258 = arith.constant 8 : i32
      %add3A_259 = vector.broadcast %add3A_258 : i32 to vector<16xi32>
      %add3A_260 = arith.addi %add3A_226, %add3A_259 : vector<16xi32>
      %gather3A_261 = tpu.vector_load_idx %arg6[%add3A_260] : memref<16384xf32, #tpu.memory_space<vmem>>[vector<16xi32>], vector<16xf32>,
      %add3A_262 = arith.constant 9 : i32
      %add3A_263 = vector.broadcast %add3A_262 : i32 to vector<16xi32>
      %add3A_264 = arith.addi %add3A_226, %add3A_263 : vector<16xi32>
      %gather3A_265 = tpu.vector_load_idx %arg6[%add3A_264] : memref<16384xf32, #tpu.memory_space<vmem>>[vector<16xi32>], vector<16xf32>,
      %add3A_266 = arith.constant 10 : i32
      %add3A_267 = vector.broadcast %add3A_266 : i32 to vector<16xi32>
      %add3A_268 = arith.addi %add3A_226, %add3A_267 : vector<16xi32>
      %gather3A_269 = tpu.vector_load_idx %arg6[%add3A_268] : memref<16384xf32, #tpu.memory_space<vmem>>[vector<16xi32>], vector<16xf32>,
      %add3A_270 = arith.constant 11 : i32
      %add3A_271 = vector.broadcast %add3A_270 : i32 to vector<16xi32>
      %add3A_272 = arith.addi %add3A_226, %add3A_271 : vector<16xi32>
      %gather3A_273 = tpu.vector_load_idx %arg6[%add3A_272] : memref<16384xf32, #tpu.memory_space<vmem>>[vector<16xi32>], vector<16xf32>,
      %add3A_274 = arith.constant 12 : i32
      %add3A_275 = vector.broadcast %add3A_274 : i32 to vector<16xi32>
      %add3A_276 = arith.addi %add3A_226, %add3A_275 : vector<16xi32>
      %gather3A_277 = tpu.vector_load_idx %arg6[%add3A_276] : memref<16384xf32, #tpu.memory_space<vmem>>[vector<16xi32>], vector<16xf32>,
      %add3A_278 = arith.constant 13 : i32
      %add3A_279 = vector.broadcast %add3A_278 : i32 to vector<16xi32>
      %add3A_280 = arith.addi %add3A_226, %add3A_279 : vector<16xi32>
      %gather3A_281 = tpu.vector_load_idx %arg6[%add3A_280] : memref<16384xf32, #tpu.memory_space<vmem>>[vector<16xi32>], vector<16xf32>,
      %add3A_282 = arith.constant 14 : i32
      %add3A_283 = vector.broadcast %add3A_282 : i32 to vector<16xi32>
      %add3A_284 = arith.addi %add3A_226, %add3A_283 : vector<16xi32>
      %gather3A_285 = tpu.vector_load_idx %arg6[%add3A_284] : memref<16384xf32, #tpu.memory_space<vmem>>[vector<16xi32>], vector<16xf32>,
      %add3A_286 = arith.constant 15 : i32
      %add3A_287 = vector.broadcast %add3A_286 : i32 to vector<16xi32>
      %add3A_288 = arith.addi %add3A_226, %add3A_287 : vector<16xi32>
      %gather3A_289 = tpu.vector_load_idx %arg6[%add3A_288] : memref<16384xf32, #tpu.memory_space<vmem>>[vector<16xi32>], vector<16xf32>,
      %get3A = arith.constant 0 : index
      %get3A_290 = tpu.vector_load %arg8[%get3A] {strides = array<i32>} : memref<16xf32, #tpu.memory_space<vmem>>, vector<16xf32>,
      %get3A_291 = arith.constant 0 : i32
      %get3A_292 = arith.index_cast %get3A_291 : i32 to index
      %get3A_293 = arith.constant 0 : index
      %get3A_294 = tpu.vector_load %arg7[%get3A_292, %get3A_293] {strides = array<i32>} : memref<8x16xf32, #tpu.memory_space<vmem>>, vector<16xf32>,
      %slice3A = vector.extract_strided_slice %get3A_294 {offsets = [0], sizes = [1], strides = [1]} : vector<16xf32> to vector<1xf32>
      %squeeze3A = vector.extract %slice3A[0] : f32 from vector<1xf32>
      %mul3A_295 = vector.broadcast %squeeze3A : f32 to vector<16xf32>
      %mul3A_296 = arith.mulf %gather3A, %mul3A_295 : vector<16xf32>
      %slice3A_297 = vector.extract_strided_slice %get3A_294 {offsets = [1], sizes = [1], strides = [1]} : vector<16xf32> to vector<1xf32>
      %squeeze3A_298 = vector.extract %slice3A_297[0] : f32 from vector<1xf32>
      %mul3A_299 = vector.broadcast %squeeze3A_298 : f32 to vector<16xf32>
      %mul3A_300 = arith.mulf %gather3A_233, %mul3A_299 : vector<16xf32>
      %add3A_301 = arith.addf %mul3A_296, %mul3A_300 : vector<16xf32>
      %slice3A_302 = vector.extract_strided_slice %get3A_294 {offsets = [2], sizes = [1], strides = [1]} : vector<16xf32> to vector<1xf32>
      %squeeze3A_303 = vector.extract %slice3A_302[0] : f32 from vector<1xf32>
      %mul3A_304 = vector.broadcast %squeeze3A_303 : f32 to vector<16xf32>
      %mul3A_305 = arith.mulf %gather3A_237, %mul3A_304 : vector<16xf32>
      %add3A_306 = arith.addf %add3A_301, %mul3A_305 : vector<16xf32>
      %slice3A_307 = vector.extract_strided_slice %get3A_294 {offsets = [3], sizes = [1], strides = [1]} : vector<16xf32> to vector<1xf32>
      %squeeze3A_308 = vector.extract %slice3A_307[0] : f32 from vector<1xf32>
      %mul3A_309 = vector.broadcast %squeeze3A_308 : f32 to vector<16xf32>
      %mul3A_310 = arith.mulf %gather3A_241, %mul3A_309 : vector<16xf32>
      %add3A_311 = arith.addf %add3A_306, %mul3A_310 : vector<16xf32>
      %slice3A_312 = vector.extract_strided_slice %get3A_294 {offsets = [4], sizes = [1], strides = [1]} : vector<16xf32> to vector<1xf32>
      %squeeze3A_313 = vector.extract %slice3A_312[0] : f32 from vector<1xf32>
      %mul3A_314 = vector.broadcast %squeeze3A_313 : f32 to vector<16xf32>
      %mul3A_315 = arith.mulf %gather3A_245, %mul3A_314 : vector<16xf32>
      %add3A_316 = arith.addf %add3A_311, %mul3A_315 : vector<16xf32>
      %slice3A_317 = vector.extract_strided_slice %get3A_294 {offsets = [5], sizes = [1], strides = [1]} : vector<16xf32> to vector<1xf32>
      %squeeze3A_318 = vector.extract %slice3A_317[0] : f32 from vector<1xf32>
      %mul3A_319 = vector.broadcast %squeeze3A_318 : f32 to vector<16xf32>
      %mul3A_320 = arith.mulf %gather3A_249, %mul3A_319 : vector<16xf32>
      %add3A_321 = arith.addf %add3A_316, %mul3A_320 : vector<16xf32>
      %slice3A_322 = vector.extract_strided_slice %get3A_294 {offsets = [6], sizes = [1], strides = [1]} : vector<16xf32> to vector<1xf32>
      %squeeze3A_323 = vector.extract %slice3A_322[0] : f32 from vector<1xf32>
      %mul3A_324 = vector.broadcast %squeeze3A_323 : f32 to vector<16xf32>
      %mul3A_325 = arith.mulf %gather3A_253, %mul3A_324 : vector<16xf32>
      %add3A_326 = arith.addf %add3A_321, %mul3A_325 : vector<16xf32>
      %slice3A_327 = vector.extract_strided_slice %get3A_294 {offsets = [7], sizes = [1], strides = [1]} : vector<16xf32> to vector<1xf32>
      %squeeze3A_328 = vector.extract %slice3A_327[0] : f32 from vector<1xf32>
      %mul3A_329 = vector.broadcast %squeeze3A_328 : f32 to vector<16xf32>
      %mul3A_330 = arith.mulf %gather3A_257, %mul3A_329 : vector<16xf32>
      %add3A_331 = arith.addf %add3A_326, %mul3A_330 : vector<16xf32>
      %slice3A_332 = vector.extract_strided_slice %get3A_294 {offsets = [8], sizes = [1], strides = [1]} : vector<16xf32> to vector<1xf32>
      %squeeze3A_333 = vector.extract %slice3A_332[0] : f32 from vector<1xf32>
      %mul3A_334 = vector.broadcast %squeeze3A_333 : f32 to vector<16xf32>
      %mul3A_335 = arith.mulf %gather3A_261, %mul3A_334 : vector<16xf32>
      %add3A_336 = arith.addf %add3A_331, %mul3A_335 : vector<16xf32>
      %slice3A_337 = vector.extract_strided_slice %get3A_294 {offsets = [9], sizes = [1], strides = [1]} : vector<16xf32> to vector<1xf32>
      %squeeze3A_338 = vector.extract %slice3A_337[0] : f32 from vector<1xf32>
      %mul3A_339 = vector.broadcast %squeeze3A_338 : f32 to vector<16xf32>
      %mul3A_340 = arith.mulf %gather3A_265, %mul3A_339 : vector<16xf32>
      %add3A_341 = arith.addf %add3A_336, %mul3A_340 : vector<16xf32>
      %slice3A_342 = vector.extract_strided_slice %get3A_294 {offsets = [10], sizes = [1], strides = [1]} : vector<16xf32> to vector<1xf32>
      %squeeze3A_343 = vector.extract %slice3A_342[0] : f32 from vector<1xf32>
      %mul3A_344 = vector.broadcast %squeeze3A_343 : f32 to vector<16xf32>
      %mul3A_345 = arith.mulf %gather3A_269, %mul3A_344 : vector<16xf32>
      %add3A_346 = arith.addf %add3A_341, %mul3A_345 : vector<16xf32>
      %slice3A_347 = vector.extract_strided_slice %get3A_294 {offsets = [11], sizes = [1], strides = [1]} : vector<16xf32> to vector<1xf32>
      %squeeze3A_348 = vector.extract %slice3A_347[0] : f32 from vector<1xf32>
      %mul3A_349 = vector.broadcast %squeeze3A_348 : f32 to vector<16xf32>
      %mul3A_350 = arith.mulf %gather3A_273, %mul3A_349 : vector<16xf32>
      %add3A_351 = arith.addf %add3A_346, %mul3A_350 : vector<16xf32>
      %slice3A_352 = vector.extract_strided_slice %get3A_294 {offsets = [12], sizes = [1], strides = [1]} : vector<16xf32> to vector<1xf32>
      %squeeze3A_353 = vector.extract %slice3A_352[0] : f32 from vector<1xf32>
      %mul3A_354 = vector.broadcast %squeeze3A_353 : f32 to vector<16xf32>
      %mul3A_355 = arith.mulf %gather3A_277, %mul3A_354 : vector<16xf32>
      %add3A_356 = arith.addf %add3A_351, %mul3A_355 : vector<16xf32>
      %slice3A_357 = vector.extract_strided_slice %get3A_294 {offsets = [13], sizes = [1], strides = [1]} : vector<16xf32> to vector<1xf32>
      %squeeze3A_358 = vector.extract %slice3A_357[0] : f32 from vector<1xf32>
      %mul3A_359 = vector.broadcast %squeeze3A_358 : f32 to vector<16xf32>
      %mul3A_360 = arith.mulf %gather3A_281, %mul3A_359 : vector<16xf32>
      %add3A_361 = arith.addf %add3A_356, %mul3A_360 : vector<16xf32>
      %slice3A_362 = vector.extract_strided_slice %get3A_294 {offsets = [14], sizes = [1], strides = [1]} : vector<16xf32> to vector<1xf32>
      %squeeze3A_363 = vector.extract %slice3A_362[0] : f32 from vector<1xf32>
      %mul3A_364 = vector.broadcast %squeeze3A_363 : f32 to vector<16xf32>
      %mul3A_365 = arith.mulf %gather3A_285, %mul3A_364 : vector<16xf32>
      %add3A_366 = arith.addf %add3A_361, %mul3A_365 : vector<16xf32>
      %slice3A_367 = vector.extract_strided_slice %get3A_294 {offsets = [15], sizes = [1], strides = [1]} : vector<16xf32> to vector<1xf32>
      %squeeze3A_368 = vector.extract %slice3A_367[0] : f32 from vector<1xf32>
      %mul3A_369 = vector.broadcast %squeeze3A_368 : f32 to vector<16xf32>
      %mul3A_370 = arith.mulf %gather3A_289, %mul3A_369 : vector<16xf32>
      %add3A_371 = arith.addf %add3A_366, %mul3A_370 : vector<16xf32>
      %slice3A_372 = vector.extract_strided_slice %get3A_290 {offsets = [0], sizes = [1], strides = [1]} : vector<16xf32> to vector<1xf32>
      %squeeze3A_373 = vector.extract %slice3A_372[0] : f32 from vector<1xf32>
      %add3A_374 = vector.broadcast %squeeze3A_373 : f32 to vector<16xf32>
      %add3A_375 = arith.addf %add3A_371, %add3A_374 : vector<16xf32>
      %get3A_376 = arith.constant 1 : i32
      %get3A_377 = arith.index_cast %get3A_376 : i32 to index
      %get3A_378 = arith.constant 0 : index
      %get3A_379 = tpu.vector_load %arg7[%get3A_377, %get3A_378] {strides = array<i32>} : memref<8x16xf32, #tpu.memory_space<vmem>>, vector<16xf32>,
      %slice3A_380 = vector.extract_strided_slice %get3A_379 {offsets = [0], sizes = [1], strides = [1]} : vector<16xf32> to vector<1xf32>
      %squeeze3A_381 = vector.extract %slice3A_380[0] : f32 from vector<1xf32>
      %mul3A_382 = vector.broadcast %squeeze3A_381 : f32 to vector<16xf32>
      %mul3A_383 = arith.mulf %gather3A, %mul3A_382 : vector<16xf32>
      %slice3A_384 = vector.extract_strided_slice %get3A_379 {offsets = [1], sizes = [1], strides = [1]} : vector<16xf32> to vector<1xf32>
      %squeeze3A_385 = vector.extract %slice3A_384[0] : f32 from vector<1xf32>
      %mul3A_386 = vector.broadcast %squeeze3A_385 : f32 to vector<16xf32>
      %mul3A_387 = arith.mulf %gather3A_233, %mul3A_386 : vector<16xf32>
      %add3A_388 = arith.addf %mul3A_383, %mul3A_387 : vector<16xf32>
      %slice3A_389 = vector.extract_strided_slice %get3A_379 {offsets = [2], sizes = [1], strides = [1]} : vector<16xf32> to vector<1xf32>
      %squeeze3A_390 = vector.extract %slice3A_389[0] : f32 from vector<1xf32>
      %mul3A_391 = vector.broadcast %squeeze3A_390 : f32 to vector<16xf32>
      %mul3A_392 = arith.mulf %gather3A_237, %mul3A_391 : vector<16xf32>
      %add3A_393 = arith.addf %add3A_388, %mul3A_392 : vector<16xf32>
      %slice3A_394 = vector.extract_strided_slice %get3A_379 {offsets = [3], sizes = [1], strides = [1]} : vector<16xf32> to vector<1xf32>
      %squeeze3A_395 = vector.extract %slice3A_394[0] : f32 from vector<1xf32>
      %mul3A_396 = vector.broadcast %squeeze3A_395 : f32 to vector<16xf32>
      %mul3A_397 = arith.mulf %gather3A_241, %mul3A_396 : vector<16xf32>
      %add3A_398 = arith.addf %add3A_393, %mul3A_397 : vector<16xf32>
      %slice3A_399 = vector.extract_strided_slice %get3A_379 {offsets = [4], sizes = [1], strides = [1]} : vector<16xf32> to vector<1xf32>
      %squeeze3A_400 = vector.extract %slice3A_399[0] : f32 from vector<1xf32>
      %mul3A_401 = vector.broadcast %squeeze3A_400 : f32 to vector<16xf32>
      %mul3A_402 = arith.mulf %gather3A_245, %mul3A_401 : vector<16xf32>
      %add3A_403 = arith.addf %add3A_398, %mul3A_402 : vector<16xf32>
      %slice3A_404 = vector.extract_strided_slice %get3A_379 {offsets = [5], sizes = [1], strides = [1]} : vector<16xf32> to vector<1xf32>
      %squeeze3A_405 = vector.extract %slice3A_404[0] : f32 from vector<1xf32>
      %mul3A_406 = vector.broadcast %squeeze3A_405 : f32 to vector<16xf32>
      %mul3A_407 = arith.mulf %gather3A_249, %mul3A_406 : vector<16xf32>
      %add3A_408 = arith.addf %add3A_403, %mul3A_407 : vector<16xf32>
      %slice3A_409 = vector.extract_strided_slice %get3A_379 {offsets = [6], sizes = [1], strides = [1]} : vector<16xf32> to vector<1xf32>
      %squeeze3A_410 = vector.extract %slice3A_409[0] : f32 from vector<1xf32>
      %mul3A_411 = vector.broadcast %squeeze3A_410 : f32 to vector<16xf32>
      %mul3A_412 = arith.mulf %gather3A_253, %mul3A_411 : vector<16xf32>
      %add3A_413 = arith.addf %add3A_408, %mul3A_412 : vector<16xf32>
      %slice3A_414 = vector.extract_strided_slice %get3A_379 {offsets = [7], sizes = [1], strides = [1]} : vector<16xf32> to vector<1xf32>
      %squeeze3A_415 = vector.extract %slice3A_414[0] : f32 from vector<1xf32>
      %mul3A_416 = vector.broadcast %squeeze3A_415 : f32 to vector<16xf32>
      %mul3A_417 = arith.mulf %gather3A_257, %mul3A_416 : vector<16xf32>
      %add3A_418 = arith.addf %add3A_413, %mul3A_417 : vector<16xf32>
      %slice3A_419 = vector.extract_strided_slice %get3A_379 {offsets = [8], sizes = [1], strides = [1]} : vector<16xf32> to vector<1xf32>
      %squeeze3A_420 = vector.extract %slice3A_419[0] : f32 from vector<1xf32>
      %mul3A_421 = vector.broadcast %squeeze3A_420 : f32 to vector<16xf32>
      %mul3A_422 = arith.mulf %gather3A_261, %mul3A_421 : vector<16xf32>
      %add3A_423 = arith.addf %add3A_418, %mul3A_422 : vector<16xf32>
      %slice3A_424 = vector.extract_strided_slice %get3A_379 {offsets = [9], sizes = [1], strides = [1]} : vector<16xf32> to vector<1xf32>
      %squeeze3A_425 = vector.extract %slice3A_424[0] : f32 from vector<1xf32>
      %mul3A_426 = vector.broadcast %squeeze3A_425 : f32 to vector<16xf32>
      %mul3A_427 = arith.mulf %gather3A_265, %mul3A_426 : vector<16xf32>
      %add3A_428 = arith.addf %add3A_423, %mul3A_427 : vector<16xf32>
      %slice3A_429 = vector.extract_strided_slice %get3A_379 {offsets = [10], sizes = [1], strides = [1]} : vector<16xf32> to vector<1xf32>
      %squeeze3A_430 = vector.extract %slice3A_429[0] : f32 from vector<1xf32>
      %mul3A_431 = vector.broadcast %squeeze3A_430 : f32 to vector<16xf32>
      %mul3A_432 = arith.mulf %gather3A_269, %mul3A_431 : vector<16xf32>
      %add3A_433 = arith.addf %add3A_428, %mul3A_432 : vector<16xf32>
      %slice3A_434 = vector.extract_strided_slice %get3A_379 {offsets = [11], sizes = [1], strides = [1]} : vector<16xf32> to vector<1xf32>
      %squeeze3A_435 = vector.extract %slice3A_434[0] : f32 from vector<1xf32>
      %mul3A_436 = vector.broadcast %squeeze3A_435 : f32 to vector<16xf32>
      %mul3A_437 = arith.mulf %gather3A_273, %mul3A_436 : vector<16xf32>
      %add3A_438 = arith.addf %add3A_433, %mul3A_437 : vector<16xf32>
      %slice3A_439 = vector.extract_strided_slice %get3A_379 {offsets = [12], sizes = [1], strides = [1]} : vector<16xf32> to vector<1xf32>
      %squeeze3A_440 = vector.extract %slice3A_439[0] : f32 from vector<1xf32>
      %mul3A_441 = vector.broadcast %squeeze3A_440 : f32 to vector<16xf32>
      %mul3A_442 = arith.mulf %gather3A_277, %mul3A_441 : vector<16xf32>
      %add3A_443 = arith.addf %add3A_438, %mul3A_442 : vector<16xf32>
      %slice3A_444 = vector.extract_strided_slice %get3A_379 {offsets = [13], sizes = [1], strides = [1]} : vector<16xf32> to vector<1xf32>
      %squeeze3A_445 = vector.extract %slice3A_444[0] : f32 from vector<1xf32>
      %mul3A_446 = vector.broadcast %squeeze3A_445 : f32 to vector<16xf32>
      %mul3A_447 = arith.mulf %gather3A_281, %mul3A_446 : vector<16xf32>
      %add3A_448 = arith.addf %add3A_443, %mul3A_447 : vector<16xf32>
      %slice3A_449 = vector.extract_strided_slice %get3A_379 {offsets = [14], sizes = [1], strides = [1]} : vector<16xf32> to vector<1xf32>
      %squeeze3A_450 = vector.extract %slice3A_449[0] : f32 from vector<1xf32>
      %mul3A_451 = vector.broadcast %squeeze3A_450 : f32 to vector<16xf32>
      %mul3A_452 = arith.mulf %gather3A_285, %mul3A_451 : vector<16xf32>
      %add3A_453 = arith.addf %add3A_448, %mul3A_452 : vector<16xf32>
      %slice3A_454 = vector.extract_strided_slice %get3A_379 {offsets = [15], sizes = [1], strides = [1]} : vector<16xf32> to vector<1xf32>
      %squeeze3A_455 = vector.extract %slice3A_454[0] : f32 from vector<1xf32>
      %mul3A_456 = vector.broadcast %squeeze3A_455 : f32 to vector<16xf32>
      %mul3A_457 = arith.mulf %gather3A_289, %mul3A_456 : vector<16xf32>
      %add3A_458 = arith.addf %add3A_453, %mul3A_457 : vector<16xf32>
      %slice3A_459 = vector.extract_strided_slice %get3A_290 {offsets = [1], sizes = [1], strides = [1]} : vector<16xf32> to vector<1xf32>
      %squeeze3A_460 = vector.extract %slice3A_459[0] : f32 from vector<1xf32>
      %add3A_461 = vector.broadcast %squeeze3A_460 : f32 to vector<16xf32>
      %add3A_462 = arith.addf %add3A_458, %add3A_461 : vector<16xf32>
      %get3A_463 = arith.constant 2 : i32
      %get3A_464 = arith.index_cast %get3A_463 : i32 to index
      %get3A_465 = arith.constant 0 : index
      %get3A_466 = tpu.vector_load %arg7[%get3A_464, %get3A_465] {strides = array<i32>} : memref<8x16xf32, #tpu.memory_space<vmem>>, vector<16xf32>,
      %slice3A_467 = vector.extract_strided_slice %get3A_466 {offsets = [0], sizes = [1], strides = [1]} : vector<16xf32> to vector<1xf32>
      %squeeze3A_468 = vector.extract %slice3A_467[0] : f32 from vector<1xf32>
      %mul3A_469 = vector.broadcast %squeeze3A_468 : f32 to vector<16xf32>
      %mul3A_470 = arith.mulf %gather3A, %mul3A_469 : vector<16xf32>
      %slice3A_471 = vector.extract_strided_slice %get3A_466 {offsets = [1], sizes = [1], strides = [1]} : vector<16xf32> to vector<1xf32>
      %squeeze3A_472 = vector.extract %slice3A_471[0] : f32 from vector<1xf32>
      %mul3A_473 = vector.broadcast %squeeze3A_472 : f32 to vector<16xf32>
      %mul3A_474 = arith.mulf %gather3A_233, %mul3A_473 : vector<16xf32>
      %add3A_475 = arith.addf %mul3A_470, %mul3A_474 : vector<16xf32>
      %slice3A_476 = vector.extract_strided_slice %get3A_466 {offsets = [2], sizes = [1], strides = [1]} : vector<16xf32> to vector<1xf32>
      %squeeze3A_477 = vector.extract %slice3A_476[0] : f32 from vector<1xf32>
      %mul3A_478 = vector.broadcast %squeeze3A_477 : f32 to vector<16xf32>
      %mul3A_479 = arith.mulf %gather3A_237, %mul3A_478 : vector<16xf32>
      %add3A_480 = arith.addf %add3A_475, %mul3A_479 : vector<16xf32>
      %slice3A_481 = vector.extract_strided_slice %get3A_466 {offsets = [3], sizes = [1], strides = [1]} : vector<16xf32> to vector<1xf32>
      %squeeze3A_482 = vector.extract %slice3A_481[0] : f32 from vector<1xf32>
      %mul3A_483 = vector.broadcast %squeeze3A_482 : f32 to vector<16xf32>
      %mul3A_484 = arith.mulf %gather3A_241, %mul3A_483 : vector<16xf32>
      %add3A_485 = arith.addf %add3A_480, %mul3A_484 : vector<16xf32>
      %slice3A_486 = vector.extract_strided_slice %get3A_466 {offsets = [4], sizes = [1], strides = [1]} : vector<16xf32> to vector<1xf32>
      %squeeze3A_487 = vector.extract %slice3A_486[0] : f32 from vector<1xf32>
      %mul3A_488 = vector.broadcast %squeeze3A_487 : f32 to vector<16xf32>
      %mul3A_489 = arith.mulf %gather3A_245, %mul3A_488 : vector<16xf32>
      %add3A_490 = arith.addf %add3A_485, %mul3A_489 : vector<16xf32>
      %slice3A_491 = vector.extract_strided_slice %get3A_466 {offsets = [5], sizes = [1], strides = [1]} : vector<16xf32> to vector<1xf32>
      %squeeze3A_492 = vector.extract %slice3A_491[0] : f32 from vector<1xf32>
      %mul3A_493 = vector.broadcast %squeeze3A_492 : f32 to vector<16xf32>
      %mul3A_494 = arith.mulf %gather3A_249, %mul3A_493 : vector<16xf32>
      %add3A_495 = arith.addf %add3A_490, %mul3A_494 : vector<16xf32>
      %slice3A_496 = vector.extract_strided_slice %get3A_466 {offsets = [6], sizes = [1], strides = [1]} : vector<16xf32> to vector<1xf32>
      %squeeze3A_497 = vector.extract %slice3A_496[0] : f32 from vector<1xf32>
      %mul3A_498 = vector.broadcast %squeeze3A_497 : f32 to vector<16xf32>
      %mul3A_499 = arith.mulf %gather3A_253, %mul3A_498 : vector<16xf32>
      %add3A_500 = arith.addf %add3A_495, %mul3A_499 : vector<16xf32>
      %slice3A_501 = vector.extract_strided_slice %get3A_466 {offsets = [7], sizes = [1], strides = [1]} : vector<16xf32> to vector<1xf32>
      %squeeze3A_502 = vector.extract %slice3A_501[0] : f32 from vector<1xf32>
      %mul3A_503 = vector.broadcast %squeeze3A_502 : f32 to vector<16xf32>
      %mul3A_504 = arith.mulf %gather3A_257, %mul3A_503 : vector<16xf32>
      %add3A_505 = arith.addf %add3A_500, %mul3A_504 : vector<16xf32>
      %slice3A_506 = vector.extract_strided_slice %get3A_466 {offsets = [8], sizes = [1], strides = [1]} : vector<16xf32> to vector<1xf32>
      %squeeze3A_507 = vector.extract %slice3A_506[0] : f32 from vector<1xf32>
      %mul3A_508 = vector.broadcast %squeeze3A_507 : f32 to vector<16xf32>
      %mul3A_509 = arith.mulf %gather3A_261, %mul3A_508 : vector<16xf32>
      %add3A_510 = arith.addf %add3A_505, %mul3A_509 : vector<16xf32>
      %slice3A_511 = vector.extract_strided_slice %get3A_466 {offsets = [9], sizes = [1], strides = [1]} : vector<16xf32> to vector<1xf32>
      %squeeze3A_512 = vector.extract %slice3A_511[0] : f32 from vector<1xf32>
      %mul3A_513 = vector.broadcast %squeeze3A_512 : f32 to vector<16xf32>
      %mul3A_514 = arith.mulf %gather3A_265, %mul3A_513 : vector<16xf32>
      %add3A_515 = arith.addf %add3A_510, %mul3A_514 : vector<16xf32>
      %slice3A_516 = vector.extract_strided_slice %get3A_466 {offsets = [10], sizes = [1], strides = [1]} : vector<16xf32> to vector<1xf32>
      %squeeze3A_517 = vector.extract %slice3A_516[0] : f32 from vector<1xf32>
      %mul3A_518 = vector.broadcast %squeeze3A_517 : f32 to vector<16xf32>
      %mul3A_519 = arith.mulf %gather3A_269, %mul3A_518 : vector<16xf32>
      %add3A_520 = arith.addf %add3A_515, %mul3A_519 : vector<16xf32>
      %slice3A_521 = vector.extract_strided_slice %get3A_466 {offsets = [11], sizes = [1], strides = [1]} : vector<16xf32> to vector<1xf32>
      %squeeze3A_522 = vector.extract %slice3A_521[0] : f32 from vector<1xf32>
      %mul3A_523 = vector.broadcast %squeeze3A_522 : f32 to vector<16xf32>
      %mul3A_524 = arith.mulf %gather3A_273, %mul3A_523 : vector<16xf32>
      %add3A_525 = arith.addf %add3A_520, %mul3A_524 : vector<16xf32>
      %slice3A_526 = vector.extract_strided_slice %get3A_466 {offsets = [12], sizes = [1], strides = [1]} : vector<16xf32> to vector<1xf32>
      %squeeze3A_527 = vector.extract %slice3A_526[0] : f32 from vector<1xf32>
      %mul3A_528 = vector.broadcast %squeeze3A_527 : f32 to vector<16xf32>
      %mul3A_529 = arith.mulf %gather3A_277, %mul3A_528 : vector<16xf32>
      %add3A_530 = arith.addf %add3A_525, %mul3A_529 : vector<16xf32>
      %slice3A_531 = vector.extract_strided_slice %get3A_466 {offsets = [13], sizes = [1], strides = [1]} : vector<16xf32> to vector<1xf32>
      %squeeze3A_532 = vector.extract %slice3A_531[0] : f32 from vector<1xf32>
      %mul3A_533 = vector.broadcast %squeeze3A_532 : f32 to vector<16xf32>
      %mul3A_534 = arith.mulf %gather3A_281, %mul3A_533 : vector<16xf32>
      %add3A_535 = arith.addf %add3A_530, %mul3A_534 : vector<16xf32>
      %slice3A_536 = vector.extract_strided_slice %get3A_466 {offsets = [14], sizes = [1], strides = [1]} : vector<16xf32> to vector<1xf32>
      %squeeze3A_537 = vector.extract %slice3A_536[0] : f32 from vector<1xf32>
      %mul3A_538 = vector.broadcast %squeeze3A_537 : f32 to vector<16xf32>
      %mul3A_539 = arith.mulf %gather3A_285, %mul3A_538 : vector<16xf32>
      %add3A_540 = arith.addf %add3A_535, %mul3A_539 : vector<16xf32>
      %slice3A_541 = vector.extract_strided_slice %get3A_466 {offsets = [15], sizes = [1], strides = [1]} : vector<16xf32> to vector<1xf32>
      %squeeze3A_542 = vector.extract %slice3A_541[0] : f32 from vector<1xf32>
      %mul3A_543 = vector.broadcast %squeeze3A_542 : f32 to vector<16xf32>
      %mul3A_544 = arith.mulf %gather3A_289, %mul3A_543 : vector<16xf32>
      %add3A_545 = arith.addf %add3A_540, %mul3A_544 : vector<16xf32>
      %slice3A_546 = vector.extract_strided_slice %get3A_290 {offsets = [2], sizes = [1], strides = [1]} : vector<16xf32> to vector<1xf32>
      %squeeze3A_547 = vector.extract %slice3A_546[0] : f32 from vector<1xf32>
      %add3A_548 = vector.broadcast %squeeze3A_547 : f32 to vector<16xf32>
      %add3A_549 = arith.addf %add3A_545, %add3A_548 : vector<16xf32>
      %get3A_550 = arith.constant 3 : i32
      %get3A_551 = arith.index_cast %get3A_550 : i32 to index
      %get3A_552 = arith.constant 0 : index
      %get3A_553 = tpu.vector_load %arg7[%get3A_551, %get3A_552] {strides = array<i32>} : memref<8x16xf32, #tpu.memory_space<vmem>>, vector<16xf32>,
      %slice3A_554 = vector.extract_strided_slice %get3A_553 {offsets = [0], sizes = [1], strides = [1]} : vector<16xf32> to vector<1xf32>
      %squeeze3A_555 = vector.extract %slice3A_554[0] : f32 from vector<1xf32>
      %mul3A_556 = vector.broadcast %squeeze3A_555 : f32 to vector<16xf32>
      %mul3A_557 = arith.mulf %gather3A, %mul3A_556 : vector<16xf32>
      %slice3A_558 = vector.extract_strided_slice %get3A_553 {offsets = [1], sizes = [1], strides = [1]} : vector<16xf32> to vector<1xf32>
      %squeeze3A_559 = vector.extract %slice3A_558[0] : f32 from vector<1xf32>
      %mul3A_560 = vector.broadcast %squeeze3A_559 : f32 to vector<16xf32>
      %mul3A_561 = arith.mulf %gather3A_233, %mul3A_560 : vector<16xf32>
      %add3A_562 = arith.addf %mul3A_557, %mul3A_561 : vector<16xf32>
      %slice3A_563 = vector.extract_strided_slice %get3A_553 {offsets = [2], sizes = [1], strides = [1]} : vector<16xf32> to vector<1xf32>
      %squeeze3A_564 = vector.extract %slice3A_563[0] : f32 from vector<1xf32>
      %mul3A_565 = vector.broadcast %squeeze3A_564 : f32 to vector<16xf32>
      %mul3A_566 = arith.mulf %gather3A_237, %mul3A_565 : vector<16xf32>
      %add3A_567 = arith.addf %add3A_562, %mul3A_566 : vector<16xf32>
      %slice3A_568 = vector.extract_strided_slice %get3A_553 {offsets = [3], sizes = [1], strides = [1]} : vector<16xf32> to vector<1xf32>
      %squeeze3A_569 = vector.extract %slice3A_568[0] : f32 from vector<1xf32>
      %mul3A_570 = vector.broadcast %squeeze3A_569 : f32 to vector<16xf32>
      %mul3A_571 = arith.mulf %gather3A_241, %mul3A_570 : vector<16xf32>
      %add3A_572 = arith.addf %add3A_567, %mul3A_571 : vector<16xf32>
      %slice3A_573 = vector.extract_strided_slice %get3A_553 {offsets = [4], sizes = [1], strides = [1]} : vector<16xf32> to vector<1xf32>
      %squeeze3A_574 = vector.extract %slice3A_573[0] : f32 from vector<1xf32>
      %mul3A_575 = vector.broadcast %squeeze3A_574 : f32 to vector<16xf32>
      %mul3A_576 = arith.mulf %gather3A_245, %mul3A_575 : vector<16xf32>
      %add3A_577 = arith.addf %add3A_572, %mul3A_576 : vector<16xf32>
      %slice3A_578 = vector.extract_strided_slice %get3A_553 {offsets = [5], sizes = [1], strides = [1]} : vector<16xf32> to vector<1xf32>
      %squeeze3A_579 = vector.extract %slice3A_578[0] : f32 from vector<1xf32>
      %mul3A_580 = vector.broadcast %squeeze3A_579 : f32 to vector<16xf32>
      %mul3A_581 = arith.mulf %gather3A_249, %mul3A_580 : vector<16xf32>
      %add3A_582 = arith.addf %add3A_577, %mul3A_581 : vector<16xf32>
      %slice3A_583 = vector.extract_strided_slice %get3A_553 {offsets = [6], sizes = [1], strides = [1]} : vector<16xf32> to vector<1xf32>
      %squeeze3A_584 = vector.extract %slice3A_583[0] : f32 from vector<1xf32>
      %mul3A_585 = vector.broadcast %squeeze3A_584 : f32 to vector<16xf32>
      %mul3A_586 = arith.mulf %gather3A_253, %mul3A_585 : vector<16xf32>
      %add3A_587 = arith.addf %add3A_582, %mul3A_586 : vector<16xf32>
      %slice3A_588 = vector.extract_strided_slice %get3A_553 {offsets = [7], sizes = [1], strides = [1]} : vector<16xf32> to vector<1xf32>
      %squeeze3A_589 = vector.extract %slice3A_588[0] : f32 from vector<1xf32>
      %mul3A_590 = vector.broadcast %squeeze3A_589 : f32 to vector<16xf32>
      %mul3A_591 = arith.mulf %gather3A_257, %mul3A_590 : vector<16xf32>
      %add3A_592 = arith.addf %add3A_587, %mul3A_591 : vector<16xf32>
      %slice3A_593 = vector.extract_strided_slice %get3A_553 {offsets = [8], sizes = [1], strides = [1]} : vector<16xf32> to vector<1xf32>
      %squeeze3A_594 = vector.extract %slice3A_593[0] : f32 from vector<1xf32>
      %mul3A_595 = vector.broadcast %squeeze3A_594 : f32 to vector<16xf32>
      %mul3A_596 = arith.mulf %gather3A_261, %mul3A_595 : vector<16xf32>
      %add3A_597 = arith.addf %add3A_592, %mul3A_596 : vector<16xf32>
      %slice3A_598 = vector.extract_strided_slice %get3A_553 {offsets = [9], sizes = [1], strides = [1]} : vector<16xf32> to vector<1xf32>
      %squeeze3A_599 = vector.extract %slice3A_598[0] : f32 from vector<1xf32>
      %mul3A_600 = vector.broadcast %squeeze3A_599 : f32 to vector<16xf32>
      %mul3A_601 = arith.mulf %gather3A_265, %mul3A_600 : vector<16xf32>
      %add3A_602 = arith.addf %add3A_597, %mul3A_601 : vector<16xf32>
      %slice3A_603 = vector.extract_strided_slice %get3A_553 {offsets = [10], sizes = [1], strides = [1]} : vector<16xf32> to vector<1xf32>
      %squeeze3A_604 = vector.extract %slice3A_603[0] : f32 from vector<1xf32>
      %mul3A_605 = vector.broadcast %squeeze3A_604 : f32 to vector<16xf32>
      %mul3A_606 = arith.mulf %gather3A_269, %mul3A_605 : vector<16xf32>
      %add3A_607 = arith.addf %add3A_602, %mul3A_606 : vector<16xf32>
      %slice3A_608 = vector.extract_strided_slice %get3A_553 {offsets = [11], sizes = [1], strides = [1]} : vector<16xf32> to vector<1xf32>
      %squeeze3A_609 = vector.extract %slice3A_608[0] : f32 from vector<1xf32>
      %mul3A_610 = vector.broadcast %squeeze3A_609 : f32 to vector<16xf32>
      %mul3A_611 = arith.mulf %gather3A_273, %mul3A_610 : vector<16xf32>
      %add3A_612 = arith.addf %add3A_607, %mul3A_611 : vector<16xf32>
      %slice3A_613 = vector.extract_strided_slice %get3A_553 {offsets = [12], sizes = [1], strides = [1]} : vector<16xf32> to vector<1xf32>
      %squeeze3A_614 = vector.extract %slice3A_613[0] : f32 from vector<1xf32>
      %mul3A_615 = vector.broadcast %squeeze3A_614 : f32 to vector<16xf32>
      %mul3A_616 = arith.mulf %gather3A_277, %mul3A_615 : vector<16xf32>
      %add3A_617 = arith.addf %add3A_612, %mul3A_616 : vector<16xf32>
      %slice3A_618 = vector.extract_strided_slice %get3A_553 {offsets = [13], sizes = [1], strides = [1]} : vector<16xf32> to vector<1xf32>
      %squeeze3A_619 = vector.extract %slice3A_618[0] : f32 from vector<1xf32>
      %mul3A_620 = vector.broadcast %squeeze3A_619 : f32 to vector<16xf32>
      %mul3A_621 = arith.mulf %gather3A_281, %mul3A_620 : vector<16xf32>
      %add3A_622 = arith.addf %add3A_617, %mul3A_621 : vector<16xf32>
      %slice3A_623 = vector.extract_strided_slice %get3A_553 {offsets = [14], sizes = [1], strides = [1]} : vector<16xf32> to vector<1xf32>
      %squeeze3A_624 = vector.extract %slice3A_623[0] : f32 from vector<1xf32>
      %mul3A_625 = vector.broadcast %squeeze3A_624 : f32 to vector<16xf32>
      %mul3A_626 = arith.mulf %gather3A_285, %mul3A_625 : vector<16xf32>
      %add3A_627 = arith.addf %add3A_622, %mul3A_626 : vector<16xf32>
      %slice3A_628 = vector.extract_strided_slice %get3A_553 {offsets = [15], sizes = [1], strides = [1]} : vector<16xf32> to vector<1xf32>
      %squeeze3A_629 = vector.extract %slice3A_628[0] : f32 from vector<1xf32>
      %mul3A_630 = vector.broadcast %squeeze3A_629 : f32 to vector<16xf32>
      %mul3A_631 = arith.mulf %gather3A_289, %mul3A_630 : vector<16xf32>
      %add3A_632 = arith.addf %add3A_627, %mul3A_631 : vector<16xf32>
      %slice3A_633 = vector.extract_strided_slice %get3A_290 {offsets = [3], sizes = [1], strides = [1]} : vector<16xf32> to vector<1xf32>
      %squeeze3A_634 = vector.extract %slice3A_633[0] : f32 from vector<1xf32>
      %add3A_635 = vector.broadcast %squeeze3A_634 : f32 to vector<16xf32>
      %add3A_636 = arith.addf %add3A_632, %add3A_635 : vector<16xf32>
      %get3A_637 = arith.constant 4 : i32
      %get3A_638 = arith.index_cast %get3A_637 : i32 to index
      %get3A_639 = arith.constant 0 : index
      %get3A_640 = tpu.vector_load %arg7[%get3A_638, %get3A_639] {strides = array<i32>} : memref<8x16xf32, #tpu.memory_space<vmem>>, vector<16xf32>,
      %slice3A_641 = vector.extract_strided_slice %get3A_640 {offsets = [0], sizes = [1], strides = [1]} : vector<16xf32> to vector<1xf32>
      %squeeze3A_642 = vector.extract %slice3A_641[0] : f32 from vector<1xf32>
      %mul3A_643 = vector.broadcast %squeeze3A_642 : f32 to vector<16xf32>
      %mul3A_644 = arith.mulf %gather3A, %mul3A_643 : vector<16xf32>
      %slice3A_645 = vector.extract_strided_slice %get3A_640 {offsets = [1], sizes = [1], strides = [1]} : vector<16xf32> to vector<1xf32>
      %squeeze3A_646 = vector.extract %slice3A_645[0] : f32 from vector<1xf32>
      %mul3A_647 = vector.broadcast %squeeze3A_646 : f32 to vector<16xf32>
      %mul3A_648 = arith.mulf %gather3A_233, %mul3A_647 : vector<16xf32>
      %add3A_649 = arith.addf %mul3A_644, %mul3A_648 : vector<16xf32>
      %slice3A_650 = vector.extract_strided_slice %get3A_640 {offsets = [2], sizes = [1], strides = [1]} : vector<16xf32> to vector<1xf32>
      %squeeze3A_651 = vector.extract %slice3A_650[0] : f32 from vector<1xf32>
      %mul3A_652 = vector.broadcast %squeeze3A_651 : f32 to vector<16xf32>
      %mul3A_653 = arith.mulf %gather3A_237, %mul3A_652 : vector<16xf32>
      %add3A_654 = arith.addf %add3A_649, %mul3A_653 : vector<16xf32>
      %slice3A_655 = vector.extract_strided_slice %get3A_640 {offsets = [3], sizes = [1], strides = [1]} : vector<16xf32> to vector<1xf32>
      %squeeze3A_656 = vector.extract %slice3A_655[0] : f32 from vector<1xf32>
      %mul3A_657 = vector.broadcast %squeeze3A_656 : f32 to vector<16xf32>
      %mul3A_658 = arith.mulf %gather3A_241, %mul3A_657 : vector<16xf32>
      %add3A_659 = arith.addf %add3A_654, %mul3A_658 : vector<16xf32>
      %slice3A_660 = vector.extract_strided_slice %get3A_640 {offsets = [4], sizes = [1], strides = [1]} : vector<16xf32> to vector<1xf32>
      %squeeze3A_661 = vector.extract %slice3A_660[0] : f32 from vector<1xf32>
      %mul3A_662 = vector.broadcast %squeeze3A_661 : f32 to vector<16xf32>
      %mul3A_663 = arith.mulf %gather3A_245, %mul3A_662 : vector<16xf32>
      %add3A_664 = arith.addf %add3A_659, %mul3A_663 : vector<16xf32>
      %slice3A_665 = vector.extract_strided_slice %get3A_640 {offsets = [5], sizes = [1], strides = [1]} : vector<16xf32> to vector<1xf32>
      %squeeze3A_666 = vector.extract %slice3A_665[0] : f32 from vector<1xf32>
      %mul3A_667 = vector.broadcast %squeeze3A_666 : f32 to vector<16xf32>
      %mul3A_668 = arith.mulf %gather3A_249, %mul3A_667 : vector<16xf32>
      %add3A_669 = arith.addf %add3A_664, %mul3A_668 : vector<16xf32>
      %slice3A_670 = vector.extract_strided_slice %get3A_640 {offsets = [6], sizes = [1], strides = [1]} : vector<16xf32> to vector<1xf32>
      %squeeze3A_671 = vector.extract %slice3A_670[0] : f32 from vector<1xf32>
      %mul3A_672 = vector.broadcast %squeeze3A_671 : f32 to vector<16xf32>
      %mul3A_673 = arith.mulf %gather3A_253, %mul3A_672 : vector<16xf32>
      %add3A_674 = arith.addf %add3A_669, %mul3A_673 : vector<16xf32>
      %slice3A_675 = vector.extract_strided_slice %get3A_640 {offsets = [7], sizes = [1], strides = [1]} : vector<16xf32> to vector<1xf32>
      %squeeze3A_676 = vector.extract %slice3A_675[0] : f32 from vector<1xf32>
      %mul3A_677 = vector.broadcast %squeeze3A_676 : f32 to vector<16xf32>
      %mul3A_678 = arith.mulf %gather3A_257, %mul3A_677 : vector<16xf32>
      %add3A_679 = arith.addf %add3A_674, %mul3A_678 : vector<16xf32>
      %slice3A_680 = vector.extract_strided_slice %get3A_640 {offsets = [8], sizes = [1], strides = [1]} : vector<16xf32> to vector<1xf32>
      %squeeze3A_681 = vector.extract %slice3A_680[0] : f32 from vector<1xf32>
      %mul3A_682 = vector.broadcast %squeeze3A_681 : f32 to vector<16xf32>
      %mul3A_683 = arith.mulf %gather3A_261, %mul3A_682 : vector<16xf32>
      %add3A_684 = arith.addf %add3A_679, %mul3A_683 : vector<16xf32>
      %slice3A_685 = vector.extract_strided_slice %get3A_640 {offsets = [9], sizes = [1], strides = [1]} : vector<16xf32> to vector<1xf32>
      %squeeze3A_686 = vector.extract %slice3A_685[0] : f32 from vector<1xf32>
      %mul3A_687 = vector.broadcast %squeeze3A_686 : f32 to vector<16xf32>
      %mul3A_688 = arith.mulf %gather3A_265, %mul3A_687 : vector<16xf32>
      %add3A_689 = arith.addf %add3A_684, %mul3A_688 : vector<16xf32>
      %slice3A_690 = vector.extract_strided_slice %get3A_640 {offsets = [10], sizes = [1], strides = [1]} : vector<16xf32> to vector<1xf32>
      %squeeze3A_691 = vector.extract %slice3A_690[0] : f32 from vector<1xf32>
      %mul3A_692 = vector.broadcast %squeeze3A_691 : f32 to vector<16xf32>
      %mul3A_693 = arith.mulf %gather3A_269, %mul3A_692 : vector<16xf32>
      %add3A_694 = arith.addf %add3A_689, %mul3A_693 : vector<16xf32>
      %slice3A_695 = vector.extract_strided_slice %get3A_640 {offsets = [11], sizes = [1], strides = [1]} : vector<16xf32> to vector<1xf32>
      %squeeze3A_696 = vector.extract %slice3A_695[0] : f32 from vector<1xf32>
      %mul3A_697 = vector.broadcast %squeeze3A_696 : f32 to vector<16xf32>
      %mul3A_698 = arith.mulf %gather3A_273, %mul3A_697 : vector<16xf32>
      %add3A_699 = arith.addf %add3A_694, %mul3A_698 : vector<16xf32>
      %slice3A_700 = vector.extract_strided_slice %get3A_640 {offsets = [12], sizes = [1], strides = [1]} : vector<16xf32> to vector<1xf32>
      %squeeze3A_701 = vector.extract %slice3A_700[0] : f32 from vector<1xf32>
      %mul3A_702 = vector.broadcast %squeeze3A_701 : f32 to vector<16xf32>
      %mul3A_703 = arith.mulf %gather3A_277, %mul3A_702 : vector<16xf32>
      %add3A_704 = arith.addf %add3A_699, %mul3A_703 : vector<16xf32>
      %slice3A_705 = vector.extract_strided_slice %get3A_640 {offsets = [13], sizes = [1], strides = [1]} : vector<16xf32> to vector<1xf32>
      %squeeze3A_706 = vector.extract %slice3A_705[0] : f32 from vector<1xf32>
      %mul3A_707 = vector.broadcast %squeeze3A_706 : f32 to vector<16xf32>
      %mul3A_708 = arith.mulf %gather3A_281, %mul3A_707 : vector<16xf32>
      %add3A_709 = arith.addf %add3A_704, %mul3A_708 : vector<16xf32>
      %slice3A_710 = vector.extract_strided_slice %get3A_640 {offsets = [14], sizes = [1], strides = [1]} : vector<16xf32> to vector<1xf32>
      %squeeze3A_711 = vector.extract %slice3A_710[0] : f32 from vector<1xf32>
      %mul3A_712 = vector.broadcast %squeeze3A_711 : f32 to vector<16xf32>
      %mul3A_713 = arith.mulf %gather3A_285, %mul3A_712 : vector<16xf32>
      %add3A_714 = arith.addf %add3A_709, %mul3A_713 : vector<16xf32>
      %slice3A_715 = vector.extract_strided_slice %get3A_640 {offsets = [15], sizes = [1], strides = [1]} : vector<16xf32> to vector<1xf32>
      %squeeze3A_716 = vector.extract %slice3A_715[0] : f32 from vector<1xf32>
      %mul3A_717 = vector.broadcast %squeeze3A_716 : f32 to vector<16xf32>
      %mul3A_718 = arith.mulf %gather3A_289, %mul3A_717 : vector<16xf32>
      %add3A_719 = arith.addf %add3A_714, %mul3A_718 : vector<16xf32>
      %slice3A_720 = vector.extract_strided_slice %get3A_290 {offsets = [4], sizes = [1], strides = [1]} : vector<16xf32> to vector<1xf32>
      %squeeze3A_721 = vector.extract %slice3A_720[0] : f32 from vector<1xf32>
      %add3A_722 = vector.broadcast %squeeze3A_721 : f32 to vector<16xf32>
      %add3A_723 = arith.addf %add3A_719, %add3A_722 : vector<16xf32>
      %get3A_724 = arith.constant 5 : i32
      %get3A_725 = arith.index_cast %get3A_724 : i32 to index
      %get3A_726 = arith.constant 0 : index
      %get3A_727 = tpu.vector_load %arg7[%get3A_725, %get3A_726] {strides = array<i32>} : memref<8x16xf32, #tpu.memory_space<vmem>>, vector<16xf32>,
      %slice3A_728 = vector.extract_strided_slice %get3A_727 {offsets = [0], sizes = [1], strides = [1]} : vector<16xf32> to vector<1xf32>
      %squeeze3A_729 = vector.extract %slice3A_728[0] : f32 from vector<1xf32>
      %mul3A_730 = vector.broadcast %squeeze3A_729 : f32 to vector<16xf32>
      %mul3A_731 = arith.mulf %gather3A, %mul3A_730 : vector<16xf32>
      %slice3A_732 = vector.extract_strided_slice %get3A_727 {offsets = [1], sizes = [1], strides = [1]} : vector<16xf32> to vector<1xf32>
      %squeeze3A_733 = vector.extract %slice3A_732[0] : f32 from vector<1xf32>
      %mul3A_734 = vector.broadcast %squeeze3A_733 : f32 to vector<16xf32>
      %mul3A_735 = arith.mulf %gather3A_233, %mul3A_734 : vector<16xf32>
      %add3A_736 = arith.addf %mul3A_731, %mul3A_735 : vector<16xf32>
      %slice3A_737 = vector.extract_strided_slice %get3A_727 {offsets = [2], sizes = [1], strides = [1]} : vector<16xf32> to vector<1xf32>
      %squeeze3A_738 = vector.extract %slice3A_737[0] : f32 from vector<1xf32>
      %mul3A_739 = vector.broadcast %squeeze3A_738 : f32 to vector<16xf32>
      %mul3A_740 = arith.mulf %gather3A_237, %mul3A_739 : vector<16xf32>
      %add3A_741 = arith.addf %add3A_736, %mul3A_740 : vector<16xf32>
      %slice3A_742 = vector.extract_strided_slice %get3A_727 {offsets = [3], sizes = [1], strides = [1]} : vector<16xf32> to vector<1xf32>
      %squeeze3A_743 = vector.extract %slice3A_742[0] : f32 from vector<1xf32>
      %mul3A_744 = vector.broadcast %squeeze3A_743 : f32 to vector<16xf32>
      %mul3A_745 = arith.mulf %gather3A_241, %mul3A_744 : vector<16xf32>
      %add3A_746 = arith.addf %add3A_741, %mul3A_745 : vector<16xf32>
      %slice3A_747 = vector.extract_strided_slice %get3A_727 {offsets = [4], sizes = [1], strides = [1]} : vector<16xf32> to vector<1xf32>
      %squeeze3A_748 = vector.extract %slice3A_747[0] : f32 from vector<1xf32>
      %mul3A_749 = vector.broadcast %squeeze3A_748 : f32 to vector<16xf32>
      %mul3A_750 = arith.mulf %gather3A_245, %mul3A_749 : vector<16xf32>
      %add3A_751 = arith.addf %add3A_746, %mul3A_750 : vector<16xf32>
      %slice3A_752 = vector.extract_strided_slice %get3A_727 {offsets = [5], sizes = [1], strides = [1]} : vector<16xf32> to vector<1xf32>
      %squeeze3A_753 = vector.extract %slice3A_752[0] : f32 from vector<1xf32>
      %mul3A_754 = vector.broadcast %squeeze3A_753 : f32 to vector<16xf32>
      %mul3A_755 = arith.mulf %gather3A_249, %mul3A_754 : vector<16xf32>
      %add3A_756 = arith.addf %add3A_751, %mul3A_755 : vector<16xf32>
      %slice3A_757 = vector.extract_strided_slice %get3A_727 {offsets = [6], sizes = [1], strides = [1]} : vector<16xf32> to vector<1xf32>
      %squeeze3A_758 = vector.extract %slice3A_757[0] : f32 from vector<1xf32>
      %mul3A_759 = vector.broadcast %squeeze3A_758 : f32 to vector<16xf32>
      %mul3A_760 = arith.mulf %gather3A_253, %mul3A_759 : vector<16xf32>
      %add3A_761 = arith.addf %add3A_756, %mul3A_760 : vector<16xf32>
      %slice3A_762 = vector.extract_strided_slice %get3A_727 {offsets = [7], sizes = [1], strides = [1]} : vector<16xf32> to vector<1xf32>
      %squeeze3A_763 = vector.extract %slice3A_762[0] : f32 from vector<1xf32>
      %mul3A_764 = vector.broadcast %squeeze3A_763 : f32 to vector<16xf32>
      %mul3A_765 = arith.mulf %gather3A_257, %mul3A_764 : vector<16xf32>
      %add3A_766 = arith.addf %add3A_761, %mul3A_765 : vector<16xf32>
      %slice3A_767 = vector.extract_strided_slice %get3A_727 {offsets = [8], sizes = [1], strides = [1]} : vector<16xf32> to vector<1xf32>
      %squeeze3A_768 = vector.extract %slice3A_767[0] : f32 from vector<1xf32>
      %mul3A_769 = vector.broadcast %squeeze3A_768 : f32 to vector<16xf32>
      %mul3A_770 = arith.mulf %gather3A_261, %mul3A_769 : vector<16xf32>
      %add3A_771 = arith.addf %add3A_766, %mul3A_770 : vector<16xf32>
      %slice3A_772 = vector.extract_strided_slice %get3A_727 {offsets = [9], sizes = [1], strides = [1]} : vector<16xf32> to vector<1xf32>
      %squeeze3A_773 = vector.extract %slice3A_772[0] : f32 from vector<1xf32>
      %mul3A_774 = vector.broadcast %squeeze3A_773 : f32 to vector<16xf32>
      %mul3A_775 = arith.mulf %gather3A_265, %mul3A_774 : vector<16xf32>
      %add3A_776 = arith.addf %add3A_771, %mul3A_775 : vector<16xf32>
      %slice3A_777 = vector.extract_strided_slice %get3A_727 {offsets = [10], sizes = [1], strides = [1]} : vector<16xf32> to vector<1xf32>
      %squeeze3A_778 = vector.extract %slice3A_777[0] : f32 from vector<1xf32>
      %mul3A_779 = vector.broadcast %squeeze3A_778 : f32 to vector<16xf32>
      %mul3A_780 = arith.mulf %gather3A_269, %mul3A_779 : vector<16xf32>
      %add3A_781 = arith.addf %add3A_776, %mul3A_780 : vector<16xf32>
      %slice3A_782 = vector.extract_strided_slice %get3A_727 {offsets = [11], sizes = [1], strides = [1]} : vector<16xf32> to vector<1xf32>
      %squeeze3A_783 = vector.extract %slice3A_782[0] : f32 from vector<1xf32>
      %mul3A_784 = vector.broadcast %squeeze3A_783 : f32 to vector<16xf32>
      %mul3A_785 = arith.mulf %gather3A_273, %mul3A_784 : vector<16xf32>
      %add3A_786 = arith.addf %add3A_781, %mul3A_785 : vector<16xf32>
      %slice3A_787 = vector.extract_strided_slice %get3A_727 {offsets = [12], sizes = [1], strides = [1]} : vector<16xf32> to vector<1xf32>
      %squeeze3A_788 = vector.extract %slice3A_787[0] : f32 from vector<1xf32>
      %mul3A_789 = vector.broadcast %squeeze3A_788 : f32 to vector<16xf32>
      %mul3A_790 = arith.mulf %gather3A_277, %mul3A_789 : vector<16xf32>
      %add3A_791 = arith.addf %add3A_786, %mul3A_790 : vector<16xf32>
      %slice3A_792 = vector.extract_strided_slice %get3A_727 {offsets = [13], sizes = [1], strides = [1]} : vector<16xf32> to vector<1xf32>
      %squeeze3A_793 = vector.extract %slice3A_792[0] : f32 from vector<1xf32>
      %mul3A_794 = vector.broadcast %squeeze3A_793 : f32 to vector<16xf32>
      %mul3A_795 = arith.mulf %gather3A_281, %mul3A_794 : vector<16xf32>
      %add3A_796 = arith.addf %add3A_791, %mul3A_795 : vector<16xf32>
      %slice3A_797 = vector.extract_strided_slice %get3A_727 {offsets = [14], sizes = [1], strides = [1]} : vector<16xf32> to vector<1xf32>
      %squeeze3A_798 = vector.extract %slice3A_797[0] : f32 from vector<1xf32>
      %mul3A_799 = vector.broadcast %squeeze3A_798 : f32 to vector<16xf32>
      %mul3A_800 = arith.mulf %gather3A_285, %mul3A_799 : vector<16xf32>
      %add3A_801 = arith.addf %add3A_796, %mul3A_800 : vector<16xf32>
      %slice3A_802 = vector.extract_strided_slice %get3A_727 {offsets = [15], sizes = [1], strides = [1]} : vector<16xf32> to vector<1xf32>
      %squeeze3A_803 = vector.extract %slice3A_802[0] : f32 from vector<1xf32>
      %mul3A_804 = vector.broadcast %squeeze3A_803 : f32 to vector<16xf32>
      %mul3A_805 = arith.mulf %gather3A_289, %mul3A_804 : vector<16xf32>
      %add3A_806 = arith.addf %add3A_801, %mul3A_805 : vector<16xf32>
      %slice3A_807 = vector.extract_strided_slice %get3A_290 {offsets = [5], sizes = [1], strides = [1]} : vector<16xf32> to vector<1xf32>
      %squeeze3A_808 = vector.extract %slice3A_807[0] : f32 from vector<1xf32>
      %add3A_809 = vector.broadcast %squeeze3A_808 : f32 to vector<16xf32>
      %add3A_810 = arith.addf %add3A_806, %add3A_809 : vector<16xf32>
      %get3A_811 = arith.constant 6 : i32
      %get3A_812 = arith.index_cast %get3A_811 : i32 to index
      %get3A_813 = arith.constant 0 : index
      %get3A_814 = tpu.vector_load %arg7[%get3A_812, %get3A_813] {strides = array<i32>} : memref<8x16xf32, #tpu.memory_space<vmem>>, vector<16xf32>,
      %slice3A_815 = vector.extract_strided_slice %get3A_814 {offsets = [0], sizes = [1], strides = [1]} : vector<16xf32> to vector<1xf32>
      %squeeze3A_816 = vector.extract %slice3A_815[0] : f32 from vector<1xf32>
      %mul3A_817 = vector.broadcast %squeeze3A_816 : f32 to vector<16xf32>
      %mul3A_818 = arith.mulf %gather3A, %mul3A_817 : vector<16xf32>
      %slice3A_819 = vector.extract_strided_slice %get3A_814 {offsets = [1], sizes = [1], strides = [1]} : vector<16xf32> to vector<1xf32>
      %squeeze3A_820 = vector.extract %slice3A_819[0] : f32 from vector<1xf32>
      %mul3A_821 = vector.broadcast %squeeze3A_820 : f32 to vector<16xf32>
      %mul3A_822 = arith.mulf %gather3A_233, %mul3A_821 : vector<16xf32>
      %add3A_823 = arith.addf %mul3A_818, %mul3A_822 : vector<16xf32>
      %slice3A_824 = vector.extract_strided_slice %get3A_814 {offsets = [2], sizes = [1], strides = [1]} : vector<16xf32> to vector<1xf32>
      %squeeze3A_825 = vector.extract %slice3A_824[0] : f32 from vector<1xf32>
      %mul3A_826 = vector.broadcast %squeeze3A_825 : f32 to vector<16xf32>
      %mul3A_827 = arith.mulf %gather3A_237, %mul3A_826 : vector<16xf32>
      %add3A_828 = arith.addf %add3A_823, %mul3A_827 : vector<16xf32>
      %slice3A_829 = vector.extract_strided_slice %get3A_814 {offsets = [3], sizes = [1], strides = [1]} : vector<16xf32> to vector<1xf32>
      %squeeze3A_830 = vector.extract %slice3A_829[0] : f32 from vector<1xf32>
      %mul3A_831 = vector.broadcast %squeeze3A_830 : f32 to vector<16xf32>
      %mul3A_832 = arith.mulf %gather3A_241, %mul3A_831 : vector<16xf32>
      %add3A_833 = arith.addf %add3A_828, %mul3A_832 : vector<16xf32>
      %slice3A_834 = vector.extract_strided_slice %get3A_814 {offsets = [4], sizes = [1], strides = [1]} : vector<16xf32> to vector<1xf32>
      %squeeze3A_835 = vector.extract %slice3A_834[0] : f32 from vector<1xf32>
      %mul3A_836 = vector.broadcast %squeeze3A_835 : f32 to vector<16xf32>
      %mul3A_837 = arith.mulf %gather3A_245, %mul3A_836 : vector<16xf32>
      %add3A_838 = arith.addf %add3A_833, %mul3A_837 : vector<16xf32>
      %slice3A_839 = vector.extract_strided_slice %get3A_814 {offsets = [5], sizes = [1], strides = [1]} : vector<16xf32> to vector<1xf32>
      %squeeze3A_840 = vector.extract %slice3A_839[0] : f32 from vector<1xf32>
      %mul3A_841 = vector.broadcast %squeeze3A_840 : f32 to vector<16xf32>
      %mul3A_842 = arith.mulf %gather3A_249, %mul3A_841 : vector<16xf32>
      %add3A_843 = arith.addf %add3A_838, %mul3A_842 : vector<16xf32>
      %slice3A_844 = vector.extract_strided_slice %get3A_814 {offsets = [6], sizes = [1], strides = [1]} : vector<16xf32> to vector<1xf32>
      %squeeze3A_845 = vector.extract %slice3A_844[0] : f32 from vector<1xf32>
      %mul3A_846 = vector.broadcast %squeeze3A_845 : f32 to vector<16xf32>
      %mul3A_847 = arith.mulf %gather3A_253, %mul3A_846 : vector<16xf32>
      %add3A_848 = arith.addf %add3A_843, %mul3A_847 : vector<16xf32>
      %slice3A_849 = vector.extract_strided_slice %get3A_814 {offsets = [7], sizes = [1], strides = [1]} : vector<16xf32> to vector<1xf32>
      %squeeze3A_850 = vector.extract %slice3A_849[0] : f32 from vector<1xf32>
      %mul3A_851 = vector.broadcast %squeeze3A_850 : f32 to vector<16xf32>
      %mul3A_852 = arith.mulf %gather3A_257, %mul3A_851 : vector<16xf32>
      %add3A_853 = arith.addf %add3A_848, %mul3A_852 : vector<16xf32>
      %slice3A_854 = vector.extract_strided_slice %get3A_814 {offsets = [8], sizes = [1], strides = [1]} : vector<16xf32> to vector<1xf32>
      %squeeze3A_855 = vector.extract %slice3A_854[0] : f32 from vector<1xf32>
      %mul3A_856 = vector.broadcast %squeeze3A_855 : f32 to vector<16xf32>
      %mul3A_857 = arith.mulf %gather3A_261, %mul3A_856 : vector<16xf32>
      %add3A_858 = arith.addf %add3A_853, %mul3A_857 : vector<16xf32>
      %slice3A_859 = vector.extract_strided_slice %get3A_814 {offsets = [9], sizes = [1], strides = [1]} : vector<16xf32> to vector<1xf32>
      %squeeze3A_860 = vector.extract %slice3A_859[0] : f32 from vector<1xf32>
      %mul3A_861 = vector.broadcast %squeeze3A_860 : f32 to vector<16xf32>
      %mul3A_862 = arith.mulf %gather3A_265, %mul3A_861 : vector<16xf32>
      %add3A_863 = arith.addf %add3A_858, %mul3A_862 : vector<16xf32>
      %slice3A_864 = vector.extract_strided_slice %get3A_814 {offsets = [10], sizes = [1], strides = [1]} : vector<16xf32> to vector<1xf32>
      %squeeze3A_865 = vector.extract %slice3A_864[0] : f32 from vector<1xf32>
      %mul3A_866 = vector.broadcast %squeeze3A_865 : f32 to vector<16xf32>
      %mul3A_867 = arith.mulf %gather3A_269, %mul3A_866 : vector<16xf32>
      %add3A_868 = arith.addf %add3A_863, %mul3A_867 : vector<16xf32>
      %slice3A_869 = vector.extract_strided_slice %get3A_814 {offsets = [11], sizes = [1], strides = [1]} : vector<16xf32> to vector<1xf32>
      %squeeze3A_870 = vector.extract %slice3A_869[0] : f32 from vector<1xf32>
      %mul3A_871 = vector.broadcast %squeeze3A_870 : f32 to vector<16xf32>
      %mul3A_872 = arith.mulf %gather3A_273, %mul3A_871 : vector<16xf32>
      %add3A_873 = arith.addf %add3A_868, %mul3A_872 : vector<16xf32>
      %slice3A_874 = vector.extract_strided_slice %get3A_814 {offsets = [12], sizes = [1], strides = [1]} : vector<16xf32> to vector<1xf32>
      %squeeze3A_875 = vector.extract %slice3A_874[0] : f32 from vector<1xf32>
      %mul3A_876 = vector.broadcast %squeeze3A_875 : f32 to vector<16xf32>
      %mul3A_877 = arith.mulf %gather3A_277, %mul3A_876 : vector<16xf32>
      %add3A_878 = arith.addf %add3A_873, %mul3A_877 : vector<16xf32>
      %slice3A_879 = vector.extract_strided_slice %get3A_814 {offsets = [13], sizes = [1], strides = [1]} : vector<16xf32> to vector<1xf32>
      %squeeze3A_880 = vector.extract %slice3A_879[0] : f32 from vector<1xf32>
      %mul3A_881 = vector.broadcast %squeeze3A_880 : f32 to vector<16xf32>
      %mul3A_882 = arith.mulf %gather3A_281, %mul3A_881 : vector<16xf32>
      %add3A_883 = arith.addf %add3A_878, %mul3A_882 : vector<16xf32>
      %slice3A_884 = vector.extract_strided_slice %get3A_814 {offsets = [14], sizes = [1], strides = [1]} : vector<16xf32> to vector<1xf32>
      %squeeze3A_885 = vector.extract %slice3A_884[0] : f32 from vector<1xf32>
      %mul3A_886 = vector.broadcast %squeeze3A_885 : f32 to vector<16xf32>
      %mul3A_887 = arith.mulf %gather3A_285, %mul3A_886 : vector<16xf32>
      %add3A_888 = arith.addf %add3A_883, %mul3A_887 : vector<16xf32>
      %slice3A_889 = vector.extract_strided_slice %get3A_814 {offsets = [15], sizes = [1], strides = [1]} : vector<16xf32> to vector<1xf32>
      %squeeze3A_890 = vector.extract %slice3A_889[0] : f32 from vector<1xf32>
      %mul3A_891 = vector.broadcast %squeeze3A_890 : f32 to vector<16xf32>
      %mul3A_892 = arith.mulf %gather3A_289, %mul3A_891 : vector<16xf32>
      %add3A_893 = arith.addf %add3A_888, %mul3A_892 : vector<16xf32>
      %slice3A_894 = vector.extract_strided_slice %get3A_290 {offsets = [6], sizes = [1], strides = [1]} : vector<16xf32> to vector<1xf32>
      %squeeze3A_895 = vector.extract %slice3A_894[0] : f32 from vector<1xf32>
      %add3A_896 = vector.broadcast %squeeze3A_895 : f32 to vector<16xf32>
      %add3A_897 = arith.addf %add3A_893, %add3A_896 : vector<16xf32>
      %get3A_898 = arith.constant 7 : i32
      %get3A_899 = arith.index_cast %get3A_898 : i32 to index
      %get3A_900 = arith.constant 0 : index
      %get3A_901 = tpu.vector_load %arg7[%get3A_899, %get3A_900] {strides = array<i32>} : memref<8x16xf32, #tpu.memory_space<vmem>>, vector<16xf32>,
      %slice3A_902 = vector.extract_strided_slice %get3A_901 {offsets = [0], sizes = [1], strides = [1]} : vector<16xf32> to vector<1xf32>
      %squeeze3A_903 = vector.extract %slice3A_902[0] : f32 from vector<1xf32>
      %mul3A_904 = vector.broadcast %squeeze3A_903 : f32 to vector<16xf32>
      %mul3A_905 = arith.mulf %gather3A, %mul3A_904 : vector<16xf32>
      %slice3A_906 = vector.extract_strided_slice %get3A_901 {offsets = [1], sizes = [1], strides = [1]} : vector<16xf32> to vector<1xf32>
      %squeeze3A_907 = vector.extract %slice3A_906[0] : f32 from vector<1xf32>
      %mul3A_908 = vector.broadcast %squeeze3A_907 : f32 to vector<16xf32>
      %mul3A_909 = arith.mulf %gather3A_233, %mul3A_908 : vector<16xf32>
      %add3A_910 = arith.addf %mul3A_905, %mul3A_909 : vector<16xf32>
      %slice3A_911 = vector.extract_strided_slice %get3A_901 {offsets = [2], sizes = [1], strides = [1]} : vector<16xf32> to vector<1xf32>
      %squeeze3A_912 = vector.extract %slice3A_911[0] : f32 from vector<1xf32>
      %mul3A_913 = vector.broadcast %squeeze3A_912 : f32 to vector<16xf32>
      %mul3A_914 = arith.mulf %gather3A_237, %mul3A_913 : vector<16xf32>
      %add3A_915 = arith.addf %add3A_910, %mul3A_914 : vector<16xf32>
      %slice3A_916 = vector.extract_strided_slice %get3A_901 {offsets = [3], sizes = [1], strides = [1]} : vector<16xf32> to vector<1xf32>
      %squeeze3A_917 = vector.extract %slice3A_916[0] : f32 from vector<1xf32>
      %mul3A_918 = vector.broadcast %squeeze3A_917 : f32 to vector<16xf32>
      %mul3A_919 = arith.mulf %gather3A_241, %mul3A_918 : vector<16xf32>
      %add3A_920 = arith.addf %add3A_915, %mul3A_919 : vector<16xf32>
      %slice3A_921 = vector.extract_strided_slice %get3A_901 {offsets = [4], sizes = [1], strides = [1]} : vector<16xf32> to vector<1xf32>
      %squeeze3A_922 = vector.extract %slice3A_921[0] : f32 from vector<1xf32>
      %mul3A_923 = vector.broadcast %squeeze3A_922 : f32 to vector<16xf32>
      %mul3A_924 = arith.mulf %gather3A_245, %mul3A_923 : vector<16xf32>
      %add3A_925 = arith.addf %add3A_920, %mul3A_924 : vector<16xf32>
      %slice3A_926 = vector.extract_strided_slice %get3A_901 {offsets = [5], sizes = [1], strides = [1]} : vector<16xf32> to vector<1xf32>
      %squeeze3A_927 = vector.extract %slice3A_926[0] : f32 from vector<1xf32>
      %mul3A_928 = vector.broadcast %squeeze3A_927 : f32 to vector<16xf32>
      %mul3A_929 = arith.mulf %gather3A_249, %mul3A_928 : vector<16xf32>
      %add3A_930 = arith.addf %add3A_925, %mul3A_929 : vector<16xf32>
      %slice3A_931 = vector.extract_strided_slice %get3A_901 {offsets = [6], sizes = [1], strides = [1]} : vector<16xf32> to vector<1xf32>
      %squeeze3A_932 = vector.extract %slice3A_931[0] : f32 from vector<1xf32>
      %mul3A_933 = vector.broadcast %squeeze3A_932 : f32 to vector<16xf32>
      %mul3A_934 = arith.mulf %gather3A_253, %mul3A_933 : vector<16xf32>
      %add3A_935 = arith.addf %add3A_930, %mul3A_934 : vector<16xf32>
      %slice3A_936 = vector.extract_strided_slice %get3A_901 {offsets = [7], sizes = [1], strides = [1]} : vector<16xf32> to vector<1xf32>
      %squeeze3A_937 = vector.extract %slice3A_936[0] : f32 from vector<1xf32>
      %mul3A_938 = vector.broadcast %squeeze3A_937 : f32 to vector<16xf32>
      %mul3A_939 = arith.mulf %gather3A_257, %mul3A_938 : vector<16xf32>
      %add3A_940 = arith.addf %add3A_935, %mul3A_939 : vector<16xf32>
      %slice3A_941 = vector.extract_strided_slice %get3A_901 {offsets = [8], sizes = [1], strides = [1]} : vector<16xf32> to vector<1xf32>
      %squeeze3A_942 = vector.extract %slice3A_941[0] : f32 from vector<1xf32>
      %mul3A_943 = vector.broadcast %squeeze3A_942 : f32 to vector<16xf32>
      %mul3A_944 = arith.mulf %gather3A_261, %mul3A_943 : vector<16xf32>
      %add3A_945 = arith.addf %add3A_940, %mul3A_944 : vector<16xf32>
      %slice3A_946 = vector.extract_strided_slice %get3A_901 {offsets = [9], sizes = [1], strides = [1]} : vector<16xf32> to vector<1xf32>
      %squeeze3A_947 = vector.extract %slice3A_946[0] : f32 from vector<1xf32>
      %mul3A_948 = vector.broadcast %squeeze3A_947 : f32 to vector<16xf32>
      %mul3A_949 = arith.mulf %gather3A_265, %mul3A_948 : vector<16xf32>
      %add3A_950 = arith.addf %add3A_945, %mul3A_949 : vector<16xf32>
      %slice3A_951 = vector.extract_strided_slice %get3A_901 {offsets = [10], sizes = [1], strides = [1]} : vector<16xf32> to vector<1xf32>
      %squeeze3A_952 = vector.extract %slice3A_951[0] : f32 from vector<1xf32>
      %mul3A_953 = vector.broadcast %squeeze3A_952 : f32 to vector<16xf32>
      %mul3A_954 = arith.mulf %gather3A_269, %mul3A_953 : vector<16xf32>
      %add3A_955 = arith.addf %add3A_950, %mul3A_954 : vector<16xf32>
      %slice3A_956 = vector.extract_strided_slice %get3A_901 {offsets = [11], sizes = [1], strides = [1]} : vector<16xf32> to vector<1xf32>
      %squeeze3A_957 = vector.extract %slice3A_956[0] : f32 from vector<1xf32>
      %mul3A_958 = vector.broadcast %squeeze3A_957 : f32 to vector<16xf32>
      %mul3A_959 = arith.mulf %gather3A_273, %mul3A_958 : vector<16xf32>
      %add3A_960 = arith.addf %add3A_955, %mul3A_959 : vector<16xf32>
      %slice3A_961 = vector.extract_strided_slice %get3A_901 {offsets = [12], sizes = [1], strides = [1]} : vector<16xf32> to vector<1xf32>
      %squeeze3A_962 = vector.extract %slice3A_961[0] : f32 from vector<1xf32>
      %mul3A_963 = vector.broadcast %squeeze3A_962 : f32 to vector<16xf32>
      %mul3A_964 = arith.mulf %gather3A_277, %mul3A_963 : vector<16xf32>
      %add3A_965 = arith.addf %add3A_960, %mul3A_964 : vector<16xf32>
      %slice3A_966 = vector.extract_strided_slice %get3A_901 {offsets = [13], sizes = [1], strides = [1]} : vector<16xf32> to vector<1xf32>
      %squeeze3A_967 = vector.extract %slice3A_966[0] : f32 from vector<1xf32>
      %mul3A_968 = vector.broadcast %squeeze3A_967 : f32 to vector<16xf32>
      %mul3A_969 = arith.mulf %gather3A_281, %mul3A_968 : vector<16xf32>
      %add3A_970 = arith.addf %add3A_965, %mul3A_969 : vector<16xf32>
      %slice3A_971 = vector.extract_strided_slice %get3A_901 {offsets = [14], sizes = [1], strides = [1]} : vector<16xf32> to vector<1xf32>
      %squeeze3A_972 = vector.extract %slice3A_971[0] : f32 from vector<1xf32>
      %mul3A_973 = vector.broadcast %squeeze3A_972 : f32 to vector<16xf32>
      %mul3A_974 = arith.mulf %gather3A_285, %mul3A_973 : vector<16xf32>
      %add3A_975 = arith.addf %add3A_970, %mul3A_974 : vector<16xf32>
      %slice3A_976 = vector.extract_strided_slice %get3A_901 {offsets = [15], sizes = [1], strides = [1]} : vector<16xf32> to vector<1xf32>
      %squeeze3A_977 = vector.extract %slice3A_976[0] : f32 from vector<1xf32>
      %mul3A_978 = vector.broadcast %squeeze3A_977 : f32 to vector<16xf32>
      %mul3A_979 = arith.mulf %gather3A_289, %mul3A_978 : vector<16xf32>
      %add3A_980 = arith.addf %add3A_975, %mul3A_979 : vector<16xf32>
      %slice3A_981 = vector.extract_strided_slice %get3A_290 {offsets = [7], sizes = [1], strides = [1]} : vector<16xf32> to vector<1xf32>
      %squeeze3A_982 = vector.extract %slice3A_981[0] : f32 from vector<1xf32>
      %add3A_983 = vector.broadcast %squeeze3A_982 : f32 to vector<16xf32>
      %add3A_984 = arith.addf %add3A_980, %add3A_983 : vector<16xf32>
      %max3A = arith.maximumf %add3A_375, %add3A_462 : vector<16xf32>
      %max3A_985 = arith.maximumf %max3A, %add3A_549 : vector<16xf32>
      %max3A_986 = arith.maximumf %max3A_985, %add3A_636 : vector<16xf32>
      %max3A_987 = arith.maximumf %max3A_986, %add3A_723 : vector<16xf32>
      %max3A_988 = arith.maximumf %max3A_987, %add3A_810 : vector<16xf32>
      %max3A_989 = arith.maximumf %max3A_988, %add3A_897 : vector<16xf32>
      %max3A_990 = arith.maximumf %max3A_989, %add3A_984 : vector<16xf32>
      %sub3A = arith.subf %add3A_375, %max3A_990 : vector<16xf32>
      %exp3A = math.exp %sub3A : vector<16xf32>
      %sub3A_991 = arith.subf %add3A_462, %max3A_990 : vector<16xf32>
      %exp3A_992 = math.exp %sub3A_991 : vector<16xf32>
      %add3A_993 = arith.addf %exp3A, %exp3A_992 : vector<16xf32>
      %sub3A_994 = arith.subf %add3A_549, %max3A_990 : vector<16xf32>
      %exp3A_995 = math.exp %sub3A_994 : vector<16xf32>
      %add3A_996 = arith.addf %add3A_993, %exp3A_995 : vector<16xf32>
      %sub3A_997 = arith.subf %add3A_636, %max3A_990 : vector<16xf32>
      %exp3A_998 = math.exp %sub3A_997 : vector<16xf32>
      %add3A_999 = arith.addf %add3A_996, %exp3A_998 : vector<16xf32>
      %sub3A_1000 = arith.subf %add3A_723, %max3A_990 : vector<16xf32>
      %exp3A_1001 = math.exp %sub3A_1000 : vector<16xf32>
      %add3A_1002 = arith.addf %add3A_999, %exp3A_1001 : vector<16xf32>
      %sub3A_1003 = arith.subf %add3A_810, %max3A_990 : vector<16xf32>
      %exp3A_1004 = math.exp %sub3A_1003 : vector<16xf32>
      %add3A_1005 = arith.addf %add3A_1002, %exp3A_1004 : vector<16xf32>
      %sub3A_1006 = arith.subf %add3A_897, %max3A_990 : vector<16xf32>
      %exp3A_1007 = math.exp %sub3A_1006 : vector<16xf32>
      %add3A_1008 = arith.addf %add3A_1005, %exp3A_1007 : vector<16xf32>
      %sub3A_1009 = arith.subf %add3A_984, %max3A_990 : vector<16xf32>
      %exp3A_1010 = math.exp %sub3A_1009 : vector<16xf32>
      %add3A_1011 = arith.addf %add3A_1008, %exp3A_1010 : vector<16xf32>
      %div3A = arith.constant 1.000000e+00 : f32
      %div3A_1012 = vector.broadcast %div3A : f32 to vector<16xf32>
      %div3A_1013 = arith.divf %div3A_1012, %add3A_1011 : vector<16xf32>
      %mul3A_1014 = arith.mulf %div3A_1013, %gather3A : vector<16xf32>
      %add3A_1015 = arith.addf %scan3A_201, %mul3A_1014 : vector<16xf32>
      %mul3A_1016 = arith.mulf %div3A_1013, %gather3A_233 : vector<16xf32>
      %add3A_1017 = arith.addf %scan3A_202, %mul3A_1016 : vector<16xf32>
      %mul3A_1018 = arith.mulf %div3A_1013, %gather3A_237 : vector<16xf32>
      %add3A_1019 = arith.addf %scan3A_203, %mul3A_1018 : vector<16xf32>
      %mul3A_1020 = arith.mulf %div3A_1013, %gather3A_241 : vector<16xf32>
      %add3A_1021 = arith.addf %scan3A_204, %mul3A_1020 : vector<16xf32>
      %mul3A_1022 = arith.mulf %div3A_1013, %gather3A_245 : vector<16xf32>
      %add3A_1023 = arith.addf %scan3A_205, %mul3A_1022 : vector<16xf32>
      %mul3A_1024 = arith.mulf %div3A_1013, %gather3A_249 : vector<16xf32>
      %add3A_1025 = arith.addf %scan3A_206, %mul3A_1024 : vector<16xf32>
      %mul3A_1026 = arith.mulf %div3A_1013, %gather3A_253 : vector<16xf32>
      %add3A_1027 = arith.addf %scan3A_207, %mul3A_1026 : vector<16xf32>
      %mul3A_1028 = arith.mulf %div3A_1013, %gather3A_257 : vector<16xf32>
      %add3A_1029 = arith.addf %scan3A_208, %mul3A_1028 : vector<16xf32>
      %mul3A_1030 = arith.mulf %div3A_1013, %gather3A_261 : vector<16xf32>
      %add3A_1031 = arith.addf %scan3A_209, %mul3A_1030 : vector<16xf32>
      %mul3A_1032 = arith.mulf %div3A_1013, %gather3A_265 : vector<16xf32>
      %add3A_1033 = arith.addf %scan3A_210, %mul3A_1032 : vector<16xf32>
      %mul3A_1034 = arith.mulf %div3A_1013, %gather3A_269 : vector<16xf32>
      %add3A_1035 = arith.addf %scan3A_211, %mul3A_1034 : vector<16xf32>
      %mul3A_1036 = arith.mulf %div3A_1013, %gather3A_273 : vector<16xf32>
      %add3A_1037 = arith.addf %scan3A_212, %mul3A_1036 : vector<16xf32>
      %mul3A_1038 = arith.mulf %div3A_1013, %gather3A_277 : vector<16xf32>
      %add3A_1039 = arith.addf %scan3A_213, %mul3A_1038 : vector<16xf32>
      %mul3A_1040 = arith.mulf %div3A_1013, %gather3A_281 : vector<16xf32>
      %add3A_1041 = arith.addf %scan3A_214, %mul3A_1040 : vector<16xf32>
      %mul3A_1042 = arith.mulf %div3A_1013, %gather3A_285 : vector<16xf32>
      %add3A_1043 = arith.addf %scan3A_215, %mul3A_1042 : vector<16xf32>
      %mul3A_1044 = arith.mulf %div3A_1013, %gather3A_289 : vector<16xf32>
      %add3A_1045 = arith.addf %scan3A_216, %mul3A_1044 : vector<16xf32>
      %add3A_1046 = arith.addf %scan3A_217, %div3A_1013 : vector<16xf32>
      scf.yield %add3A_1015, %add3A_1017, %add3A_1019, %add3A_1021, %add3A_1023, %add3A_1025, %add3A_1027, %add3A_1029, %add3A_1031, %add3A_1033, %add3A_1035, %add3A_1037, %add3A_1039, %add3A_1041, %add3A_1043, %add3A_1045, %add3A_1046 : vector<16xf32>, vector<16xf32>, vector<16xf32>, vector<16xf32>, vector<16xf32>, vector<16xf32>, vector<16xf32>, vector<16xf32>, vector<16xf32>, vector<16xf32>, vector<16xf32>, vector<16xf32>, vector<16xf32>, vector<16xf32>, vector<16xf32>, vector<16xf32>, vector<16xf32>
    }
    %scan3A_44 = arith.constant 64 : i32
    %broadcast_in_dim3A_45 = arith.constant 0.000000e+00 : f32
    %broadcast_in_dim3A_46 = vector.broadcast %broadcast_in_dim3A_45 : f32 to vector<16xf32>
    %eq3A = arith.constant 0 : i32
    %eq3A_47 = vector.broadcast %eq3A : i32 to vector<16xi32>
    %eq3A_48 = arith.cmpi eq, %iota3A, %eq3A_47 : vector<16xi32>
    %reduce_sum3A = arith.constant true
    %reduce_sum3A_49 = vector.broadcast %reduce_sum3A : i1 to vector<16xi1>
    %reduce_sum3A_50 = tpu.scan <sum>, %scan3A_43#0 masked %reduce_sum3A_49 : vector<16xf32>, vector<16xi1> -> vector<16xf32>
    %reduce_sum3A_51 = vector.extract %reduce_sum3A_50[15] : f32 from vector<16xf32>
    %broadcast_in_dim3A_52 = vector.broadcast %reduce_sum3A_51 : f32 to vector<16xf32>
    %select_n3A = arith.select %eq3A_48, %broadcast_in_dim3A_52, %broadcast_in_dim3A_46 : vector<16xi1>, vector<16xf32>
    %eq3A_53 = arith.constant 1 : i32
    %eq3A_54 = vector.broadcast %eq3A_53 : i32 to vector<16xi32>
    %eq3A_55 = arith.cmpi eq, %iota3A, %eq3A_54 : vector<16xi32>
    %reduce_sum3A_56 = arith.constant true
    %reduce_sum3A_57 = vector.broadcast %reduce_sum3A_56 : i1 to vector<16xi1>
    %reduce_sum3A_58 = tpu.scan <sum>, %scan3A_43#1 masked %reduce_sum3A_57 : vector<16xf32>, vector<16xi1> -> vector<16xf32>
    %reduce_sum3A_59 = vector.extract %reduce_sum3A_58[15] : f32 from vector<16xf32>
    %broadcast_in_dim3A_60 = vector.broadcast %reduce_sum3A_59 : f32 to vector<16xf32>
    %select_n3A_61 = arith.select %eq3A_55, %broadcast_in_dim3A_60, %select_n3A : vector<16xi1>, vector<16xf32>
    %eq3A_62 = arith.constant 2 : i32
    %eq3A_63 = vector.broadcast %eq3A_62 : i32 to vector<16xi32>
    %eq3A_64 = arith.cmpi eq, %iota3A, %eq3A_63 : vector<16xi32>
    %reduce_sum3A_65 = arith.constant true
    %reduce_sum3A_66 = vector.broadcast %reduce_sum3A_65 : i1 to vector<16xi1>
    %reduce_sum3A_67 = tpu.scan <sum>, %scan3A_43#2 masked %reduce_sum3A_66 : vector<16xf32>, vector<16xi1> -> vector<16xf32>
    %reduce_sum3A_68 = vector.extract %reduce_sum3A_67[15] : f32 from vector<16xf32>
    %broadcast_in_dim3A_69 = vector.broadcast %reduce_sum3A_68 : f32 to vector<16xf32>
    %select_n3A_70 = arith.select %eq3A_64, %broadcast_in_dim3A_69, %select_n3A_61 : vector<16xi1>, vector<16xf32>
    %eq3A_71 = arith.constant 3 : i32
    %eq3A_72 = vector.broadcast %eq3A_71 : i32 to vector<16xi32>
    %eq3A_73 = arith.cmpi eq, %iota3A, %eq3A_72 : vector<16xi32>
    %reduce_sum3A_74 = arith.constant true
    %reduce_sum3A_75 = vector.broadcast %reduce_sum3A_74 : i1 to vector<16xi1>
    %reduce_sum3A_76 = tpu.scan <sum>, %scan3A_43#3 masked %reduce_sum3A_75 : vector<16xf32>, vector<16xi1> -> vector<16xf32>
    %reduce_sum3A_77 = vector.extract %reduce_sum3A_76[15] : f32 from vector<16xf32>
    %broadcast_in_dim3A_78 = vector.broadcast %reduce_sum3A_77 : f32 to vector<16xf32>
    %select_n3A_79 = arith.select %eq3A_73, %broadcast_in_dim3A_78, %select_n3A_70 : vector<16xi1>, vector<16xf32>
    %eq3A_80 = arith.constant 4 : i32
    %eq3A_81 = vector.broadcast %eq3A_80 : i32 to vector<16xi32>
    %eq3A_82 = arith.cmpi eq, %iota3A, %eq3A_81 : vector<16xi32>
    %reduce_sum3A_83 = arith.constant true
    %reduce_sum3A_84 = vector.broadcast %reduce_sum3A_83 : i1 to vector<16xi1>
    %reduce_sum3A_85 = tpu.scan <sum>, %scan3A_43#4 masked %reduce_sum3A_84 : vector<16xf32>, vector<16xi1> -> vector<16xf32>
    %reduce_sum3A_86 = vector.extract %reduce_sum3A_85[15] : f32 from vector<16xf32>
    %broadcast_in_dim3A_87 = vector.broadcast %reduce_sum3A_86 : f32 to vector<16xf32>
    %select_n3A_88 = arith.select %eq3A_82, %broadcast_in_dim3A_87, %select_n3A_79 : vector<16xi1>, vector<16xf32>
    %eq3A_89 = arith.constant 5 : i32
    %eq3A_90 = vector.broadcast %eq3A_89 : i32 to vector<16xi32>
    %eq3A_91 = arith.cmpi eq, %iota3A, %eq3A_90 : vector<16xi32>
    %reduce_sum3A_92 = arith.constant true
    %reduce_sum3A_93 = vector.broadcast %reduce_sum3A_92 : i1 to vector<16xi1>
    %reduce_sum3A_94 = tpu.scan <sum>, %scan3A_43#5 masked %reduce_sum3A_93 : vector<16xf32>, vector<16xi1> -> vector<16xf32>
    %reduce_sum3A_95 = vector.extract %reduce_sum3A_94[15] : f32 from vector<16xf32>
    %broadcast_in_dim3A_96 = vector.broadcast %reduce_sum3A_95 : f32 to vector<16xf32>
    %select_n3A_97 = arith.select %eq3A_91, %broadcast_in_dim3A_96, %select_n3A_88 : vector<16xi1>, vector<16xf32>
    %eq3A_98 = arith.constant 6 : i32
    %eq3A_99 = vector.broadcast %eq3A_98 : i32 to vector<16xi32>
    %eq3A_100 = arith.cmpi eq, %iota3A, %eq3A_99 : vector<16xi32>
    %reduce_sum3A_101 = arith.constant true
    %reduce_sum3A_102 = vector.broadcast %reduce_sum3A_101 : i1 to vector<16xi1>
    %reduce_sum3A_103 = tpu.scan <sum>, %scan3A_43#6 masked %reduce_sum3A_102 : vector<16xf32>, vector<16xi1> -> vector<16xf32>
    %reduce_sum3A_104 = vector.extract %reduce_sum3A_103[15] : f32 from vector<16xf32>
    %broadcast_in_dim3A_105 = vector.broadcast %reduce_sum3A_104 : f32 to vector<16xf32>
    %select_n3A_106 = arith.select %eq3A_100, %broadcast_in_dim3A_105, %select_n3A_97 : vector<16xi1>, vector<16xf32>
    %eq3A_107 = arith.constant 7 : i32
    %eq3A_108 = vector.broadcast %eq3A_107 : i32 to vector<16xi32>
    %eq3A_109 = arith.cmpi eq, %iota3A, %eq3A_108 : vector<16xi32>
    %reduce_sum3A_110 = arith.constant true
    %reduce_sum3A_111 = vector.broadcast %reduce_sum3A_110 : i1 to vector<16xi1>
    %reduce_sum3A_112 = tpu.scan <sum>, %scan3A_43#7 masked %reduce_sum3A_111 : vector<16xf32>, vector<16xi1> -> vector<16xf32>
    %reduce_sum3A_113 = vector.extract %reduce_sum3A_112[15] : f32 from vector<16xf32>
    %broadcast_in_dim3A_114 = vector.broadcast %reduce_sum3A_113 : f32 to vector<16xf32>
    %select_n3A_115 = arith.select %eq3A_109, %broadcast_in_dim3A_114, %select_n3A_106 : vector<16xi1>, vector<16xf32>
    %eq3A_116 = arith.constant 8 : i32
    %eq3A_117 = vector.broadcast %eq3A_116 : i32 to vector<16xi32>
    %eq3A_118 = arith.cmpi eq, %iota3A, %eq3A_117 : vector<16xi32>
    %reduce_sum3A_119 = arith.constant true
    %reduce_sum3A_120 = vector.broadcast %reduce_sum3A_119 : i1 to vector<16xi1>
    %reduce_sum3A_121 = tpu.scan <sum>, %scan3A_43#8 masked %reduce_sum3A_120 : vector<16xf32>, vector<16xi1> -> vector<16xf32>
    %reduce_sum3A_122 = vector.extract %reduce_sum3A_121[15] : f32 from vector<16xf32>
    %broadcast_in_dim3A_123 = vector.broadcast %reduce_sum3A_122 : f32 to vector<16xf32>
    %select_n3A_124 = arith.select %eq3A_118, %broadcast_in_dim3A_123, %select_n3A_115 : vector<16xi1>, vector<16xf32>
    %eq3A_125 = arith.constant 9 : i32
    %eq3A_126 = vector.broadcast %eq3A_125 : i32 to vector<16xi32>
    %eq3A_127 = arith.cmpi eq, %iota3A, %eq3A_126 : vector<16xi32>
    %reduce_sum3A_128 = arith.constant true
    %reduce_sum3A_129 = vector.broadcast %reduce_sum3A_128 : i1 to vector<16xi1>
    %reduce_sum3A_130 = tpu.scan <sum>, %scan3A_43#9 masked %reduce_sum3A_129 : vector<16xf32>, vector<16xi1> -> vector<16xf32>
    %reduce_sum3A_131 = vector.extract %reduce_sum3A_130[15] : f32 from vector<16xf32>
    %broadcast_in_dim3A_132 = vector.broadcast %reduce_sum3A_131 : f32 to vector<16xf32>
    %select_n3A_133 = arith.select %eq3A_127, %broadcast_in_dim3A_132, %select_n3A_124 : vector<16xi1>, vector<16xf32>
    %eq3A_134 = arith.constant 10 : i32
    %eq3A_135 = vector.broadcast %eq3A_134 : i32 to vector<16xi32>
    %eq3A_136 = arith.cmpi eq, %iota3A, %eq3A_135 : vector<16xi32>
    %reduce_sum3A_137 = arith.constant true
    %reduce_sum3A_138 = vector.broadcast %reduce_sum3A_137 : i1 to vector<16xi1>
    %reduce_sum3A_139 = tpu.scan <sum>, %scan3A_43#10 masked %reduce_sum3A_138 : vector<16xf32>, vector<16xi1> -> vector<16xf32>
    %reduce_sum3A_140 = vector.extract %reduce_sum3A_139[15] : f32 from vector<16xf32>
    %broadcast_in_dim3A_141 = vector.broadcast %reduce_sum3A_140 : f32 to vector<16xf32>
    %select_n3A_142 = arith.select %eq3A_136, %broadcast_in_dim3A_141, %select_n3A_133 : vector<16xi1>, vector<16xf32>
    %eq3A_143 = arith.constant 11 : i32
    %eq3A_144 = vector.broadcast %eq3A_143 : i32 to vector<16xi32>
    %eq3A_145 = arith.cmpi eq, %iota3A, %eq3A_144 : vector<16xi32>
    %reduce_sum3A_146 = arith.constant true
    %reduce_sum3A_147 = vector.broadcast %reduce_sum3A_146 : i1 to vector<16xi1>
    %reduce_sum3A_148 = tpu.scan <sum>, %scan3A_43#11 masked %reduce_sum3A_147 : vector<16xf32>, vector<16xi1> -> vector<16xf32>
    %reduce_sum3A_149 = vector.extract %reduce_sum3A_148[15] : f32 from vector<16xf32>
    %broadcast_in_dim3A_150 = vector.broadcast %reduce_sum3A_149 : f32 to vector<16xf32>
    %select_n3A_151 = arith.select %eq3A_145, %broadcast_in_dim3A_150, %select_n3A_142 : vector<16xi1>, vector<16xf32>
    %eq3A_152 = arith.constant 12 : i32
    %eq3A_153 = vector.broadcast %eq3A_152 : i32 to vector<16xi32>
    %eq3A_154 = arith.cmpi eq, %iota3A, %eq3A_153 : vector<16xi32>
    %reduce_sum3A_155 = arith.constant true
    %reduce_sum3A_156 = vector.broadcast %reduce_sum3A_155 : i1 to vector<16xi1>
    %reduce_sum3A_157 = tpu.scan <sum>, %scan3A_43#12 masked %reduce_sum3A_156 : vector<16xf32>, vector<16xi1> -> vector<16xf32>
    %reduce_sum3A_158 = vector.extract %reduce_sum3A_157[15] : f32 from vector<16xf32>
    %broadcast_in_dim3A_159 = vector.broadcast %reduce_sum3A_158 : f32 to vector<16xf32>
    %select_n3A_160 = arith.select %eq3A_154, %broadcast_in_dim3A_159, %select_n3A_151 : vector<16xi1>, vector<16xf32>
    %eq3A_161 = arith.constant 13 : i32
    %eq3A_162 = vector.broadcast %eq3A_161 : i32 to vector<16xi32>
    %eq3A_163 = arith.cmpi eq, %iota3A, %eq3A_162 : vector<16xi32>
    %reduce_sum3A_164 = arith.constant true
    %reduce_sum3A_165 = vector.broadcast %reduce_sum3A_164 : i1 to vector<16xi1>
    %reduce_sum3A_166 = tpu.scan <sum>, %scan3A_43#13 masked %reduce_sum3A_165 : vector<16xf32>, vector<16xi1> -> vector<16xf32>
    %reduce_sum3A_167 = vector.extract %reduce_sum3A_166[15] : f32 from vector<16xf32>
    %broadcast_in_dim3A_168 = vector.broadcast %reduce_sum3A_167 : f32 to vector<16xf32>
    %select_n3A_169 = arith.select %eq3A_163, %broadcast_in_dim3A_168, %select_n3A_160 : vector<16xi1>, vector<16xf32>
    %eq3A_170 = arith.constant 14 : i32
    %eq3A_171 = vector.broadcast %eq3A_170 : i32 to vector<16xi32>
    %eq3A_172 = arith.cmpi eq, %iota3A, %eq3A_171 : vector<16xi32>
    %reduce_sum3A_173 = arith.constant true
    %reduce_sum3A_174 = vector.broadcast %reduce_sum3A_173 : i1 to vector<16xi1>
    %reduce_sum3A_175 = tpu.scan <sum>, %scan3A_43#14 masked %reduce_sum3A_174 : vector<16xf32>, vector<16xi1> -> vector<16xf32>
    %reduce_sum3A_176 = vector.extract %reduce_sum3A_175[15] : f32 from vector<16xf32>
    %broadcast_in_dim3A_177 = vector.broadcast %reduce_sum3A_176 : f32 to vector<16xf32>
    %select_n3A_178 = arith.select %eq3A_172, %broadcast_in_dim3A_177, %select_n3A_169 : vector<16xi1>, vector<16xf32>
    %eq3A_179 = arith.constant 15 : i32
    %eq3A_180 = vector.broadcast %eq3A_179 : i32 to vector<16xi32>
    %eq3A_181 = arith.cmpi eq, %iota3A, %eq3A_180 : vector<16xi32>
    %reduce_sum3A_182 = arith.constant true
    %reduce_sum3A_183 = vector.broadcast %reduce_sum3A_182 : i1 to vector<16xi1>
    %reduce_sum3A_184 = tpu.scan <sum>, %scan3A_43#15 masked %reduce_sum3A_183 : vector<16xf32>, vector<16xi1> -> vector<16xf32>
    %reduce_sum3A_185 = vector.extract %reduce_sum3A_184[15] : f32 from vector<16xf32>
    %broadcast_in_dim3A_186 = vector.broadcast %reduce_sum3A_185 : f32 to vector<16xf32>
    %select_n3A_187 = arith.select %eq3A_181, %broadcast_in_dim3A_186, %select_n3A_178 : vector<16xi1>, vector<16xf32>
    %swap3A = arith.constant 0 : i32
    %swap3A_188 = arith.index_cast %swap3A : i32 to index
    %swap3A_189 = arith.constant 0 : index
    %swap3A_190 = tpu.vector_load %arg9[%swap3A_188, %swap3A_189] {strides = array<i32>} : memref<2x16xf32, #tpu.memory_space<vmem>>, vector<16xf32>,
    tpu.vector_store %arg9[%swap3A_188, %swap3A_189], %select_n3A_187 {strides = array<i32>} : memref<2x16xf32, #tpu.memory_space<vmem>>, vector<16xf32>,
    %reduce_sum3A_191 = arith.constant true
    %reduce_sum3A_192 = vector.broadcast %reduce_sum3A_191 : i1 to vector<16xi1>
    %reduce_sum3A_193 = tpu.scan <sum>, %scan3A_43#16 masked %reduce_sum3A_192 : vector<16xf32>, vector<16xi1> -> vector<16xf32>
    %reduce_sum3A_194 = vector.extract %reduce_sum3A_193[15] : f32 from vector<16xf32>
    %broadcast_in_dim3A_195 = vector.broadcast %reduce_sum3A_194 : f32 to vector<16xf32>
    %swap3A_196 = arith.constant 1 : i32
    %swap3A_197 = arith.index_cast %swap3A_196 : i32 to index
    %swap3A_198 = arith.constant 0 : index
    %swap3A_199 = tpu.vector_load %arg9[%swap3A_197, %swap3A_198] {strides = array<i32>} : memref<2x16xf32, #tpu.memory_space<vmem>>, vector<16xf32>,
    tpu.vector_store %arg9[%swap3A_197, %swap3A_198], %broadcast_in_dim3A_195 {strides = array<i32>} : memref<2x16xf32, #tpu.memory_space<vmem>>, vector<16xf32>,
    "tpu.region"() ({
      %run_scoped3A = tpu.sem_alloc : memref<!tpu.dma_semaphore, #tpu.memory_space<semaphore_mem>>
      %dma_start3A_200 = arith.constant 0 : i32
      %dma_start3A_201 = arith.constant 0 : i32
      %dma_start3A_202 = tpu.memref_slice %arg5[%add3A, %dma_start3A_200, %dma_start3A_201] : memref<32x2x16xf32, #tpu.memory_space<hbm>> -> memref<1x2x16xf32, #tpu.memory_space<hbm>>
      %dma_start3A_203 = tpu.memref_squeeze %dma_start3A_202 : memref<1x2x16xf32, #tpu.memory_space<hbm>> -> memref<2x16xf32, #tpu.memory_space<hbm>>
      %dma_start3A_204 = arith.constant 0 : i32
      %dma_start3A_205 = arith.constant 0 : i32
      %dma_start3A_206 = tpu.memref_slice %arg5[%add3A, %dma_start3A_204, %dma_start3A_205] : memref<32x2x16xf32, #tpu.memory_space<hbm>> -> memref<1x2x16xf32, #tpu.memory_space<hbm>>
      %dma_start3A_207 = tpu.memref_squeeze %dma_start3A_206 : memref<1x2x16xf32, #tpu.memory_space<hbm>> -> memref<2x16xf32, #tpu.memory_space<hbm>>
      tpu.enqueue_dma source(%arg9 : memref<2x16xf32, #tpu.memory_space<vmem>>) target(%dma_start3A_207 : memref<2x16xf32, #tpu.memory_space<hbm>>) target_semaphore(%run_scoped3A : memref<!tpu.dma_semaphore, #tpu.memory_space<semaphore_mem>>)
      %dma_wait3A_208 = arith.constant 0 : i32
      %dma_wait3A_209 = arith.constant 0 : i32
      %dma_wait3A_210 = tpu.memref_slice %arg5[%add3A, %dma_wait3A_208, %dma_wait3A_209] : memref<32x2x16xf32, #tpu.memory_space<hbm>> -> memref<1x2x16xf32, #tpu.memory_space<hbm>>
      %dma_wait3A_211 = tpu.memref_squeeze %dma_wait3A_210 : memref<1x2x16xf32, #tpu.memory_space<hbm>> -> memref<2x16xf32, #tpu.memory_space<hbm>>
      %dma_wait3A_212 = arith.constant 0 : i32
      %dma_wait3A_213 = arith.constant 0 : i32
      %dma_wait3A_214 = tpu.memref_slice %arg5[%add3A, %dma_wait3A_212, %dma_wait3A_213] : memref<32x2x16xf32, #tpu.memory_space<hbm>> -> memref<1x2x16xf32, #tpu.memory_space<hbm>>
      %dma_wait3A_215 = tpu.memref_squeeze %dma_wait3A_214 : memref<1x2x16xf32, #tpu.memory_space<hbm>> -> memref<2x16xf32, #tpu.memory_space<hbm>>
      tpu.wait_dma2 semaphore(%run_scoped3A : memref<!tpu.dma_semaphore, #tpu.memory_space<semaphore_mem>>) src(%arg9 : memref<2x16xf32, #tpu.memory_space<vmem>>) dst(%dma_wait3A_215 : memref<2x16xf32, #tpu.memory_space<hbm>>)
      tpu.yield
    }) : () -> ()
    return
  }
}

#map = affine_map<(d0, d1) -> (0, 0, 0)>
#map1 = affine_map<(d0, d1) -> (0, 0)>
#map2 = affine_map<(d0, d1) -> (0)>
module attributes {stable_mosaic.version = 14 : i64} {
  func.func @_phase_b(%arg0: i32, %arg1: i32, %arg2: memref<32x2x16xf32, #tpu.memory_space<hbm>>, %arg3: memref<16x16xf32, #tpu.memory_space<hbm>>, %arg4: memref<16xf32, #tpu.memory_space<hbm>>, %arg5: memref<32768x16xf32, #tpu.memory_space<hbm>>, %arg6: memref<32x2x16xf32, #tpu.memory_space<vmem>>, %arg7: memref<16x16xf32, #tpu.memory_space<vmem>>, %arg8: memref<16xf32, #tpu.memory_space<vmem>>, %arg9: memref<128x16xf32, #tpu.memory_space<vmem>>, %arg10: memref<!tpu.dma_semaphore, #tpu.memory_space<semaphore_mem>>) attributes {dimension_semantics = [#tpu.dimension_semantics<core_parallel>, #tpu.dimension_semantics<subcore_parallel>], iteration_bounds = array<i64: 2, 16>, scalar_prefetch = 0 : i64, scratch_operands = 5 : i64, tpu.core_type = #tpu.core_type<sc_vector_subcore>, window_params = [{transform_indices = #map}, {transform_indices = #map1}, {transform_indices = #map2}, {transform_indices = #map1}]} {
    %mul3A = arith.constant 2 : i32
    %mul3A_0 = arith.muli %arg1, %mul3A : i32
    %add3A = arith.addi %mul3A_0, %arg0 : i32
    "tpu.region"() ({
      %run_scoped3A = tpu.sem_alloc : memref<!tpu.dma_semaphore, #tpu.memory_space<semaphore_mem>>
      tpu.enqueue_dma source(%arg2 : memref<32x2x16xf32, #tpu.memory_space<hbm>>) target(%arg6 : memref<32x2x16xf32, #tpu.memory_space<vmem>>) target_semaphore(%run_scoped3A : memref<!tpu.dma_semaphore, #tpu.memory_space<semaphore_mem>>)
      tpu.wait_dma2 semaphore(%run_scoped3A : memref<!tpu.dma_semaphore, #tpu.memory_space<semaphore_mem>>) src(%arg2 : memref<32x2x16xf32, #tpu.memory_space<hbm>>) dst(%arg6 : memref<32x2x16xf32, #tpu.memory_space<vmem>>)
      tpu.yield
    }) : () -> ()
    "tpu.region"() ({
      %run_scoped3A = tpu.sem_alloc : memref<!tpu.dma_semaphore, #tpu.memory_space<semaphore_mem>>
      tpu.enqueue_dma source(%arg3 : memref<16x16xf32, #tpu.memory_space<hbm>>) target(%arg7 : memref<16x16xf32, #tpu.memory_space<vmem>>) target_semaphore(%run_scoped3A : memref<!tpu.dma_semaphore, #tpu.memory_space<semaphore_mem>>)
      tpu.wait_dma2 semaphore(%run_scoped3A : memref<!tpu.dma_semaphore, #tpu.memory_space<semaphore_mem>>) src(%arg3 : memref<16x16xf32, #tpu.memory_space<hbm>>) dst(%arg7 : memref<16x16xf32, #tpu.memory_space<vmem>>)
      tpu.yield
    }) : () -> ()
    "tpu.region"() ({
      %run_scoped3A = tpu.sem_alloc : memref<!tpu.dma_semaphore, #tpu.memory_space<semaphore_mem>>
      tpu.enqueue_dma source(%arg4 : memref<16xf32, #tpu.memory_space<hbm>>) target(%arg8 : memref<16xf32, #tpu.memory_space<vmem>>) target_semaphore(%run_scoped3A : memref<!tpu.dma_semaphore, #tpu.memory_space<semaphore_mem>>)
      tpu.wait_dma2 semaphore(%run_scoped3A : memref<!tpu.dma_semaphore, #tpu.memory_space<semaphore_mem>>) src(%arg4 : memref<16xf32, #tpu.memory_space<hbm>>) dst(%arg8 : memref<16xf32, #tpu.memory_space<vmem>>)
      tpu.yield
    }) : () -> ()
    %iota3A = tpu.iota {dimensions = array<i32: 0>} : vector<16xi32>
    %broadcast_in_dim3A = arith.constant 0.000000e+00 : f32
    %broadcast_in_dim3A_1 = vector.broadcast %broadcast_in_dim3A : f32 to vector<16xf32>
    %get3A = arith.constant 0 : i32
    %get3A_2 = arith.constant 0 : i32
    %get3A_3 = arith.index_cast %get3A : i32 to index
    %get3A_4 = arith.index_cast %get3A_2 : i32 to index
    %get3A_5 = arith.constant 0 : index
    %get3A_6 = tpu.vector_load %arg6[%get3A_3, %get3A_4, %get3A_5] {strides = array<i32>} : memref<32x2x16xf32, #tpu.memory_space<vmem>>, vector<16xf32>,
    %get3A_7 = arith.constant 0 : i32
    %get3A_8 = arith.constant 1 : i32
    %get3A_9 = arith.index_cast %get3A_7 : i32 to index
    %get3A_10 = arith.index_cast %get3A_8 : i32 to index
    %get3A_11 = arith.constant 0 : index
    %get3A_12 = tpu.vector_load %arg6[%get3A_9, %get3A_10, %get3A_11] {strides = array<i32>} : memref<32x2x16xf32, #tpu.memory_space<vmem>>, vector<16xf32>,
    %get3A_13 = arith.constant 1 : i32
    %get3A_14 = arith.constant 0 : i32
    %get3A_15 = arith.index_cast %get3A_13 : i32 to index
    %get3A_16 = arith.index_cast %get3A_14 : i32 to index
    %get3A_17 = arith.constant 0 : index
    %get3A_18 = tpu.vector_load %arg6[%get3A_15, %get3A_16, %get3A_17] {strides = array<i32>} : memref<32x2x16xf32, #tpu.memory_space<vmem>>, vector<16xf32>,
    %add3A_19 = arith.addf %get3A_6, %get3A_18 : vector<16xf32>
    %get3A_20 = arith.constant 1 : i32
    %get3A_21 = arith.constant 1 : i32
    %get3A_22 = arith.index_cast %get3A_20 : i32 to index
    %get3A_23 = arith.index_cast %get3A_21 : i32 to index
    %get3A_24 = arith.constant 0 : index
    %get3A_25 = tpu.vector_load %arg6[%get3A_22, %get3A_23, %get3A_24] {strides = array<i32>} : memref<32x2x16xf32, #tpu.memory_space<vmem>>, vector<16xf32>,
    %add3A_26 = arith.addf %get3A_12, %get3A_25 : vector<16xf32>
    %get3A_27 = arith.constant 2 : i32
    %get3A_28 = arith.constant 0 : i32
    %get3A_29 = arith.index_cast %get3A_27 : i32 to index
    %get3A_30 = arith.index_cast %get3A_28 : i32 to index
    %get3A_31 = arith.constant 0 : index
    %get3A_32 = tpu.vector_load %arg6[%get3A_29, %get3A_30, %get3A_31] {strides = array<i32>} : memref<32x2x16xf32, #tpu.memory_space<vmem>>, vector<16xf32>,
    %add3A_33 = arith.addf %add3A_19, %get3A_32 : vector<16xf32>
    %get3A_34 = arith.constant 2 : i32
    %get3A_35 = arith.constant 1 : i32
    %get3A_36 = arith.index_cast %get3A_34 : i32 to index
    %get3A_37 = arith.index_cast %get3A_35 : i32 to index
    %get3A_38 = arith.constant 0 : index
    %get3A_39 = tpu.vector_load %arg6[%get3A_36, %get3A_37, %get3A_38] {strides = array<i32>} : memref<32x2x16xf32, #tpu.memory_space<vmem>>, vector<16xf32>,
    %add3A_40 = arith.addf %add3A_26, %get3A_39 : vector<16xf32>
    %get3A_41 = arith.constant 3 : i32
    %get3A_42 = arith.constant 0 : i32
    %get3A_43 = arith.index_cast %get3A_41 : i32 to index
    %get3A_44 = arith.index_cast %get3A_42 : i32 to index
    %get3A_45 = arith.constant 0 : index
    %get3A_46 = tpu.vector_load %arg6[%get3A_43, %get3A_44, %get3A_45] {strides = array<i32>} : memref<32x2x16xf32, #tpu.memory_space<vmem>>, vector<16xf32>,
    %add3A_47 = arith.addf %add3A_33, %get3A_46 : vector<16xf32>
    %get3A_48 = arith.constant 3 : i32
    %get3A_49 = arith.constant 1 : i32
    %get3A_50 = arith.index_cast %get3A_48 : i32 to index
    %get3A_51 = arith.index_cast %get3A_49 : i32 to index
    %get3A_52 = arith.constant 0 : index
    %get3A_53 = tpu.vector_load %arg6[%get3A_50, %get3A_51, %get3A_52] {strides = array<i32>} : memref<32x2x16xf32, #tpu.memory_space<vmem>>, vector<16xf32>,
    %add3A_54 = arith.addf %add3A_40, %get3A_53 : vector<16xf32>
    %get3A_55 = arith.constant 4 : i32
    %get3A_56 = arith.constant 0 : i32
    %get3A_57 = arith.index_cast %get3A_55 : i32 to index
    %get3A_58 = arith.index_cast %get3A_56 : i32 to index
    %get3A_59 = arith.constant 0 : index
    %get3A_60 = tpu.vector_load %arg6[%get3A_57, %get3A_58, %get3A_59] {strides = array<i32>} : memref<32x2x16xf32, #tpu.memory_space<vmem>>, vector<16xf32>,
    %add3A_61 = arith.addf %add3A_47, %get3A_60 : vector<16xf32>
    %get3A_62 = arith.constant 4 : i32
    %get3A_63 = arith.constant 1 : i32
    %get3A_64 = arith.index_cast %get3A_62 : i32 to index
    %get3A_65 = arith.index_cast %get3A_63 : i32 to index
    %get3A_66 = arith.constant 0 : index
    %get3A_67 = tpu.vector_load %arg6[%get3A_64, %get3A_65, %get3A_66] {strides = array<i32>} : memref<32x2x16xf32, #tpu.memory_space<vmem>>, vector<16xf32>,
    %add3A_68 = arith.addf %add3A_54, %get3A_67 : vector<16xf32>
    %get3A_69 = arith.constant 5 : i32
    %get3A_70 = arith.constant 0 : i32
    %get3A_71 = arith.index_cast %get3A_69 : i32 to index
    %get3A_72 = arith.index_cast %get3A_70 : i32 to index
    %get3A_73 = arith.constant 0 : index
    %get3A_74 = tpu.vector_load %arg6[%get3A_71, %get3A_72, %get3A_73] {strides = array<i32>} : memref<32x2x16xf32, #tpu.memory_space<vmem>>, vector<16xf32>,
    %add3A_75 = arith.addf %add3A_61, %get3A_74 : vector<16xf32>
    %get3A_76 = arith.constant 5 : i32
    %get3A_77 = arith.constant 1 : i32
    %get3A_78 = arith.index_cast %get3A_76 : i32 to index
    %get3A_79 = arith.index_cast %get3A_77 : i32 to index
    %get3A_80 = arith.constant 0 : index
    %get3A_81 = tpu.vector_load %arg6[%get3A_78, %get3A_79, %get3A_80] {strides = array<i32>} : memref<32x2x16xf32, #tpu.memory_space<vmem>>, vector<16xf32>,
    %add3A_82 = arith.addf %add3A_68, %get3A_81 : vector<16xf32>
    %get3A_83 = arith.constant 6 : i32
    %get3A_84 = arith.constant 0 : i32
    %get3A_85 = arith.index_cast %get3A_83 : i32 to index
    %get3A_86 = arith.index_cast %get3A_84 : i32 to index
    %get3A_87 = arith.constant 0 : index
    %get3A_88 = tpu.vector_load %arg6[%get3A_85, %get3A_86, %get3A_87] {strides = array<i32>} : memref<32x2x16xf32, #tpu.memory_space<vmem>>, vector<16xf32>,
    %add3A_89 = arith.addf %add3A_75, %get3A_88 : vector<16xf32>
    %get3A_90 = arith.constant 6 : i32
    %get3A_91 = arith.constant 1 : i32
    %get3A_92 = arith.index_cast %get3A_90 : i32 to index
    %get3A_93 = arith.index_cast %get3A_91 : i32 to index
    %get3A_94 = arith.constant 0 : index
    %get3A_95 = tpu.vector_load %arg6[%get3A_92, %get3A_93, %get3A_94] {strides = array<i32>} : memref<32x2x16xf32, #tpu.memory_space<vmem>>, vector<16xf32>,
    %add3A_96 = arith.addf %add3A_82, %get3A_95 : vector<16xf32>
    %get3A_97 = arith.constant 7 : i32
    %get3A_98 = arith.constant 0 : i32
    %get3A_99 = arith.index_cast %get3A_97 : i32 to index
    %get3A_100 = arith.index_cast %get3A_98 : i32 to index
    %get3A_101 = arith.constant 0 : index
    %get3A_102 = tpu.vector_load %arg6[%get3A_99, %get3A_100, %get3A_101] {strides = array<i32>} : memref<32x2x16xf32, #tpu.memory_space<vmem>>, vector<16xf32>,
    %add3A_103 = arith.addf %add3A_89, %get3A_102 : vector<16xf32>
    %get3A_104 = arith.constant 7 : i32
    %get3A_105 = arith.constant 1 : i32
    %get3A_106 = arith.index_cast %get3A_104 : i32 to index
    %get3A_107 = arith.index_cast %get3A_105 : i32 to index
    %get3A_108 = arith.constant 0 : index
    %get3A_109 = tpu.vector_load %arg6[%get3A_106, %get3A_107, %get3A_108] {strides = array<i32>} : memref<32x2x16xf32, #tpu.memory_space<vmem>>, vector<16xf32>,
    %add3A_110 = arith.addf %add3A_96, %get3A_109 : vector<16xf32>
    %get3A_111 = arith.constant 8 : i32
    %get3A_112 = arith.constant 0 : i32
    %get3A_113 = arith.index_cast %get3A_111 : i32 to index
    %get3A_114 = arith.index_cast %get3A_112 : i32 to index
    %get3A_115 = arith.constant 0 : index
    %get3A_116 = tpu.vector_load %arg6[%get3A_113, %get3A_114, %get3A_115] {strides = array<i32>} : memref<32x2x16xf32, #tpu.memory_space<vmem>>, vector<16xf32>,
    %add3A_117 = arith.addf %add3A_103, %get3A_116 : vector<16xf32>
    %get3A_118 = arith.constant 8 : i32
    %get3A_119 = arith.constant 1 : i32
    %get3A_120 = arith.index_cast %get3A_118 : i32 to index
    %get3A_121 = arith.index_cast %get3A_119 : i32 to index
    %get3A_122 = arith.constant 0 : index
    %get3A_123 = tpu.vector_load %arg6[%get3A_120, %get3A_121, %get3A_122] {strides = array<i32>} : memref<32x2x16xf32, #tpu.memory_space<vmem>>, vector<16xf32>,
    %add3A_124 = arith.addf %add3A_110, %get3A_123 : vector<16xf32>
    %get3A_125 = arith.constant 9 : i32
    %get3A_126 = arith.constant 0 : i32
    %get3A_127 = arith.index_cast %get3A_125 : i32 to index
    %get3A_128 = arith.index_cast %get3A_126 : i32 to index
    %get3A_129 = arith.constant 0 : index
    %get3A_130 = tpu.vector_load %arg6[%get3A_127, %get3A_128, %get3A_129] {strides = array<i32>} : memref<32x2x16xf32, #tpu.memory_space<vmem>>, vector<16xf32>,
    %add3A_131 = arith.addf %add3A_117, %get3A_130 : vector<16xf32>
    %get3A_132 = arith.constant 9 : i32
    %get3A_133 = arith.constant 1 : i32
    %get3A_134 = arith.index_cast %get3A_132 : i32 to index
    %get3A_135 = arith.index_cast %get3A_133 : i32 to index
    %get3A_136 = arith.constant 0 : index
    %get3A_137 = tpu.vector_load %arg6[%get3A_134, %get3A_135, %get3A_136] {strides = array<i32>} : memref<32x2x16xf32, #tpu.memory_space<vmem>>, vector<16xf32>,
    %add3A_138 = arith.addf %add3A_124, %get3A_137 : vector<16xf32>
    %get3A_139 = arith.constant 10 : i32
    %get3A_140 = arith.constant 0 : i32
    %get3A_141 = arith.index_cast %get3A_139 : i32 to index
    %get3A_142 = arith.index_cast %get3A_140 : i32 to index
    %get3A_143 = arith.constant 0 : index
    %get3A_144 = tpu.vector_load %arg6[%get3A_141, %get3A_142, %get3A_143] {strides = array<i32>} : memref<32x2x16xf32, #tpu.memory_space<vmem>>, vector<16xf32>,
    %add3A_145 = arith.addf %add3A_131, %get3A_144 : vector<16xf32>
    %get3A_146 = arith.constant 10 : i32
    %get3A_147 = arith.constant 1 : i32
    %get3A_148 = arith.index_cast %get3A_146 : i32 to index
    %get3A_149 = arith.index_cast %get3A_147 : i32 to index
    %get3A_150 = arith.constant 0 : index
    %get3A_151 = tpu.vector_load %arg6[%get3A_148, %get3A_149, %get3A_150] {strides = array<i32>} : memref<32x2x16xf32, #tpu.memory_space<vmem>>, vector<16xf32>,
    %add3A_152 = arith.addf %add3A_138, %get3A_151 : vector<16xf32>
    %get3A_153 = arith.constant 11 : i32
    %get3A_154 = arith.constant 0 : i32
    %get3A_155 = arith.index_cast %get3A_153 : i32 to index
    %get3A_156 = arith.index_cast %get3A_154 : i32 to index
    %get3A_157 = arith.constant 0 : index
    %get3A_158 = tpu.vector_load %arg6[%get3A_155, %get3A_156, %get3A_157] {strides = array<i32>} : memref<32x2x16xf32, #tpu.memory_space<vmem>>, vector<16xf32>,
    %add3A_159 = arith.addf %add3A_145, %get3A_158 : vector<16xf32>
    %get3A_160 = arith.constant 11 : i32
    %get3A_161 = arith.constant 1 : i32
    %get3A_162 = arith.index_cast %get3A_160 : i32 to index
    %get3A_163 = arith.index_cast %get3A_161 : i32 to index
    %get3A_164 = arith.constant 0 : index
    %get3A_165 = tpu.vector_load %arg6[%get3A_162, %get3A_163, %get3A_164] {strides = array<i32>} : memref<32x2x16xf32, #tpu.memory_space<vmem>>, vector<16xf32>,
    %add3A_166 = arith.addf %add3A_152, %get3A_165 : vector<16xf32>
    %get3A_167 = arith.constant 12 : i32
    %get3A_168 = arith.constant 0 : i32
    %get3A_169 = arith.index_cast %get3A_167 : i32 to index
    %get3A_170 = arith.index_cast %get3A_168 : i32 to index
    %get3A_171 = arith.constant 0 : index
    %get3A_172 = tpu.vector_load %arg6[%get3A_169, %get3A_170, %get3A_171] {strides = array<i32>} : memref<32x2x16xf32, #tpu.memory_space<vmem>>, vector<16xf32>,
    %add3A_173 = arith.addf %add3A_159, %get3A_172 : vector<16xf32>
    %get3A_174 = arith.constant 12 : i32
    %get3A_175 = arith.constant 1 : i32
    %get3A_176 = arith.index_cast %get3A_174 : i32 to index
    %get3A_177 = arith.index_cast %get3A_175 : i32 to index
    %get3A_178 = arith.constant 0 : index
    %get3A_179 = tpu.vector_load %arg6[%get3A_176, %get3A_177, %get3A_178] {strides = array<i32>} : memref<32x2x16xf32, #tpu.memory_space<vmem>>, vector<16xf32>,
    %add3A_180 = arith.addf %add3A_166, %get3A_179 : vector<16xf32>
    %get3A_181 = arith.constant 13 : i32
    %get3A_182 = arith.constant 0 : i32
    %get3A_183 = arith.index_cast %get3A_181 : i32 to index
    %get3A_184 = arith.index_cast %get3A_182 : i32 to index
    %get3A_185 = arith.constant 0 : index
    %get3A_186 = tpu.vector_load %arg6[%get3A_183, %get3A_184, %get3A_185] {strides = array<i32>} : memref<32x2x16xf32, #tpu.memory_space<vmem>>, vector<16xf32>,
    %add3A_187 = arith.addf %add3A_173, %get3A_186 : vector<16xf32>
    %get3A_188 = arith.constant 13 : i32
    %get3A_189 = arith.constant 1 : i32
    %get3A_190 = arith.index_cast %get3A_188 : i32 to index
    %get3A_191 = arith.index_cast %get3A_189 : i32 to index
    %get3A_192 = arith.constant 0 : index
    %get3A_193 = tpu.vector_load %arg6[%get3A_190, %get3A_191, %get3A_192] {strides = array<i32>} : memref<32x2x16xf32, #tpu.memory_space<vmem>>, vector<16xf32>,
    %add3A_194 = arith.addf %add3A_180, %get3A_193 : vector<16xf32>
    %get3A_195 = arith.constant 14 : i32
    %get3A_196 = arith.constant 0 : i32
    %get3A_197 = arith.index_cast %get3A_195 : i32 to index
    %get3A_198 = arith.index_cast %get3A_196 : i32 to index
    %get3A_199 = arith.constant 0 : index
    %get3A_200 = tpu.vector_load %arg6[%get3A_197, %get3A_198, %get3A_199] {strides = array<i32>} : memref<32x2x16xf32, #tpu.memory_space<vmem>>, vector<16xf32>,
    %add3A_201 = arith.addf %add3A_187, %get3A_200 : vector<16xf32>
    %get3A_202 = arith.constant 14 : i32
    %get3A_203 = arith.constant 1 : i32
    %get3A_204 = arith.index_cast %get3A_202 : i32 to index
    %get3A_205 = arith.index_cast %get3A_203 : i32 to index
    %get3A_206 = arith.constant 0 : index
    %get3A_207 = tpu.vector_load %arg6[%get3A_204, %get3A_205, %get3A_206] {strides = array<i32>} : memref<32x2x16xf32, #tpu.memory_space<vmem>>, vector<16xf32>,
    %add3A_208 = arith.addf %add3A_194, %get3A_207 : vector<16xf32>
    %get3A_209 = arith.constant 15 : i32
    %get3A_210 = arith.constant 0 : i32
    %get3A_211 = arith.index_cast %get3A_209 : i32 to index
    %get3A_212 = arith.index_cast %get3A_210 : i32 to index
    %get3A_213 = arith.constant 0 : index
    %get3A_214 = tpu.vector_load %arg6[%get3A_211, %get3A_212, %get3A_213] {strides = array<i32>} : memref<32x2x16xf32, #tpu.memory_space<vmem>>, vector<16xf32>,
    %add3A_215 = arith.addf %add3A_201, %get3A_214 : vector<16xf32>
    %get3A_216 = arith.constant 15 : i32
    %get3A_217 = arith.constant 1 : i32
    %get3A_218 = arith.index_cast %get3A_216 : i32 to index
    %get3A_219 = arith.index_cast %get3A_217 : i32 to index
    %get3A_220 = arith.constant 0 : index
    %get3A_221 = tpu.vector_load %arg6[%get3A_218, %get3A_219, %get3A_220] {strides = array<i32>} : memref<32x2x16xf32, #tpu.memory_space<vmem>>, vector<16xf32>,
    %add3A_222 = arith.addf %add3A_208, %get3A_221 : vector<16xf32>
    %get3A_223 = arith.constant 16 : i32
    %get3A_224 = arith.constant 0 : i32
    %get3A_225 = arith.index_cast %get3A_223 : i32 to index
    %get3A_226 = arith.index_cast %get3A_224 : i32 to index
    %get3A_227 = arith.constant 0 : index
    %get3A_228 = tpu.vector_load %arg6[%get3A_225, %get3A_226, %get3A_227] {strides = array<i32>} : memref<32x2x16xf32, #tpu.memory_space<vmem>>, vector<16xf32>,
    %add3A_229 = arith.addf %add3A_215, %get3A_228 : vector<16xf32>
    %get3A_230 = arith.constant 16 : i32
    %get3A_231 = arith.constant 1 : i32
    %get3A_232 = arith.index_cast %get3A_230 : i32 to index
    %get3A_233 = arith.index_cast %get3A_231 : i32 to index
    %get3A_234 = arith.constant 0 : index
    %get3A_235 = tpu.vector_load %arg6[%get3A_232, %get3A_233, %get3A_234] {strides = array<i32>} : memref<32x2x16xf32, #tpu.memory_space<vmem>>, vector<16xf32>,
    %add3A_236 = arith.addf %add3A_222, %get3A_235 : vector<16xf32>
    %get3A_237 = arith.constant 17 : i32
    %get3A_238 = arith.constant 0 : i32
    %get3A_239 = arith.index_cast %get3A_237 : i32 to index
    %get3A_240 = arith.index_cast %get3A_238 : i32 to index
    %get3A_241 = arith.constant 0 : index
    %get3A_242 = tpu.vector_load %arg6[%get3A_239, %get3A_240, %get3A_241] {strides = array<i32>} : memref<32x2x16xf32, #tpu.memory_space<vmem>>, vector<16xf32>,
    %add3A_243 = arith.addf %add3A_229, %get3A_242 : vector<16xf32>
    %get3A_244 = arith.constant 17 : i32
    %get3A_245 = arith.constant 1 : i32
    %get3A_246 = arith.index_cast %get3A_244 : i32 to index
    %get3A_247 = arith.index_cast %get3A_245 : i32 to index
    %get3A_248 = arith.constant 0 : index
    %get3A_249 = tpu.vector_load %arg6[%get3A_246, %get3A_247, %get3A_248] {strides = array<i32>} : memref<32x2x16xf32, #tpu.memory_space<vmem>>, vector<16xf32>,
    %add3A_250 = arith.addf %add3A_236, %get3A_249 : vector<16xf32>
    %get3A_251 = arith.constant 18 : i32
    %get3A_252 = arith.constant 0 : i32
    %get3A_253 = arith.index_cast %get3A_251 : i32 to index
    %get3A_254 = arith.index_cast %get3A_252 : i32 to index
    %get3A_255 = arith.constant 0 : index
    %get3A_256 = tpu.vector_load %arg6[%get3A_253, %get3A_254, %get3A_255] {strides = array<i32>} : memref<32x2x16xf32, #tpu.memory_space<vmem>>, vector<16xf32>,
    %add3A_257 = arith.addf %add3A_243, %get3A_256 : vector<16xf32>
    %get3A_258 = arith.constant 18 : i32
    %get3A_259 = arith.constant 1 : i32
    %get3A_260 = arith.index_cast %get3A_258 : i32 to index
    %get3A_261 = arith.index_cast %get3A_259 : i32 to index
    %get3A_262 = arith.constant 0 : index
    %get3A_263 = tpu.vector_load %arg6[%get3A_260, %get3A_261, %get3A_262] {strides = array<i32>} : memref<32x2x16xf32, #tpu.memory_space<vmem>>, vector<16xf32>,
    %add3A_264 = arith.addf %add3A_250, %get3A_263 : vector<16xf32>
    %get3A_265 = arith.constant 19 : i32
    %get3A_266 = arith.constant 0 : i32
    %get3A_267 = arith.index_cast %get3A_265 : i32 to index
    %get3A_268 = arith.index_cast %get3A_266 : i32 to index
    %get3A_269 = arith.constant 0 : index
    %get3A_270 = tpu.vector_load %arg6[%get3A_267, %get3A_268, %get3A_269] {strides = array<i32>} : memref<32x2x16xf32, #tpu.memory_space<vmem>>, vector<16xf32>,
    %add3A_271 = arith.addf %add3A_257, %get3A_270 : vector<16xf32>
    %get3A_272 = arith.constant 19 : i32
    %get3A_273 = arith.constant 1 : i32
    %get3A_274 = arith.index_cast %get3A_272 : i32 to index
    %get3A_275 = arith.index_cast %get3A_273 : i32 to index
    %get3A_276 = arith.constant 0 : index
    %get3A_277 = tpu.vector_load %arg6[%get3A_274, %get3A_275, %get3A_276] {strides = array<i32>} : memref<32x2x16xf32, #tpu.memory_space<vmem>>, vector<16xf32>,
    %add3A_278 = arith.addf %add3A_264, %get3A_277 : vector<16xf32>
    %get3A_279 = arith.constant 20 : i32
    %get3A_280 = arith.constant 0 : i32
    %get3A_281 = arith.index_cast %get3A_279 : i32 to index
    %get3A_282 = arith.index_cast %get3A_280 : i32 to index
    %get3A_283 = arith.constant 0 : index
    %get3A_284 = tpu.vector_load %arg6[%get3A_281, %get3A_282, %get3A_283] {strides = array<i32>} : memref<32x2x16xf32, #tpu.memory_space<vmem>>, vector<16xf32>,
    %add3A_285 = arith.addf %add3A_271, %get3A_284 : vector<16xf32>
    %get3A_286 = arith.constant 20 : i32
    %get3A_287 = arith.constant 1 : i32
    %get3A_288 = arith.index_cast %get3A_286 : i32 to index
    %get3A_289 = arith.index_cast %get3A_287 : i32 to index
    %get3A_290 = arith.constant 0 : index
    %get3A_291 = tpu.vector_load %arg6[%get3A_288, %get3A_289, %get3A_290] {strides = array<i32>} : memref<32x2x16xf32, #tpu.memory_space<vmem>>, vector<16xf32>,
    %add3A_292 = arith.addf %add3A_278, %get3A_291 : vector<16xf32>
    %get3A_293 = arith.constant 21 : i32
    %get3A_294 = arith.constant 0 : i32
    %get3A_295 = arith.index_cast %get3A_293 : i32 to index
    %get3A_296 = arith.index_cast %get3A_294 : i32 to index
    %get3A_297 = arith.constant 0 : index
    %get3A_298 = tpu.vector_load %arg6[%get3A_295, %get3A_296, %get3A_297] {strides = array<i32>} : memref<32x2x16xf32, #tpu.memory_space<vmem>>, vector<16xf32>,
    %add3A_299 = arith.addf %add3A_285, %get3A_298 : vector<16xf32>
    %get3A_300 = arith.constant 21 : i32
    %get3A_301 = arith.constant 1 : i32
    %get3A_302 = arith.index_cast %get3A_300 : i32 to index
    %get3A_303 = arith.index_cast %get3A_301 : i32 to index
    %get3A_304 = arith.constant 0 : index
    %get3A_305 = tpu.vector_load %arg6[%get3A_302, %get3A_303, %get3A_304] {strides = array<i32>} : memref<32x2x16xf32, #tpu.memory_space<vmem>>, vector<16xf32>,
    %add3A_306 = arith.addf %add3A_292, %get3A_305 : vector<16xf32>
    %get3A_307 = arith.constant 22 : i32
    %get3A_308 = arith.constant 0 : i32
    %get3A_309 = arith.index_cast %get3A_307 : i32 to index
    %get3A_310 = arith.index_cast %get3A_308 : i32 to index
    %get3A_311 = arith.constant 0 : index
    %get3A_312 = tpu.vector_load %arg6[%get3A_309, %get3A_310, %get3A_311] {strides = array<i32>} : memref<32x2x16xf32, #tpu.memory_space<vmem>>, vector<16xf32>,
    %add3A_313 = arith.addf %add3A_299, %get3A_312 : vector<16xf32>
    %get3A_314 = arith.constant 22 : i32
    %get3A_315 = arith.constant 1 : i32
    %get3A_316 = arith.index_cast %get3A_314 : i32 to index
    %get3A_317 = arith.index_cast %get3A_315 : i32 to index
    %get3A_318 = arith.constant 0 : index
    %get3A_319 = tpu.vector_load %arg6[%get3A_316, %get3A_317, %get3A_318] {strides = array<i32>} : memref<32x2x16xf32, #tpu.memory_space<vmem>>, vector<16xf32>,
    %add3A_320 = arith.addf %add3A_306, %get3A_319 : vector<16xf32>
    %get3A_321 = arith.constant 23 : i32
    %get3A_322 = arith.constant 0 : i32
    %get3A_323 = arith.index_cast %get3A_321 : i32 to index
    %get3A_324 = arith.index_cast %get3A_322 : i32 to index
    %get3A_325 = arith.constant 0 : index
    %get3A_326 = tpu.vector_load %arg6[%get3A_323, %get3A_324, %get3A_325] {strides = array<i32>} : memref<32x2x16xf32, #tpu.memory_space<vmem>>, vector<16xf32>,
    %add3A_327 = arith.addf %add3A_313, %get3A_326 : vector<16xf32>
    %get3A_328 = arith.constant 23 : i32
    %get3A_329 = arith.constant 1 : i32
    %get3A_330 = arith.index_cast %get3A_328 : i32 to index
    %get3A_331 = arith.index_cast %get3A_329 : i32 to index
    %get3A_332 = arith.constant 0 : index
    %get3A_333 = tpu.vector_load %arg6[%get3A_330, %get3A_331, %get3A_332] {strides = array<i32>} : memref<32x2x16xf32, #tpu.memory_space<vmem>>, vector<16xf32>,
    %add3A_334 = arith.addf %add3A_320, %get3A_333 : vector<16xf32>
    %get3A_335 = arith.constant 24 : i32
    %get3A_336 = arith.constant 0 : i32
    %get3A_337 = arith.index_cast %get3A_335 : i32 to index
    %get3A_338 = arith.index_cast %get3A_336 : i32 to index
    %get3A_339 = arith.constant 0 : index
    %get3A_340 = tpu.vector_load %arg6[%get3A_337, %get3A_338, %get3A_339] {strides = array<i32>} : memref<32x2x16xf32, #tpu.memory_space<vmem>>, vector<16xf32>,
    %add3A_341 = arith.addf %add3A_327, %get3A_340 : vector<16xf32>
    %get3A_342 = arith.constant 24 : i32
    %get3A_343 = arith.constant 1 : i32
    %get3A_344 = arith.index_cast %get3A_342 : i32 to index
    %get3A_345 = arith.index_cast %get3A_343 : i32 to index
    %get3A_346 = arith.constant 0 : index
    %get3A_347 = tpu.vector_load %arg6[%get3A_344, %get3A_345, %get3A_346] {strides = array<i32>} : memref<32x2x16xf32, #tpu.memory_space<vmem>>, vector<16xf32>,
    %add3A_348 = arith.addf %add3A_334, %get3A_347 : vector<16xf32>
    %get3A_349 = arith.constant 25 : i32
    %get3A_350 = arith.constant 0 : i32
    %get3A_351 = arith.index_cast %get3A_349 : i32 to index
    %get3A_352 = arith.index_cast %get3A_350 : i32 to index
    %get3A_353 = arith.constant 0 : index
    %get3A_354 = tpu.vector_load %arg6[%get3A_351, %get3A_352, %get3A_353] {strides = array<i32>} : memref<32x2x16xf32, #tpu.memory_space<vmem>>, vector<16xf32>,
    %add3A_355 = arith.addf %add3A_341, %get3A_354 : vector<16xf32>
    %get3A_356 = arith.constant 25 : i32
    %get3A_357 = arith.constant 1 : i32
    %get3A_358 = arith.index_cast %get3A_356 : i32 to index
    %get3A_359 = arith.index_cast %get3A_357 : i32 to index
    %get3A_360 = arith.constant 0 : index
    %get3A_361 = tpu.vector_load %arg6[%get3A_358, %get3A_359, %get3A_360] {strides = array<i32>} : memref<32x2x16xf32, #tpu.memory_space<vmem>>, vector<16xf32>,
    %add3A_362 = arith.addf %add3A_348, %get3A_361 : vector<16xf32>
    %get3A_363 = arith.constant 26 : i32
    %get3A_364 = arith.constant 0 : i32
    %get3A_365 = arith.index_cast %get3A_363 : i32 to index
    %get3A_366 = arith.index_cast %get3A_364 : i32 to index
    %get3A_367 = arith.constant 0 : index
    %get3A_368 = tpu.vector_load %arg6[%get3A_365, %get3A_366, %get3A_367] {strides = array<i32>} : memref<32x2x16xf32, #tpu.memory_space<vmem>>, vector<16xf32>,
    %add3A_369 = arith.addf %add3A_355, %get3A_368 : vector<16xf32>
    %get3A_370 = arith.constant 26 : i32
    %get3A_371 = arith.constant 1 : i32
    %get3A_372 = arith.index_cast %get3A_370 : i32 to index
    %get3A_373 = arith.index_cast %get3A_371 : i32 to index
    %get3A_374 = arith.constant 0 : index
    %get3A_375 = tpu.vector_load %arg6[%get3A_372, %get3A_373, %get3A_374] {strides = array<i32>} : memref<32x2x16xf32, #tpu.memory_space<vmem>>, vector<16xf32>,
    %add3A_376 = arith.addf %add3A_362, %get3A_375 : vector<16xf32>
    %get3A_377 = arith.constant 27 : i32
    %get3A_378 = arith.constant 0 : i32
    %get3A_379 = arith.index_cast %get3A_377 : i32 to index
    %get3A_380 = arith.index_cast %get3A_378 : i32 to index
    %get3A_381 = arith.constant 0 : index
    %get3A_382 = tpu.vector_load %arg6[%get3A_379, %get3A_380, %get3A_381] {strides = array<i32>} : memref<32x2x16xf32, #tpu.memory_space<vmem>>, vector<16xf32>,
    %add3A_383 = arith.addf %add3A_369, %get3A_382 : vector<16xf32>
    %get3A_384 = arith.constant 27 : i32
    %get3A_385 = arith.constant 1 : i32
    %get3A_386 = arith.index_cast %get3A_384 : i32 to index
    %get3A_387 = arith.index_cast %get3A_385 : i32 to index
    %get3A_388 = arith.constant 0 : index
    %get3A_389 = tpu.vector_load %arg6[%get3A_386, %get3A_387, %get3A_388] {strides = array<i32>} : memref<32x2x16xf32, #tpu.memory_space<vmem>>, vector<16xf32>,
    %add3A_390 = arith.addf %add3A_376, %get3A_389 : vector<16xf32>
    %get3A_391 = arith.constant 28 : i32
    %get3A_392 = arith.constant 0 : i32
    %get3A_393 = arith.index_cast %get3A_391 : i32 to index
    %get3A_394 = arith.index_cast %get3A_392 : i32 to index
    %get3A_395 = arith.constant 0 : index
    %get3A_396 = tpu.vector_load %arg6[%get3A_393, %get3A_394, %get3A_395] {strides = array<i32>} : memref<32x2x16xf32, #tpu.memory_space<vmem>>, vector<16xf32>,
    %add3A_397 = arith.addf %add3A_383, %get3A_396 : vector<16xf32>
    %get3A_398 = arith.constant 28 : i32
    %get3A_399 = arith.constant 1 : i32
    %get3A_400 = arith.index_cast %get3A_398 : i32 to index
    %get3A_401 = arith.index_cast %get3A_399 : i32 to index
    %get3A_402 = arith.constant 0 : index
    %get3A_403 = tpu.vector_load %arg6[%get3A_400, %get3A_401, %get3A_402] {strides = array<i32>} : memref<32x2x16xf32, #tpu.memory_space<vmem>>, vector<16xf32>,
    %add3A_404 = arith.addf %add3A_390, %get3A_403 : vector<16xf32>
    %get3A_405 = arith.constant 29 : i32
    %get3A_406 = arith.constant 0 : i32
    %get3A_407 = arith.index_cast %get3A_405 : i32 to index
    %get3A_408 = arith.index_cast %get3A_406 : i32 to index
    %get3A_409 = arith.constant 0 : index
    %get3A_410 = tpu.vector_load %arg6[%get3A_407, %get3A_408, %get3A_409] {strides = array<i32>} : memref<32x2x16xf32, #tpu.memory_space<vmem>>, vector<16xf32>,
    %add3A_411 = arith.addf %add3A_397, %get3A_410 : vector<16xf32>
    %get3A_412 = arith.constant 29 : i32
    %get3A_413 = arith.constant 1 : i32
    %get3A_414 = arith.index_cast %get3A_412 : i32 to index
    %get3A_415 = arith.index_cast %get3A_413 : i32 to index
    %get3A_416 = arith.constant 0 : index
    %get3A_417 = tpu.vector_load %arg6[%get3A_414, %get3A_415, %get3A_416] {strides = array<i32>} : memref<32x2x16xf32, #tpu.memory_space<vmem>>, vector<16xf32>,
    %add3A_418 = arith.addf %add3A_404, %get3A_417 : vector<16xf32>
    %get3A_419 = arith.constant 30 : i32
    %get3A_420 = arith.constant 0 : i32
    %get3A_421 = arith.index_cast %get3A_419 : i32 to index
    %get3A_422 = arith.index_cast %get3A_420 : i32 to index
    %get3A_423 = arith.constant 0 : index
    %get3A_424 = tpu.vector_load %arg6[%get3A_421, %get3A_422, %get3A_423] {strides = array<i32>} : memref<32x2x16xf32, #tpu.memory_space<vmem>>, vector<16xf32>,
    %add3A_425 = arith.addf %add3A_411, %get3A_424 : vector<16xf32>
    %get3A_426 = arith.constant 30 : i32
    %get3A_427 = arith.constant 1 : i32
    %get3A_428 = arith.index_cast %get3A_426 : i32 to index
    %get3A_429 = arith.index_cast %get3A_427 : i32 to index
    %get3A_430 = arith.constant 0 : index
    %get3A_431 = tpu.vector_load %arg6[%get3A_428, %get3A_429, %get3A_430] {strides = array<i32>} : memref<32x2x16xf32, #tpu.memory_space<vmem>>, vector<16xf32>,
    %add3A_432 = arith.addf %add3A_418, %get3A_431 : vector<16xf32>
    %get3A_433 = arith.constant 31 : i32
    %get3A_434 = arith.constant 0 : i32
    %get3A_435 = arith.index_cast %get3A_433 : i32 to index
    %get3A_436 = arith.index_cast %get3A_434 : i32 to index
    %get3A_437 = arith.constant 0 : index
    %get3A_438 = tpu.vector_load %arg6[%get3A_435, %get3A_436, %get3A_437] {strides = array<i32>} : memref<32x2x16xf32, #tpu.memory_space<vmem>>, vector<16xf32>,
    %add3A_439 = arith.addf %add3A_425, %get3A_438 : vector<16xf32>
    %get3A_440 = arith.constant 31 : i32
    %get3A_441 = arith.constant 1 : i32
    %get3A_442 = arith.index_cast %get3A_440 : i32 to index
    %get3A_443 = arith.index_cast %get3A_441 : i32 to index
    %get3A_444 = arith.constant 0 : index
    %get3A_445 = tpu.vector_load %arg6[%get3A_442, %get3A_443, %get3A_444] {strides = array<i32>} : memref<32x2x16xf32, #tpu.memory_space<vmem>>, vector<16xf32>,
    %add3A_446 = arith.addf %add3A_432, %get3A_445 : vector<16xf32>
    %get3A_447 = arith.constant 0 : index
    %get3A_448 = tpu.vector_load %arg8[%get3A_447] {strides = array<i32>} : memref<16xf32, #tpu.memory_space<vmem>>, vector<16xf32>,
    %mul3A_449 = arith.mulf %get3A_448, %add3A_446 : vector<16xf32>
    %eq3A = arith.constant 0 : i32
    %eq3A_450 = vector.broadcast %eq3A : i32 to vector<16xi32>
    %eq3A_451 = arith.cmpi eq, %iota3A, %eq3A_450 : vector<16xi32>
    %select_n3A = arith.select %eq3A_451, %add3A_439, %broadcast_in_dim3A_1 : vector<16xi1>, vector<16xf32>
    %reduce_sum3A = arith.constant true
    %reduce_sum3A_452 = vector.broadcast %reduce_sum3A : i1 to vector<16xi1>
    %reduce_sum3A_453 = tpu.scan <sum>, %select_n3A masked %reduce_sum3A_452 : vector<16xf32>, vector<16xi1> -> vector<16xf32>
    %reduce_sum3A_454 = vector.extract %reduce_sum3A_453[15] : f32 from vector<16xf32>
    %get3A_455 = arith.constant 0 : i32
    %get3A_456 = arith.index_cast %get3A_455 : i32 to index
    %get3A_457 = arith.constant 0 : index
    %get3A_458 = tpu.vector_load %arg7[%get3A_456, %get3A_457] {strides = array<i32>} : memref<16x16xf32, #tpu.memory_space<vmem>>, vector<16xf32>,
    %mul3A_459 = vector.broadcast %reduce_sum3A_454 : f32 to vector<16xf32>
    %mul3A_460 = arith.mulf %mul3A_459, %get3A_458 : vector<16xf32>
    %add3A_461 = arith.addf %mul3A_449, %mul3A_460 : vector<16xf32>
    %eq3A_462 = arith.constant 1 : i32
    %eq3A_463 = vector.broadcast %eq3A_462 : i32 to vector<16xi32>
    %eq3A_464 = arith.cmpi eq, %iota3A, %eq3A_463 : vector<16xi32>
    %select_n3A_465 = arith.select %eq3A_464, %add3A_439, %broadcast_in_dim3A_1 : vector<16xi1>, vector<16xf32>
    %reduce_sum3A_466 = arith.constant true
    %reduce_sum3A_467 = vector.broadcast %reduce_sum3A_466 : i1 to vector<16xi1>
    %reduce_sum3A_468 = tpu.scan <sum>, %select_n3A_465 masked %reduce_sum3A_467 : vector<16xf32>, vector<16xi1> -> vector<16xf32>
    %reduce_sum3A_469 = vector.extract %reduce_sum3A_468[15] : f32 from vector<16xf32>
    %get3A_470 = arith.constant 1 : i32
    %get3A_471 = arith.index_cast %get3A_470 : i32 to index
    %get3A_472 = arith.constant 0 : index
    %get3A_473 = tpu.vector_load %arg7[%get3A_471, %get3A_472] {strides = array<i32>} : memref<16x16xf32, #tpu.memory_space<vmem>>, vector<16xf32>,
    %mul3A_474 = vector.broadcast %reduce_sum3A_469 : f32 to vector<16xf32>
    %mul3A_475 = arith.mulf %mul3A_474, %get3A_473 : vector<16xf32>
    %add3A_476 = arith.addf %add3A_461, %mul3A_475 : vector<16xf32>
    %eq3A_477 = arith.constant 2 : i32
    %eq3A_478 = vector.broadcast %eq3A_477 : i32 to vector<16xi32>
    %eq3A_479 = arith.cmpi eq, %iota3A, %eq3A_478 : vector<16xi32>
    %select_n3A_480 = arith.select %eq3A_479, %add3A_439, %broadcast_in_dim3A_1 : vector<16xi1>, vector<16xf32>
    %reduce_sum3A_481 = arith.constant true
    %reduce_sum3A_482 = vector.broadcast %reduce_sum3A_481 : i1 to vector<16xi1>
    %reduce_sum3A_483 = tpu.scan <sum>, %select_n3A_480 masked %reduce_sum3A_482 : vector<16xf32>, vector<16xi1> -> vector<16xf32>
    %reduce_sum3A_484 = vector.extract %reduce_sum3A_483[15] : f32 from vector<16xf32>
    %get3A_485 = arith.constant 2 : i32
    %get3A_486 = arith.index_cast %get3A_485 : i32 to index
    %get3A_487 = arith.constant 0 : index
    %get3A_488 = tpu.vector_load %arg7[%get3A_486, %get3A_487] {strides = array<i32>} : memref<16x16xf32, #tpu.memory_space<vmem>>, vector<16xf32>,
    %mul3A_489 = vector.broadcast %reduce_sum3A_484 : f32 to vector<16xf32>
    %mul3A_490 = arith.mulf %mul3A_489, %get3A_488 : vector<16xf32>
    %add3A_491 = arith.addf %add3A_476, %mul3A_490 : vector<16xf32>
    %eq3A_492 = arith.constant 3 : i32
    %eq3A_493 = vector.broadcast %eq3A_492 : i32 to vector<16xi32>
    %eq3A_494 = arith.cmpi eq, %iota3A, %eq3A_493 : vector<16xi32>
    %select_n3A_495 = arith.select %eq3A_494, %add3A_439, %broadcast_in_dim3A_1 : vector<16xi1>, vector<16xf32>
    %reduce_sum3A_496 = arith.constant true
    %reduce_sum3A_497 = vector.broadcast %reduce_sum3A_496 : i1 to vector<16xi1>
    %reduce_sum3A_498 = tpu.scan <sum>, %select_n3A_495 masked %reduce_sum3A_497 : vector<16xf32>, vector<16xi1> -> vector<16xf32>
    %reduce_sum3A_499 = vector.extract %reduce_sum3A_498[15] : f32 from vector<16xf32>
    %get3A_500 = arith.constant 3 : i32
    %get3A_501 = arith.index_cast %get3A_500 : i32 to index
    %get3A_502 = arith.constant 0 : index
    %get3A_503 = tpu.vector_load %arg7[%get3A_501, %get3A_502] {strides = array<i32>} : memref<16x16xf32, #tpu.memory_space<vmem>>, vector<16xf32>,
    %mul3A_504 = vector.broadcast %reduce_sum3A_499 : f32 to vector<16xf32>
    %mul3A_505 = arith.mulf %mul3A_504, %get3A_503 : vector<16xf32>
    %add3A_506 = arith.addf %add3A_491, %mul3A_505 : vector<16xf32>
    %eq3A_507 = arith.constant 4 : i32
    %eq3A_508 = vector.broadcast %eq3A_507 : i32 to vector<16xi32>
    %eq3A_509 = arith.cmpi eq, %iota3A, %eq3A_508 : vector<16xi32>
    %select_n3A_510 = arith.select %eq3A_509, %add3A_439, %broadcast_in_dim3A_1 : vector<16xi1>, vector<16xf32>
    %reduce_sum3A_511 = arith.constant true
    %reduce_sum3A_512 = vector.broadcast %reduce_sum3A_511 : i1 to vector<16xi1>
    %reduce_sum3A_513 = tpu.scan <sum>, %select_n3A_510 masked %reduce_sum3A_512 : vector<16xf32>, vector<16xi1> -> vector<16xf32>
    %reduce_sum3A_514 = vector.extract %reduce_sum3A_513[15] : f32 from vector<16xf32>
    %get3A_515 = arith.constant 4 : i32
    %get3A_516 = arith.index_cast %get3A_515 : i32 to index
    %get3A_517 = arith.constant 0 : index
    %get3A_518 = tpu.vector_load %arg7[%get3A_516, %get3A_517] {strides = array<i32>} : memref<16x16xf32, #tpu.memory_space<vmem>>, vector<16xf32>,
    %mul3A_519 = vector.broadcast %reduce_sum3A_514 : f32 to vector<16xf32>
    %mul3A_520 = arith.mulf %mul3A_519, %get3A_518 : vector<16xf32>
    %add3A_521 = arith.addf %add3A_506, %mul3A_520 : vector<16xf32>
    %eq3A_522 = arith.constant 5 : i32
    %eq3A_523 = vector.broadcast %eq3A_522 : i32 to vector<16xi32>
    %eq3A_524 = arith.cmpi eq, %iota3A, %eq3A_523 : vector<16xi32>
    %select_n3A_525 = arith.select %eq3A_524, %add3A_439, %broadcast_in_dim3A_1 : vector<16xi1>, vector<16xf32>
    %reduce_sum3A_526 = arith.constant true
    %reduce_sum3A_527 = vector.broadcast %reduce_sum3A_526 : i1 to vector<16xi1>
    %reduce_sum3A_528 = tpu.scan <sum>, %select_n3A_525 masked %reduce_sum3A_527 : vector<16xf32>, vector<16xi1> -> vector<16xf32>
    %reduce_sum3A_529 = vector.extract %reduce_sum3A_528[15] : f32 from vector<16xf32>
    %get3A_530 = arith.constant 5 : i32
    %get3A_531 = arith.index_cast %get3A_530 : i32 to index
    %get3A_532 = arith.constant 0 : index
    %get3A_533 = tpu.vector_load %arg7[%get3A_531, %get3A_532] {strides = array<i32>} : memref<16x16xf32, #tpu.memory_space<vmem>>, vector<16xf32>,
    %mul3A_534 = vector.broadcast %reduce_sum3A_529 : f32 to vector<16xf32>
    %mul3A_535 = arith.mulf %mul3A_534, %get3A_533 : vector<16xf32>
    %add3A_536 = arith.addf %add3A_521, %mul3A_535 : vector<16xf32>
    %eq3A_537 = arith.constant 6 : i32
    %eq3A_538 = vector.broadcast %eq3A_537 : i32 to vector<16xi32>
    %eq3A_539 = arith.cmpi eq, %iota3A, %eq3A_538 : vector<16xi32>
    %select_n3A_540 = arith.select %eq3A_539, %add3A_439, %broadcast_in_dim3A_1 : vector<16xi1>, vector<16xf32>
    %reduce_sum3A_541 = arith.constant true
    %reduce_sum3A_542 = vector.broadcast %reduce_sum3A_541 : i1 to vector<16xi1>
    %reduce_sum3A_543 = tpu.scan <sum>, %select_n3A_540 masked %reduce_sum3A_542 : vector<16xf32>, vector<16xi1> -> vector<16xf32>
    %reduce_sum3A_544 = vector.extract %reduce_sum3A_543[15] : f32 from vector<16xf32>
    %get3A_545 = arith.constant 6 : i32
    %get3A_546 = arith.index_cast %get3A_545 : i32 to index
    %get3A_547 = arith.constant 0 : index
    %get3A_548 = tpu.vector_load %arg7[%get3A_546, %get3A_547] {strides = array<i32>} : memref<16x16xf32, #tpu.memory_space<vmem>>, vector<16xf32>,
    %mul3A_549 = vector.broadcast %reduce_sum3A_544 : f32 to vector<16xf32>
    %mul3A_550 = arith.mulf %mul3A_549, %get3A_548 : vector<16xf32>
    %add3A_551 = arith.addf %add3A_536, %mul3A_550 : vector<16xf32>
    %eq3A_552 = arith.constant 7 : i32
    %eq3A_553 = vector.broadcast %eq3A_552 : i32 to vector<16xi32>
    %eq3A_554 = arith.cmpi eq, %iota3A, %eq3A_553 : vector<16xi32>
    %select_n3A_555 = arith.select %eq3A_554, %add3A_439, %broadcast_in_dim3A_1 : vector<16xi1>, vector<16xf32>
    %reduce_sum3A_556 = arith.constant true
    %reduce_sum3A_557 = vector.broadcast %reduce_sum3A_556 : i1 to vector<16xi1>
    %reduce_sum3A_558 = tpu.scan <sum>, %select_n3A_555 masked %reduce_sum3A_557 : vector<16xf32>, vector<16xi1> -> vector<16xf32>
    %reduce_sum3A_559 = vector.extract %reduce_sum3A_558[15] : f32 from vector<16xf32>
    %get3A_560 = arith.constant 7 : i32
    %get3A_561 = arith.index_cast %get3A_560 : i32 to index
    %get3A_562 = arith.constant 0 : index
    %get3A_563 = tpu.vector_load %arg7[%get3A_561, %get3A_562] {strides = array<i32>} : memref<16x16xf32, #tpu.memory_space<vmem>>, vector<16xf32>,
    %mul3A_564 = vector.broadcast %reduce_sum3A_559 : f32 to vector<16xf32>
    %mul3A_565 = arith.mulf %mul3A_564, %get3A_563 : vector<16xf32>
    %add3A_566 = arith.addf %add3A_551, %mul3A_565 : vector<16xf32>
    %eq3A_567 = arith.constant 8 : i32
    %eq3A_568 = vector.broadcast %eq3A_567 : i32 to vector<16xi32>
    %eq3A_569 = arith.cmpi eq, %iota3A, %eq3A_568 : vector<16xi32>
    %select_n3A_570 = arith.select %eq3A_569, %add3A_439, %broadcast_in_dim3A_1 : vector<16xi1>, vector<16xf32>
    %reduce_sum3A_571 = arith.constant true
    %reduce_sum3A_572 = vector.broadcast %reduce_sum3A_571 : i1 to vector<16xi1>
    %reduce_sum3A_573 = tpu.scan <sum>, %select_n3A_570 masked %reduce_sum3A_572 : vector<16xf32>, vector<16xi1> -> vector<16xf32>
    %reduce_sum3A_574 = vector.extract %reduce_sum3A_573[15] : f32 from vector<16xf32>
    %get3A_575 = arith.constant 8 : i32
    %get3A_576 = arith.index_cast %get3A_575 : i32 to index
    %get3A_577 = arith.constant 0 : index
    %get3A_578 = tpu.vector_load %arg7[%get3A_576, %get3A_577] {strides = array<i32>} : memref<16x16xf32, #tpu.memory_space<vmem>>, vector<16xf32>,
    %mul3A_579 = vector.broadcast %reduce_sum3A_574 : f32 to vector<16xf32>
    %mul3A_580 = arith.mulf %mul3A_579, %get3A_578 : vector<16xf32>
    %add3A_581 = arith.addf %add3A_566, %mul3A_580 : vector<16xf32>
    %eq3A_582 = arith.constant 9 : i32
    %eq3A_583 = vector.broadcast %eq3A_582 : i32 to vector<16xi32>
    %eq3A_584 = arith.cmpi eq, %iota3A, %eq3A_583 : vector<16xi32>
    %select_n3A_585 = arith.select %eq3A_584, %add3A_439, %broadcast_in_dim3A_1 : vector<16xi1>, vector<16xf32>
    %reduce_sum3A_586 = arith.constant true
    %reduce_sum3A_587 = vector.broadcast %reduce_sum3A_586 : i1 to vector<16xi1>
    %reduce_sum3A_588 = tpu.scan <sum>, %select_n3A_585 masked %reduce_sum3A_587 : vector<16xf32>, vector<16xi1> -> vector<16xf32>
    %reduce_sum3A_589 = vector.extract %reduce_sum3A_588[15] : f32 from vector<16xf32>
    %get3A_590 = arith.constant 9 : i32
    %get3A_591 = arith.index_cast %get3A_590 : i32 to index
    %get3A_592 = arith.constant 0 : index
    %get3A_593 = tpu.vector_load %arg7[%get3A_591, %get3A_592] {strides = array<i32>} : memref<16x16xf32, #tpu.memory_space<vmem>>, vector<16xf32>,
    %mul3A_594 = vector.broadcast %reduce_sum3A_589 : f32 to vector<16xf32>
    %mul3A_595 = arith.mulf %mul3A_594, %get3A_593 : vector<16xf32>
    %add3A_596 = arith.addf %add3A_581, %mul3A_595 : vector<16xf32>
    %eq3A_597 = arith.constant 10 : i32
    %eq3A_598 = vector.broadcast %eq3A_597 : i32 to vector<16xi32>
    %eq3A_599 = arith.cmpi eq, %iota3A, %eq3A_598 : vector<16xi32>
    %select_n3A_600 = arith.select %eq3A_599, %add3A_439, %broadcast_in_dim3A_1 : vector<16xi1>, vector<16xf32>
    %reduce_sum3A_601 = arith.constant true
    %reduce_sum3A_602 = vector.broadcast %reduce_sum3A_601 : i1 to vector<16xi1>
    %reduce_sum3A_603 = tpu.scan <sum>, %select_n3A_600 masked %reduce_sum3A_602 : vector<16xf32>, vector<16xi1> -> vector<16xf32>
    %reduce_sum3A_604 = vector.extract %reduce_sum3A_603[15] : f32 from vector<16xf32>
    %get3A_605 = arith.constant 10 : i32
    %get3A_606 = arith.index_cast %get3A_605 : i32 to index
    %get3A_607 = arith.constant 0 : index
    %get3A_608 = tpu.vector_load %arg7[%get3A_606, %get3A_607] {strides = array<i32>} : memref<16x16xf32, #tpu.memory_space<vmem>>, vector<16xf32>,
    %mul3A_609 = vector.broadcast %reduce_sum3A_604 : f32 to vector<16xf32>
    %mul3A_610 = arith.mulf %mul3A_609, %get3A_608 : vector<16xf32>
    %add3A_611 = arith.addf %add3A_596, %mul3A_610 : vector<16xf32>
    %eq3A_612 = arith.constant 11 : i32
    %eq3A_613 = vector.broadcast %eq3A_612 : i32 to vector<16xi32>
    %eq3A_614 = arith.cmpi eq, %iota3A, %eq3A_613 : vector<16xi32>
    %select_n3A_615 = arith.select %eq3A_614, %add3A_439, %broadcast_in_dim3A_1 : vector<16xi1>, vector<16xf32>
    %reduce_sum3A_616 = arith.constant true
    %reduce_sum3A_617 = vector.broadcast %reduce_sum3A_616 : i1 to vector<16xi1>
    %reduce_sum3A_618 = tpu.scan <sum>, %select_n3A_615 masked %reduce_sum3A_617 : vector<16xf32>, vector<16xi1> -> vector<16xf32>
    %reduce_sum3A_619 = vector.extract %reduce_sum3A_618[15] : f32 from vector<16xf32>
    %get3A_620 = arith.constant 11 : i32
    %get3A_621 = arith.index_cast %get3A_620 : i32 to index
    %get3A_622 = arith.constant 0 : index
    %get3A_623 = tpu.vector_load %arg7[%get3A_621, %get3A_622] {strides = array<i32>} : memref<16x16xf32, #tpu.memory_space<vmem>>, vector<16xf32>,
    %mul3A_624 = vector.broadcast %reduce_sum3A_619 : f32 to vector<16xf32>
    %mul3A_625 = arith.mulf %mul3A_624, %get3A_623 : vector<16xf32>
    %add3A_626 = arith.addf %add3A_611, %mul3A_625 : vector<16xf32>
    %eq3A_627 = arith.constant 12 : i32
    %eq3A_628 = vector.broadcast %eq3A_627 : i32 to vector<16xi32>
    %eq3A_629 = arith.cmpi eq, %iota3A, %eq3A_628 : vector<16xi32>
    %select_n3A_630 = arith.select %eq3A_629, %add3A_439, %broadcast_in_dim3A_1 : vector<16xi1>, vector<16xf32>
    %reduce_sum3A_631 = arith.constant true
    %reduce_sum3A_632 = vector.broadcast %reduce_sum3A_631 : i1 to vector<16xi1>
    %reduce_sum3A_633 = tpu.scan <sum>, %select_n3A_630 masked %reduce_sum3A_632 : vector<16xf32>, vector<16xi1> -> vector<16xf32>
    %reduce_sum3A_634 = vector.extract %reduce_sum3A_633[15] : f32 from vector<16xf32>
    %get3A_635 = arith.constant 12 : i32
    %get3A_636 = arith.index_cast %get3A_635 : i32 to index
    %get3A_637 = arith.constant 0 : index
    %get3A_638 = tpu.vector_load %arg7[%get3A_636, %get3A_637] {strides = array<i32>} : memref<16x16xf32, #tpu.memory_space<vmem>>, vector<16xf32>,
    %mul3A_639 = vector.broadcast %reduce_sum3A_634 : f32 to vector<16xf32>
    %mul3A_640 = arith.mulf %mul3A_639, %get3A_638 : vector<16xf32>
    %add3A_641 = arith.addf %add3A_626, %mul3A_640 : vector<16xf32>
    %eq3A_642 = arith.constant 13 : i32
    %eq3A_643 = vector.broadcast %eq3A_642 : i32 to vector<16xi32>
    %eq3A_644 = arith.cmpi eq, %iota3A, %eq3A_643 : vector<16xi32>
    %select_n3A_645 = arith.select %eq3A_644, %add3A_439, %broadcast_in_dim3A_1 : vector<16xi1>, vector<16xf32>
    %reduce_sum3A_646 = arith.constant true
    %reduce_sum3A_647 = vector.broadcast %reduce_sum3A_646 : i1 to vector<16xi1>
    %reduce_sum3A_648 = tpu.scan <sum>, %select_n3A_645 masked %reduce_sum3A_647 : vector<16xf32>, vector<16xi1> -> vector<16xf32>
    %reduce_sum3A_649 = vector.extract %reduce_sum3A_648[15] : f32 from vector<16xf32>
    %get3A_650 = arith.constant 13 : i32
    %get3A_651 = arith.index_cast %get3A_650 : i32 to index
    %get3A_652 = arith.constant 0 : index
    %get3A_653 = tpu.vector_load %arg7[%get3A_651, %get3A_652] {strides = array<i32>} : memref<16x16xf32, #tpu.memory_space<vmem>>, vector<16xf32>,
    %mul3A_654 = vector.broadcast %reduce_sum3A_649 : f32 to vector<16xf32>
    %mul3A_655 = arith.mulf %mul3A_654, %get3A_653 : vector<16xf32>
    %add3A_656 = arith.addf %add3A_641, %mul3A_655 : vector<16xf32>
    %eq3A_657 = arith.constant 14 : i32
    %eq3A_658 = vector.broadcast %eq3A_657 : i32 to vector<16xi32>
    %eq3A_659 = arith.cmpi eq, %iota3A, %eq3A_658 : vector<16xi32>
    %select_n3A_660 = arith.select %eq3A_659, %add3A_439, %broadcast_in_dim3A_1 : vector<16xi1>, vector<16xf32>
    %reduce_sum3A_661 = arith.constant true
    %reduce_sum3A_662 = vector.broadcast %reduce_sum3A_661 : i1 to vector<16xi1>
    %reduce_sum3A_663 = tpu.scan <sum>, %select_n3A_660 masked %reduce_sum3A_662 : vector<16xf32>, vector<16xi1> -> vector<16xf32>
    %reduce_sum3A_664 = vector.extract %reduce_sum3A_663[15] : f32 from vector<16xf32>
    %get3A_665 = arith.constant 14 : i32
    %get3A_666 = arith.index_cast %get3A_665 : i32 to index
    %get3A_667 = arith.constant 0 : index
    %get3A_668 = tpu.vector_load %arg7[%get3A_666, %get3A_667] {strides = array<i32>} : memref<16x16xf32, #tpu.memory_space<vmem>>, vector<16xf32>,
    %mul3A_669 = vector.broadcast %reduce_sum3A_664 : f32 to vector<16xf32>
    %mul3A_670 = arith.mulf %mul3A_669, %get3A_668 : vector<16xf32>
    %add3A_671 = arith.addf %add3A_656, %mul3A_670 : vector<16xf32>
    %eq3A_672 = arith.constant 15 : i32
    %eq3A_673 = vector.broadcast %eq3A_672 : i32 to vector<16xi32>
    %eq3A_674 = arith.cmpi eq, %iota3A, %eq3A_673 : vector<16xi32>
    %select_n3A_675 = arith.select %eq3A_674, %add3A_439, %broadcast_in_dim3A_1 : vector<16xi1>, vector<16xf32>
    %reduce_sum3A_676 = arith.constant true
    %reduce_sum3A_677 = vector.broadcast %reduce_sum3A_676 : i1 to vector<16xi1>
    %reduce_sum3A_678 = tpu.scan <sum>, %select_n3A_675 masked %reduce_sum3A_677 : vector<16xf32>, vector<16xi1> -> vector<16xf32>
    %reduce_sum3A_679 = vector.extract %reduce_sum3A_678[15] : f32 from vector<16xf32>
    %get3A_680 = arith.constant 15 : i32
    %get3A_681 = arith.index_cast %get3A_680 : i32 to index
    %get3A_682 = arith.constant 0 : index
    %get3A_683 = tpu.vector_load %arg7[%get3A_681, %get3A_682] {strides = array<i32>} : memref<16x16xf32, #tpu.memory_space<vmem>>, vector<16xf32>,
    %mul3A_684 = vector.broadcast %reduce_sum3A_679 : f32 to vector<16xf32>
    %mul3A_685 = arith.mulf %mul3A_684, %get3A_683 : vector<16xf32>
    %add3A_686 = arith.addf %add3A_671, %mul3A_685 : vector<16xf32>
    %swap3A = arith.constant 0 : i32
    %swap3A_687 = arith.index_cast %swap3A : i32 to index
    %swap3A_688 = arith.constant 0 : index
    %swap3A_689 = tpu.vector_load %arg9[%swap3A_687, %swap3A_688] {strides = array<i32>} : memref<128x16xf32, #tpu.memory_space<vmem>>, vector<16xf32>,
    tpu.vector_store %arg9[%swap3A_687, %swap3A_688], %add3A_686 {strides = array<i32>} : memref<128x16xf32, #tpu.memory_space<vmem>>, vector<16xf32>,
    %swap3A_690 = arith.constant 1 : i32
    %swap3A_691 = arith.index_cast %swap3A_690 : i32 to index
    %swap3A_692 = arith.constant 0 : index
    %swap3A_693 = tpu.vector_load %arg9[%swap3A_691, %swap3A_692] {strides = array<i32>} : memref<128x16xf32, #tpu.memory_space<vmem>>, vector<16xf32>,
    tpu.vector_store %arg9[%swap3A_691, %swap3A_692], %add3A_686 {strides = array<i32>} : memref<128x16xf32, #tpu.memory_space<vmem>>, vector<16xf32>,
    %swap3A_694 = arith.constant 2 : i32
    %swap3A_695 = arith.index_cast %swap3A_694 : i32 to index
    %swap3A_696 = arith.constant 0 : index
    %swap3A_697 = tpu.vector_load %arg9[%swap3A_695, %swap3A_696] {strides = array<i32>} : memref<128x16xf32, #tpu.memory_space<vmem>>, vector<16xf32>,
    tpu.vector_store %arg9[%swap3A_695, %swap3A_696], %add3A_686 {strides = array<i32>} : memref<128x16xf32, #tpu.memory_space<vmem>>, vector<16xf32>,
    %swap3A_698 = arith.constant 3 : i32
    %swap3A_699 = arith.index_cast %swap3A_698 : i32 to index
    %swap3A_700 = arith.constant 0 : index
    %swap3A_701 = tpu.vector_load %arg9[%swap3A_699, %swap3A_700] {strides = array<i32>} : memref<128x16xf32, #tpu.memory_space<vmem>>, vector<16xf32>,
    tpu.vector_store %arg9[%swap3A_699, %swap3A_700], %add3A_686 {strides = array<i32>} : memref<128x16xf32, #tpu.memory_space<vmem>>, vector<16xf32>,
    %swap3A_702 = arith.constant 4 : i32
    %swap3A_703 = arith.index_cast %swap3A_702 : i32 to index
    %swap3A_704 = arith.constant 0 : index
    %swap3A_705 = tpu.vector_load %arg9[%swap3A_703, %swap3A_704] {strides = array<i32>} : memref<128x16xf32, #tpu.memory_space<vmem>>, vector<16xf32>,
    tpu.vector_store %arg9[%swap3A_703, %swap3A_704], %add3A_686 {strides = array<i32>} : memref<128x16xf32, #tpu.memory_space<vmem>>, vector<16xf32>,
    %swap3A_706 = arith.constant 5 : i32
    %swap3A_707 = arith.index_cast %swap3A_706 : i32 to index
    %swap3A_708 = arith.constant 0 : index
    %swap3A_709 = tpu.vector_load %arg9[%swap3A_707, %swap3A_708] {strides = array<i32>} : memref<128x16xf32, #tpu.memory_space<vmem>>, vector<16xf32>,
    tpu.vector_store %arg9[%swap3A_707, %swap3A_708], %add3A_686 {strides = array<i32>} : memref<128x16xf32, #tpu.memory_space<vmem>>, vector<16xf32>,
    %swap3A_710 = arith.constant 6 : i32
    %swap3A_711 = arith.index_cast %swap3A_710 : i32 to index
    %swap3A_712 = arith.constant 0 : index
    %swap3A_713 = tpu.vector_load %arg9[%swap3A_711, %swap3A_712] {strides = array<i32>} : memref<128x16xf32, #tpu.memory_space<vmem>>, vector<16xf32>,
    tpu.vector_store %arg9[%swap3A_711, %swap3A_712], %add3A_686 {strides = array<i32>} : memref<128x16xf32, #tpu.memory_space<vmem>>, vector<16xf32>,
    %swap3A_714 = arith.constant 7 : i32
    %swap3A_715 = arith.index_cast %swap3A_714 : i32 to index
    %swap3A_716 = arith.constant 0 : index
    %swap3A_717 = tpu.vector_load %arg9[%swap3A_715, %swap3A_716] {strides = array<i32>} : memref<128x16xf32, #tpu.memory_space<vmem>>, vector<16xf32>,
    tpu.vector_store %arg9[%swap3A_715, %swap3A_716], %add3A_686 {strides = array<i32>} : memref<128x16xf32, #tpu.memory_space<vmem>>, vector<16xf32>,
    %swap3A_718 = arith.constant 8 : i32
    %swap3A_719 = arith.index_cast %swap3A_718 : i32 to index
    %swap3A_720 = arith.constant 0 : index
    %swap3A_721 = tpu.vector_load %arg9[%swap3A_719, %swap3A_720] {strides = array<i32>} : memref<128x16xf32, #tpu.memory_space<vmem>>, vector<16xf32>,
    tpu.vector_store %arg9[%swap3A_719, %swap3A_720], %add3A_686 {strides = array<i32>} : memref<128x16xf32, #tpu.memory_space<vmem>>, vector<16xf32>,
    %swap3A_722 = arith.constant 9 : i32
    %swap3A_723 = arith.index_cast %swap3A_722 : i32 to index
    %swap3A_724 = arith.constant 0 : index
    %swap3A_725 = tpu.vector_load %arg9[%swap3A_723, %swap3A_724] {strides = array<i32>} : memref<128x16xf32, #tpu.memory_space<vmem>>, vector<16xf32>,
    tpu.vector_store %arg9[%swap3A_723, %swap3A_724], %add3A_686 {strides = array<i32>} : memref<128x16xf32, #tpu.memory_space<vmem>>, vector<16xf32>,
    %swap3A_726 = arith.constant 10 : i32
    %swap3A_727 = arith.index_cast %swap3A_726 : i32 to index
    %swap3A_728 = arith.constant 0 : index
    %swap3A_729 = tpu.vector_load %arg9[%swap3A_727, %swap3A_728] {strides = array<i32>} : memref<128x16xf32, #tpu.memory_space<vmem>>, vector<16xf32>,
    tpu.vector_store %arg9[%swap3A_727, %swap3A_728], %add3A_686 {strides = array<i32>} : memref<128x16xf32, #tpu.memory_space<vmem>>, vector<16xf32>,
    %swap3A_730 = arith.constant 11 : i32
    %swap3A_731 = arith.index_cast %swap3A_730 : i32 to index
    %swap3A_732 = arith.constant 0 : index
    %swap3A_733 = tpu.vector_load %arg9[%swap3A_731, %swap3A_732] {strides = array<i32>} : memref<128x16xf32, #tpu.memory_space<vmem>>, vector<16xf32>,
    tpu.vector_store %arg9[%swap3A_731, %swap3A_732], %add3A_686 {strides = array<i32>} : memref<128x16xf32, #tpu.memory_space<vmem>>, vector<16xf32>,
    %swap3A_734 = arith.constant 12 : i32
    %swap3A_735 = arith.index_cast %swap3A_734 : i32 to index
    %swap3A_736 = arith.constant 0 : index
    %swap3A_737 = tpu.vector_load %arg9[%swap3A_735, %swap3A_736] {strides = array<i32>} : memref<128x16xf32, #tpu.memory_space<vmem>>, vector<16xf32>,
    tpu.vector_store %arg9[%swap3A_735, %swap3A_736], %add3A_686 {strides = array<i32>} : memref<128x16xf32, #tpu.memory_space<vmem>>, vector<16xf32>,
    %swap3A_738 = arith.constant 13 : i32
    %swap3A_739 = arith.index_cast %swap3A_738 : i32 to index
    %swap3A_740 = arith.constant 0 : index
    %swap3A_741 = tpu.vector_load %arg9[%swap3A_739, %swap3A_740] {strides = array<i32>} : memref<128x16xf32, #tpu.memory_space<vmem>>, vector<16xf32>,
    tpu.vector_store %arg9[%swap3A_739, %swap3A_740], %add3A_686 {strides = array<i32>} : memref<128x16xf32, #tpu.memory_space<vmem>>, vector<16xf32>,
    %swap3A_742 = arith.constant 14 : i32
    %swap3A_743 = arith.index_cast %swap3A_742 : i32 to index
    %swap3A_744 = arith.constant 0 : index
    %swap3A_745 = tpu.vector_load %arg9[%swap3A_743, %swap3A_744] {strides = array<i32>} : memref<128x16xf32, #tpu.memory_space<vmem>>, vector<16xf32>,
    tpu.vector_store %arg9[%swap3A_743, %swap3A_744], %add3A_686 {strides = array<i32>} : memref<128x16xf32, #tpu.memory_space<vmem>>, vector<16xf32>,
    %swap3A_746 = arith.constant 15 : i32
    %swap3A_747 = arith.index_cast %swap3A_746 : i32 to index
    %swap3A_748 = arith.constant 0 : index
    %swap3A_749 = tpu.vector_load %arg9[%swap3A_747, %swap3A_748] {strides = array<i32>} : memref<128x16xf32, #tpu.memory_space<vmem>>, vector<16xf32>,
    tpu.vector_store %arg9[%swap3A_747, %swap3A_748], %add3A_686 {strides = array<i32>} : memref<128x16xf32, #tpu.memory_space<vmem>>, vector<16xf32>,
    %swap3A_750 = arith.constant 16 : i32
    %swap3A_751 = arith.index_cast %swap3A_750 : i32 to index
    %swap3A_752 = arith.constant 0 : index
    %swap3A_753 = tpu.vector_load %arg9[%swap3A_751, %swap3A_752] {strides = array<i32>} : memref<128x16xf32, #tpu.memory_space<vmem>>, vector<16xf32>,
    tpu.vector_store %arg9[%swap3A_751, %swap3A_752], %add3A_686 {strides = array<i32>} : memref<128x16xf32, #tpu.memory_space<vmem>>, vector<16xf32>,
    %swap3A_754 = arith.constant 17 : i32
    %swap3A_755 = arith.index_cast %swap3A_754 : i32 to index
    %swap3A_756 = arith.constant 0 : index
    %swap3A_757 = tpu.vector_load %arg9[%swap3A_755, %swap3A_756] {strides = array<i32>} : memref<128x16xf32, #tpu.memory_space<vmem>>, vector<16xf32>,
    tpu.vector_store %arg9[%swap3A_755, %swap3A_756], %add3A_686 {strides = array<i32>} : memref<128x16xf32, #tpu.memory_space<vmem>>, vector<16xf32>,
    %swap3A_758 = arith.constant 18 : i32
    %swap3A_759 = arith.index_cast %swap3A_758 : i32 to index
    %swap3A_760 = arith.constant 0 : index
    %swap3A_761 = tpu.vector_load %arg9[%swap3A_759, %swap3A_760] {strides = array<i32>} : memref<128x16xf32, #tpu.memory_space<vmem>>, vector<16xf32>,
    tpu.vector_store %arg9[%swap3A_759, %swap3A_760], %add3A_686 {strides = array<i32>} : memref<128x16xf32, #tpu.memory_space<vmem>>, vector<16xf32>,
    %swap3A_762 = arith.constant 19 : i32
    %swap3A_763 = arith.index_cast %swap3A_762 : i32 to index
    %swap3A_764 = arith.constant 0 : index
    %swap3A_765 = tpu.vector_load %arg9[%swap3A_763, %swap3A_764] {strides = array<i32>} : memref<128x16xf32, #tpu.memory_space<vmem>>, vector<16xf32>,
    tpu.vector_store %arg9[%swap3A_763, %swap3A_764], %add3A_686 {strides = array<i32>} : memref<128x16xf32, #tpu.memory_space<vmem>>, vector<16xf32>,
    %swap3A_766 = arith.constant 20 : i32
    %swap3A_767 = arith.index_cast %swap3A_766 : i32 to index
    %swap3A_768 = arith.constant 0 : index
    %swap3A_769 = tpu.vector_load %arg9[%swap3A_767, %swap3A_768] {strides = array<i32>} : memref<128x16xf32, #tpu.memory_space<vmem>>, vector<16xf32>,
    tpu.vector_store %arg9[%swap3A_767, %swap3A_768], %add3A_686 {strides = array<i32>} : memref<128x16xf32, #tpu.memory_space<vmem>>, vector<16xf32>,
    %swap3A_770 = arith.constant 21 : i32
    %swap3A_771 = arith.index_cast %swap3A_770 : i32 to index
    %swap3A_772 = arith.constant 0 : index
    %swap3A_773 = tpu.vector_load %arg9[%swap3A_771, %swap3A_772] {strides = array<i32>} : memref<128x16xf32, #tpu.memory_space<vmem>>, vector<16xf32>,
    tpu.vector_store %arg9[%swap3A_771, %swap3A_772], %add3A_686 {strides = array<i32>} : memref<128x16xf32, #tpu.memory_space<vmem>>, vector<16xf32>,
    %swap3A_774 = arith.constant 22 : i32
    %swap3A_775 = arith.index_cast %swap3A_774 : i32 to index
    %swap3A_776 = arith.constant 0 : index
    %swap3A_777 = tpu.vector_load %arg9[%swap3A_775, %swap3A_776] {strides = array<i32>} : memref<128x16xf32, #tpu.memory_space<vmem>>, vector<16xf32>,
    tpu.vector_store %arg9[%swap3A_775, %swap3A_776], %add3A_686 {strides = array<i32>} : memref<128x16xf32, #tpu.memory_space<vmem>>, vector<16xf32>,
    %swap3A_778 = arith.constant 23 : i32
    %swap3A_779 = arith.index_cast %swap3A_778 : i32 to index
    %swap3A_780 = arith.constant 0 : index
    %swap3A_781 = tpu.vector_load %arg9[%swap3A_779, %swap3A_780] {strides = array<i32>} : memref<128x16xf32, #tpu.memory_space<vmem>>, vector<16xf32>,
    tpu.vector_store %arg9[%swap3A_779, %swap3A_780], %add3A_686 {strides = array<i32>} : memref<128x16xf32, #tpu.memory_space<vmem>>, vector<16xf32>,
    %swap3A_782 = arith.constant 24 : i32
    %swap3A_783 = arith.index_cast %swap3A_782 : i32 to index
    %swap3A_784 = arith.constant 0 : index
    %swap3A_785 = tpu.vector_load %arg9[%swap3A_783, %swap3A_784] {strides = array<i32>} : memref<128x16xf32, #tpu.memory_space<vmem>>, vector<16xf32>,
    tpu.vector_store %arg9[%swap3A_783, %swap3A_784], %add3A_686 {strides = array<i32>} : memref<128x16xf32, #tpu.memory_space<vmem>>, vector<16xf32>,
    %swap3A_786 = arith.constant 25 : i32
    %swap3A_787 = arith.index_cast %swap3A_786 : i32 to index
    %swap3A_788 = arith.constant 0 : index
    %swap3A_789 = tpu.vector_load %arg9[%swap3A_787, %swap3A_788] {strides = array<i32>} : memref<128x16xf32, #tpu.memory_space<vmem>>, vector<16xf32>,
    tpu.vector_store %arg9[%swap3A_787, %swap3A_788], %add3A_686 {strides = array<i32>} : memref<128x16xf32, #tpu.memory_space<vmem>>, vector<16xf32>,
    %swap3A_790 = arith.constant 26 : i32
    %swap3A_791 = arith.index_cast %swap3A_790 : i32 to index
    %swap3A_792 = arith.constant 0 : index
    %swap3A_793 = tpu.vector_load %arg9[%swap3A_791, %swap3A_792] {strides = array<i32>} : memref<128x16xf32, #tpu.memory_space<vmem>>, vector<16xf32>,
    tpu.vector_store %arg9[%swap3A_791, %swap3A_792], %add3A_686 {strides = array<i32>} : memref<128x16xf32, #tpu.memory_space<vmem>>, vector<16xf32>,
    %swap3A_794 = arith.constant 27 : i32
    %swap3A_795 = arith.index_cast %swap3A_794 : i32 to index
    %swap3A_796 = arith.constant 0 : index
    %swap3A_797 = tpu.vector_load %arg9[%swap3A_795, %swap3A_796] {strides = array<i32>} : memref<128x16xf32, #tpu.memory_space<vmem>>, vector<16xf32>,
    tpu.vector_store %arg9[%swap3A_795, %swap3A_796], %add3A_686 {strides = array<i32>} : memref<128x16xf32, #tpu.memory_space<vmem>>, vector<16xf32>,
    %swap3A_798 = arith.constant 28 : i32
    %swap3A_799 = arith.index_cast %swap3A_798 : i32 to index
    %swap3A_800 = arith.constant 0 : index
    %swap3A_801 = tpu.vector_load %arg9[%swap3A_799, %swap3A_800] {strides = array<i32>} : memref<128x16xf32, #tpu.memory_space<vmem>>, vector<16xf32>,
    tpu.vector_store %arg9[%swap3A_799, %swap3A_800], %add3A_686 {strides = array<i32>} : memref<128x16xf32, #tpu.memory_space<vmem>>, vector<16xf32>,
    %swap3A_802 = arith.constant 29 : i32
    %swap3A_803 = arith.index_cast %swap3A_802 : i32 to index
    %swap3A_804 = arith.constant 0 : index
    %swap3A_805 = tpu.vector_load %arg9[%swap3A_803, %swap3A_804] {strides = array<i32>} : memref<128x16xf32, #tpu.memory_space<vmem>>, vector<16xf32>,
    tpu.vector_store %arg9[%swap3A_803, %swap3A_804], %add3A_686 {strides = array<i32>} : memref<128x16xf32, #tpu.memory_space<vmem>>, vector<16xf32>,
    %swap3A_806 = arith.constant 30 : i32
    %swap3A_807 = arith.index_cast %swap3A_806 : i32 to index
    %swap3A_808 = arith.constant 0 : index
    %swap3A_809 = tpu.vector_load %arg9[%swap3A_807, %swap3A_808] {strides = array<i32>} : memref<128x16xf32, #tpu.memory_space<vmem>>, vector<16xf32>,
    tpu.vector_store %arg9[%swap3A_807, %swap3A_808], %add3A_686 {strides = array<i32>} : memref<128x16xf32, #tpu.memory_space<vmem>>, vector<16xf32>,
    %swap3A_810 = arith.constant 31 : i32
    %swap3A_811 = arith.index_cast %swap3A_810 : i32 to index
    %swap3A_812 = arith.constant 0 : index
    %swap3A_813 = tpu.vector_load %arg9[%swap3A_811, %swap3A_812] {strides = array<i32>} : memref<128x16xf32, #tpu.memory_space<vmem>>, vector<16xf32>,
    tpu.vector_store %arg9[%swap3A_811, %swap3A_812], %add3A_686 {strides = array<i32>} : memref<128x16xf32, #tpu.memory_space<vmem>>, vector<16xf32>,
    %swap3A_814 = arith.constant 32 : i32
    %swap3A_815 = arith.index_cast %swap3A_814 : i32 to index
    %swap3A_816 = arith.constant 0 : index
    %swap3A_817 = tpu.vector_load %arg9[%swap3A_815, %swap3A_816] {strides = array<i32>} : memref<128x16xf32, #tpu.memory_space<vmem>>, vector<16xf32>,
    tpu.vector_store %arg9[%swap3A_815, %swap3A_816], %add3A_686 {strides = array<i32>} : memref<128x16xf32, #tpu.memory_space<vmem>>, vector<16xf32>,
    %swap3A_818 = arith.constant 33 : i32
    %swap3A_819 = arith.index_cast %swap3A_818 : i32 to index
    %swap3A_820 = arith.constant 0 : index
    %swap3A_821 = tpu.vector_load %arg9[%swap3A_819, %swap3A_820] {strides = array<i32>} : memref<128x16xf32, #tpu.memory_space<vmem>>, vector<16xf32>,
    tpu.vector_store %arg9[%swap3A_819, %swap3A_820], %add3A_686 {strides = array<i32>} : memref<128x16xf32, #tpu.memory_space<vmem>>, vector<16xf32>,
    %swap3A_822 = arith.constant 34 : i32
    %swap3A_823 = arith.index_cast %swap3A_822 : i32 to index
    %swap3A_824 = arith.constant 0 : index
    %swap3A_825 = tpu.vector_load %arg9[%swap3A_823, %swap3A_824] {strides = array<i32>} : memref<128x16xf32, #tpu.memory_space<vmem>>, vector<16xf32>,
    tpu.vector_store %arg9[%swap3A_823, %swap3A_824], %add3A_686 {strides = array<i32>} : memref<128x16xf32, #tpu.memory_space<vmem>>, vector<16xf32>,
    %swap3A_826 = arith.constant 35 : i32
    %swap3A_827 = arith.index_cast %swap3A_826 : i32 to index
    %swap3A_828 = arith.constant 0 : index
    %swap3A_829 = tpu.vector_load %arg9[%swap3A_827, %swap3A_828] {strides = array<i32>} : memref<128x16xf32, #tpu.memory_space<vmem>>, vector<16xf32>,
    tpu.vector_store %arg9[%swap3A_827, %swap3A_828], %add3A_686 {strides = array<i32>} : memref<128x16xf32, #tpu.memory_space<vmem>>, vector<16xf32>,
    %swap3A_830 = arith.constant 36 : i32
    %swap3A_831 = arith.index_cast %swap3A_830 : i32 to index
    %swap3A_832 = arith.constant 0 : index
    %swap3A_833 = tpu.vector_load %arg9[%swap3A_831, %swap3A_832] {strides = array<i32>} : memref<128x16xf32, #tpu.memory_space<vmem>>, vector<16xf32>,
    tpu.vector_store %arg9[%swap3A_831, %swap3A_832], %add3A_686 {strides = array<i32>} : memref<128x16xf32, #tpu.memory_space<vmem>>, vector<16xf32>,
    %swap3A_834 = arith.constant 37 : i32
    %swap3A_835 = arith.index_cast %swap3A_834 : i32 to index
    %swap3A_836 = arith.constant 0 : index
    %swap3A_837 = tpu.vector_load %arg9[%swap3A_835, %swap3A_836] {strides = array<i32>} : memref<128x16xf32, #tpu.memory_space<vmem>>, vector<16xf32>,
    tpu.vector_store %arg9[%swap3A_835, %swap3A_836], %add3A_686 {strides = array<i32>} : memref<128x16xf32, #tpu.memory_space<vmem>>, vector<16xf32>,
    %swap3A_838 = arith.constant 38 : i32
    %swap3A_839 = arith.index_cast %swap3A_838 : i32 to index
    %swap3A_840 = arith.constant 0 : index
    %swap3A_841 = tpu.vector_load %arg9[%swap3A_839, %swap3A_840] {strides = array<i32>} : memref<128x16xf32, #tpu.memory_space<vmem>>, vector<16xf32>,
    tpu.vector_store %arg9[%swap3A_839, %swap3A_840], %add3A_686 {strides = array<i32>} : memref<128x16xf32, #tpu.memory_space<vmem>>, vector<16xf32>,
    %swap3A_842 = arith.constant 39 : i32
    %swap3A_843 = arith.index_cast %swap3A_842 : i32 to index
    %swap3A_844 = arith.constant 0 : index
    %swap3A_845 = tpu.vector_load %arg9[%swap3A_843, %swap3A_844] {strides = array<i32>} : memref<128x16xf32, #tpu.memory_space<vmem>>, vector<16xf32>,
    tpu.vector_store %arg9[%swap3A_843, %swap3A_844], %add3A_686 {strides = array<i32>} : memref<128x16xf32, #tpu.memory_space<vmem>>, vector<16xf32>,
    %swap3A_846 = arith.constant 40 : i32
    %swap3A_847 = arith.index_cast %swap3A_846 : i32 to index
    %swap3A_848 = arith.constant 0 : index
    %swap3A_849 = tpu.vector_load %arg9[%swap3A_847, %swap3A_848] {strides = array<i32>} : memref<128x16xf32, #tpu.memory_space<vmem>>, vector<16xf32>,
    tpu.vector_store %arg9[%swap3A_847, %swap3A_848], %add3A_686 {strides = array<i32>} : memref<128x16xf32, #tpu.memory_space<vmem>>, vector<16xf32>,
    %swap3A_850 = arith.constant 41 : i32
    %swap3A_851 = arith.index_cast %swap3A_850 : i32 to index
    %swap3A_852 = arith.constant 0 : index
    %swap3A_853 = tpu.vector_load %arg9[%swap3A_851, %swap3A_852] {strides = array<i32>} : memref<128x16xf32, #tpu.memory_space<vmem>>, vector<16xf32>,
    tpu.vector_store %arg9[%swap3A_851, %swap3A_852], %add3A_686 {strides = array<i32>} : memref<128x16xf32, #tpu.memory_space<vmem>>, vector<16xf32>,
    %swap3A_854 = arith.constant 42 : i32
    %swap3A_855 = arith.index_cast %swap3A_854 : i32 to index
    %swap3A_856 = arith.constant 0 : index
    %swap3A_857 = tpu.vector_load %arg9[%swap3A_855, %swap3A_856] {strides = array<i32>} : memref<128x16xf32, #tpu.memory_space<vmem>>, vector<16xf32>,
    tpu.vector_store %arg9[%swap3A_855, %swap3A_856], %add3A_686 {strides = array<i32>} : memref<128x16xf32, #tpu.memory_space<vmem>>, vector<16xf32>,
    %swap3A_858 = arith.constant 43 : i32
    %swap3A_859 = arith.index_cast %swap3A_858 : i32 to index
    %swap3A_860 = arith.constant 0 : index
    %swap3A_861 = tpu.vector_load %arg9[%swap3A_859, %swap3A_860] {strides = array<i32>} : memref<128x16xf32, #tpu.memory_space<vmem>>, vector<16xf32>,
    tpu.vector_store %arg9[%swap3A_859, %swap3A_860], %add3A_686 {strides = array<i32>} : memref<128x16xf32, #tpu.memory_space<vmem>>, vector<16xf32>,
    %swap3A_862 = arith.constant 44 : i32
    %swap3A_863 = arith.index_cast %swap3A_862 : i32 to index
    %swap3A_864 = arith.constant 0 : index
    %swap3A_865 = tpu.vector_load %arg9[%swap3A_863, %swap3A_864] {strides = array<i32>} : memref<128x16xf32, #tpu.memory_space<vmem>>, vector<16xf32>,
    tpu.vector_store %arg9[%swap3A_863, %swap3A_864], %add3A_686 {strides = array<i32>} : memref<128x16xf32, #tpu.memory_space<vmem>>, vector<16xf32>,
    %swap3A_866 = arith.constant 45 : i32
    %swap3A_867 = arith.index_cast %swap3A_866 : i32 to index
    %swap3A_868 = arith.constant 0 : index
    %swap3A_869 = tpu.vector_load %arg9[%swap3A_867, %swap3A_868] {strides = array<i32>} : memref<128x16xf32, #tpu.memory_space<vmem>>, vector<16xf32>,
    tpu.vector_store %arg9[%swap3A_867, %swap3A_868], %add3A_686 {strides = array<i32>} : memref<128x16xf32, #tpu.memory_space<vmem>>, vector<16xf32>,
    %swap3A_870 = arith.constant 46 : i32
    %swap3A_871 = arith.index_cast %swap3A_870 : i32 to index
    %swap3A_872 = arith.constant 0 : index
    %swap3A_873 = tpu.vector_load %arg9[%swap3A_871, %swap3A_872] {strides = array<i32>} : memref<128x16xf32, #tpu.memory_space<vmem>>, vector<16xf32>,
    tpu.vector_store %arg9[%swap3A_871, %swap3A_872], %add3A_686 {strides = array<i32>} : memref<128x16xf32, #tpu.memory_space<vmem>>, vector<16xf32>,
    %swap3A_874 = arith.constant 47 : i32
    %swap3A_875 = arith.index_cast %swap3A_874 : i32 to index
    %swap3A_876 = arith.constant 0 : index
    %swap3A_877 = tpu.vector_load %arg9[%swap3A_875, %swap3A_876] {strides = array<i32>} : memref<128x16xf32, #tpu.memory_space<vmem>>, vector<16xf32>,
    tpu.vector_store %arg9[%swap3A_875, %swap3A_876], %add3A_686 {strides = array<i32>} : memref<128x16xf32, #tpu.memory_space<vmem>>, vector<16xf32>,
    %swap3A_878 = arith.constant 48 : i32
    %swap3A_879 = arith.index_cast %swap3A_878 : i32 to index
    %swap3A_880 = arith.constant 0 : index
    %swap3A_881 = tpu.vector_load %arg9[%swap3A_879, %swap3A_880] {strides = array<i32>} : memref<128x16xf32, #tpu.memory_space<vmem>>, vector<16xf32>,
    tpu.vector_store %arg9[%swap3A_879, %swap3A_880], %add3A_686 {strides = array<i32>} : memref<128x16xf32, #tpu.memory_space<vmem>>, vector<16xf32>,
    %swap3A_882 = arith.constant 49 : i32
    %swap3A_883 = arith.index_cast %swap3A_882 : i32 to index
    %swap3A_884 = arith.constant 0 : index
    %swap3A_885 = tpu.vector_load %arg9[%swap3A_883, %swap3A_884] {strides = array<i32>} : memref<128x16xf32, #tpu.memory_space<vmem>>, vector<16xf32>,
    tpu.vector_store %arg9[%swap3A_883, %swap3A_884], %add3A_686 {strides = array<i32>} : memref<128x16xf32, #tpu.memory_space<vmem>>, vector<16xf32>,
    %swap3A_886 = arith.constant 50 : i32
    %swap3A_887 = arith.index_cast %swap3A_886 : i32 to index
    %swap3A_888 = arith.constant 0 : index
    %swap3A_889 = tpu.vector_load %arg9[%swap3A_887, %swap3A_888] {strides = array<i32>} : memref<128x16xf32, #tpu.memory_space<vmem>>, vector<16xf32>,
    tpu.vector_store %arg9[%swap3A_887, %swap3A_888], %add3A_686 {strides = array<i32>} : memref<128x16xf32, #tpu.memory_space<vmem>>, vector<16xf32>,
    %swap3A_890 = arith.constant 51 : i32
    %swap3A_891 = arith.index_cast %swap3A_890 : i32 to index
    %swap3A_892 = arith.constant 0 : index
    %swap3A_893 = tpu.vector_load %arg9[%swap3A_891, %swap3A_892] {strides = array<i32>} : memref<128x16xf32, #tpu.memory_space<vmem>>, vector<16xf32>,
    tpu.vector_store %arg9[%swap3A_891, %swap3A_892], %add3A_686 {strides = array<i32>} : memref<128x16xf32, #tpu.memory_space<vmem>>, vector<16xf32>,
    %swap3A_894 = arith.constant 52 : i32
    %swap3A_895 = arith.index_cast %swap3A_894 : i32 to index
    %swap3A_896 = arith.constant 0 : index
    %swap3A_897 = tpu.vector_load %arg9[%swap3A_895, %swap3A_896] {strides = array<i32>} : memref<128x16xf32, #tpu.memory_space<vmem>>, vector<16xf32>,
    tpu.vector_store %arg9[%swap3A_895, %swap3A_896], %add3A_686 {strides = array<i32>} : memref<128x16xf32, #tpu.memory_space<vmem>>, vector<16xf32>,
    %swap3A_898 = arith.constant 53 : i32
    %swap3A_899 = arith.index_cast %swap3A_898 : i32 to index
    %swap3A_900 = arith.constant 0 : index
    %swap3A_901 = tpu.vector_load %arg9[%swap3A_899, %swap3A_900] {strides = array<i32>} : memref<128x16xf32, #tpu.memory_space<vmem>>, vector<16xf32>,
    tpu.vector_store %arg9[%swap3A_899, %swap3A_900], %add3A_686 {strides = array<i32>} : memref<128x16xf32, #tpu.memory_space<vmem>>, vector<16xf32>,
    %swap3A_902 = arith.constant 54 : i32
    %swap3A_903 = arith.index_cast %swap3A_902 : i32 to index
    %swap3A_904 = arith.constant 0 : index
    %swap3A_905 = tpu.vector_load %arg9[%swap3A_903, %swap3A_904] {strides = array<i32>} : memref<128x16xf32, #tpu.memory_space<vmem>>, vector<16xf32>,
    tpu.vector_store %arg9[%swap3A_903, %swap3A_904], %add3A_686 {strides = array<i32>} : memref<128x16xf32, #tpu.memory_space<vmem>>, vector<16xf32>,
    %swap3A_906 = arith.constant 55 : i32
    %swap3A_907 = arith.index_cast %swap3A_906 : i32 to index
    %swap3A_908 = arith.constant 0 : index
    %swap3A_909 = tpu.vector_load %arg9[%swap3A_907, %swap3A_908] {strides = array<i32>} : memref<128x16xf32, #tpu.memory_space<vmem>>, vector<16xf32>,
    tpu.vector_store %arg9[%swap3A_907, %swap3A_908], %add3A_686 {strides = array<i32>} : memref<128x16xf32, #tpu.memory_space<vmem>>, vector<16xf32>,
    %swap3A_910 = arith.constant 56 : i32
    %swap3A_911 = arith.index_cast %swap3A_910 : i32 to index
    %swap3A_912 = arith.constant 0 : index
    %swap3A_913 = tpu.vector_load %arg9[%swap3A_911, %swap3A_912] {strides = array<i32>} : memref<128x16xf32, #tpu.memory_space<vmem>>, vector<16xf32>,
    tpu.vector_store %arg9[%swap3A_911, %swap3A_912], %add3A_686 {strides = array<i32>} : memref<128x16xf32, #tpu.memory_space<vmem>>, vector<16xf32>,
    %swap3A_914 = arith.constant 57 : i32
    %swap3A_915 = arith.index_cast %swap3A_914 : i32 to index
    %swap3A_916 = arith.constant 0 : index
    %swap3A_917 = tpu.vector_load %arg9[%swap3A_915, %swap3A_916] {strides = array<i32>} : memref<128x16xf32, #tpu.memory_space<vmem>>, vector<16xf32>,
    tpu.vector_store %arg9[%swap3A_915, %swap3A_916], %add3A_686 {strides = array<i32>} : memref<128x16xf32, #tpu.memory_space<vmem>>, vector<16xf32>,
    %swap3A_918 = arith.constant 58 : i32
    %swap3A_919 = arith.index_cast %swap3A_918 : i32 to index
    %swap3A_920 = arith.constant 0 : index
    %swap3A_921 = tpu.vector_load %arg9[%swap3A_919, %swap3A_920] {strides = array<i32>} : memref<128x16xf32, #tpu.memory_space<vmem>>, vector<16xf32>,
    tpu.vector_store %arg9[%swap3A_919, %swap3A_920], %add3A_686 {strides = array<i32>} : memref<128x16xf32, #tpu.memory_space<vmem>>, vector<16xf32>,
    %swap3A_922 = arith.constant 59 : i32
    %swap3A_923 = arith.index_cast %swap3A_922 : i32 to index
    %swap3A_924 = arith.constant 0 : index
    %swap3A_925 = tpu.vector_load %arg9[%swap3A_923, %swap3A_924] {strides = array<i32>} : memref<128x16xf32, #tpu.memory_space<vmem>>, vector<16xf32>,
    tpu.vector_store %arg9[%swap3A_923, %swap3A_924], %add3A_686 {strides = array<i32>} : memref<128x16xf32, #tpu.memory_space<vmem>>, vector<16xf32>,
    %swap3A_926 = arith.constant 60 : i32
    %swap3A_927 = arith.index_cast %swap3A_926 : i32 to index
    %swap3A_928 = arith.constant 0 : index
    %swap3A_929 = tpu.vector_load %arg9[%swap3A_927, %swap3A_928] {strides = array<i32>} : memref<128x16xf32, #tpu.memory_space<vmem>>, vector<16xf32>,
    tpu.vector_store %arg9[%swap3A_927, %swap3A_928], %add3A_686 {strides = array<i32>} : memref<128x16xf32, #tpu.memory_space<vmem>>, vector<16xf32>,
    %swap3A_930 = arith.constant 61 : i32
    %swap3A_931 = arith.index_cast %swap3A_930 : i32 to index
    %swap3A_932 = arith.constant 0 : index
    %swap3A_933 = tpu.vector_load %arg9[%swap3A_931, %swap3A_932] {strides = array<i32>} : memref<128x16xf32, #tpu.memory_space<vmem>>, vector<16xf32>,
    tpu.vector_store %arg9[%swap3A_931, %swap3A_932], %add3A_686 {strides = array<i32>} : memref<128x16xf32, #tpu.memory_space<vmem>>, vector<16xf32>,
    %swap3A_934 = arith.constant 62 : i32
    %swap3A_935 = arith.index_cast %swap3A_934 : i32 to index
    %swap3A_936 = arith.constant 0 : index
    %swap3A_937 = tpu.vector_load %arg9[%swap3A_935, %swap3A_936] {strides = array<i32>} : memref<128x16xf32, #tpu.memory_space<vmem>>, vector<16xf32>,
    tpu.vector_store %arg9[%swap3A_935, %swap3A_936], %add3A_686 {strides = array<i32>} : memref<128x16xf32, #tpu.memory_space<vmem>>, vector<16xf32>,
    %swap3A_938 = arith.constant 63 : i32
    %swap3A_939 = arith.index_cast %swap3A_938 : i32 to index
    %swap3A_940 = arith.constant 0 : index
    %swap3A_941 = tpu.vector_load %arg9[%swap3A_939, %swap3A_940] {strides = array<i32>} : memref<128x16xf32, #tpu.memory_space<vmem>>, vector<16xf32>,
    tpu.vector_store %arg9[%swap3A_939, %swap3A_940], %add3A_686 {strides = array<i32>} : memref<128x16xf32, #tpu.memory_space<vmem>>, vector<16xf32>,
    %swap3A_942 = arith.constant 64 : i32
    %swap3A_943 = arith.index_cast %swap3A_942 : i32 to index
    %swap3A_944 = arith.constant 0 : index
    %swap3A_945 = tpu.vector_load %arg9[%swap3A_943, %swap3A_944] {strides = array<i32>} : memref<128x16xf32, #tpu.memory_space<vmem>>, vector<16xf32>,
    tpu.vector_store %arg9[%swap3A_943, %swap3A_944], %add3A_686 {strides = array<i32>} : memref<128x16xf32, #tpu.memory_space<vmem>>, vector<16xf32>,
    %swap3A_946 = arith.constant 65 : i32
    %swap3A_947 = arith.index_cast %swap3A_946 : i32 to index
    %swap3A_948 = arith.constant 0 : index
    %swap3A_949 = tpu.vector_load %arg9[%swap3A_947, %swap3A_948] {strides = array<i32>} : memref<128x16xf32, #tpu.memory_space<vmem>>, vector<16xf32>,
    tpu.vector_store %arg9[%swap3A_947, %swap3A_948], %add3A_686 {strides = array<i32>} : memref<128x16xf32, #tpu.memory_space<vmem>>, vector<16xf32>,
    %swap3A_950 = arith.constant 66 : i32
    %swap3A_951 = arith.index_cast %swap3A_950 : i32 to index
    %swap3A_952 = arith.constant 0 : index
    %swap3A_953 = tpu.vector_load %arg9[%swap3A_951, %swap3A_952] {strides = array<i32>} : memref<128x16xf32, #tpu.memory_space<vmem>>, vector<16xf32>,
    tpu.vector_store %arg9[%swap3A_951, %swap3A_952], %add3A_686 {strides = array<i32>} : memref<128x16xf32, #tpu.memory_space<vmem>>, vector<16xf32>,
    %swap3A_954 = arith.constant 67 : i32
    %swap3A_955 = arith.index_cast %swap3A_954 : i32 to index
    %swap3A_956 = arith.constant 0 : index
    %swap3A_957 = tpu.vector_load %arg9[%swap3A_955, %swap3A_956] {strides = array<i32>} : memref<128x16xf32, #tpu.memory_space<vmem>>, vector<16xf32>,
    tpu.vector_store %arg9[%swap3A_955, %swap3A_956], %add3A_686 {strides = array<i32>} : memref<128x16xf32, #tpu.memory_space<vmem>>, vector<16xf32>,
    %swap3A_958 = arith.constant 68 : i32
    %swap3A_959 = arith.index_cast %swap3A_958 : i32 to index
    %swap3A_960 = arith.constant 0 : index
    %swap3A_961 = tpu.vector_load %arg9[%swap3A_959, %swap3A_960] {strides = array<i32>} : memref<128x16xf32, #tpu.memory_space<vmem>>, vector<16xf32>,
    tpu.vector_store %arg9[%swap3A_959, %swap3A_960], %add3A_686 {strides = array<i32>} : memref<128x16xf32, #tpu.memory_space<vmem>>, vector<16xf32>,
    %swap3A_962 = arith.constant 69 : i32
    %swap3A_963 = arith.index_cast %swap3A_962 : i32 to index
    %swap3A_964 = arith.constant 0 : index
    %swap3A_965 = tpu.vector_load %arg9[%swap3A_963, %swap3A_964] {strides = array<i32>} : memref<128x16xf32, #tpu.memory_space<vmem>>, vector<16xf32>,
    tpu.vector_store %arg9[%swap3A_963, %swap3A_964], %add3A_686 {strides = array<i32>} : memref<128x16xf32, #tpu.memory_space<vmem>>, vector<16xf32>,
    %swap3A_966 = arith.constant 70 : i32
    %swap3A_967 = arith.index_cast %swap3A_966 : i32 to index
    %swap3A_968 = arith.constant 0 : index
    %swap3A_969 = tpu.vector_load %arg9[%swap3A_967, %swap3A_968] {strides = array<i32>} : memref<128x16xf32, #tpu.memory_space<vmem>>, vector<16xf32>,
    tpu.vector_store %arg9[%swap3A_967, %swap3A_968], %add3A_686 {strides = array<i32>} : memref<128x16xf32, #tpu.memory_space<vmem>>, vector<16xf32>,
    %swap3A_970 = arith.constant 71 : i32
    %swap3A_971 = arith.index_cast %swap3A_970 : i32 to index
    %swap3A_972 = arith.constant 0 : index
    %swap3A_973 = tpu.vector_load %arg9[%swap3A_971, %swap3A_972] {strides = array<i32>} : memref<128x16xf32, #tpu.memory_space<vmem>>, vector<16xf32>,
    tpu.vector_store %arg9[%swap3A_971, %swap3A_972], %add3A_686 {strides = array<i32>} : memref<128x16xf32, #tpu.memory_space<vmem>>, vector<16xf32>,
    %swap3A_974 = arith.constant 72 : i32
    %swap3A_975 = arith.index_cast %swap3A_974 : i32 to index
    %swap3A_976 = arith.constant 0 : index
    %swap3A_977 = tpu.vector_load %arg9[%swap3A_975, %swap3A_976] {strides = array<i32>} : memref<128x16xf32, #tpu.memory_space<vmem>>, vector<16xf32>,
    tpu.vector_store %arg9[%swap3A_975, %swap3A_976], %add3A_686 {strides = array<i32>} : memref<128x16xf32, #tpu.memory_space<vmem>>, vector<16xf32>,
    %swap3A_978 = arith.constant 73 : i32
    %swap3A_979 = arith.index_cast %swap3A_978 : i32 to index
    %swap3A_980 = arith.constant 0 : index
    %swap3A_981 = tpu.vector_load %arg9[%swap3A_979, %swap3A_980] {strides = array<i32>} : memref<128x16xf32, #tpu.memory_space<vmem>>, vector<16xf32>,
    tpu.vector_store %arg9[%swap3A_979, %swap3A_980], %add3A_686 {strides = array<i32>} : memref<128x16xf32, #tpu.memory_space<vmem>>, vector<16xf32>,
    %swap3A_982 = arith.constant 74 : i32
    %swap3A_983 = arith.index_cast %swap3A_982 : i32 to index
    %swap3A_984 = arith.constant 0 : index
    %swap3A_985 = tpu.vector_load %arg9[%swap3A_983, %swap3A_984] {strides = array<i32>} : memref<128x16xf32, #tpu.memory_space<vmem>>, vector<16xf32>,
    tpu.vector_store %arg9[%swap3A_983, %swap3A_984], %add3A_686 {strides = array<i32>} : memref<128x16xf32, #tpu.memory_space<vmem>>, vector<16xf32>,
    %swap3A_986 = arith.constant 75 : i32
    %swap3A_987 = arith.index_cast %swap3A_986 : i32 to index
    %swap3A_988 = arith.constant 0 : index
    %swap3A_989 = tpu.vector_load %arg9[%swap3A_987, %swap3A_988] {strides = array<i32>} : memref<128x16xf32, #tpu.memory_space<vmem>>, vector<16xf32>,
    tpu.vector_store %arg9[%swap3A_987, %swap3A_988], %add3A_686 {strides = array<i32>} : memref<128x16xf32, #tpu.memory_space<vmem>>, vector<16xf32>,
    %swap3A_990 = arith.constant 76 : i32
    %swap3A_991 = arith.index_cast %swap3A_990 : i32 to index
    %swap3A_992 = arith.constant 0 : index
    %swap3A_993 = tpu.vector_load %arg9[%swap3A_991, %swap3A_992] {strides = array<i32>} : memref<128x16xf32, #tpu.memory_space<vmem>>, vector<16xf32>,
    tpu.vector_store %arg9[%swap3A_991, %swap3A_992], %add3A_686 {strides = array<i32>} : memref<128x16xf32, #tpu.memory_space<vmem>>, vector<16xf32>,
    %swap3A_994 = arith.constant 77 : i32
    %swap3A_995 = arith.index_cast %swap3A_994 : i32 to index
    %swap3A_996 = arith.constant 0 : index
    %swap3A_997 = tpu.vector_load %arg9[%swap3A_995, %swap3A_996] {strides = array<i32>} : memref<128x16xf32, #tpu.memory_space<vmem>>, vector<16xf32>,
    tpu.vector_store %arg9[%swap3A_995, %swap3A_996], %add3A_686 {strides = array<i32>} : memref<128x16xf32, #tpu.memory_space<vmem>>, vector<16xf32>,
    %swap3A_998 = arith.constant 78 : i32
    %swap3A_999 = arith.index_cast %swap3A_998 : i32 to index
    %swap3A_1000 = arith.constant 0 : index
    %swap3A_1001 = tpu.vector_load %arg9[%swap3A_999, %swap3A_1000] {strides = array<i32>} : memref<128x16xf32, #tpu.memory_space<vmem>>, vector<16xf32>,
    tpu.vector_store %arg9[%swap3A_999, %swap3A_1000], %add3A_686 {strides = array<i32>} : memref<128x16xf32, #tpu.memory_space<vmem>>, vector<16xf32>,
    %swap3A_1002 = arith.constant 79 : i32
    %swap3A_1003 = arith.index_cast %swap3A_1002 : i32 to index
    %swap3A_1004 = arith.constant 0 : index
    %swap3A_1005 = tpu.vector_load %arg9[%swap3A_1003, %swap3A_1004] {strides = array<i32>} : memref<128x16xf32, #tpu.memory_space<vmem>>, vector<16xf32>,
    tpu.vector_store %arg9[%swap3A_1003, %swap3A_1004], %add3A_686 {strides = array<i32>} : memref<128x16xf32, #tpu.memory_space<vmem>>, vector<16xf32>,
    %swap3A_1006 = arith.constant 80 : i32
    %swap3A_1007 = arith.index_cast %swap3A_1006 : i32 to index
    %swap3A_1008 = arith.constant 0 : index
    %swap3A_1009 = tpu.vector_load %arg9[%swap3A_1007, %swap3A_1008] {strides = array<i32>} : memref<128x16xf32, #tpu.memory_space<vmem>>, vector<16xf32>,
    tpu.vector_store %arg9[%swap3A_1007, %swap3A_1008], %add3A_686 {strides = array<i32>} : memref<128x16xf32, #tpu.memory_space<vmem>>, vector<16xf32>,
    %swap3A_1010 = arith.constant 81 : i32
    %swap3A_1011 = arith.index_cast %swap3A_1010 : i32 to index
    %swap3A_1012 = arith.constant 0 : index
    %swap3A_1013 = tpu.vector_load %arg9[%swap3A_1011, %swap3A_1012] {strides = array<i32>} : memref<128x16xf32, #tpu.memory_space<vmem>>, vector<16xf32>,
    tpu.vector_store %arg9[%swap3A_1011, %swap3A_1012], %add3A_686 {strides = array<i32>} : memref<128x16xf32, #tpu.memory_space<vmem>>, vector<16xf32>,
    %swap3A_1014 = arith.constant 82 : i32
    %swap3A_1015 = arith.index_cast %swap3A_1014 : i32 to index
    %swap3A_1016 = arith.constant 0 : index
    %swap3A_1017 = tpu.vector_load %arg9[%swap3A_1015, %swap3A_1016] {strides = array<i32>} : memref<128x16xf32, #tpu.memory_space<vmem>>, vector<16xf32>,
    tpu.vector_store %arg9[%swap3A_1015, %swap3A_1016], %add3A_686 {strides = array<i32>} : memref<128x16xf32, #tpu.memory_space<vmem>>, vector<16xf32>,
    %swap3A_1018 = arith.constant 83 : i32
    %swap3A_1019 = arith.index_cast %swap3A_1018 : i32 to index
    %swap3A_1020 = arith.constant 0 : index
    %swap3A_1021 = tpu.vector_load %arg9[%swap3A_1019, %swap3A_1020] {strides = array<i32>} : memref<128x16xf32, #tpu.memory_space<vmem>>, vector<16xf32>,
    tpu.vector_store %arg9[%swap3A_1019, %swap3A_1020], %add3A_686 {strides = array<i32>} : memref<128x16xf32, #tpu.memory_space<vmem>>, vector<16xf32>,
    %swap3A_1022 = arith.constant 84 : i32
    %swap3A_1023 = arith.index_cast %swap3A_1022 : i32 to index
    %swap3A_1024 = arith.constant 0 : index
    %swap3A_1025 = tpu.vector_load %arg9[%swap3A_1023, %swap3A_1024] {strides = array<i32>} : memref<128x16xf32, #tpu.memory_space<vmem>>, vector<16xf32>,
    tpu.vector_store %arg9[%swap3A_1023, %swap3A_1024], %add3A_686 {strides = array<i32>} : memref<128x16xf32, #tpu.memory_space<vmem>>, vector<16xf32>,
    %swap3A_1026 = arith.constant 85 : i32
    %swap3A_1027 = arith.index_cast %swap3A_1026 : i32 to index
    %swap3A_1028 = arith.constant 0 : index
    %swap3A_1029 = tpu.vector_load %arg9[%swap3A_1027, %swap3A_1028] {strides = array<i32>} : memref<128x16xf32, #tpu.memory_space<vmem>>, vector<16xf32>,
    tpu.vector_store %arg9[%swap3A_1027, %swap3A_1028], %add3A_686 {strides = array<i32>} : memref<128x16xf32, #tpu.memory_space<vmem>>, vector<16xf32>,
    %swap3A_1030 = arith.constant 86 : i32
    %swap3A_1031 = arith.index_cast %swap3A_1030 : i32 to index
    %swap3A_1032 = arith.constant 0 : index
    %swap3A_1033 = tpu.vector_load %arg9[%swap3A_1031, %swap3A_1032] {strides = array<i32>} : memref<128x16xf32, #tpu.memory_space<vmem>>, vector<16xf32>,
    tpu.vector_store %arg9[%swap3A_1031, %swap3A_1032], %add3A_686 {strides = array<i32>} : memref<128x16xf32, #tpu.memory_space<vmem>>, vector<16xf32>,
    %swap3A_1034 = arith.constant 87 : i32
    %swap3A_1035 = arith.index_cast %swap3A_1034 : i32 to index
    %swap3A_1036 = arith.constant 0 : index
    %swap3A_1037 = tpu.vector_load %arg9[%swap3A_1035, %swap3A_1036] {strides = array<i32>} : memref<128x16xf32, #tpu.memory_space<vmem>>, vector<16xf32>,
    tpu.vector_store %arg9[%swap3A_1035, %swap3A_1036], %add3A_686 {strides = array<i32>} : memref<128x16xf32, #tpu.memory_space<vmem>>, vector<16xf32>,
    %swap3A_1038 = arith.constant 88 : i32
    %swap3A_1039 = arith.index_cast %swap3A_1038 : i32 to index
    %swap3A_1040 = arith.constant 0 : index
    %swap3A_1041 = tpu.vector_load %arg9[%swap3A_1039, %swap3A_1040] {strides = array<i32>} : memref<128x16xf32, #tpu.memory_space<vmem>>, vector<16xf32>,
    tpu.vector_store %arg9[%swap3A_1039, %swap3A_1040], %add3A_686 {strides = array<i32>} : memref<128x16xf32, #tpu.memory_space<vmem>>, vector<16xf32>,
    %swap3A_1042 = arith.constant 89 : i32
    %swap3A_1043 = arith.index_cast %swap3A_1042 : i32 to index
    %swap3A_1044 = arith.constant 0 : index
    %swap3A_1045 = tpu.vector_load %arg9[%swap3A_1043, %swap3A_1044] {strides = array<i32>} : memref<128x16xf32, #tpu.memory_space<vmem>>, vector<16xf32>,
    tpu.vector_store %arg9[%swap3A_1043, %swap3A_1044], %add3A_686 {strides = array<i32>} : memref<128x16xf32, #tpu.memory_space<vmem>>, vector<16xf32>,
    %swap3A_1046 = arith.constant 90 : i32
    %swap3A_1047 = arith.index_cast %swap3A_1046 : i32 to index
    %swap3A_1048 = arith.constant 0 : index
    %swap3A_1049 = tpu.vector_load %arg9[%swap3A_1047, %swap3A_1048] {strides = array<i32>} : memref<128x16xf32, #tpu.memory_space<vmem>>, vector<16xf32>,
    tpu.vector_store %arg9[%swap3A_1047, %swap3A_1048], %add3A_686 {strides = array<i32>} : memref<128x16xf32, #tpu.memory_space<vmem>>, vector<16xf32>,
    %swap3A_1050 = arith.constant 91 : i32
    %swap3A_1051 = arith.index_cast %swap3A_1050 : i32 to index
    %swap3A_1052 = arith.constant 0 : index
    %swap3A_1053 = tpu.vector_load %arg9[%swap3A_1051, %swap3A_1052] {strides = array<i32>} : memref<128x16xf32, #tpu.memory_space<vmem>>, vector<16xf32>,
    tpu.vector_store %arg9[%swap3A_1051, %swap3A_1052], %add3A_686 {strides = array<i32>} : memref<128x16xf32, #tpu.memory_space<vmem>>, vector<16xf32>,
    %swap3A_1054 = arith.constant 92 : i32
    %swap3A_1055 = arith.index_cast %swap3A_1054 : i32 to index
    %swap3A_1056 = arith.constant 0 : index
    %swap3A_1057 = tpu.vector_load %arg9[%swap3A_1055, %swap3A_1056] {strides = array<i32>} : memref<128x16xf32, #tpu.memory_space<vmem>>, vector<16xf32>,
    tpu.vector_store %arg9[%swap3A_1055, %swap3A_1056], %add3A_686 {strides = array<i32>} : memref<128x16xf32, #tpu.memory_space<vmem>>, vector<16xf32>,
    %swap3A_1058 = arith.constant 93 : i32
    %swap3A_1059 = arith.index_cast %swap3A_1058 : i32 to index
    %swap3A_1060 = arith.constant 0 : index
    %swap3A_1061 = tpu.vector_load %arg9[%swap3A_1059, %swap3A_1060] {strides = array<i32>} : memref<128x16xf32, #tpu.memory_space<vmem>>, vector<16xf32>,
    tpu.vector_store %arg9[%swap3A_1059, %swap3A_1060], %add3A_686 {strides = array<i32>} : memref<128x16xf32, #tpu.memory_space<vmem>>, vector<16xf32>,
    %swap3A_1062 = arith.constant 94 : i32
    %swap3A_1063 = arith.index_cast %swap3A_1062 : i32 to index
    %swap3A_1064 = arith.constant 0 : index
    %swap3A_1065 = tpu.vector_load %arg9[%swap3A_1063, %swap3A_1064] {strides = array<i32>} : memref<128x16xf32, #tpu.memory_space<vmem>>, vector<16xf32>,
    tpu.vector_store %arg9[%swap3A_1063, %swap3A_1064], %add3A_686 {strides = array<i32>} : memref<128x16xf32, #tpu.memory_space<vmem>>, vector<16xf32>,
    %swap3A_1066 = arith.constant 95 : i32
    %swap3A_1067 = arith.index_cast %swap3A_1066 : i32 to index
    %swap3A_1068 = arith.constant 0 : index
    %swap3A_1069 = tpu.vector_load %arg9[%swap3A_1067, %swap3A_1068] {strides = array<i32>} : memref<128x16xf32, #tpu.memory_space<vmem>>, vector<16xf32>,
    tpu.vector_store %arg9[%swap3A_1067, %swap3A_1068], %add3A_686 {strides = array<i32>} : memref<128x16xf32, #tpu.memory_space<vmem>>, vector<16xf32>,
    %swap3A_1070 = arith.constant 96 : i32
    %swap3A_1071 = arith.index_cast %swap3A_1070 : i32 to index
    %swap3A_1072 = arith.constant 0 : index
    %swap3A_1073 = tpu.vector_load %arg9[%swap3A_1071, %swap3A_1072] {strides = array<i32>} : memref<128x16xf32, #tpu.memory_space<vmem>>, vector<16xf32>,
    tpu.vector_store %arg9[%swap3A_1071, %swap3A_1072], %add3A_686 {strides = array<i32>} : memref<128x16xf32, #tpu.memory_space<vmem>>, vector<16xf32>,
    %swap3A_1074 = arith.constant 97 : i32
    %swap3A_1075 = arith.index_cast %swap3A_1074 : i32 to index
    %swap3A_1076 = arith.constant 0 : index
    %swap3A_1077 = tpu.vector_load %arg9[%swap3A_1075, %swap3A_1076] {strides = array<i32>} : memref<128x16xf32, #tpu.memory_space<vmem>>, vector<16xf32>,
    tpu.vector_store %arg9[%swap3A_1075, %swap3A_1076], %add3A_686 {strides = array<i32>} : memref<128x16xf32, #tpu.memory_space<vmem>>, vector<16xf32>,
    %swap3A_1078 = arith.constant 98 : i32
    %swap3A_1079 = arith.index_cast %swap3A_1078 : i32 to index
    %swap3A_1080 = arith.constant 0 : index
    %swap3A_1081 = tpu.vector_load %arg9[%swap3A_1079, %swap3A_1080] {strides = array<i32>} : memref<128x16xf32, #tpu.memory_space<vmem>>, vector<16xf32>,
    tpu.vector_store %arg9[%swap3A_1079, %swap3A_1080], %add3A_686 {strides = array<i32>} : memref<128x16xf32, #tpu.memory_space<vmem>>, vector<16xf32>,
    %swap3A_1082 = arith.constant 99 : i32
    %swap3A_1083 = arith.index_cast %swap3A_1082 : i32 to index
    %swap3A_1084 = arith.constant 0 : index
    %swap3A_1085 = tpu.vector_load %arg9[%swap3A_1083, %swap3A_1084] {strides = array<i32>} : memref<128x16xf32, #tpu.memory_space<vmem>>, vector<16xf32>,
    tpu.vector_store %arg9[%swap3A_1083, %swap3A_1084], %add3A_686 {strides = array<i32>} : memref<128x16xf32, #tpu.memory_space<vmem>>, vector<16xf32>,
    %swap3A_1086 = arith.constant 100 : i32
    %swap3A_1087 = arith.index_cast %swap3A_1086 : i32 to index
    %swap3A_1088 = arith.constant 0 : index
    %swap3A_1089 = tpu.vector_load %arg9[%swap3A_1087, %swap3A_1088] {strides = array<i32>} : memref<128x16xf32, #tpu.memory_space<vmem>>, vector<16xf32>,
    tpu.vector_store %arg9[%swap3A_1087, %swap3A_1088], %add3A_686 {strides = array<i32>} : memref<128x16xf32, #tpu.memory_space<vmem>>, vector<16xf32>,
    %swap3A_1090 = arith.constant 101 : i32
    %swap3A_1091 = arith.index_cast %swap3A_1090 : i32 to index
    %swap3A_1092 = arith.constant 0 : index
    %swap3A_1093 = tpu.vector_load %arg9[%swap3A_1091, %swap3A_1092] {strides = array<i32>} : memref<128x16xf32, #tpu.memory_space<vmem>>, vector<16xf32>,
    tpu.vector_store %arg9[%swap3A_1091, %swap3A_1092], %add3A_686 {strides = array<i32>} : memref<128x16xf32, #tpu.memory_space<vmem>>, vector<16xf32>,
    %swap3A_1094 = arith.constant 102 : i32
    %swap3A_1095 = arith.index_cast %swap3A_1094 : i32 to index
    %swap3A_1096 = arith.constant 0 : index
    %swap3A_1097 = tpu.vector_load %arg9[%swap3A_1095, %swap3A_1096] {strides = array<i32>} : memref<128x16xf32, #tpu.memory_space<vmem>>, vector<16xf32>,
    tpu.vector_store %arg9[%swap3A_1095, %swap3A_1096], %add3A_686 {strides = array<i32>} : memref<128x16xf32, #tpu.memory_space<vmem>>, vector<16xf32>,
    %swap3A_1098 = arith.constant 103 : i32
    %swap3A_1099 = arith.index_cast %swap3A_1098 : i32 to index
    %swap3A_1100 = arith.constant 0 : index
    %swap3A_1101 = tpu.vector_load %arg9[%swap3A_1099, %swap3A_1100] {strides = array<i32>} : memref<128x16xf32, #tpu.memory_space<vmem>>, vector<16xf32>,
    tpu.vector_store %arg9[%swap3A_1099, %swap3A_1100], %add3A_686 {strides = array<i32>} : memref<128x16xf32, #tpu.memory_space<vmem>>, vector<16xf32>,
    %swap3A_1102 = arith.constant 104 : i32
    %swap3A_1103 = arith.index_cast %swap3A_1102 : i32 to index
    %swap3A_1104 = arith.constant 0 : index
    %swap3A_1105 = tpu.vector_load %arg9[%swap3A_1103, %swap3A_1104] {strides = array<i32>} : memref<128x16xf32, #tpu.memory_space<vmem>>, vector<16xf32>,
    tpu.vector_store %arg9[%swap3A_1103, %swap3A_1104], %add3A_686 {strides = array<i32>} : memref<128x16xf32, #tpu.memory_space<vmem>>, vector<16xf32>,
    %swap3A_1106 = arith.constant 105 : i32
    %swap3A_1107 = arith.index_cast %swap3A_1106 : i32 to index
    %swap3A_1108 = arith.constant 0 : index
    %swap3A_1109 = tpu.vector_load %arg9[%swap3A_1107, %swap3A_1108] {strides = array<i32>} : memref<128x16xf32, #tpu.memory_space<vmem>>, vector<16xf32>,
    tpu.vector_store %arg9[%swap3A_1107, %swap3A_1108], %add3A_686 {strides = array<i32>} : memref<128x16xf32, #tpu.memory_space<vmem>>, vector<16xf32>,
    %swap3A_1110 = arith.constant 106 : i32
    %swap3A_1111 = arith.index_cast %swap3A_1110 : i32 to index
    %swap3A_1112 = arith.constant 0 : index
    %swap3A_1113 = tpu.vector_load %arg9[%swap3A_1111, %swap3A_1112] {strides = array<i32>} : memref<128x16xf32, #tpu.memory_space<vmem>>, vector<16xf32>,
    tpu.vector_store %arg9[%swap3A_1111, %swap3A_1112], %add3A_686 {strides = array<i32>} : memref<128x16xf32, #tpu.memory_space<vmem>>, vector<16xf32>,
    %swap3A_1114 = arith.constant 107 : i32
    %swap3A_1115 = arith.index_cast %swap3A_1114 : i32 to index
    %swap3A_1116 = arith.constant 0 : index
    %swap3A_1117 = tpu.vector_load %arg9[%swap3A_1115, %swap3A_1116] {strides = array<i32>} : memref<128x16xf32, #tpu.memory_space<vmem>>, vector<16xf32>,
    tpu.vector_store %arg9[%swap3A_1115, %swap3A_1116], %add3A_686 {strides = array<i32>} : memref<128x16xf32, #tpu.memory_space<vmem>>, vector<16xf32>,
    %swap3A_1118 = arith.constant 108 : i32
    %swap3A_1119 = arith.index_cast %swap3A_1118 : i32 to index
    %swap3A_1120 = arith.constant 0 : index
    %swap3A_1121 = tpu.vector_load %arg9[%swap3A_1119, %swap3A_1120] {strides = array<i32>} : memref<128x16xf32, #tpu.memory_space<vmem>>, vector<16xf32>,
    tpu.vector_store %arg9[%swap3A_1119, %swap3A_1120], %add3A_686 {strides = array<i32>} : memref<128x16xf32, #tpu.memory_space<vmem>>, vector<16xf32>,
    %swap3A_1122 = arith.constant 109 : i32
    %swap3A_1123 = arith.index_cast %swap3A_1122 : i32 to index
    %swap3A_1124 = arith.constant 0 : index
    %swap3A_1125 = tpu.vector_load %arg9[%swap3A_1123, %swap3A_1124] {strides = array<i32>} : memref<128x16xf32, #tpu.memory_space<vmem>>, vector<16xf32>,
    tpu.vector_store %arg9[%swap3A_1123, %swap3A_1124], %add3A_686 {strides = array<i32>} : memref<128x16xf32, #tpu.memory_space<vmem>>, vector<16xf32>,
    %swap3A_1126 = arith.constant 110 : i32
    %swap3A_1127 = arith.index_cast %swap3A_1126 : i32 to index
    %swap3A_1128 = arith.constant 0 : index
    %swap3A_1129 = tpu.vector_load %arg9[%swap3A_1127, %swap3A_1128] {strides = array<i32>} : memref<128x16xf32, #tpu.memory_space<vmem>>, vector<16xf32>,
    tpu.vector_store %arg9[%swap3A_1127, %swap3A_1128], %add3A_686 {strides = array<i32>} : memref<128x16xf32, #tpu.memory_space<vmem>>, vector<16xf32>,
    %swap3A_1130 = arith.constant 111 : i32
    %swap3A_1131 = arith.index_cast %swap3A_1130 : i32 to index
    %swap3A_1132 = arith.constant 0 : index
    %swap3A_1133 = tpu.vector_load %arg9[%swap3A_1131, %swap3A_1132] {strides = array<i32>} : memref<128x16xf32, #tpu.memory_space<vmem>>, vector<16xf32>,
    tpu.vector_store %arg9[%swap3A_1131, %swap3A_1132], %add3A_686 {strides = array<i32>} : memref<128x16xf32, #tpu.memory_space<vmem>>, vector<16xf32>,
    %swap3A_1134 = arith.constant 112 : i32
    %swap3A_1135 = arith.index_cast %swap3A_1134 : i32 to index
    %swap3A_1136 = arith.constant 0 : index
    %swap3A_1137 = tpu.vector_load %arg9[%swap3A_1135, %swap3A_1136] {strides = array<i32>} : memref<128x16xf32, #tpu.memory_space<vmem>>, vector<16xf32>,
    tpu.vector_store %arg9[%swap3A_1135, %swap3A_1136], %add3A_686 {strides = array<i32>} : memref<128x16xf32, #tpu.memory_space<vmem>>, vector<16xf32>,
    %swap3A_1138 = arith.constant 113 : i32
    %swap3A_1139 = arith.index_cast %swap3A_1138 : i32 to index
    %swap3A_1140 = arith.constant 0 : index
    %swap3A_1141 = tpu.vector_load %arg9[%swap3A_1139, %swap3A_1140] {strides = array<i32>} : memref<128x16xf32, #tpu.memory_space<vmem>>, vector<16xf32>,
    tpu.vector_store %arg9[%swap3A_1139, %swap3A_1140], %add3A_686 {strides = array<i32>} : memref<128x16xf32, #tpu.memory_space<vmem>>, vector<16xf32>,
    %swap3A_1142 = arith.constant 114 : i32
    %swap3A_1143 = arith.index_cast %swap3A_1142 : i32 to index
    %swap3A_1144 = arith.constant 0 : index
    %swap3A_1145 = tpu.vector_load %arg9[%swap3A_1143, %swap3A_1144] {strides = array<i32>} : memref<128x16xf32, #tpu.memory_space<vmem>>, vector<16xf32>,
    tpu.vector_store %arg9[%swap3A_1143, %swap3A_1144], %add3A_686 {strides = array<i32>} : memref<128x16xf32, #tpu.memory_space<vmem>>, vector<16xf32>,
    %swap3A_1146 = arith.constant 115 : i32
    %swap3A_1147 = arith.index_cast %swap3A_1146 : i32 to index
    %swap3A_1148 = arith.constant 0 : index
    %swap3A_1149 = tpu.vector_load %arg9[%swap3A_1147, %swap3A_1148] {strides = array<i32>} : memref<128x16xf32, #tpu.memory_space<vmem>>, vector<16xf32>,
    tpu.vector_store %arg9[%swap3A_1147, %swap3A_1148], %add3A_686 {strides = array<i32>} : memref<128x16xf32, #tpu.memory_space<vmem>>, vector<16xf32>,
    %swap3A_1150 = arith.constant 116 : i32
    %swap3A_1151 = arith.index_cast %swap3A_1150 : i32 to index
    %swap3A_1152 = arith.constant 0 : index
    %swap3A_1153 = tpu.vector_load %arg9[%swap3A_1151, %swap3A_1152] {strides = array<i32>} : memref<128x16xf32, #tpu.memory_space<vmem>>, vector<16xf32>,
    tpu.vector_store %arg9[%swap3A_1151, %swap3A_1152], %add3A_686 {strides = array<i32>} : memref<128x16xf32, #tpu.memory_space<vmem>>, vector<16xf32>,
    %swap3A_1154 = arith.constant 117 : i32
    %swap3A_1155 = arith.index_cast %swap3A_1154 : i32 to index
    %swap3A_1156 = arith.constant 0 : index
    %swap3A_1157 = tpu.vector_load %arg9[%swap3A_1155, %swap3A_1156] {strides = array<i32>} : memref<128x16xf32, #tpu.memory_space<vmem>>, vector<16xf32>,
    tpu.vector_store %arg9[%swap3A_1155, %swap3A_1156], %add3A_686 {strides = array<i32>} : memref<128x16xf32, #tpu.memory_space<vmem>>, vector<16xf32>,
    %swap3A_1158 = arith.constant 118 : i32
    %swap3A_1159 = arith.index_cast %swap3A_1158 : i32 to index
    %swap3A_1160 = arith.constant 0 : index
    %swap3A_1161 = tpu.vector_load %arg9[%swap3A_1159, %swap3A_1160] {strides = array<i32>} : memref<128x16xf32, #tpu.memory_space<vmem>>, vector<16xf32>,
    tpu.vector_store %arg9[%swap3A_1159, %swap3A_1160], %add3A_686 {strides = array<i32>} : memref<128x16xf32, #tpu.memory_space<vmem>>, vector<16xf32>,
    %swap3A_1162 = arith.constant 119 : i32
    %swap3A_1163 = arith.index_cast %swap3A_1162 : i32 to index
    %swap3A_1164 = arith.constant 0 : index
    %swap3A_1165 = tpu.vector_load %arg9[%swap3A_1163, %swap3A_1164] {strides = array<i32>} : memref<128x16xf32, #tpu.memory_space<vmem>>, vector<16xf32>,
    tpu.vector_store %arg9[%swap3A_1163, %swap3A_1164], %add3A_686 {strides = array<i32>} : memref<128x16xf32, #tpu.memory_space<vmem>>, vector<16xf32>,
    %swap3A_1166 = arith.constant 120 : i32
    %swap3A_1167 = arith.index_cast %swap3A_1166 : i32 to index
    %swap3A_1168 = arith.constant 0 : index
    %swap3A_1169 = tpu.vector_load %arg9[%swap3A_1167, %swap3A_1168] {strides = array<i32>} : memref<128x16xf32, #tpu.memory_space<vmem>>, vector<16xf32>,
    tpu.vector_store %arg9[%swap3A_1167, %swap3A_1168], %add3A_686 {strides = array<i32>} : memref<128x16xf32, #tpu.memory_space<vmem>>, vector<16xf32>,
    %swap3A_1170 = arith.constant 121 : i32
    %swap3A_1171 = arith.index_cast %swap3A_1170 : i32 to index
    %swap3A_1172 = arith.constant 0 : index
    %swap3A_1173 = tpu.vector_load %arg9[%swap3A_1171, %swap3A_1172] {strides = array<i32>} : memref<128x16xf32, #tpu.memory_space<vmem>>, vector<16xf32>,
    tpu.vector_store %arg9[%swap3A_1171, %swap3A_1172], %add3A_686 {strides = array<i32>} : memref<128x16xf32, #tpu.memory_space<vmem>>, vector<16xf32>,
    %swap3A_1174 = arith.constant 122 : i32
    %swap3A_1175 = arith.index_cast %swap3A_1174 : i32 to index
    %swap3A_1176 = arith.constant 0 : index
    %swap3A_1177 = tpu.vector_load %arg9[%swap3A_1175, %swap3A_1176] {strides = array<i32>} : memref<128x16xf32, #tpu.memory_space<vmem>>, vector<16xf32>,
    tpu.vector_store %arg9[%swap3A_1175, %swap3A_1176], %add3A_686 {strides = array<i32>} : memref<128x16xf32, #tpu.memory_space<vmem>>, vector<16xf32>,
    %swap3A_1178 = arith.constant 123 : i32
    %swap3A_1179 = arith.index_cast %swap3A_1178 : i32 to index
    %swap3A_1180 = arith.constant 0 : index
    %swap3A_1181 = tpu.vector_load %arg9[%swap3A_1179, %swap3A_1180] {strides = array<i32>} : memref<128x16xf32, #tpu.memory_space<vmem>>, vector<16xf32>,
    tpu.vector_store %arg9[%swap3A_1179, %swap3A_1180], %add3A_686 {strides = array<i32>} : memref<128x16xf32, #tpu.memory_space<vmem>>, vector<16xf32>,
    %swap3A_1182 = arith.constant 124 : i32
    %swap3A_1183 = arith.index_cast %swap3A_1182 : i32 to index
    %swap3A_1184 = arith.constant 0 : index
    %swap3A_1185 = tpu.vector_load %arg9[%swap3A_1183, %swap3A_1184] {strides = array<i32>} : memref<128x16xf32, #tpu.memory_space<vmem>>, vector<16xf32>,
    tpu.vector_store %arg9[%swap3A_1183, %swap3A_1184], %add3A_686 {strides = array<i32>} : memref<128x16xf32, #tpu.memory_space<vmem>>, vector<16xf32>,
    %swap3A_1186 = arith.constant 125 : i32
    %swap3A_1187 = arith.index_cast %swap3A_1186 : i32 to index
    %swap3A_1188 = arith.constant 0 : index
    %swap3A_1189 = tpu.vector_load %arg9[%swap3A_1187, %swap3A_1188] {strides = array<i32>} : memref<128x16xf32, #tpu.memory_space<vmem>>, vector<16xf32>,
    tpu.vector_store %arg9[%swap3A_1187, %swap3A_1188], %add3A_686 {strides = array<i32>} : memref<128x16xf32, #tpu.memory_space<vmem>>, vector<16xf32>,
    %swap3A_1190 = arith.constant 126 : i32
    %swap3A_1191 = arith.index_cast %swap3A_1190 : i32 to index
    %swap3A_1192 = arith.constant 0 : index
    %swap3A_1193 = tpu.vector_load %arg9[%swap3A_1191, %swap3A_1192] {strides = array<i32>} : memref<128x16xf32, #tpu.memory_space<vmem>>, vector<16xf32>,
    tpu.vector_store %arg9[%swap3A_1191, %swap3A_1192], %add3A_686 {strides = array<i32>} : memref<128x16xf32, #tpu.memory_space<vmem>>, vector<16xf32>,
    %swap3A_1194 = arith.constant 127 : i32
    %swap3A_1195 = arith.index_cast %swap3A_1194 : i32 to index
    %swap3A_1196 = arith.constant 0 : index
    %swap3A_1197 = tpu.vector_load %arg9[%swap3A_1195, %swap3A_1196] {strides = array<i32>} : memref<128x16xf32, #tpu.memory_space<vmem>>, vector<16xf32>,
    tpu.vector_store %arg9[%swap3A_1195, %swap3A_1196], %add3A_686 {strides = array<i32>} : memref<128x16xf32, #tpu.memory_space<vmem>>, vector<16xf32>,
    %mul3A_1198 = arith.constant 1024 : i32
    %mul3A_1199 = arith.muli %add3A, %mul3A_1198 : i32
    %add3A_1200 = arith.constant 0 : i32
    %add3A_1201 = arith.addi %mul3A_1199, %add3A_1200 : i32
    %dma_start3A = arith.constant 0 : i32
    %dma_start3A_1202 = tpu.memref_slice %arg5[%add3A_1201, %dma_start3A] : memref<32768x16xf32, #tpu.memory_space<hbm>> -> memref<128x16xf32, #tpu.memory_space<hbm>>
    %dma_start3A_1203 = arith.constant 0 : i32
    %dma_start3A_1204 = tpu.memref_slice %arg5[%add3A_1201, %dma_start3A_1203] : memref<32768x16xf32, #tpu.memory_space<hbm>> -> memref<128x16xf32, #tpu.memory_space<hbm>>
    tpu.enqueue_dma source(%arg9 : memref<128x16xf32, #tpu.memory_space<vmem>>) target(%dma_start3A_1204 : memref<128x16xf32, #tpu.memory_space<hbm>>) target_semaphore(%arg10 : memref<!tpu.dma_semaphore, #tpu.memory_space<semaphore_mem>>)
    %add3A_1205 = arith.constant 128 : i32
    %add3A_1206 = arith.addi %mul3A_1199, %add3A_1205 : i32
    %dma_start3A_1207 = arith.constant 0 : i32
    %dma_start3A_1208 = tpu.memref_slice %arg5[%add3A_1206, %dma_start3A_1207] : memref<32768x16xf32, #tpu.memory_space<hbm>> -> memref<128x16xf32, #tpu.memory_space<hbm>>
    %dma_start3A_1209 = arith.constant 0 : i32
    %dma_start3A_1210 = tpu.memref_slice %arg5[%add3A_1206, %dma_start3A_1209] : memref<32768x16xf32, #tpu.memory_space<hbm>> -> memref<128x16xf32, #tpu.memory_space<hbm>>
    tpu.enqueue_dma source(%arg9 : memref<128x16xf32, #tpu.memory_space<vmem>>) target(%dma_start3A_1210 : memref<128x16xf32, #tpu.memory_space<hbm>>) target_semaphore(%arg10 : memref<!tpu.dma_semaphore, #tpu.memory_space<semaphore_mem>>)
    %add3A_1211 = arith.constant 256 : i32
    %add3A_1212 = arith.addi %mul3A_1199, %add3A_1211 : i32
    %dma_start3A_1213 = arith.constant 0 : i32
    %dma_start3A_1214 = tpu.memref_slice %arg5[%add3A_1212, %dma_start3A_1213] : memref<32768x16xf32, #tpu.memory_space<hbm>> -> memref<128x16xf32, #tpu.memory_space<hbm>>
    %dma_start3A_1215 = arith.constant 0 : i32
    %dma_start3A_1216 = tpu.memref_slice %arg5[%add3A_1212, %dma_start3A_1215] : memref<32768x16xf32, #tpu.memory_space<hbm>> -> memref<128x16xf32, #tpu.memory_space<hbm>>
    tpu.enqueue_dma source(%arg9 : memref<128x16xf32, #tpu.memory_space<vmem>>) target(%dma_start3A_1216 : memref<128x16xf32, #tpu.memory_space<hbm>>) target_semaphore(%arg10 : memref<!tpu.dma_semaphore, #tpu.memory_space<semaphore_mem>>)
    %add3A_1217 = arith.constant 384 : i32
    %add3A_1218 = arith.addi %mul3A_1199, %add3A_1217 : i32
    %dma_start3A_1219 = arith.constant 0 : i32
    %dma_start3A_1220 = tpu.memref_slice %arg5[%add3A_1218, %dma_start3A_1219] : memref<32768x16xf32, #tpu.memory_space<hbm>> -> memref<128x16xf32, #tpu.memory_space<hbm>>
    %dma_start3A_1221 = arith.constant 0 : i32
    %dma_start3A_1222 = tpu.memref_slice %arg5[%add3A_1218, %dma_start3A_1221] : memref<32768x16xf32, #tpu.memory_space<hbm>> -> memref<128x16xf32, #tpu.memory_space<hbm>>
    tpu.enqueue_dma source(%arg9 : memref<128x16xf32, #tpu.memory_space<vmem>>) target(%dma_start3A_1222 : memref<128x16xf32, #tpu.memory_space<hbm>>) target_semaphore(%arg10 : memref<!tpu.dma_semaphore, #tpu.memory_space<semaphore_mem>>)
    %add3A_1223 = arith.constant 512 : i32
    %add3A_1224 = arith.addi %mul3A_1199, %add3A_1223 : i32
    %dma_start3A_1225 = arith.constant 0 : i32
    %dma_start3A_1226 = tpu.memref_slice %arg5[%add3A_1224, %dma_start3A_1225] : memref<32768x16xf32, #tpu.memory_space<hbm>> -> memref<128x16xf32, #tpu.memory_space<hbm>>
    %dma_start3A_1227 = arith.constant 0 : i32
    %dma_start3A_1228 = tpu.memref_slice %arg5[%add3A_1224, %dma_start3A_1227] : memref<32768x16xf32, #tpu.memory_space<hbm>> -> memref<128x16xf32, #tpu.memory_space<hbm>>
    tpu.enqueue_dma source(%arg9 : memref<128x16xf32, #tpu.memory_space<vmem>>) target(%dma_start3A_1228 : memref<128x16xf32, #tpu.memory_space<hbm>>) target_semaphore(%arg10 : memref<!tpu.dma_semaphore, #tpu.memory_space<semaphore_mem>>)
    %add3A_1229 = arith.constant 640 : i32
    %add3A_1230 = arith.addi %mul3A_1199, %add3A_1229 : i32
    %dma_start3A_1231 = arith.constant 0 : i32
    %dma_start3A_1232 = tpu.memref_slice %arg5[%add3A_1230, %dma_start3A_1231] : memref<32768x16xf32, #tpu.memory_space<hbm>> -> memref<128x16xf32, #tpu.memory_space<hbm>>
    %dma_start3A_1233 = arith.constant 0 : i32
    %dma_start3A_1234 = tpu.memref_slice %arg5[%add3A_1230, %dma_start3A_1233] : memref<32768x16xf32, #tpu.memory_space<hbm>> -> memref<128x16xf32, #tpu.memory_space<hbm>>
    tpu.enqueue_dma source(%arg9 : memref<128x16xf32, #tpu.memory_space<vmem>>) target(%dma_start3A_1234 : memref<128x16xf32, #tpu.memory_space<hbm>>) target_semaphore(%arg10 : memref<!tpu.dma_semaphore, #tpu.memory_space<semaphore_mem>>)
    %add3A_1235 = arith.constant 768 : i32
    %add3A_1236 = arith.addi %mul3A_1199, %add3A_1235 : i32
    %dma_start3A_1237 = arith.constant 0 : i32
    %dma_start3A_1238 = tpu.memref_slice %arg5[%add3A_1236, %dma_start3A_1237] : memref<32768x16xf32, #tpu.memory_space<hbm>> -> memref<128x16xf32, #tpu.memory_space<hbm>>
    %dma_start3A_1239 = arith.constant 0 : i32
    %dma_start3A_1240 = tpu.memref_slice %arg5[%add3A_1236, %dma_start3A_1239] : memref<32768x16xf32, #tpu.memory_space<hbm>> -> memref<128x16xf32, #tpu.memory_space<hbm>>
    tpu.enqueue_dma source(%arg9 : memref<128x16xf32, #tpu.memory_space<vmem>>) target(%dma_start3A_1240 : memref<128x16xf32, #tpu.memory_space<hbm>>) target_semaphore(%arg10 : memref<!tpu.dma_semaphore, #tpu.memory_space<semaphore_mem>>)
    %add3A_1241 = arith.constant 896 : i32
    %add3A_1242 = arith.addi %mul3A_1199, %add3A_1241 : i32
    %dma_start3A_1243 = arith.constant 0 : i32
    %dma_start3A_1244 = tpu.memref_slice %arg5[%add3A_1242, %dma_start3A_1243] : memref<32768x16xf32, #tpu.memory_space<hbm>> -> memref<128x16xf32, #tpu.memory_space<hbm>>
    %dma_start3A_1245 = arith.constant 0 : i32
    %dma_start3A_1246 = tpu.memref_slice %arg5[%add3A_1242, %dma_start3A_1245] : memref<32768x16xf32, #tpu.memory_space<hbm>> -> memref<128x16xf32, #tpu.memory_space<hbm>>
    tpu.enqueue_dma source(%arg9 : memref<128x16xf32, #tpu.memory_space<vmem>>) target(%dma_start3A_1246 : memref<128x16xf32, #tpu.memory_space<hbm>>) target_semaphore(%arg10 : memref<!tpu.dma_semaphore, #tpu.memory_space<semaphore_mem>>)
    %dma_wait3A = arith.constant 0 : i32
    %dma_wait3A_1247 = tpu.memref_slice %arg5[%add3A_1201, %dma_wait3A] : memref<32768x16xf32, #tpu.memory_space<hbm>> -> memref<128x16xf32, #tpu.memory_space<hbm>>
    %dma_wait3A_1248 = arith.constant 0 : i32
    %dma_wait3A_1249 = tpu.memref_slice %arg5[%add3A_1201, %dma_wait3A_1248] : memref<32768x16xf32, #tpu.memory_space<hbm>> -> memref<128x16xf32, #tpu.memory_space<hbm>>
    tpu.wait_dma2 semaphore(%arg10 : memref<!tpu.dma_semaphore, #tpu.memory_space<semaphore_mem>>) src(%arg9 : memref<128x16xf32, #tpu.memory_space<vmem>>) dst(%dma_wait3A_1249 : memref<128x16xf32, #tpu.memory_space<hbm>>)
    %dma_wait3A_1250 = arith.constant 0 : i32
    %dma_wait3A_1251 = tpu.memref_slice %arg5[%add3A_1206, %dma_wait3A_1250] : memref<32768x16xf32, #tpu.memory_space<hbm>> -> memref<128x16xf32, #tpu.memory_space<hbm>>
    %dma_wait3A_1252 = arith.constant 0 : i32
    %dma_wait3A_1253 = tpu.memref_slice %arg5[%add3A_1206, %dma_wait3A_1252] : memref<32768x16xf32, #tpu.memory_space<hbm>> -> memref<128x16xf32, #tpu.memory_space<hbm>>
    tpu.wait_dma2 semaphore(%arg10 : memref<!tpu.dma_semaphore, #tpu.memory_space<semaphore_mem>>) src(%arg9 : memref<128x16xf32, #tpu.memory_space<vmem>>) dst(%dma_wait3A_1253 : memref<128x16xf32, #tpu.memory_space<hbm>>)
    %dma_wait3A_1254 = arith.constant 0 : i32
    %dma_wait3A_1255 = tpu.memref_slice %arg5[%add3A_1212, %dma_wait3A_1254] : memref<32768x16xf32, #tpu.memory_space<hbm>> -> memref<128x16xf32, #tpu.memory_space<hbm>>
    %dma_wait3A_1256 = arith.constant 0 : i32
    %dma_wait3A_1257 = tpu.memref_slice %arg5[%add3A_1212, %dma_wait3A_1256] : memref<32768x16xf32, #tpu.memory_space<hbm>> -> memref<128x16xf32, #tpu.memory_space<hbm>>
    tpu.wait_dma2 semaphore(%arg10 : memref<!tpu.dma_semaphore, #tpu.memory_space<semaphore_mem>>) src(%arg9 : memref<128x16xf32, #tpu.memory_space<vmem>>) dst(%dma_wait3A_1257 : memref<128x16xf32, #tpu.memory_space<hbm>>)
    %dma_wait3A_1258 = arith.constant 0 : i32
    %dma_wait3A_1259 = tpu.memref_slice %arg5[%add3A_1218, %dma_wait3A_1258] : memref<32768x16xf32, #tpu.memory_space<hbm>> -> memref<128x16xf32, #tpu.memory_space<hbm>>
    %dma_wait3A_1260 = arith.constant 0 : i32
    %dma_wait3A_1261 = tpu.memref_slice %arg5[%add3A_1218, %dma_wait3A_1260] : memref<32768x16xf32, #tpu.memory_space<hbm>> -> memref<128x16xf32, #tpu.memory_space<hbm>>
    tpu.wait_dma2 semaphore(%arg10 : memref<!tpu.dma_semaphore, #tpu.memory_space<semaphore_mem>>) src(%arg9 : memref<128x16xf32, #tpu.memory_space<vmem>>) dst(%dma_wait3A_1261 : memref<128x16xf32, #tpu.memory_space<hbm>>)
    %dma_wait3A_1262 = arith.constant 0 : i32
    %dma_wait3A_1263 = tpu.memref_slice %arg5[%add3A_1224, %dma_wait3A_1262] : memref<32768x16xf32, #tpu.memory_space<hbm>> -> memref<128x16xf32, #tpu.memory_space<hbm>>
    %dma_wait3A_1264 = arith.constant 0 : i32
    %dma_wait3A_1265 = tpu.memref_slice %arg5[%add3A_1224, %dma_wait3A_1264] : memref<32768x16xf32, #tpu.memory_space<hbm>> -> memref<128x16xf32, #tpu.memory_space<hbm>>
    tpu.wait_dma2 semaphore(%arg10 : memref<!tpu.dma_semaphore, #tpu.memory_space<semaphore_mem>>) src(%arg9 : memref<128x16xf32, #tpu.memory_space<vmem>>) dst(%dma_wait3A_1265 : memref<128x16xf32, #tpu.memory_space<hbm>>)
    %dma_wait3A_1266 = arith.constant 0 : i32
    %dma_wait3A_1267 = tpu.memref_slice %arg5[%add3A_1230, %dma_wait3A_1266] : memref<32768x16xf32, #tpu.memory_space<hbm>> -> memref<128x16xf32, #tpu.memory_space<hbm>>
    %dma_wait3A_1268 = arith.constant 0 : i32
    %dma_wait3A_1269 = tpu.memref_slice %arg5[%add3A_1230, %dma_wait3A_1268] : memref<32768x16xf32, #tpu.memory_space<hbm>> -> memref<128x16xf32, #tpu.memory_space<hbm>>
    tpu.wait_dma2 semaphore(%arg10 : memref<!tpu.dma_semaphore, #tpu.memory_space<semaphore_mem>>) src(%arg9 : memref<128x16xf32, #tpu.memory_space<vmem>>) dst(%dma_wait3A_1269 : memref<128x16xf32, #tpu.memory_space<hbm>>)
    %dma_wait3A_1270 = arith.constant 0 : i32
    %dma_wait3A_1271 = tpu.memref_slice %arg5[%add3A_1236, %dma_wait3A_1270] : memref<32768x16xf32, #tpu.memory_space<hbm>> -> memref<128x16xf32, #tpu.memory_space<hbm>>
    %dma_wait3A_1272 = arith.constant 0 : i32
    %dma_wait3A_1273 = tpu.memref_slice %arg5[%add3A_1236, %dma_wait3A_1272] : memref<32768x16xf32, #tpu.memory_space<hbm>> -> memref<128x16xf32, #tpu.memory_space<hbm>>
    tpu.wait_dma2 semaphore(%arg10 : memref<!tpu.dma_semaphore, #tpu.memory_space<semaphore_mem>>) src(%arg9 : memref<128x16xf32, #tpu.memory_space<vmem>>) dst(%dma_wait3A_1273 : memref<128x16xf32, #tpu.memory_space<hbm>>)
    %dma_wait3A_1274 = arith.constant 0 : i32
    %dma_wait3A_1275 = tpu.memref_slice %arg5[%add3A_1242, %dma_wait3A_1274] : memref<32768x16xf32, #tpu.memory_space<hbm>> -> memref<128x16xf32, #tpu.memory_space<hbm>>
    %dma_wait3A_1276 = arith.constant 0 : i32
    %dma_wait3A_1277 = tpu.memref_slice %arg5[%add3A_1242, %dma_wait3A_1276] : memref<32768x16xf32, #tpu.memory_space<hbm>> -> memref<128x16xf32, #tpu.memory_space<hbm>>
    tpu.wait_dma2 semaphore(%arg10 : memref<!tpu.dma_semaphore, #tpu.memory_space<semaphore_mem>>) src(%arg9 : memref<128x16xf32, #tpu.memory_space<vmem>>) dst(%dma_wait3A_1277 : memref<128x16xf32, #tpu.memory_space<hbm>>)
    return
  }
}

</mosaic_0001>

<sc_bundles>
// kernel: kernel.4.cloned.1.call-start
scs
__scs_entry_jumppad:
0x0: {  	(pc) =	sbr.rel $0x88, $3  }
0x1: {  	(tag) =	ssettag $0x0;
	lr =	simm.s32 $0x1  }
0x2: {  	[smem:$0x3F9C] =	sst lr;
	_ =	strace $0xD0000000  }
0x3: {  	_ = 	snop  }
0x4: {  	_ = 	snop  }
0x5: {  	_ = 	snop  }
0x6: {  	_ = 	snop  }
0x7: {  	_ = 	snop  }
__scs_overlays_trampoline_lowered:
0x8: {  	[smem:$0x3FAB] =	sst s0  }
0x9: {  	[smem:$0x3FAC] =	sst s1  }
0xa: {  	[smem:$0x3FAD] =	sst s2  }
0xb: {  	[smem:$0x3FAE] =	sst s3  }
0xc: {  	[smem:$0x3FAF] =	sst s4  }
0xd: {  	[smem:$0x3FB0] =	sst s5  }
0xe: {  	[smem:$0x3FB1] =	sst s6  }
0xf: {  	[smem:$0x3FB2] =	sst s7  }
0x10: {  	[smem:$0x3FB3] =	sst s8  }
0x11: {  	[smem:$0x3FB4] =	sst s9;
	s0 =	simm.s32 @!p0 $0x0  }
0x12: {  	s1 =	sld [smem:$0x3F9A];
	s0 =	simm.s32 @p0 $0x1  }
0x13: {  	[smem:$0x3FB5] =	sst s0;
	s0 =	simm.s32 @!p1 $0x0  }
0x14: {  	s2 =	sld [smem:$0x3F99];
	s0 =	simm.s32 @p1 $0x1  }
0x15: {  	[smem:$0x3FB6] =	sst s0;
	s0 =	simm.s32 @!p2 $0x0  }
0x16: {  	s3 =	sld [smem:$0x3FDB];
	s0 =	simm.s32 @p2 $0x1  }
0x17: {  	s4 =	simm.s32 $0x1BF5;
	[smem:$0x3FB8] =	sst s0  }
0x18: {  	s0 =	sld [smem:$0x3F9B];
	_ =	swait.ge [sflag:s4], $0x0  }
0x19: {  	s7 =	sld [smem:$0x3F9C]  }
0x1a: {  	s8 =	sadd.s32 $0xFFFFE003, lr  }
0x1b: {  	s9 =	sadd.s32 $0xFFFFFEF7, lr;
	s5 =	simm.s32 $0xFFFFFFFF;
	p2 =	slt.u32 s8, $0xFFFFF086  }
0x1c: {  	p1 =	slt.u32 s9, $0xF7A;
	s5 =	simm.s32 @!p2 $0x0  }
0x1d: {  	s5 =	simm.s32 @p1 $0x1;
	p0 =	seq.s32 s7, s2  }
0x1e: {  	s7 =	smul.u32 @!p0 $0xF7A, s2;
	p2 =	seq.s32 @!p0 s5, $0x0  }
0x1f: {  	s9 =	smul.u32 $0xF7A, s1;
	s8 =	simm.s32 @!p0 $0x1BF5;
	p2 =	por !p2, p0  }
0x20: {  	[sflag:s8] =	ssyncset.s32 @!p0 $0xFFFFF086;
	s6 =	sadd.s32 @!p0 s3, s7;
	s7 =	simm.s32 @!p0 $0x108  }
0x21: {  	s3 =	sadd.s32 s3, s9;
	s6 =	sadd.s32 @!p0 $0x88, s6;
	s7 =	simm.s32 @p2 $0x1082  }
0x22: {  	[simem:s7], [sflag:s8] =	dma.local @!p0 [hbm:s6], $0xF7A  }
0x23: {  	s9 =	sor.u32 $0xD0000000, s2;
	s6 =	simm.s32 $0x108;
	_ =	swait.ge @!p0 [sflag:s8], $0x0  }
0x24: {  	s3 =	sadd.s32 $0x88, s3;
	s6 =	simm.s32 @!p1 $0x1082;
	[sflag:s4] =	ssyncset.s32 $0xFFFFF086  }
0x25: {  	[simem:s6], [sflag:s4] =	dma.local [hbm:s3], $0xF7A  }
0x26: {  	[smem:$0x3F9C] =	sst s1;
	(tag) =	ssettag s2;
	_ =	strace s9  }
0x27: {  	s1 =	sld [smem:$0x3FAC]  }
0x28: {  	s2 =	sld [smem:$0x3FAD]  }
0x29: {  	s4 =	sld [smem:$0x3FAF]  }
0x2a: {  	p0 =	seq.s32 s5, $0x0;
	s5 =	sld [smem:$0x3FB0]  }
0x2b: {  	s6 =	sld [smem:$0x3FB1]  }
0x2c: {  	s7 =	sld [smem:$0x3FB2]  }
0x2d: {  	s3 =	simm.s32 $0x108;
	s8 =	sld [smem:$0x3FB3]  }
0x2e: {  	s3 =	simm.s32 @!p0 $0x1082;
	s9 =	sld [smem:$0x3FB4]  }
0x2f: {  	lr =	sadd.s32 s0, s3;
	s0 =	sld [smem:$0x3FAB]  }
0x30: {  	s3 =	sld [smem:$0x3FAE]  }
0x31: {  	[smem:$0x3FB7] =	sst s10  }
0x32: {  	s10 =	sld [smem:$0x3FB5];
	_ =	sdelay $0x3  }
0x33: {  	p0 =	seq.s32 s10, $0x1;
	s10 =	sld [smem:$0x3FB7];
	_ =	sdelay $0x3  }
0x34: {  	[smem:$0x3FB7] =	sst s10  }
0x35: {  	s10 =	sld [smem:$0x3FB6];
	_ =	sdelay $0x3  }
0x36: {  	p1 =	seq.s32 s10, $0x1;
	s10 =	sld [smem:$0x3FB7];
	_ =	sdelay $0x3  }
0x37: {  	[smem:$0x3FB7] =	sst s10  }
0x38: {  	s10 =	sld [smem:$0x3FB8]  }
0x39: {  	_ = 	snop;
	(pc) =	sbr.ind lr, $3  }
0x3a: {  	_ = 	snop  }
0x3b: {  	_ = 	snop  }
0x3c: {  	p2 =	seq.s32 s10, $0x1;
	s10 =	sld [smem:$0x3FB7]  }
0x3d: {  	_ =	shalt  }
0x3e: {  	_ =	shalt  }
0x3f: {  	_ =	shalt  }
0x40: {  	_ =	shalt  }
0x41: {  	_ =	shalt  }
0x42: {  	_ =	shalt  }
0x43: {  	_ =	shalt  }
0x44: {  	_ =	shalt  }
0x45: {  	_ =	shalt  }
0x46: {  	_ =	shalt  }
0x47: {  	_ =	shalt  }
0x48: {  	_ =	shalt  }
0x49: {  	_ =	shalt  }
0x4a: {  	_ =	shalt  }
0x4b: {  	_ =	shalt  }
0x4c: {  	_ =	shalt  }
0x4d: {  	_ =	shalt  }
0x4e: {  	_ =	shalt  }
0x4f: {  	_ =	shalt  }
0x50: {  	_ =	shalt  }
0x51: {  	_ =	shalt  }
0x52: {  	_ =	shalt  }
0x53: {  	_ =	shalt  }
0x54: {  	_ =	shalt  }
0x55: {  	_ =	shalt  }
0x56: {  	_ =	shalt  }
0x57: {  	_ =	shalt  }
0x58: {  	_ =	shalt  }
0x59: {  	_ =	shalt  }
0x5a: {  	_ =	shalt  }
0x5b: {  	_ =	shalt  }
0x5c: {  	_ =	shalt  }
0x5d: {  	_ =	shalt  }
0x5e: {  	_ =	shalt  }
0x5f: {  	_ =	shalt  }
0x60: {  	_ =	shalt  }
0x61: {  	_ =	shalt  }
0x62: {  	_ =	shalt  }
0x63: {  	_ =	shalt  }
0x64: {  	_ =	shalt  }
0x65: {  	_ =	shalt  }
0x66: {  	_ =	shalt  }
0x67: {  	_ =	shalt  }
0x68: {  	_ =	shalt  }
0x69: {  	_ =	shalt  }
0x6a: {  	_ =	shalt  }
0x6b: {  	_ =	shalt  }
0x6c: {  	_ =	shalt  }
0x6d: {  	_ =	shalt  }
0x6e: {  	_ =	shalt  }
0x6f: {  	_ =	shalt  }
0x70: {  	_ =	shalt  }
0x71: {  	_ =	shalt  }
0x72: {  	_ =	shalt  }
0x73: {  	_ =	shalt  }
0x74: {  	_ =	shalt  }
0x75: {  	_ =	shalt  }
0x76: {  	_ =	shalt  }
0x77: {  	_ =	shalt  }
0x78: {  	_ =	shalt  }
0x79: {  	_ =	shalt  }
0x7a: {  	_ =	shalt  }
0x7b: {  	_ =	shalt  }
0x7c: {  	_ =	shalt  }
0x7d: {  	_ =	shalt  }
0x7e: {  	_ =	shalt  }
0x7f: {  	_ =	shalt  }
0x80: {  	_ =	shalt  }
0x81: {  	_ =	shalt  }
0x82: {  	_ =	shalt  }
0x83: {  	_ =	shalt  }
0x84: {  	_ =	shalt  }
0x85: {  	_ =	shalt  }
0x86: {  	_ =	shalt  }
0x87: {  	_ =	shalt  }
.Lfunc_end0:
.L_simem_size_0:
called_computation_lowered:
.L_overlay_start_0:
0x88: {  	s2 =	sld [smem:$0x3FD9]  }
0x89: {  	s3 =	sld [smem:$0x3FFE];
	_ =	sdelay $0x1  }
0x8a: {  	s1 =	srdreg.scid  }
0x8b: {  	s0 =	sand.u32 $0x1, s1  }
0x8c: {  	s17 =	sshll.u32 s0, $0xA;
	s2 =	sadd.s32 s3, s2  }
0x8d: {  	s2 =	sadd.s32 s2, s17  }
0x8e: {  	[smem:$0x3FC3] =	sst s2  }
0x8f: {  	_ = 	snop  }
0x90: {  	s2 =	sld [smem:$0x3FC8]  }
0x91: {  	s18 =	sld [smem:$0x3FD0];
	(tm) =	ssettm $0x1  }
0x92: {  	s4 =	sld [smem:$0x3FFB];
	_ =	sdelay $0x3  }
0x93: {  	_ =	strace s4  }
0x94: {  	s4 =	sld [smem:$0x3FFC];
	_ =	sdelay $0x3  }
0x95: {  	_ =	strace s4  }
0x96: {  	s4 =	sld [smem:$0x3FFD];
	_ =	sdelay $0x3  }
0x97: {  	_ =	strace s4  }
0x98: {  	_ =	strace $0x8FFFFFFF  }
0x99: {  	s19 =	sld [smem:$0x3FDB];
	_ =	sdelay $0x1  }
0x9a: {  	s5 =	simm.s32 $_scs_section_size  }
0x9b: {  	s6 =	simm.s32 $_size__tile_overlayer_lowered;
	s7 =	simm.s32 $_tile_overlayer_lowered  }
0x9c: {  	s22 =	simm.s32 $0x1BFF;
	s21 =	sshll.u32 s7, $0x1;
	s4 =	sadd.s32 s5, s19  }
0x9d: {  	s8 =	simm.s32 $0x0;
	s20 =	sshll.u32 s6, $0x1;
	s6 =	sadd.s32 s21, s4  }
0x9e: {  	[timem:s8], [sflag:s22] =	dma.local [hbm:s6], s20  }
0x9f: {  	_ =	swait.ge [sflag:s22], s20  }
0xa0: {  	s5 =	ssub.s32 $0x0, s20;
	[sflag:s22] =	ssyncset.done $0x0  }
0xa1: {  	[sflag:s22] =	ssyncadd.s32 s5;
	_ =	sdelay $0x1  }
0xa2: {  	s23 =	simm.s32 $0x1B8B  }
0xa3: {  	_ =	swait.ge [sflag:s23], $0x1  }
0xa4: {  	[sflag:s23] =	ssyncset.done $0x0  }
0xa5: {  	s25 =	simm.s32 $0x1B8E;
	s24 =	sld [smem:$0x3FFE];
	[sflag:s23] =	ssyncadd.s32 $0xFFFFFFFF  }
0xa6: {  	s26 =	simm.s32 $execute0_lowered;
	[smem:$0x3FD2] =	sst s25  }
0xa7: {  	s6 =	sshll.u32 s26, $0x1;
	_ =	strace $0x80000046;
	[dreg:$0x1] =	wrdreg $0xFFFFFFFF  }
0xa8: {  	s28 =	simm.s32 $_size_execute0_lowered;
	s4 =	sadd.s32 s4, s6;
	[dreg:$0x0] =	wrdreg $0x0  }
0xa9: {  	s6 =	sshll.u32 s28, $0x1;
	[dreg:$0x2] =	wrdreg s4  }
0xaa: {  	[dreg:$0x3] =	wrdreg s6  }
0xab: {  	[dreg:$0x4] =	wrdreg $0xC0  }
0xac: {  	_ =	task [dreg:s8], $0x5FFFF  }
0xad: {  	[dreg:$0x1] =	wrdreg $0xFFFFFFFF  }
0xae: {  	[dreg:$0x0] =	wrdreg $0x60  }
0xaf: {  	[dreg:$0x2] =	wrdreg s18  }
0xb0: {  	[dreg:$0x3] =	wrdreg s2  }
0xb1: {  	[dreg:$0x4] =	wrdreg s24  }
0xb2: {  	[dreg:$0x5] =	wrdreg $0x9  }
0xb3: {  	_ =	task.clear_ibuf [dreg:s8], $0x6FFFF;
	_ =	strace $0x90000046  }
0xb4: {  	s29 =	simm.s32 $0x9;
	_ =	strace $0x80000048  }
0xb5: {  	_ =	swait.ge [sflag:s29], $0x1  }
0xb6: {  	[sflag:s29] =	ssyncadd.s32 $0xFFFFFFFF  }
0xb7: {  	_ =	strace $0x90000048  }
0xb8: {  	_ =	sfence  }
0xb9: {  	s30 =	sld [smem:$0x0];
	_ =	sdelay $0x2  }
0xba: {  	s31 =	sshll.u32 s1, $0xD;
	s1 =	sshrl.u32 s1, $0x2  }
0xbb: {  	s3 =	sand.u32 $0x4000, s31;
	s1 =	sadd.s32 s1, s30  }
0xbc: {  	s0 =	sor.u32 s3, s0;
	s1 =	sshll.u32 s1, $0x11  }
0xbd: {  	s0 =	sor.u32 s1, s0  }
0xbe: {  	s0 =	sadd.s32 $0x8F2B, s0  }
0xbf: {  	[sflag:s0] =	ssyncadd.remote.s32 $0x1  }
0xc0: {  	_ =	sfence.sel $0xFFFF  }
0xc1: {  	[dreg:$0x0] =	wrdreg $0xFFFFFFFF;
	(pc) =	sbr.abs _section_cstart, $3  }
0xc2: {  	[dreg:$0x1] =	wrdreg $0xFFFFFFFF  }
0xc3: {  	_ =	task.clear_ibuf [dreg:s8], $0x2FFFF;
	_ =	strace $0x9FFFFFFF  }
0xc4: {  	(tm) =	ssettm $0x7FFFFFFF  }
0xc5: {  	_ =	shalt  }
tec
execute0_lowered:
.L_overlay_start_1:
0x0: {  	(tag) =	ssettag $0x1  }
0x1: {  	v0 =	vlaneseq.u32  }
0x2: {  	v1 =	vand.u32 $0x7, v0  }
0x3: {  	v0 =	vmul.u32 $0x10, v0;
	v1 =	vmul.u32 $0x10, v1;
	_ =	sdelay $0x1  }
0x4: {  	v37 =	vor.u32 $0xFFFFFF80, v1;
	v1 =	vor.u32 $0x4, v0  }
0x5: {  	[tilespmem:$0x1FEF0] =	vst v1;
	v1 =	vor.u32 $0x5, v0  }
0x6: {  	[tilespmem:$0x1FF00] =	vst v1;
	v1 =	vor.u32 $0x6, v0  }
0x7: {  	[tilespmem:$0x1FF10] =	vst v1;
	v1 =	vor.u32 $0x7, v0  }
0x8: {  	[tilespmem:$0x1FF20] =	vst v1;
	v1 =	vor.u32 $0x8, v0  }
0x9: {  	[tilespmem:$0x1FF30] =	vst v1;
	v1 =	vor.u32 $0x9, v0  }
0xa: {  	s5 =	rddreg [dreg:$0x0];
	[tilespmem:$0x1FF40] =	vst v1;
	v1 =	vor.u32 $0xA, v0  }
0xb: {  	s1 =	rddreg [dreg:$0x1];
	[tilespmem:$0x1FF50] =	vst v1;
	v1 =	vor.u32 $0xB, v0  }
0xc: {  	s6 =	rddreg [dreg:$0x2];
	s3 =	simm.s32 $0x0;
	[tilespmem:$0x1FF60] =	vst v1;
	v1 =	vor.u32 $0xC, v0  }
0xd: {  	[smem:$0x7FF] =	sst s3;
	[tilespmem:$0x1FF70] =	vst v1;
	v1 =	vor.u32 $0xD, v0  }
0xe: {  	s0 =	rddreg [dreg:$0x3];
	v35 =	vor.u32 $0x1, v0;
	_ =	strace $0x80000047;
	[tilespmem:$0x1FF80] =	vst v1  }
0xf: {  	s4 =	srdreg.scid;
	s2 =	stileid.u32;
	vm0 =	vmmov $0x1;
	s11 =	simm.s32 $0x1;
	[tilespmem:$0x1FFB0] =	vst v35  }
0x10: {  	vm1 =	vmmov $0x3;
	vm2 =	vmmov $0x7;
	s12 =	simm.s32 $0x4480;
	s4 =	sand.u32 $0x1, s4;
	s7 =	sshll.u32 s2, $0x1;
	v61 =	vor.u32 $0x2, v0;
	[tilespmem:$0x1FFC0] =	vst v37  }
0x11: {  	vm3 =	vmmov $0xf;
	vm4 =	vmmov $0x1f;
	s13 =	simm.s32 $0x0;
	s7 =	sor.u32 s4, s7;
	s8 =	ssub.s32 $0x2, s4;
	v4 =	vor.u32 $0x3, v0;
	[tilespmem:$0x1FFD0] =	vst v61  }
0x12: {  	vm5 =	vmmov $0x3f;
	vm6 =	vmmov $0x7f;
	vm7 =	vmmov $0xff;
	s4 =	sadd.s32 $0xC00, s6;
	s9 =	sshll.u32 s7, $0x5;
	s10 =	sshrl.u32 s8, $0x1;
	[tilespmem:$0x1FFE0] =	vst v4  }
0x13: {  	vm8 =	vmmov $0x1ff;
	vm9 =	vmmov $0x3ff;
	s7 =	sshll.u32 s7, $0xB;
	s6 =	sadd.s32 s9, s6;
	s8 =	ssub.s32 s8, s10;
	v1 =	vor.u32 $0xE, v0;
	[tilespmem:$0x1FFF0] =	vst v0  }
0x14: {  	vm10 =	vmmov $0x7ff;
	vm11 =	vmmov $0xfff;
	s5 =	sadd.s32 s5, s7;
	s9 =	simm.s32 $0x2;
	s10 =	simm.s32 $0x4400;
	[tilespmem:$0x1FF90] =	vst v1;
	v1 =	vor.u32 $0xF, v0  }
0x15: {  	vm12 =	vmmov $0x1fff;
	vm13 =	vmmov $0x3fff;
	vm14 =	vmmov $0x7fff;
	s6 =	sadd.s32 $0xE00, s6;
	s7 =	smax.u32 s8, $0x1;
	s8 =	simm.s32 $0x4000;
	[tilespmem:$0x1FFA0] =	vst v1  }
.LBB2_1:
0x16: {  	[tilespmem:s3], [sflag:$0x1] =	stream.linear.gather [hbm4b:s5+s3], $0x4000, $0x38;
	[tilespmem:$0x4580] =	vst v63  }
0x17: {  	_ = 	snop  }
0x18: {  	[tilespmem:s8], [sflag:$0x2] =	stream.linear.gather [hbm4b:s1+s3], $0x400, $0x38;
	[tilespmem:$0x4580] =	vst v63  }
0x19: {  	_ =	swait.ge [sflag:s9], $0x400  }
0x1a: {  	[sflag:s9] =	ssyncset.done $0x0  }
0x1b: {  	[sflag:s9] =	ssyncadd.s32 $0xFFFFFC00  }
0x1c: {  	[tilespmem:s10], [sflag:$0x2] =	stream.linear.gather [hbm4b:s4+s3], $0x80, $0x38;
	[tilespmem:$0x4580] =	vst v63  }
0x1d: {  	_ =	swait.ge [sflag:s9], $0x80  }
0x1e: {  	[sflag:s9] =	ssyncset.done $0x0  }
0x1f: {  	[sflag:s9] =	ssyncadd.s32 $0xFFFFFF80  }
0x20: {  	_ =	swait.ge [sflag:s11], $0x4000  }
0x21: {  	[sflag:s11] =	ssyncset.done $0x0  }
0x22: {  	[sflag:s11] =	ssyncadd.s32 $0xFFFFC000  }
0x23: {  	v8 =	vld [tilespmem:$0x4400]  }
0x24: {  	v43 =	vld [tilespmem:$0x4380]  }
0x25: {  	v41 =	vld [tilespmem:$0x4300]  }
0x26: {  	v40 =	vld [tilespmem:$0x4280]  }
0x27: {  	v33 =	vld [tilespmem:$0x4200]  }
0x28: {  	v34 =	vld [tilespmem:$0x4180];
	v1 =	vbroadcast v8, $0x7  }
0x29: {  	v2 =	vbroadcast v8, $0x4;
	v5 =	vbroadcast v8, $0x2  }
0x2a: {  	v10 =	vbroadcast v43, $0xF;
	v7 =	vbroadcast v8, $0x0  }
0x2b: {  	v6 =	vbroadcast v41, $0xF;
	v9 =	vbroadcast v40, $0xF  }
0x2c: {  	v25 =	vbroadcast v43, $0xE;
	v11 =	vbroadcast v33, $0xF  }
0x2d: {  	v28 =	vbroadcast v41, $0xE;
	v26 =	vbroadcast v34, $0xF  }
0x2e: {  	v23 =	vbroadcast v40, $0xE;
	v21 =	vbroadcast v43, $0xD  }
0x2f: {  	v22 =	vbroadcast v33, $0xE;
	v20 =	vbroadcast v41, $0xD  }
0x30: {  	v12 =	vbroadcast v34, $0xE;
	v19 =	vbroadcast v40, $0xD  }
0x31: {  	v18 =	vbroadcast v43, $0xC;
	v17 =	vbroadcast v33, $0xD  }
0x32: {  	v15 =	vbroadcast v41, $0xC;
	v13 =	vbroadcast v34, $0xD  }
0x33: {  	v14 =	vbroadcast v40, $0xC;
	v27 =	vbroadcast v43, $0xB  }
0x34: {  	v16 =	vbroadcast v33, $0xC;
	v29 =	vbroadcast v41, $0xB  }
0x35: {  	v24 =	vbroadcast v40, $0xB;
	v31 =	vbroadcast v43, $0xA  }
0x36: {  	v35 =	vor.u32 s3, v35;
	v32 =	vbroadcast v41, $0xA;
	v30 =	vbroadcast v40, $0xA  }
0x37: {  	v38 =	vbroadcast v43, $0x9;
	v42 =	vbroadcast v41, $0x9  }
0x38: {  	v39 =	vbroadcast v40, $0x9;
	v44 =	vbroadcast v43, $0x6  }
0x39: {  	v36 =	vor.u32 s3, v0;
	v45 =	vbroadcast v43, $0x5;
	v46 =	vbroadcast v43, $0x4  }
0x3a: {  	v37 =	vand.u32 v37, v36;
	v36 =	vld [tilespmem:$0x4100];
	v47 =	vbroadcast v43, $0x3;
	v48 =	vbroadcast v43, $0x2  }
0x3b: {  	v61 =	vor.u32 s3, v61;
	v63 =	vld.idx.msk [tilespmem:v35+s3+$0x0], $0xffff;
	v49 =	vbroadcast v41, $0x2;
	v50 =	vbroadcast v43, $0x0  }
0x3c: {  	v35 =	vld [tilespmem:$0x4080];
	v51 =	vbroadcast v43, $0x1;
	v52 =	vbroadcast v41, $0x0  }
0x3d: {  	v60 =	vbroadcast v41, $0x1;
	v53 =	vbroadcast v40, $0x0  }
0x3e: {  	v54 =	vbroadcast v40, $0x1;
	v55 =	vbroadcast v33, $0x0  }
0x3f: {  	v56 =	vbroadcast v33, $0x1;
	v57 =	vbroadcast v34, $0x0;
	[tilespmem:$0x1F860] =	vst v2;
	v2 =	vld.idx.msk [tilespmem:v37+s3+$0x0], $0xffff  }
0x40: {  	v3 =	vld.idx.msk [tilespmem:v61+s3+$0x0], $0xffff;
	v58 =	vbroadcast v34, $0x1;
	v59 =	vbroadcast v36, $0x0  }
0x41: {  	v62 =	vbroadcast v36, $0x1;
	v61 =	vbroadcast v35, $0x1;
	v37 =	vld [tilespmem:$0x4000]  }
0x42: {  	[tilespmem:$0x1F890] =	vst v1;
	v1 =	vbroadcast v8, $0x5;
	v51 =	vmul.f32 v51, v63  }
0x43: {  	v60 =	vmul.f32 v60, v63;
	v54 =	vmul.f32 v54, v63  }
0x44: {  	v56 =	vmul.f32 v56, v63;
	v52 =	vmul.f32 v52, v2  }
0x45: {  	v50 =	vmul.f32 v50, v2;
	v53 =	vmul.f32 v53, v2  }
0x46: {  	v55 =	vmul.f32 v55, v2;
	v52 =	vadd.f32 v60, v52;
	v60 =	vbroadcast v37, $0x0  }
0x47: {  	v50 =	vadd.f32 v51, v50;
	v51 =	vmul.f32 v62, v63;
	v62 =	vbroadcast v37, $0x1  }
0x48: {  	v55 =	vadd.f32 v56, v55;
	v56 =	vmul.f32 v59, v2;
	v53 =	vadd.f32 v54, v53  }
0x49: {  	v54 =	vmul.f32 v58, v63;
	v58 =	vmul.f32 v61, v63;
	v61 =	vor.u32 s3, v4  }
0x4a: {  	v51 =	vadd.f32 v51, v56;
	v56 =	vmul.f32 v62, v63;
	v60 =	vmul.f32 v60, v2  }
0x4b: {  	v57 =	vmul.f32 v57, v2;
	v59 =	vbroadcast v35, $0x0  }
0x4c: {  	v48 =	vmul.f32 v48, v3;
	v56 =	vadd.f32 v56, v60;
	v60 =	vbroadcast v33, $0x2  }
0x4d: {  	[tilespmem:$0x1F760] =	vst v63;
	v54 =	vadd.f32 v54, v57;
	v57 =	vmul.f32 v59, v2;
	v59 =	vbroadcast v40, $0x2  }
0x4e: {  	[tilespmem:$0x1F870] =	vst v1;
	v63 =	vmul.f32 v60, v3;
	v60 =	vbroadcast v34, $0x2  }
0x4f: {  	v49 =	vmul.f32 v49, v3;
	v1 =	vbroadcast v8, $0x6;
	[tilespmem:$0x1F770] =	vst v2;
	v2 =	vld.idx.msk [tilespmem:v61+s3+$0x0], $0xffff  }
0x50: {  	v48 =	vadd.f32 v50, v48;
	v62 =	vmul.f32 v59, v3;
	v50 =	vmul.f32 v60, v3;
	v60 =	vld [tilespmem:$0x1FEF0]  }
0x51: {  	[tilespmem:$0x1F880] =	vst v1;
	v1 =	vbroadcast v8, $0x3;
	v8 =	vbroadcast v8, $0x1;
	v49 =	vadd.f32 v52, v49  }
0x52: {  	v57 =	vadd.f32 v58, v57;
	v52 =	vadd.f32 v53, v62;
	v62 =	vbroadcast v40, $0x3  }
0x53: {  	v58 =	vbroadcast v36, $0x2;
	v55 =	vadd.f32 v55, v63;
	v63 =	vbroadcast v33, $0x3  }
0x54: {  	v50 =	vadd.f32 v54, v50;
	v47 =	vmul.f32 v47, v2;
	v54 =	vmul.f32 v62, v2  }
0x55: {  	v62 =	vmul.f32 v63, v2;
	v63 =	vbroadcast v34, $0x3;
	v60 =	vor.u32 s3, v60  }
0x56: {  	v61 =	vbroadcast v37, $0x2;
	v58 =	vmul.f32 v58, v3  }
0x57: {  	v53 =	vbroadcast v35, $0x2;
	v47 =	vadd.f32 v48, v47;
	v48 =	vmul.f32 v63, v2;
	v63 =	vld [tilespmem:$0x1FF00]  }
0x58: {  	v59 =	vmul.f32 v61, v3;
	v51 =	vadd.f32 v51, v58;
	v58 =	vbroadcast v41, $0x3  }
0x59: {  	[tilespmem:$0x1F780] =	vst v3;
	v61 =	vbroadcast v36, $0x3;
	v53 =	vmul.f32 v53, v3  }
0x5a: {  	[tilespmem:$0x1F850] =	vst v1;
	v1 =	vbroadcast v35, $0xB;
	v56 =	vadd.f32 v56, v59;
	v58 =	vmul.f32 v58, v2;
	v3 =	vld.idx.msk [tilespmem:v60+s3+$0x0], $0xffff  }
0x5b: {  	v53 =	vadd.f32 v57, v53;
	v57 =	vmul.f32 v61, v2;
	v60 =	vbroadcast v37, $0x3  }
0x5c: {  	v61 =	vbroadcast v35, $0x3;
	v49 =	vadd.f32 v49, v58;
	v59 =	vor.u32 s3, v63  }
0x5d: {  	v55 =	vadd.f32 v55, v62;
	v62 =	vbroadcast v41, $0x4;
	v58 =	vmul.f32 v60, v2  }
0x5e: {  	v60 =	vmul.f32 v61, v2;
	v61 =	vbroadcast v40, $0x4  }
0x5f: {  	v52 =	vadd.f32 v52, v54;
	v63 =	vbroadcast v36, $0x4;
	v46 =	vmul.f32 v46, v3  }
0x60: {  	v51 =	vadd.f32 v51, v57;
	v54 =	vmul.f32 v61, v3;
	v61 =	vbroadcast v34, $0x4  }
0x61: {  	[tilespmem:$0x1F790] =	vst v2;
	v48 =	vadd.f32 v50, v48;
	v2 =	vld.idx.msk [tilespmem:v59+s3+$0x0], $0xffff;
	v57 =	vmul.f32 v62, v3;
	v62 =	vbroadcast v33, $0x4  }
0x62: {  	v59 =	vbroadcast v37, $0x5;
	v46 =	vadd.f32 v47, v46;
	v47 =	vmul.f32 v61, v3;
	v61 =	vld [tilespmem:$0x1FF10]  }
0x63: {  	v50 =	vadd.f32 v53, v60;
	v60 =	vmul.f32 v62, v3;
	v62 =	vbroadcast v37, $0x4  }
0x64: {  	v56 =	vadd.f32 v56, v58;
	v53 =	vmul.f32 v63, v3;
	v63 =	vbroadcast v35, $0x4  }
0x65: {  	v49 =	vadd.f32 v49, v57;
	v52 =	vadd.f32 v52, v54;
	v57 =	vmul.f32 v62, v3  }
0x66: {  	v55 =	vadd.f32 v55, v60;
	v62 =	vmul.f32 v63, v3;
	v63 =	vbroadcast v40, $0x5  }
0x67: {  	v60 =	vbroadcast v41, $0x5;
	v47 =	vadd.f32 v48, v47;
	v58 =	vor.u32 s3, v61  }
0x68: {  	v45 =	vmul.f32 v45, v2;
	v48 =	vadd.f32 v50, v62;
	v62 =	vmul.f32 v63, v2  }
0x69: {  	v51 =	vadd.f32 v51, v53;
	v53 =	vmul.f32 v60, v2;
	v60 =	vbroadcast v33, $0x5  }
0x6a: {  	v56 =	vadd.f32 v56, v57;
	v57 =	vbroadcast v34, $0x5;
	v52 =	vadd.f32 v52, v62;
	v62 =	vld [tilespmem:$0x1FF20]  }
0x6b: {  	v61 =	vbroadcast v36, $0x5;
	v63 =	vmul.f32 v60, v2  }
0x6c: {  	[tilespmem:$0x1F7A0] =	vst v3;
	v45 =	vadd.f32 v46, v45;
	v60 =	vbroadcast v35, $0x5;
	v46 =	vmul.f32 v57, v2;
	v3 =	vld.idx.msk [tilespmem:v58+s3+$0x0], $0xffff  }
0x6d: {  	v49 =	vadd.f32 v49, v53;
	v53 =	vbroadcast v40, $0x6;
	v50 =	vmul.f32 v61, v2  }
0x6e: {  	v61 =	vbroadcast v41, $0x6;
	v54 =	vadd.f32 v55, v63;
	v63 =	vmul.f32 v60, v2  }
0x6f: {  	v55 =	vmul.f32 v59, v2;
	v46 =	vadd.f32 v47, v46;
	v57 =	vor.u32 s3, v62  }
0x70: {  	v60 =	vbroadcast v33, $0x6;
	v47 =	vadd.f32 v48, v63;
	v63 =	vbroadcast v34, $0x6  }
0x71: {  	v50 =	vadd.f32 v51, v50;
	v58 =	vbroadcast v37, $0x6;
	v51 =	vmul.f32 v61, v3  }
0x72: {  	v44 =	vmul.f32 v44, v3;
	v61 =	vbroadcast v36, $0x6  }
0x73: {  	v62 =	vmul.f32 v60, v3;
	v59 =	vmul.f32 v63, v3  }
0x74: {  	[tilespmem:$0x1F7B0] =	vst v2;
	v60 =	vbroadcast v35, $0x6;
	v2 =	vld.idx.msk [tilespmem:v57+s3+$0x0], $0xffff;
	v57 =	vmul.f32 v53, v3  }
0x75: {  	v63 =	vbroadcast v33, $0x7;
	v53 =	vmul.f32 v58, v3;
	v44 =	vadd.f32 v45, v44  }
0x76: {  	[tilespmem:$0x1F7C0] =	vst v3;
	v48 =	vmul.f32 v61, v3;
	v45 =	vadd.f32 v52, v57;
	v52 =	vmul.f32 v60, v3;
	v3 =	vld [tilespmem:$0x1FF30]  }
0x77: {  	v58 =	vbroadcast v40, $0x7;
	v40 =	vbroadcast v40, $0x8;
	v49 =	vadd.f32 v49, v51  }
0x78: {  	v51 =	vadd.f32 v54, v62;
	v61 =	vbroadcast v41, $0x7;
	v62 =	vbroadcast v43, $0x7  }
0x79: {  	v55 =	vadd.f32 v56, v55;
	v43 =	vbroadcast v43, $0x8;
	v41 =	vbroadcast v41, $0x8  }
0x7a: {  	v46 =	vadd.f32 v46, v59;
	v54 =	vbroadcast v34, $0xC;
	v60 =	vbroadcast v36, $0x7  }
0x7b: {  	v48 =	vadd.f32 v50, v48;
	v50 =	vmul.f32 v61, v2;
	v56 =	vor.u32 s3, v3  }
0x7c: {  	v53 =	vadd.f32 v55, v53;
	v57 =	vmul.f32 v62, v2;
	v59 =	vmul.f32 v63, v2  }
0x7d: {  	v47 =	vadd.f32 v47, v52;
	v61 =	vmul.f32 v58, v2;
	v62 =	vbroadcast v34, $0x7  }
0x7e: {  	v63 =	vmul.f32 v60, v2;
	v58 =	vbroadcast v35, $0x7;
	v49 =	vadd.f32 v49, v50  }
0x7f: {  	v44 =	vadd.f32 v44, v57;
	v50 =	vadd.f32 v51, v59;
	v57 =	vbroadcast v37, $0x7;
	v59 =	vld [tilespmem:$0x1FF40]  }
0x80: {  	v45 =	vadd.f32 v45, v61;
	v51 =	vmul.f32 v62, v2;
	v60 =	vmul.f32 v58, v2;
	v3 =	vld.idx.msk [tilespmem:v56+s3+$0x0], $0xffff  }
0x81: {  	v48 =	vadd.f32 v48, v63;
	v61 =	vbroadcast v33, $0x8;
	v52 =	vmul.f32 v57, v2  }
0x82: {  	v63 =	vbroadcast v36, $0x8;
	v58 =	vbroadcast v37, $0x8;
	v46 =	vadd.f32 v46, v51  }
0x83: {  	v51 =	vbroadcast v33, $0xB;
	v52 =	vadd.f32 v53, v52;
	v53 =	vbroadcast v34, $0xB  }
0x84: {  	v55 =	vor.u32 s3, v59;
	v56 =	vbroadcast v34, $0x8;
	v59 =	vbroadcast v35, $0x8  }
0x85: {  	v41 =	vmul.f32 v41, v3;
	v43 =	vmul.f32 v43, v3  }
0x86: {  	v62 =	vmul.f32 v61, v3;
	v40 =	vmul.f32 v40, v3  }
0x87: {  	v4 =	vld [tilespmem:$0x1FF90];
	v47 =	vadd.f32 v47, v60;
	v57 =	vmul.f32 v63, v3;
	v60 =	vmul.f32 v58, v3  }
0x88: {  	v61 =	vbroadcast v36, $0x9;
	v63 =	vbroadcast v37, $0x9;
	v41 =	vadd.f32 v49, v41  }
0x89: {  	[tilespmem:$0x1F7D0] =	vst v2;
	v2 =	vld.idx.msk [tilespmem:v55+s3+$0x0], $0xffff;
	v58 =	vbroadcast v37, $0xD;
	v43 =	vadd.f32 v44, v43;
	v49 =	vadd.f32 v50, v62  }
0x8a: {  	[tilespmem:$0x1F7E0] =	vst v3;
	v40 =	vadd.f32 v45, v40;
	v44 =	vmul.f32 v56, v3;
	v45 =	vmul.f32 v59, v3;
	v3 =	vld [tilespmem:$0x1FF50]  }
0x8b: {  	v50 =	vadd.f32 v52, v60;
	v52 =	vbroadcast v34, $0xA;
	v34 =	vbroadcast v34, $0x9  }
0x8c: {  	v55 =	vor.u32 s3, v4;
	v56 =	vbroadcast v36, $0xB;
	v59 =	vbroadcast v35, $0x9  }
0x8d: {  	v4 =	vld [tilespmem:$0x1FFA0];
	v44 =	vadd.f32 v46, v44;
	v46 =	vbroadcast v33, $0xA;
	v33 =	vbroadcast v33, $0x9  }
0x8e: {  	v48 =	vadd.f32 v48, v57;
	v42 =	vmul.f32 v42, v2;
	v38 =	vmul.f32 v38, v2  }
0x8f: {  	v39 =	vmul.f32 v39, v2;
	v34 =	vmul.f32 v34, v2;
	v62 =	vor.u32 s3, v3  }
0x90: {  	v45 =	vadd.f32 v47, v45;
	v47 =	vmul.f32 v63, v2;
	v59 =	vmul.f32 v59, v2  }
0x91: {  	[tilespmem:$0x1F7F0] =	vst v2;
	v33 =	vmul.f32 v33, v2;
	v41 =	vadd.f32 v41, v42;
	v42 =	vmul.f32 v61, v2;
	v2 =	vld [tilespmem:$0x1FF60]  }
0x92: {  	v57 =	vbroadcast v37, $0xE;
	v60 =	vor.u32 s3, v4;
	v63 =	vbroadcast v35, $0xD  }
0x93: {  	v38 =	vadd.f32 v43, v38;
	v43 =	vbroadcast v36, $0xF;
	v39 =	vadd.f32 v40, v39  }
0x94: {  	v40 =	vbroadcast v36, $0xD;
	v34 =	vadd.f32 v44, v34;
	v44 =	vbroadcast v37, $0xF;
	v3 =	vld.idx.msk [tilespmem:v62+s3+$0x0], $0xffff  }
0x95: {  	v4 =	vld [tilespmem:$0x1FF80];
	v47 =	vadd.f32 v50, v47;
	v50 =	vbroadcast v37, $0xC;
	v61 =	vbroadcast v37, $0xB  }
0x96: {  	v0 =	vld [tilespmem:$0x1FF70];
	v37 =	vbroadcast v37, $0xA;
	v45 =	vadd.f32 v45, v59;
	v62 =	vor.u32 s3, v2  }
0x97: {  	v59 =	vbroadcast v35, $0xF;
	v33 =	vadd.f32 v49, v33;
	v49 =	vbroadcast v36, $0xE;
	v2 =	vld.idx.msk [tilespmem:v55+s3+$0x0], $0xffff  }
0x98: {  	v42 =	vadd.f32 v48, v42;
	v48 =	vbroadcast v36, $0xC;
	v36 =	vbroadcast v36, $0xA  }
0x99: {  	v55 =	vmul.f32 v31, v3;
	v31 =	vmul.f32 v32, v3  }
0x9a: {  	v32 =	vor.u32 s3, v4;
	v46 =	vmul.f32 v46, v3;
	v30 =	vmul.f32 v30, v3  }
0x9b: {  	v4 =	vld.idx.msk [tilespmem:v62+s3+$0x0], $0xffff;
	v62 =	vor.u32 s3, v0;
	v52 =	vmul.f32 v52, v3;
	v37 =	vmul.f32 v37, v3  }
0x9c: {  	v23 =	vmul.f32 v23, v2;
	v41 =	vadd.f32 v41, v31;
	v31 =	vld.idx.msk [tilespmem:v60+s3+$0x0], $0xffff;
	v60 =	vbroadcast v35, $0xE  }
0x9d: {  	v38 =	vadd.f32 v38, v55;
	v55 =	vbroadcast v35, $0xC;
	v35 =	vbroadcast v35, $0xA  }
0x9e: {  	v22 =	vmul.f32 v22, v2;
	v12 =	vmul.f32 v12, v2  }
0x9f: {  	v33 =	vadd.f32 v33, v46;
	v35 =	vmul.f32 v35, v3;
	v46 =	vld.idx.msk [tilespmem:v32+s3+$0x0], $0xffff;
	v32 =	vmul.f32 v36, v3  }
0xa0: {  	v30 =	vadd.f32 v39, v30;
	v29 =	vmul.f32 v29, v4;
	v27 =	vmul.f32 v27, v4  }
0xa1: {  	[tilespmem:$0x1F800] =	vst v3;
	v34 =	vadd.f32 v34, v52;
	v24 =	vmul.f32 v24, v4;
	v52 =	vmul.f32 v61, v4  }
0xa2: {  	v3 =	vld.idx.msk [tilespmem:v62+s3+$0x0], $0xffff;
	v0 =	vmul.f32 v1, v4;
	v35 =	vadd.f32 v45, v35;
	v32 =	vadd.f32 v42, v32  }
0xa3: {  	v26 =	vmul.f32 v26, v31;
	v42 =	vadd.f32 v47, v37;
	v29 =	vadd.f32 v41, v29  }
0xa4: {  	v47 =	vmul.f32 v51, v4;
	v27 =	vadd.f32 v38, v27;
	v51 =	vmul.f32 v56, v4  }
0xa5: {  	v24 =	vadd.f32 v30, v24;
	v30 =	vmul.f32 v53, v4;
	v0 =	vadd.f32 v35, v0  }
0xa6: {  	v11 =	vmul.f32 v11, v31;
	v33 =	vadd.f32 v33, v47;
	v32 =	vadd.f32 v32, v51  }
0xa7: {  	v30 =	vadd.f32 v34, v30;
	v15 =	vmul.f32 v15, v3;
	v54 =	vmul.f32 v54, v3  }
0xa8: {  	v53 =	vadd.f32 v42, v52;
	v21 =	vmul.f32 v21, v46;
	v18 =	vmul.f32 v18, v3  }
0xa9: {  	v13 =	vmul.f32 v13, v46;
	v15 =	vadd.f32 v29, v15;
	v29 =	vadd.f32 v30, v54  }
0xaa: {  	v20 =	vmul.f32 v20, v46;
	v18 =	vadd.f32 v27, v18;
	v27 =	vmul.f32 v55, v3  }
0xab: {  	v19 =	vmul.f32 v19, v46;
	v16 =	vmul.f32 v16, v3;
	v13 =	vadd.f32 v29, v13  }
0xac: {  	v1 =	vld [tilespmem:$0x1F850];
	v0 =	vadd.f32 v0, v27;
	v15 =	vadd.f32 v15, v20;
	v20 =	vmul.f32 v63, v46  }
0xad: {  	v17 =	vmul.f32 v17, v46;
	v14 =	vmul.f32 v14, v3;
	v12 =	vadd.f32 v13, v12  }
0xae: {  	v16 =	vadd.f32 v33, v16;
	v0 =	vadd.f32 v0, v20;
	v20 =	vmul.f32 v60, v2  }
0xaf: {  	v56 =	vmul.f32 v48, v3;
	v14 =	vadd.f32 v24, v14;
	v12 =	vadd.f32 v12, v26  }
0xb0: {  	v16 =	vadd.f32 v16, v17;
	v0 =	vadd.f32 v0, v20;
	v20 =	vmul.f32 v59, v31  }
0xb1: {  	[tilespmem:$0x1F810] =	vst v4;
	v61 =	vmul.f32 v50, v3;
	v24 =	vadd.f32 v32, v56;
	v4 =	vadd.f32 v12, v1;
	v1 =	vld [tilespmem:$0x1F860]  }
0xb2: {  	v62 =	vmul.f32 v58, v46;
	v16 =	vadd.f32 v16, v22;
	v0 =	vadd.f32 v0, v20  }
0xb3: {  	v30 =	vadd.f32 v53, v61;
	v27 =	vmul.f32 v40, v46;
	v18 =	vadd.f32 v18, v21  }
0xb4: {  	v0 =	vadd.f32 v0, v8;
	v8 =	vmul.f32 v9, v31;
	v9 =	vadd.f32 v16, v11  }
0xb5: {  	v14 =	vadd.f32 v14, v19;
	v19 =	vadd.f32 v30, v62;
	v21 =	vmul.f32 v57, v2  }
0xb6: {  	[tilespmem:$0x1F820] =	vst v3;
	v17 =	vadd.f32 v24, v27;
	v24 =	vmul.f32 v49, v2;
	v3 =	vadd.f32 v9, v1;
	v1 =	vld [tilespmem:$0x1F870]  }
0xb7: {  	v45 =	vmul.f32 v44, v31;
	v14 =	vadd.f32 v14, v23;
	v19 =	vadd.f32 v19, v21  }
0xb8: {  	v21 =	vmul.f32 v43, v31;
	v17 =	vadd.f32 v17, v24  }
0xb9: {  	v13 =	vadd.f32 v19, v45;
	v8 =	vadd.f32 v14, v8  }
0xba: {  	v28 =	vmul.f32 v28, v2;
	v17 =	vadd.f32 v17, v21  }
0xbb: {  	v25 =	vmul.f32 v25, v2;
	[tilespmem:$0x1F840] =	vst v2;
	v7 =	vadd.f32 v13, v7;
	v2 =	vadd.f32 v8, v1;
	v1 =	vld [tilespmem:$0x1F880]  }
0xbc: {  	v6 =	vmul.f32 v6, v31;
	v15 =	vadd.f32 v15, v28;
	v5 =	vadd.f32 v17, v5  }
0xbd: {  	v11 =	vmax.f32 v7, v0  }
0xbe: {  	v6 =	vadd.f32 v15, v6;
	v9 =	vmax.f32 v11, v5  }
0xbf: {  	v9 =	vmax.f32 v9, v4  }
0xc0: {  	v1 =	vadd.f32 v6, v1;
	v6 =	vmax.f32 v9, v3;
	v9 =	vld [tilespmem:$0x1F890]  }
0xc1: {  	v10 =	vmul.f32 v10, v31;
	v18 =	vadd.f32 v18, v25;
	_ =	sdelay $0x1  }
0xc2: {  	v8 =	vadd.f32 v18, v10;
	_ =	sdelay $0x1  }
0xc3: {  	v6 =	vmax.f32 v6, v2;
	v8 =	vadd.f32 v8, v9  }
0xc4: {  	v6 =	vmax.f32 v6, v1  }
0xc5: {  	v6 =	vmax.f32 v6, v8  }
0xc6: {  	v7 =	vsub.f32 v7, v6  }
0xc7: {  	v0 =	vsub.f32 v0, v6  }
0xc8: {  	v7 =	vmul.f32 $1.442695020e+00, v7  }
0xc9: {  	v5 =	vsub.f32 v5, v6;
	v0 =	vmul.f32 $1.442695020e+00, v0  }
0xca: {  	(erf) = vpow2.f32 v7  }
0xcb: {  	v4 =	vsub.f32 v4, v6;
	v5 =	vmul.f32 $1.442695020e+00, v5;
	(erf) = vpow2.f32 v0;
	_ =	sdelay $0x1  }
0xcc: {  	v3 =	vsub.f32 v3, v6;
	v0 =	vmul.f32 $1.442695020e+00, v4;
	(erf) = vpow2.f32 v5  }
0xcd: {  	v2 =	vsub.f32 v2, v6  }
0xce: {  	v3 =	vmul.f32 $1.442695020e+00, v3;
	(erf) = vpow2.f32 v0  }
0xcf: {  	v1 =	vsub.f32 v1, v6;
	v0 =	vmul.f32 $1.442695020e+00, v2;
	_ =	sdelay $0x1  }
0xd0: {  	v1 =	vmul.f32 $1.442695020e+00, v1;
	(erf) = vpow2.f32 v3  }
0xd1: {  	v3 =	vpop (erf)  }
0xd2: {  	(erf) = vpow2.f32 v0;
	v0 =	vpop (erf)  }
0xd3: {  	v2 =	vsub.f32 v8, v6;
	v0 =	vadd.f32 v0, v3  }
0xd4: {  	(erf) = vpow2.f32 v1;
	v1 =	vpop (erf)  }
0xd5: {  	v2 =	vmul.f32 $1.442695020e+00, v2;
	v0 =	vadd.f32 v0, v1  }
0xd6: {  	v1 =	vpop (erf)  }
0xd7: {  	(erf) = vpow2.f32 v2;
	v0 =	vadd.f32 v0, v1;
	v1 =	vld [tilespmem:$0x4400];
	_ =	sdelay $0x1  }
0xd8: {  	v2 =	vpop (erf)  }
0xd9: {  	v0 =	vadd.f32 v0, v2  }
0xda: {  	v2 =	vpop (erf)  }
0xdb: {  	v0 =	vadd.f32 v0, v2;
	v4 =	vbroadcast v1, $0x7  }
0xdc: {  	v2 =	vpop (erf)  }
0xdd: {  	v0 =	vadd.f32 v0, v2;
	v2 =	vbroadcast v1, $0x5;
	[tilespmem:$0x1F8A0] =	vst v4;
	v4 =	vld [tilespmem:$0x4300];
	_ =	sdelay $0x1  }
0xde: {  	v5 =	vpop (erf);
	[tilespmem:$0x1F8B0] =	vst v2;
	v2 =	vbroadcast v1, $0x6  }
0xdf: {  	v0 =	vadd.f32 v0, v5  }
0xe0: {  	[tilespmem:$0x1F8C0] =	vst v2;
	v2 =	vld [tilespmem:$0x4280]  }
0xe1: {  	(erf) = vrcp.f32 v0;
	v0 =	vbroadcast v4, $0xF;
	_ =	sdelay $0x1  }
0xe2: {  	[tilespmem:$0x1F920] =	vst v0;
	v0 =	vbroadcast v1, $0x1  }
0xe3: {  	v3 =	vld [tilespmem:$0x4380]  }
0xe4: {  	[tilespmem:$0x1F930] =	vst v0;
	v0 =	vbroadcast v2, $0xF;
	_ =	sdelay $0x1  }
0xe5: {  	[tilespmem:$0x1F940] =	vst v0;
	v0 =	vbroadcast v2, $0xB;
	_ =	sdelay $0x1  }
0xe6: {  	[tilespmem:$0x1FCE0] =	vst v0;
	v0 =	vbroadcast v3, $0xA;
	_ =	sdelay $0x1  }
0xe7: {  	[tilespmem:$0x1FD00] =	vst v0;
	v0 =	vbroadcast v4, $0xA;
	_ =	sdelay $0x1  }
0xe8: {  	[tilespmem:$0x1FD30] =	vst v0;
	v0 =	vbroadcast v3, $0x9;
	_ =	sdelay $0x1  }
0xe9: {  	[tilespmem:$0x1FD60] =	vst v0;
	v0 =	vbroadcast v4, $0x9  }
0xea: {  	v35 =	vpop (erf)  }
0xeb: {  	[tilespmem:$0x1FD70] =	vst v0;
	v0 =	vmul.f32 v35, v31;
	_ =	sdelay $0x1  }
0xec: {  	[tilespmem:$0x1FED0] =	vst v0;
	v0 =	vbroadcast v3, $0x8;
	_ =	sdelay $0x1  }
0xed: {  	[tilespmem:$0x1FDA0] =	vst v0;
	v0 =	vbroadcast v4, $0x8;
	_ =	sdelay $0x1  }
0xee: {  	[tilespmem:$0x1FDB0] =	vst v0;
	v0 =	vbroadcast v3, $0x7;
	_ =	sdelay $0x1  }
0xef: {  	[tilespmem:$0x1FDE0] =	vst v0;
	v0 =	vbroadcast v4, $0x7;
	_ =	sdelay $0x1  }
0xf0: {  	[tilespmem:$0x1FE10] =	vst v0;
	v0 =	vbroadcast v3, $0x6;
	_ =	sdelay $0x1  }
0xf1: {  	[tilespmem:$0x1FE40] =	vst v0;
	v0 =	vbroadcast v4, $0x6;
	_ =	sdelay $0x1  }
0xf2: {  	[tilespmem:$0x1FE60] =	vst v0;
	v0 =	vbroadcast v3, $0x5;
	_ =	sdelay $0x1  }
0xf3: {  	[tilespmem:$0x1FE80] =	vst v0;
	v0 =	vbroadcast v4, $0x5;
	_ =	sdelay $0x1  }
0xf4: {  	[tilespmem:$0x1FEA0] =	vst v0;
	v0 =	vbroadcast v3, $0x4;
	_ =	sdelay $0x1  }
0xf5: {  	[tilespmem:$0x1FE00] =	vst v0;
	v0 =	vbroadcast v4, $0x4;
	_ =	sdelay $0x1  }
0xf6: {  	[tilespmem:$0x1FDD0] =	vst v0;
	v0 =	vbroadcast v2, $0x8;
	_ =	sdelay $0x1  }
0xf7: {  	[tilespmem:$0x1FDC0] =	vst v0;
	v0 =	vbroadcast v2, $0x7;
	_ =	sdelay $0x1  }
0xf8: {  	[tilespmem:$0x1FE30] =	vst v0;
	v0 =	vbroadcast v2, $0x6  }
0xf9: {  	v8 =	vld [tilespmem:$0x4200]  }
0xfa: {  	[tilespmem:$0x1FE70] =	vst v0;
	v0 =	vbroadcast v2, $0x5;
	_ =	sdelay $0x1  }
0xfb: {  	[tilespmem:$0x1FEB0] =	vst v0;
	v0 =	vbroadcast v2, $0x4;
	_ =	sdelay $0x1  }
0xfc: {  	[tilespmem:$0x1FE20] =	vst v0;
	v0 =	vbroadcast v8, $0xF;
	_ =	sdelay $0x1  }
0xfd: {  	[tilespmem:$0x1F950] =	vst v0;
	v0 =	vbroadcast v8, $0x7  }
0xfe: {  	v14 =	vld [tilespmem:$0x4180]  }
0xff: {  	[tilespmem:$0x1FE50] =	vst v0;
	v0 =	vbroadcast v8, $0x6;
	_ =	sdelay $0x1  }
0x100: {  	[tilespmem:$0x1FE90] =	vst v0;
	v0 =	vbroadcast v8, $0x5;
	_ =	sdelay $0x1  }
0x101: {  	[tilespmem:$0x1FEC0] =	vst v0;
	v0 =	vbroadcast v14, $0xE;
	_ =	sdelay $0x1  }
0x102: {  	[tilespmem:$0x1F960] =	vst v0;
	v0 =	vbroadcast v14, $0xD  }
0x103: {  	v6 =	vbroadcast v1, $0x3  }
0x104: {  	v21 =	vld [tilespmem:$0x4100];
	[tilespmem:$0x1F970] =	vst v0;
	v0 =	vbroadcast v14, $0xC  }
0x105: {  	[tilespmem:$0x1F8D0] =	vst v6;
	v5 =	vbroadcast v1, $0x2  }
0x106: {  	[tilespmem:$0x1F980] =	vst v0;
	v0 =	vbroadcast v14, $0xB  }
0x107: {  	[tilespmem:$0x1F8F0] =	vst v5;
	v5 =	vbroadcast v3, $0xF  }
0x108: {  	v6 =	vbroadcast v1, $0x4;
	[tilespmem:$0x1F990] =	vst v0;
	v0 =	vbroadcast v14, $0xA  }
0x109: {  	[tilespmem:$0x1F900] =	vst v5;
	v5 =	vbroadcast v1, $0x0;
	v1 =	vbroadcast v21, $0x8  }
0x10a: {  	[tilespmem:$0x1F9A0] =	vst v0;
	v0 =	vbroadcast v14, $0x9  }
0x10b: {  	[tilespmem:$0x1FA60] =	vst v1;
	v1 =	vbroadcast v21, $0x7  }
0x10c: {  	[tilespmem:$0x1F9B0] =	vst v0;
	v0 =	vbroadcast v14, $0x8  }
0x10d: {  	[tilespmem:$0x1FA70] =	vst v1;
	v1 =	vbroadcast v21, $0x6  }
0x10e: {  	[tilespmem:$0x1F9C0] =	vst v0;
	v0 =	vbroadcast v14, $0x7  }
0x10f: {  	[tilespmem:$0x1FA80] =	vst v1  }
0x110: {  	v1 =	vld [tilespmem:$0x1FFD0];
	[tilespmem:$0x1F9D0] =	vst v0;
	v0 =	vbroadcast v14, $0x6  }
0x111: {  	[tilespmem:$0x1F830] =	vst v46;
	v32 =	vbroadcast v21, $0x5  }
0x112: {  	v13 =	vbroadcast v14, $0xF;
	[tilespmem:$0x1F9E0] =	vst v0;
	v0 =	vbroadcast v14, $0x5  }
0x113: {  	v19 =	vbroadcast v14, $0x3;
	v15 =	vbroadcast v14, $0x2;
	[tilespmem:$0x1F8E0] =	vst v6  }
0x114: {  	s14 =	simm.s32 $0x100;
	v6 =	vbroadcast v14, $0x0;
	[tilespmem:$0x1FEE0] =	vst v0;
	v0 =	vbroadcast v21, $0xF  }
0x115: {  	[tilespmem:$0x1F910] =	vst v5;
	v5 =	vbroadcast v14, $0x1;
	v31 =	vbroadcast v14, $0x4;
	v14 =	vor.u32 s14, v1;
	v1 =	vld [tilespmem:$0x1FFB0]  }
0x116: {  	v46 =	vbroadcast v21, $0x4;
	[tilespmem:$0x1F9F0] =	vst v0;
	v0 =	vbroadcast v21, $0xE  }
0x117: {  	v48 =	vbroadcast v21, $0x3;
	v12 =	vbroadcast v21, $0x2  }
0x118: {  	v47 =	vbroadcast v8, $0xE;
	[tilespmem:$0x1FA00] =	vst v0;
	v0 =	vbroadcast v21, $0xD  }
0x119: {  	v17 =	vbroadcast v8, $0xD;
	v25 =	vbroadcast v8, $0xC  }
0x11a: {  	v38 =	vbroadcast v8, $0xB;
	v26 =	vor.u32 s14, v1;
	v1 =	vld [tilespmem:$0x1FFF0];
	[tilespmem:$0x1FA10] =	vst v0;
	v0 =	vbroadcast v21, $0xC  }
0x11b: {  	v27 =	vbroadcast v8, $0xA;
	v58 =	vbroadcast v8, $0x9  }
0x11c: {  	v43 =	vbroadcast v8, $0x8;
	[tilespmem:$0x1FA20] =	vst v0;
	v0 =	vbroadcast v21, $0xB  }
0x11d: {  	v22 =	vbroadcast v3, $0xE;
	v28 =	vbroadcast v3, $0xD  }
0x11e: {  	v30 =	vbroadcast v3, $0xC;
	[tilespmem:$0x1FA30] =	vst v0;
	v0 =	vbroadcast v21, $0xA  }
0x11f: {  	v49 =	vbroadcast v3, $0xB;
	v45 =	vbroadcast v3, $0x3;
	v33 =	vor.u32 s14, v1;
	v1 =	vld [tilespmem:$0x1FFC0]  }
0x120: {  	v7 =	vbroadcast v3, $0x2;
	[tilespmem:$0x1FA40] =	vst v0;
	v0 =	vbroadcast v21, $0x9  }
0x121: {  	v50 =	vbroadcast v3, $0x0;
	v11 =	vbroadcast v3, $0x1  }
0x122: {  	v24 =	vbroadcast v2, $0xE;
	v37 =	vbroadcast v2, $0xD;
	[tilespmem:$0x1FA50] =	vst v0;
	v0 =	vld [tilespmem:$0x4000]  }
0x123: {  	v57 =	vbroadcast v2, $0xC;
	v42 =	vbroadcast v2, $0xA  }
0x124: {  	v56 =	vbroadcast v2, $0x9;
	v59 =	vbroadcast v2, $0x3;
	v36 =	vand.u32 v1, v33  }
0x125: {  	v34 =	vbroadcast v2, $0x2;
	v53 =	vbroadcast v2, $0x0  }
0x126: {  	v54 =	vbroadcast v2, $0x1;
	v3 =	vbroadcast v21, $0x0  }
0x127: {  	v2 =	vbroadcast v21, $0x1;
	v21 =	vld.idx.msk [tilespmem:v26+s3+$0x0], $0xffff;
	v1 =	vbroadcast v0, $0xE  }
0x128: {  	v41 =	vbroadcast v8, $0x4;
	v18 =	vbroadcast v8, $0x3  }
0x129: {  	v55 =	vbroadcast v8, $0x2;
	v26 =	vld.idx.msk [tilespmem:v36+s3+$0x0], $0xffff;
	[tilespmem:$0x1FA90] =	vst v1;
	v1 =	vbroadcast v0, $0xD  }
0x12a: {  	v61 =	vbroadcast v8, $0x0;
	v52 =	vbroadcast v4, $0x1  }
0x12b: {  	v63 =	vbroadcast v8, $0x1;
	[tilespmem:$0x1FAA0] =	vst v1;
	v1 =	vbroadcast v0, $0xC  }
0x12c: {  	v8 =	vld [tilespmem:$0x1FF90];
	v62 =	vmul.f32 v52, v21;
	v11 =	vmul.f32 v11, v21  }
0x12d: {  	v33 =	vmul.f32 v63, v21;
	[tilespmem:$0x1FAB0] =	vst v1;
	v1 =	vbroadcast v0, $0xB  }
0x12e: {  	v63 =	vmul.f32 v54, v21;
	v50 =	vmul.f32 v50, v26  }
0x12f: {  	v52 =	vld [tilespmem:$0x4080];
	v53 =	vmul.f32 v53, v26;
	[tilespmem:$0x1FAC0] =	vst v1;
	v1 =	vbroadcast v0, $0xA  }
0x130: {  	v11 =	vadd.f32 v11, v50  }
0x131: {  	v50 =	vadd.f32 v63, v53;
	v53 =	vor.u32 s14, v8;
	v8 =	vld [tilespmem:$0x1FFA0];
	[tilespmem:$0x1FAD0] =	vst v1;
	v1 =	vbroadcast v0, $0x9  }
0x132: {  	v61 =	vmul.f32 v61, v26  }
0x133: {  	[tilespmem:$0x1FAE0] =	vst v1;
	v1 =	vbroadcast v0, $0x8  }
0x134: {  	v54 =	vadd.f32 v33, v61;
	v33 =	vbroadcast v52, $0x1  }
0x135: {  	[tilespmem:$0x1FAF0] =	vst v1;
	v1 =	vbroadcast v0, $0x7  }
0x136: {  	v63 =	vmul.f32 v33, v21;
	v33 =	vor.u32 s14, v8;
	v8 =	vbroadcast v52, $0xF  }
0x137: {  	[tilespmem:$0x1FB00] =	vst v1;
	v1 =	vbroadcast v0, $0x6  }
0x138: {  	v10 =	vbroadcast v0, $0xF;
	[tilespmem:$0x1FB30] =	vst v8;
	v8 =	vbroadcast v52, $0xE  }
0x139: {  	v23 =	vbroadcast v0, $0x4;
	[tilespmem:$0x1FB10] =	vst v1;
	v1 =	vbroadcast v0, $0x5  }
0x13a: {  	v16 =	vbroadcast v0, $0x3;
	v9 =	vbroadcast v0, $0x2;
	[tilespmem:$0x1FB40] =	vst v8;
	v8 =	vld [tilespmem:$0x1FF80]  }
0x13b: {  	[tilespmem:$0x1FB20] =	vst v1;
	v1 =	vbroadcast v0, $0x0;
	v0 =	vbroadcast v0, $0x1;
	_ =	sdelay $0x1  }
0x13c: {  	v0 =	vmul.f32 v0, v21;
	v1 =	vmul.f32 v1, v26;
	_ =	sdelay $0x1  }
0x13d: {  	v36 =	vor.u32 s14, v8;
	v8 =	vadd.f32 v0, v1;
	v0 =	vbroadcast v52, $0xB;
	_ =	sdelay $0x1  }
0x13e: {  	[tilespmem:$0x1FB70] =	vst v0;
	v0 =	vbroadcast v52, $0xA;
	_ =	sdelay $0x1  }
0x13f: {  	[tilespmem:$0x1FB80] =	vst v0;
	v0 =	vbroadcast v52, $0x9;
	_ =	sdelay $0x1  }
0x140: {  	[tilespmem:$0x1FB90] =	vst v0;
	v0 =	vbroadcast v52, $0x8  }
0x141: {  	v5 =	vmul.f32 v5, v21;
	v6 =	vmul.f32 v6, v26  }
0x142: {  	[tilespmem:$0x1FBA0] =	vst v0;
	v0 =	vld [tilespmem:$0x1FF70]  }
0x143: {  	v5 =	vadd.f32 v5, v6;
	v6 =	vbroadcast v52, $0xD;
	_ =	sdelay $0x1  }
0x144: {  	[tilespmem:$0x1FB50] =	vst v6;
	v6 =	vbroadcast v52, $0xC;
	_ =	sdelay $0x1  }
0x145: {  	[tilespmem:$0x1FB60] =	vst v6;
	v6 =	vor.u32 s14, v0;
	v0 =	vbroadcast v52, $0x7;
	_ =	sdelay $0x1  }
0x146: {  	v2 =	vmul.f32 v2, v21;
	[tilespmem:$0x1FBB0] =	vst v0;
	v0 =	vbroadcast v52, $0x6  }
0x147: {  	v3 =	vmul.f32 v3, v26;
	v61 =	vbroadcast v52, $0x0  }
0x148: {  	v14 =	vld.idx.msk [tilespmem:v14+s3+$0x0], $0xffff;
	[tilespmem:$0x1FBC0] =	vst v0;
	v0 =	vbroadcast v52, $0x5  }
0x149: {  	v2 =	vadd.f32 v2, v3;
	v3 =	vmul.f32 v61, v26;
	v61 =	vld.idx.msk [tilespmem:v53+s3+$0x0], $0xffff  }
0x14a: {  	[tilespmem:$0x1FBD0] =	vst v0;
	v0 =	vld [tilespmem:$0x1FF60];
	_ =	sdelay $0x1  }
0x14b: {  	v51 =	vbroadcast v4, $0x0  }
0x14c: {  	v20 =	vbroadcast v4, $0xE;
	v7 =	vmul.f32 v7, v14;
	v33 =	vld.idx.msk [tilespmem:v33+s3+$0x0], $0xffff  }
0x14d: {  	v51 =	vmul.f32 v51, v26  }
0x14e: {  	v1 =	vor.u32 s14, v0;
	v0 =	vadd.f32 v11, v7;
	v7 =	vmul.f32 v20, v61  }
0x14f: {  	v11 =	vld [tilespmem:$0x1FFE0]  }
0x150: {  	v51 =	vadd.f32 v62, v51;
	v62 =	vld.idx.msk [tilespmem:v36+s3+$0x0], $0xffff;
	[tilespmem:$0x1FBE0] =	vst v7;
	v7 =	vmul.f32 v22, v61  }
0x151: {  	v29 =	vbroadcast v4, $0xD;
	v10 =	vmul.f32 v10, v33  }
0x152: {  	v40 =	vbroadcast v4, $0xC;
	v60 =	vbroadcast v4, $0xB;
	[tilespmem:$0x1FBF0] =	vst v7;
	v7 =	vld.idx.msk [tilespmem:v6+s3+$0x0], $0xffff  }
0x153: {  	v39 =	vbroadcast v4, $0x2;
	[tilespmem:$0x1FC40] =	vst v10;
	v10 =	vmul.f32 v12, v14  }
0x154: {  	v6 =	vmul.f32 v13, v33;
	v13 =	vor.u32 s14, v11;
	v11 =	vmul.f32 v24, v61  }
0x155: {  	v44 =	vbroadcast v4, $0x3;
	v2 =	vadd.f32 v2, v10;
	v10 =	vmul.f32 v37, v62  }
0x156: {  	v4 =	vmul.f32 v39, v14;
	[tilespmem:$0x1FC10] =	vst v11;
	v11 =	vmul.f32 v34, v14  }
0x157: {  	v9 =	vmul.f32 v9, v14;
	[tilespmem:$0x1FC60] =	vst v10;
	v20 =	vld [tilespmem:$0x1FF50];
	v10 =	vmul.f32 v30, v7  }
0x158: {  	v4 =	vadd.f32 v51, v4;
	v12 =	vmul.f32 v29, v62;
	v24 =	vadd.f32 v50, v11;
	v11 =	vld.idx.msk [tilespmem:v1+s3+$0x0], $0xffff  }
0x159: {  	v51 =	vbroadcast v52, $0x4;
	v39 =	vadd.f32 v63, v3;
	[tilespmem:$0x1FC70] =	vst v10;
	v10 =	vmul.f32 v17, v62  }
0x15a: {  	v63 =	vbroadcast v52, $0x3;
	v8 =	vadd.f32 v8, v9;
	[tilespmem:$0x1FC50] =	vst v12;
	v9 =	vmul.f32 v57, v7  }
0x15b: {  	v52 =	vbroadcast v52, $0x2;
	[tilespmem:$0x1FC80] =	vst v10;
	v10 =	vmul.f32 v40, v7  }
0x15c: {  	v12 =	vmul.f32 v15, v14;
	v15 =	vld [tilespmem:$0x1FF40];
	v22 =	vmul.f32 v47, v61;
	v20 =	vor.u32 s14, v20;
	[tilespmem:$0x1FCA0] =	vst v9  }
0x15d: {  	v9 =	vmul.f32 v49, v11;
	[tilespmem:$0x1FC90] =	vst v10;
	v10 =	vmul.f32 v52, v14  }
0x15e: {  	[tilespmem:$0x1FC20] =	vst v22;
	v22 =	vmul.f32 v28, v62;
	v1 =	vld [tilespmem:$0x1FCE0]  }
0x15f: {  	v5 =	vadd.f32 v5, v12;
	v12 =	vld [tilespmem:$0x1FF30];
	[tilespmem:$0x1FCB0] =	vst v9;
	v9 =	vadd.f32 v39, v10;
	v10 =	vmul.f32 v25, v7  }
0x160: {  	[tilespmem:$0x1FC30] =	vst v22;
	v34 =	vld.idx.msk [tilespmem:v13+s3+$0x0], $0xffff  }
0x161: {  	v22 =	vor.u32 s14, v15;
	v15 =	vld.idx.msk [tilespmem:v20+s3+$0x0], $0xffff;
	[tilespmem:$0x1FCC0] =	vst v10;
	v10 =	vmul.f32 v60, v11  }
0x162: {  	v13 =	vld [tilespmem:$0x1FEF0]  }
0x163: {  	[tilespmem:$0x1FCD0] =	vst v10;
	v10 =	vmul.f32 v1, v11;
	v1 =	vld [tilespmem:$0x1FD00];
	_ =	sdelay $0x2  }
0x164: {  	v20 =	vld.idx.msk [tilespmem:v22+s3+$0x0], $0xffff  }
0x165: {  	v22 =	vld [tilespmem:$0x1FF20]  }
0x166: {  	v12 =	vor.u32 s14, v12;
	v17 =	vor.u32 s14, v13;
	v13 =	vmul.f32 v1, v15;
	v1 =	vld [tilespmem:$0x1FD30];
	_ =	sdelay $0x4  }
0x167: {  	v25 =	vor.u32 s14, v22;
	v22 =	vld.idx.msk [tilespmem:v12+s3+$0x0], $0xffff;
	v12 =	vmul.f32 v1, v15;
	_ =	sdelay $0x1  }
0x168: {  	[tilespmem:$0x1FD40] =	vst v12;
	v12 =	vmul.f32 v42, v15;
	_ =	sdelay $0x1  }
0x169: {  	[tilespmem:$0x1FD50] =	vst v12;
	v12 =	vmul.f32 v48, v34;
	_ =	sdelay $0x1  }
0x16a: {  	v1 =	vld [tilespmem:$0x1FD60];
	v2 =	vadd.f32 v2, v12;
	v12 =	vmul.f32 v19, v34  }
0x16b: {  	[tilespmem:$0x1FD10] =	vst v13;
	v13 =	vmul.f32 v45, v34  }
0x16c: {  	v28 =	vld.idx.msk [tilespmem:v25+s3+$0x0], $0xffff;
	v12 =	vadd.f32 v5, v12;
	v5 =	vmul.f32 v63, v34  }
0x16d: {  	v0 =	vadd.f32 v0, v13;
	v13 =	vld [tilespmem:$0x1FF10]  }
0x16e: {  	v19 =	vadd.f32 v9, v5;
	v5 =	vld [tilespmem:$0x1FDE0]  }
0x16f: {  	v60 =	vmul.f32 v1, v20;
	v1 =	vld [tilespmem:$0x1FD70];
	_ =	sdelay $0x3  }
0x170: {  	v5 =	vmul.f32 v5, v28  }
0x171: {  	v30 =	vld.idx.msk [tilespmem:v17+s3+$0x0], $0xffff;
	v17 =	vor.u32 s14, v13;
	v13 =	vmul.f32 v1, v20  }
0x172: {  	[tilespmem:$0x1FDF0] =	vst v5;
	v5 =	vld [tilespmem:$0x1FE00]  }
0x173: {  	[tilespmem:$0x1FD80] =	vst v13;
	v13 =	vmul.f32 v56, v20;
	_ =	sdelay $0x1  }
0x174: {  	[tilespmem:$0x1FD90] =	vst v13;
	v13 =	vld [tilespmem:$0x1FF00]  }
0x175: {  	[tilespmem:$0x1FCF0] =	vst v10;
	v10 =	vmul.f32 v44, v34  }
0x176: {  	v9 =	vmul.f32 v5, v30  }
0x177: {  	v4 =	vadd.f32 v4, v10;
	v10 =	vmul.f32 v38, v11  }
0x178: {  	v0 =	vadd.f32 v0, v9;
	v9 =	vld [tilespmem:$0x1FE10]  }
0x179: {  	[tilespmem:$0x1FD20] =	vst v10;
	v10 =	vmul.f32 v18, v34;
	v18 =	vor.u32 s14, v13;
	v13 =	vld [tilespmem:$0x1FDD0];
	_ =	sdelay $0x1  }
0x17a: {  	[tilespmem:$0x1FC00] =	vst v6;
	v6 =	vmul.f32 v55, v14  }
0x17b: {  	v16 =	vmul.f32 v16, v34  }
0x17c: {  	v6 =	vadd.f32 v54, v6;
	v47 =	vmul.f32 v43, v22;
	v43 =	vmul.f32 v9, v28;
	v9 =	vld [tilespmem:$0x1FE20]  }
0x17d: {  	v8 =	vadd.f32 v8, v16;
	v16 =	vmul.f32 v13, v30  }
0x17e: {  	v6 =	vadd.f32 v6, v10;
	v10 =	vmul.f32 v59, v34  }
0x17f: {  	v5 =	vadd.f32 v4, v16;
	v4 =	vmul.f32 v41, v30  }
0x180: {  	v10 =	vadd.f32 v24, v10  }
0x181: {  	v16 =	vmul.f32 v9, v30;
	v9 =	vadd.f32 v6, v4;
	v6 =	vmul.f32 v46, v30;
	_ =	sdelay $0x1  }
0x182: {  	v10 =	vadd.f32 v10, v16;
	v16 =	vadd.f32 v2, v6;
	v6 =	vmul.f32 v23, v30  }
0x183: {  	v37 =	vld.idx.msk [tilespmem:v18+s3+$0x0], $0xffff  }
0x184: {  	v18 =	vadd.f32 v8, v6;
	v8 =	vld [tilespmem:$0x1FE80]  }
0x185: {  	v29 =	vld.idx.msk [tilespmem:v17+s3+$0x0], $0xffff;
	v17 =	vmul.f32 v31, v30;
	_ =	sdelay $0x1  }
0x186: {  	v17 =	vadd.f32 v12, v17;
	v12 =	vld [tilespmem:$0x1FE60];
	_ =	sdelay $0x1  }
0x187: {  	v23 =	vmul.f32 v8, v37;
	v8 =	vld [tilespmem:$0x1FE90];
	_ =	sdelay $0x2  }
0x188: {  	v38 =	vmul.f32 v12, v29;
	v12 =	vmul.f32 v51, v30;
	_ =	sdelay $0x1  }
0x189: {  	v25 =	vadd.f32 v19, v12;
	v12 =	vmul.f32 v8, v29;
	v8 =	vld [tilespmem:$0x1FEA0];
	_ =	sdelay $0x4  }
0x18a: {  	v44 =	vmul.f32 v8, v37;
	v8 =	vld [tilespmem:$0x1FEB0];
	_ =	sdelay $0x2  }
0x18b: {  	v3 =	vld [tilespmem:$0x1FDB0];
	_ =	sdelay $0x1  }
0x18c: {  	v19 =	vmul.f32 v8, v37;
	v8 =	vld [tilespmem:$0x1FEC0];
	_ =	sdelay $0x2  }
0x18d: {  	v36 =	vmul.f32 v3, v22;
	v3 =	vld [tilespmem:$0x1FDC0]  }
0x18e: {  	v4 =	vld [tilespmem:$0x1FE30]  }
0x18f: {  	v45 =	vmul.f32 v8, v37;
	v8 =	vld [tilespmem:$0x1FED0]  }
0x190: {  	v1 =	vld [tilespmem:$0x1FDA0]  }
0x191: {  	v53 =	vimm.f32 $0.0e+00;
	v55 =	vimm.f32 $0.0e+00;
	v54 =	vimm.f32 $0.0e+00;
	v2 =	vld [tilespmem:$0x1FE50]  }
0x192: {  	v57 =	vimm.f32 $0.0e+00;
	v50 =	vimm.f32 $0.0e+00;
	v40 =	vimm.f32 $0.0e+00;
	v6 =	vld [tilespmem:$0x1FE70]  }
0x193: {  	v49 =	vimm.f32 $0.0e+00;
	v56 =	vimm.f32 $0.0e+00;
	v41 =	vmul.f32 v4, v28;
	v4 =	vld [tilespmem:$0x1FE40]  }
0x194: {  	v52 =	vimm.f32 $0.0e+00;
	v58 =	vmul.f32 v58, v20;
	v39 =	vadd.f32 v8, v56;
	v8 =	vld [tilespmem:$0x1FEE0]  }
0x195: {  	v3 =	vmul.f32 v3, v22;
	v59 =	vmul.f32 v27, v15;
	v42 =	vimm.f32 $0.0e+00  }
0x196: {  	v48 =	vimm.f32 $0.0e+00;
	v63 =	vimm.f32 $0.0e+00;
	v31 =	vadd.f32 v35, v56  }
0x197: {  	v1 =	vmul.f32 v1, v22;
	v51 =	vimm.f32 $0.0e+00;
	v24 =	vmul.f32 v32, v37  }
0x198: {  	v32 =	vimm.f32 $0.0e+00;
	v2 =	vmul.f32 v2, v28;
	v6 =	vmul.f32 v6, v29  }
0x199: {  	s14 =	simm.s32 $0x200;
	v46 =	vimm.f32 $0.0e+00;
	v4 =	vmul.f32 v4, v29;
	v8 =	vmul.f32 v8, v37  }
.LBB2_2:
0x19a: {  	v13 =	vld [tilespmem:$0x1FB20];
	_ =	sdelay $0x4  }
0x19b: {  	v27 =	vmul.f32 v13, v37;
	v13 =	vld [tilespmem:$0x1FBD0];
	_ =	sdelay $0x4  }
0x19c: {  	v0 =	vadd.f32 v0, v23;
	v23 =	vmul.f32 v13, v37;
	v13 =	vld [tilespmem:$0x1F9E0];
	_ =	sdelay $0x4  }
0x19d: {  	v8 =	vadd.f32 v17, v8;
	v17 =	vmul.f32 v13, v29;
	v13 =	vld [tilespmem:$0x1FA80];
	_ =	sdelay $0x4  }
0x19e: {  	v10 =	vadd.f32 v10, v19;
	v19 =	vadd.f32 v25, v23;
	v23 =	vmul.f32 v13, v29;
	v13 =	vld [tilespmem:$0x1FB10];
	_ =	sdelay $0x4  }
0x19f: {  	v16 =	vadd.f32 v16, v24;
	v24 =	vmul.f32 v13, v29;
	v13 =	vld [tilespmem:$0x1FA70];
	_ =	sdelay $0x4  }
0x1a0: {  	v8 =	vadd.f32 v8, v17;
	v17 =	vmul.f32 v13, v28;
	v13 =	vld [tilespmem:$0x1FB00];
	_ =	sdelay $0x2  }
0x1a1: {  	v18 =	vadd.f32 v18, v27  }
0x1a2: {  	v6 =	vadd.f32 v10, v6  }
0x1a3: {  	v10 =	vadd.f32 v16, v23;
	v16 =	vadd.f32 v18, v24;
	v18 =	vmul.f32 v13, v28;
	v13 =	vld [tilespmem:$0x1FDF0];
	_ =	sdelay $0x2  }
0x1a4: {  	v0 =	vadd.f32 v0, v4;
	v4 =	vld [tilespmem:$0x1FBC0];
	_ =	sdelay $0x1  }
0x1a5: {  	v0 =	vadd.f32 v0, v13;
	v13 =	vld [tilespmem:$0x1FBB0]  }
0x1a6: {  	v9 =	vadd.f32 v9, v45;
	_ =	sdelay $0x1  }
0x1a7: {  	v9 =	vadd.f32 v9, v12;
	v12 =	vld [tilespmem:$0x1F9D0];
	v4 =	vmul.f32 v4, v29;
	_ =	sdelay $0x1  }
0x1a8: {  	v4 =	vadd.f32 v19, v4;
	v19 =	vmul.f32 v13, v28;
	v13 =	vld [tilespmem:$0x1FA60];
	_ =	sdelay $0x2  }
0x1a9: {  	v12 =	vmul.f32 v12, v28;
	_ =	sdelay $0x1  }
0x1aa: {  	v8 =	vadd.f32 v8, v12;
	v12 =	vadd.f32 v16, v18;
	v16 =	vmul.f32 v13, v22;
	v13 =	vld [tilespmem:$0x1FAF0];
	_ =	sdelay $0x4  }
0x1ab: {  	v2 =	vadd.f32 v9, v2;
	v9 =	vadd.f32 v10, v17;
	v17 =	vmul.f32 v13, v22;
	v13 =	vld [tilespmem:$0x1FBA0];
	_ =	sdelay $0x4  }
0x1ac: {  	v18 =	vmul.f32 v13, v22;
	v13 =	vld [tilespmem:$0x1FA50];
	_ =	sdelay $0x4  }
0x1ad: {  	v9 =	vadd.f32 v9, v16;
	v16 =	vmul.f32 v13, v20;
	v13 =	vld [tilespmem:$0x1FAE0];
	_ =	sdelay $0x1  }
0x1ae: {  	v5 =	vadd.f32 v5, v44;
	_ =	sdelay $0x1  }
0x1af: {  	v5 =	vadd.f32 v5, v38  }
0x1b0: {  	v12 =	vadd.f32 v12, v17;
	v17 =	vmul.f32 v13, v20;
	v13 =	vld [tilespmem:$0x1FD80]  }
0x1b1: {  	v5 =	vadd.f32 v5, v43;
	_ =	sdelay $0x1  }
0x1b2: {  	v5 =	vadd.f32 v5, v36;
	_ =	sdelay $0x1  }
0x1b3: {  	v5 =	vadd.f32 v5, v13;
	v13 =	vld [tilespmem:$0x1FB90];
	_ =	sdelay $0x2  }
0x1b4: {  	v4 =	vadd.f32 v4, v19;
	_ =	sdelay $0x1  }
0x1b5: {  	v4 =	vadd.f32 v4, v18;
	v18 =	vmul.f32 v13, v20;
	v13 =	vld [tilespmem:$0x1FD90]  }
0x1b6: {  	v6 =	vadd.f32 v6, v41;
	_ =	sdelay $0x1  }
0x1b7: {  	v6 =	vadd.f32 v6, v3;
	_ =	sdelay $0x1  }
0x1b8: {  	v6 =	vadd.f32 v6, v13;
	v13 =	vld [tilespmem:$0x1FA40];
	_ =	sdelay $0x4  }
0x1b9: {  	v9 =	vadd.f32 v9, v16;
	v16 =	vmul.f32 v13, v15;
	v13 =	vld [tilespmem:$0x1FAD0];
	_ =	sdelay $0x4  }
0x1ba: {  	v12 =	vadd.f32 v12, v17;
	v17 =	vmul.f32 v13, v15;
	v13 =	vld [tilespmem:$0x1FD40];
	_ =	sdelay $0x1  }
0x1bb: {  	v12 =	vadd.f32 v12, v17;
	v17 =	vld [tilespmem:$0x1FCD0];
	_ =	sdelay $0x2  }
0x1bc: {  	v5 =	vadd.f32 v5, v13;
	v13 =	vld [tilespmem:$0x1FD10]  }
0x1bd: {  	v0 =	vadd.f32 v0, v1  }
0x1be: {  	v5 =	vadd.f32 v5, v17;
	v17 =	vld [tilespmem:$0x1FCB0]  }
0x1bf: {  	v0 =	vadd.f32 v0, v60;
	_ =	sdelay $0x1  }
0x1c0: {  	v0 =	vadd.f32 v0, v13;
	v13 =	vld [tilespmem:$0x1FB80];
	_ =	sdelay $0x1  }
0x1c1: {  	v0 =	vadd.f32 v0, v17;
	v17 =	vld [tilespmem:$0x1FB70];
	_ =	sdelay $0x2  }
0x1c2: {  	v4 =	vadd.f32 v4, v18;
	v18 =	vmul.f32 v13, v15  }
0x1c3: {  	v10 =	vld [tilespmem:$0x1F9C0]  }
0x1c4: {  	v4 =	vadd.f32 v4, v18;
	v17 =	vmul.f32 v17, v11;
	_ =	sdelay $0x1  }
0x1c5: {  	v4 =	vadd.f32 v4, v17;
	v17 =	vld [tilespmem:$0x1FC90];
	_ =	sdelay $0x1  }
0x1c6: {  	v10 =	vmul.f32 v10, v22;
	_ =	sdelay $0x1  }
0x1c7: {  	v8 =	vadd.f32 v8, v10;
	v10 =	vld [tilespmem:$0x1F9B0]  }
0x1c8: {  	v5 =	vadd.f32 v5, v17;
	v17 =	vld [tilespmem:$0x1FC70];
	_ =	sdelay $0x4  }
0x1c9: {  	v10 =	vmul.f32 v10, v20;
	v0 =	vadd.f32 v0, v17;
	v17 =	vld [tilespmem:$0x1FB60]  }
0x1ca: {  	v13 =	vld [tilespmem:$0x1FD50]  }
0x1cb: {  	v8 =	vadd.f32 v8, v10;
	v10 =	vld [tilespmem:$0x1F9A0]  }
0x1cc: {  	v9 =	vadd.f32 v9, v16;
	v16 =	vld [tilespmem:$0x1FAC0];
	_ =	sdelay $0x1  }
0x1cd: {  	v17 =	vmul.f32 v17, v7  }
0x1ce: {  	v6 =	vadd.f32 v6, v13;
	v13 =	vld [tilespmem:$0x1FA30]  }
0x1cf: {  	v10 =	vmul.f32 v10, v15;
	v4 =	vadd.f32 v4, v17;
	v17 =	vld [tilespmem:$0x1FC50]  }
0x1d0: {  	v16 =	vmul.f32 v16, v11  }
0x1d1: {  	v8 =	vadd.f32 v8, v10;
	v10 =	vld [tilespmem:$0x1F990]  }
0x1d2: {  	v2 =	vadd.f32 v2, v47;
	v12 =	vadd.f32 v12, v16;
	v16 =	vld [tilespmem:$0x1FAB0]  }
0x1d3: {  	v18 =	vld [tilespmem:$0x1FD20]  }
0x1d4: {  	v2 =	vadd.f32 v2, v58;
	v13 =	vmul.f32 v13, v11;
	v5 =	vadd.f32 v5, v17;
	v17 =	vld [tilespmem:$0x1FC30];
	_ =	sdelay $0x1  }
0x1d5: {  	v2 =	vadd.f32 v2, v59;
	v9 =	vadd.f32 v9, v13;
	v13 =	vld [tilespmem:$0x1FA20];
	_ =	sdelay $0x1  }
0x1d6: {  	v10 =	vmul.f32 v10, v11;
	v2 =	vadd.f32 v2, v18;
	v18 =	vld [tilespmem:$0x1FCF0]  }
0x1d7: {  	v16 =	vmul.f32 v16, v7;
	v0 =	vadd.f32 v0, v17;
	v17 =	vld [tilespmem:$0x1FB50]  }
0x1d8: {  	v8 =	vadd.f32 v8, v10;
	v10 =	vld [tilespmem:$0x1F980]  }
0x1d9: {  	v12 =	vadd.f32 v12, v16;
	v16 =	vld [tilespmem:$0x1FAA0];
	v13 =	vmul.f32 v13, v7;
	_ =	sdelay $0x1  }
0x1da: {  	v9 =	vadd.f32 v9, v13;
	v13 =	vld [tilespmem:$0x1FA10]  }
0x1db: {  	v6 =	vadd.f32 v6, v18;
	v18 =	vld [tilespmem:$0x1FCC0];
	v17 =	vmul.f32 v17, v62  }
0x1dc: {  	v10 =	vmul.f32 v10, v7  }
0x1dd: {  	v16 =	vmul.f32 v16, v62;
	v4 =	vadd.f32 v4, v17;
	v17 =	vld [tilespmem:$0x1FBE0]  }
0x1de: {  	v8 =	vadd.f32 v8, v10;
	v10 =	vld [tilespmem:$0x1F970]  }
0x1df: {  	v12 =	vadd.f32 v12, v16;
	v16 =	vld [tilespmem:$0x1FB40];
	v13 =	vmul.f32 v13, v62  }
0x1e0: {  	v2 =	vadd.f32 v2, v18;
	v18 =	vld [tilespmem:$0x1FCA0]  }
0x1e1: {  	v9 =	vadd.f32 v9, v13;
	v13 =	vld [tilespmem:$0x1FA90]  }
0x1e2: {  	v5 =	vadd.f32 v5, v17;
	v17 =	vld [tilespmem:$0x1FBF0]  }
0x1e3: {  	v10 =	vmul.f32 v10, v62;
	_ =	sdelay $0x1  }
0x1e4: {  	v8 =	vadd.f32 v8, v10;
	v10 =	vld [tilespmem:$0x1F960]  }
0x1e5: {  	v6 =	vadd.f32 v6, v18;
	v18 =	vld [tilespmem:$0x1FC80];
	v13 =	vmul.f32 v13, v61  }
0x1e6: {  	v16 =	vmul.f32 v16, v61;
	v0 =	vadd.f32 v0, v17;
	v17 =	vld [tilespmem:$0x1FA00]  }
0x1e7: {  	v12 =	vadd.f32 v12, v13;
	v13 =	vld [tilespmem:$0x1FB30]  }
0x1e8: {  	v4 =	vadd.f32 v4, v16;
	v16 =	vld [tilespmem:$0x1F9F0];
	_ =	sdelay $0x1  }
0x1e9: {  	v10 =	vmul.f32 v10, v61  }
0x1ea: {  	v17 =	vmul.f32 v17, v61  }
0x1eb: {  	v8 =	vadd.f32 v8, v10;
	v10 =	vld [tilespmem:$0x1FC40];
	v13 =	vmul.f32 v13, v33  }
0x1ec: {  	v2 =	vadd.f32 v2, v18;
	v18 =	vld [tilespmem:$0x1FC60];
	v16 =	vmul.f32 v16, v33;
	v9 =	vadd.f32 v9, v17  }
0x1ed: {  	v4 =	vadd.f32 v4, v13;
	v13 =	vld [tilespmem:$0x1FC00]  }
0x1ee: {  	v9 =	vadd.f32 v9, v16;
	v16 =	vld [tilespmem:$0x1F910];
	_ =	sdelay $0x2  }
0x1ef: {  	v6 =	vadd.f32 v6, v18;
	v18 =	vld [tilespmem:$0x1FC20];
	v10 =	vadd.f32 v12, v10  }
0x1f0: {  	v8 =	vadd.f32 v8, v13;
	v13 =	vld [tilespmem:$0x1F950]  }
0x1f1: {  	v10 =	vadd.f32 v10, v16;
	v16 =	vld [tilespmem:$0x1F930];
	_ =	sdelay $0x1  }
0x1f2: {  	v17 =	vld [tilespmem:$0x1F8F0]  }
0x1f3: {  	v12 =	vld [tilespmem:$0x1F900]  }
0x1f4: {  	v2 =	vadd.f32 v2, v18;
	v18 =	vld [tilespmem:$0x1FC10];
	v13 =	vmul.f32 v13, v33  }
0x1f5: {  	v4 =	vadd.f32 v4, v16;
	v16 =	vld [tilespmem:$0x1F940]  }
0x1f6: {  	v2 =	vadd.f32 v2, v13;
	v13 =	vld [tilespmem:$0x1F920]  }
0x1f7: {  	v9 =	vadd.f32 v9, v17;
	v17 =	vld [tilespmem:$0x1F8D0];
	_ =	sdelay $0x2  }
0x1f8: {  	v6 =	vadd.f32 v6, v18;
	v16 =	vmul.f32 v16, v33  }
0x1f9: {  	v12 =	vmul.f32 v12, v33;
	v13 =	vmul.f32 v13, v33  }
0x1fa: {  	v8 =	vadd.f32 v8, v17;
	v6 =	vadd.f32 v6, v16;
	v16 =	vmax.f32 v10, v4  }
0x1fb: {  	v5 =	vadd.f32 v5, v13;
	v13 =	vmax.f32 v16, v9;
	v16 =	vld [tilespmem:$0x1F8B0]  }
0x1fc: {  	v0 =	vadd.f32 v0, v12;
	v12 =	vmax.f32 v13, v8;
	v13 =	vld [tilespmem:$0x1F8C0];
	_ =	sdelay $0x2  }
0x1fd: {  	v17 =	vld [tilespmem:$0x1F8E0];
	_ =	sdelay $0x1  }
0x1fe: {  	v6 =	vadd.f32 v6, v16;
	v16 =	vmov v26;
	v5 =	vadd.f32 v5, v13;
	v13 =	vld [tilespmem:$0x1F770]  }
0x1ff: {  	[tilespmem:$0x1F770] =	vst v16;
	v16 =	vld [tilespmem:$0x1F8A0];
	_ =	sdelay $0x1  }
0x200: {  	v2 =	vadd.f32 v2, v17;
	_ =	sdelay $0x1  }
0x201: {  	v12 =	vmax.f32 v12, v2  }
0x202: {  	v12 =	vmax.f32 v12, v6;
	v0 =	vadd.f32 v0, v16  }
0x203: {  	v12 =	vmax.f32 v12, v5  }
0x204: {  	v12 =	vmax.f32 v12, v0  }
0x205: {  	v4 =	vsub.f32 v4, v12  }
0x206: {  	v27 =	vmov v15;
	v15 =	vld [tilespmem:$0x1F810];
	v13 =	vmul.f32 v35, v13  }
0x207: {  	v17 =	vmov v21;
	v16 =	vld [tilespmem:$0x1F760]  }
0x208: {  	[tilespmem:$0x1F760] =	vst v17;
	v56 =	vadd.f32 v13, v56;
	v13 =	vld [tilespmem:$0x1F800]  }
0x209: {  	v17 =	vld [tilespmem:$0x1F780];
	[tilespmem:$0x1F800] =	vst v27;
	v27 =	vmul.f32 $1.442695020e+00, v4;
	v4 =	vmov v14  }
0x20a: {  	[tilespmem:$0x1F780] =	vst v4;
	v4 =	vld [tilespmem:$0x1F830]  }
0x20b: {  	v10 =	vsub.f32 v10, v12;
	_ =	sdelay $0x1  }
0x20c: {  	v3 =	vmovc v20;
	v19 =	vmovc v34;
	v18 =	vld [tilespmem:$0x1F790];
	v9 =	vsub.f32 v9, v12;
	v10 =	vmul.f32 $1.442695020e+00, v10;
	v20 =	vmul.f32 v35, v13  }
0x20d: {  	[tilespmem:$0x1F790] =	vst v19;
	v19 =	vld [tilespmem:$0x1F7A0];
	v13 =	vmovc v22;
	v22 =	vmul.f32 v35, v15;
	v15 =	vmovc v11;
	v11 =	vmov v7;
	v7 =	vmov v30  }
0x20e: {  	[tilespmem:$0x1F7A0] =	vst v7;
	v7 =	vmul.f32 $1.442695020e+00, v9;
	v9 =	vmul.f32 v35, v4;
	v4 =	vld [tilespmem:$0x1F840]  }
0x20f: {  	(erf) = vpow2.f32 v10  }
0x210: {  	v23 =	vmov v37;
	v8 =	vsub.f32 v8, v12;
	(erf) = vpow2.f32 v27  }
0x211: {  	v1 =	vmov v29;
	v21 =	vld [tilespmem:$0x1F7B0];
	[tilespmem:$0x1F7B0] =	vst v23;
	v16 =	vmul.f32 v35, v16  }
0x212: {  	v23 =	vld [tilespmem:$0x1F7C0];
	[tilespmem:$0x1F7C0] =	vst v1;
	v2 =	vsub.f32 v2, v12;
	v1 =	vmul.f32 $1.442695020e+00, v8;
	(erf) = vpow2.f32 v7  }
0x213: {  	v57 =	vadd.f32 v16, v57;
	v16 =	vmul.f32 v35, v4;
	v4 =	vmov v62  }
0x214: {  	v2 =	vmul.f32 $1.442695020e+00, v2;
	(erf) = vpow2.f32 v1;
	[tilespmem:$0x1F830] =	vst v4;
	v4 =	vsub.f32 v6, v12;
	_ =	sdelay $0x1  }
0x215: {  	v5 =	vsub.f32 v5, v12;
	(erf) = vpow2.f32 v2;
	v8 =	vmul.f32 $1.442695020e+00, v4;
	_ =	sdelay $0x1  }
0x216: {  	v0 =	vsub.f32 v0, v12;
	v10 =	vld [tilespmem:$0x1F820];
	[tilespmem:$0x1F820] =	vst v11;
	v11 =	vmul.f32 $1.442695020e+00, v5;
	v6 =	vpop (erf);
	(erf) = vpow2.f32 v8  }
0x217: {  	v17 =	vmul.f32 v35, v17;
	v4 =	vpop (erf)  }
0x218: {  	v25 =	vmovc v28;
	v24 =	vld [tilespmem:$0x1F7D0];
	v12 =	vmul.f32 $1.442695020e+00, v0;
	v6 =	vadd.f32 v4, v6;
	(erf) = vpow2.f32 v11  }
0x219: {  	[tilespmem:$0x1F7D0] =	vst v25;
	v25 =	vld [tilespmem:$0x1F7E0];
	v5 =	vpop (erf)  }
0x21a: {  	v55 =	vadd.f32 v17, v55;
	[tilespmem:$0x1F7E0] =	vst v13;
	v13 =	vld [tilespmem:$0x4400];
	(erf) = vpow2.f32 v12;
	v17 =	vadd.f32 v6, v5  }
0x21b: {  	v0 =	vpop (erf)  }
0x21c: {  	v0 =	vadd.f32 v17, v0  }
0x21d: {  	v5 =	vpop (erf)  }
0x21e: {  	v0 =	vadd.f32 v0, v5  }
0x21f: {  	v4 =	vbroadcast v13, $0x0;
	v5 =	vpop (erf)  }
0x220: {  	v26 =	vld [tilespmem:$0x1F7F0];
	[tilespmem:$0x1F7F0] =	vst v3;
	v0 =	vadd.f32 v0, v5  }
0x221: {  	v3 =	vmov v61;
	v1 =	vbroadcast v13, $0x5;
	[tilespmem:$0x1F910] =	vst v4;
	v4 =	vld [tilespmem:$0x4100];
	v5 =	vpop (erf)  }
0x222: {  	v7 =	vld [tilespmem:$0x4300];
	[tilespmem:$0x1F840] =	vst v3;
	v3 =	vbroadcast v13, $0x7;
	v0 =	vadd.f32 v0, v5  }
0x223: {  	v14 =	vld [tilespmem:$0x4200];
	[tilespmem:$0x1F8B0] =	vst v1;
	v1 =	vbroadcast v13, $0x6;
	v5 =	vpop (erf)  }
0x224: {  	v2 =	vbroadcast v13, $0x2;
	[tilespmem:$0x1F8A0] =	vst v3;
	v3 =	vld [tilespmem:$0x4380];
	v0 =	vadd.f32 v0, v5  }
0x225: {  	[tilespmem:$0x1F8C0] =	vst v1;
	v1 =	vbroadcast v13, $0x3;
	v11 =	vld [tilespmem:$0x4000]  }
0x226: {  	[tilespmem:$0x1F8F0] =	vst v2;
	(erf) = vrcp.f32 v0;
	v0 =	vbroadcast v4, $0xD  }
0x227: {  	[tilespmem:$0x1F8D0] =	vst v1;
	v8 =	vbroadcast v7, $0xF  }
0x228: {  	v1 =	vbroadcast v13, $0x4;
	[tilespmem:$0x1FA10] =	vst v0;
	v0 =	vbroadcast v14, $0xC  }
0x229: {  	v2 =	vbroadcast v3, $0xF;
	[tilespmem:$0x1F920] =	vst v8;
	v8 =	vbroadcast v13, $0x1;
	v13 =	vld [tilespmem:$0x4080]  }
0x22a: {  	[tilespmem:$0x1F4D0] =	vst v0;
	v0 =	vbroadcast v11, $0xD  }
0x22b: {  	[tilespmem:$0x1F900] =	vst v2;
	v2 =	vld [tilespmem:$0x4180]  }
0x22c: {  	[tilespmem:$0x1FAA0] =	vst v0;
	v0 =	vbroadcast v7, $0xB  }
0x22d: {  	[tilespmem:$0x1F8E0] =	vst v1;
	v1 =	vld [tilespmem:$0x4280]  }
0x22e: {  	[tilespmem:$0x1F4E0] =	vst v0;
	v0 =	vbroadcast v13, $0xD;
	_ =	sdelay $0x1  }
0x22f: {  	[tilespmem:$0x1FB50] =	vst v0;
	v0 =	vbroadcast v2, $0xC;
	_ =	sdelay $0x1  }
0x230: {  	[tilespmem:$0x1F980] =	vst v0;
	v0 =	vbroadcast v1, $0xB;
	_ =	sdelay $0x1  }
0x231: {  	[tilespmem:$0x1F4F0] =	vst v0;
	v0 =	vbroadcast v4, $0xC;
	_ =	sdelay $0x1  }
0x232: {  	[tilespmem:$0x1FA20] =	vst v0;
	v0 =	vbroadcast v14, $0xB;
	_ =	sdelay $0x1  }
0x233: {  	[tilespmem:$0x1F500] =	vst v0;
	v0 =	vbroadcast v11, $0xC;
	_ =	sdelay $0x1  }
0x234: {  	[tilespmem:$0x1FAB0] =	vst v0;
	v0 =	vbroadcast v13, $0xC;
	_ =	sdelay $0x1  }
0x235: {  	[tilespmem:$0x1FB60] =	vst v0;
	v0 =	vbroadcast v2, $0xB;
	_ =	sdelay $0x1  }
0x236: {  	[tilespmem:$0x1F990] =	vst v0;
	v0 =	vbroadcast v3, $0x9  }
0x237: {  	v24 =	vmul.f32 v35, v24;
	v25 =	vmul.f32 v35, v25  }
0x238: {  	v18 =	vmul.f32 v35, v18;
	[tilespmem:$0x1F510] =	vst v0;
	v0 =	vbroadcast v4, $0xB  }
0x239: {  	v19 =	vmul.f32 v35, v19;
	v21 =	vmul.f32 v35, v21  }
0x23a: {  	v23 =	vmul.f32 v35, v23;
	[tilespmem:$0x1FA30] =	vst v0;
	v0 =	vbroadcast v14, $0xA  }
0x23b: {  	v26 =	vmul.f32 v35, v26;
	v10 =	vmul.f32 v35, v10;
	v35 =	vpop (erf)  }
0x23c: {  	[tilespmem:$0x1F520] =	vst v0;
	v0 =	vmul.f32 v35, v33;
	_ =	sdelay $0x1  }
0x23d: {  	v39 =	vadd.f32 v0, v39;
	v0 =	vbroadcast v4, $0xA;
	_ =	sdelay $0x1  }
0x23e: {  	[tilespmem:$0x1FA40] =	vst v0;
	v0 =	vbroadcast v11, $0xA;
	_ =	sdelay $0x1  }
0x23f: {  	[tilespmem:$0x1FAD0] =	vst v0;
	v0 =	vbroadcast v13, $0xA;
	_ =	sdelay $0x1  }
0x240: {  	[tilespmem:$0x1FB80] =	vst v0;
	v0 =	vbroadcast v2, $0x9;
	_ =	sdelay $0x1  }
0x241: {  	[tilespmem:$0x1F9B0] =	vst v0;
	v0 =	vbroadcast v4, $0x9;
	_ =	sdelay $0x1  }
0x242: {  	[tilespmem:$0x1FA50] =	vst v0;
	v0 =	vbroadcast v11, $0x9;
	_ =	sdelay $0x1  }
0x243: {  	[tilespmem:$0x1FAE0] =	vst v0;
	v0 =	vbroadcast v13, $0x9;
	_ =	sdelay $0x1  }
0x244: {  	[tilespmem:$0x1FB90] =	vst v0;
	v0 =	vbroadcast v2, $0x8;
	_ =	sdelay $0x1  }
0x245: {  	[tilespmem:$0x1F9C0] =	vst v0;
	v0 =	vbroadcast v4, $0x8;
	_ =	sdelay $0x1  }
0x246: {  	[tilespmem:$0x1FA60] =	vst v0;
	v0 =	vbroadcast v7, $0x6;
	_ =	sdelay $0x1  }
0x247: {  	[tilespmem:$0x1F530] =	vst v0;
	v0 =	vbroadcast v11, $0x8  }
0x248: {  	v50 =	vadd.f32 v24, v50  }
0x249: {  	[tilespmem:$0x1FAF0] =	vst v0;
	v0 =	vbroadcast v13, $0x8  }
0x24a: {  	[tilespmem:$0x1F640] =	vst v50;
	v54 =	vadd.f32 v18, v54  }
0x24b: {  	[tilespmem:$0x1FBA0] =	vst v0;
	v0 =	vbroadcast v2, $0x7  }
0x24c: {  	[tilespmem:$0x1F5A0] =	vst v54;
	v51 =	vadd.f32 v23, v51  }
0x24d: {  	[tilespmem:$0x1F9D0] =	vst v0;
	v0 =	vbroadcast v4, $0x7  }
0x24e: {  	[tilespmem:$0x1F590] =	vst v51  }
0x24f: {  	[tilespmem:$0x1FA70] =	vst v0;
	v0 =	vbroadcast v11, $0x7  }
0x250: {  	[tilespmem:$0x1F6E0] =	vst v56  }
0x251: {  	[tilespmem:$0x1FB00] =	vst v0;
	v0 =	vbroadcast v13, $0x7  }
0x252: {  	[tilespmem:$0x1F810] =	vst v15  }
0x253: {  	[tilespmem:$0x1FBB0] =	vst v0;
	v0 =	vbroadcast v2, $0x6  }
0x254: {  	[tilespmem:$0x1F710] =	vst v57  }
0x255: {  	[tilespmem:$0x1F9E0] =	vst v0;
	v0 =	vbroadcast v4, $0x6  }
0x256: {  	[tilespmem:$0x1F6C0] =	vst v55;
	v40 =	vadd.f32 v22, v40  }
0x257: {  	[tilespmem:$0x1FA80] =	vst v0;
	v0 =	vbroadcast v7, $0x4  }
0x258: {  	[tilespmem:$0x1F700] =	vst v40;
	v46 =	vadd.f32 v10, v46  }
0x259: {  	[tilespmem:$0x1F540] =	vst v0;
	v0 =	vbroadcast v11, $0x6  }
0x25a: {  	[tilespmem:$0x1F600] =	vst v46  }
0x25b: {  	[tilespmem:$0x1FB10] =	vst v0;
	v0 =	vbroadcast v13, $0x6  }
0x25c: {  	v6 =	vbroadcast v1, $0xF;
	[tilespmem:$0x1F930] =	vst v8  }
0x25d: {  	[tilespmem:$0x1FBC0] =	vst v0;
	v0 =	vbroadcast v2, $0x5  }
0x25e: {  	[tilespmem:$0x1F940] =	vst v6;
	v6 =	vbroadcast v14, $0xF  }
0x25f: {  	v22 =	vbroadcast v14, $0xD;
	[tilespmem:$0x1F730] =	vst v0;
	v0 =	vbroadcast v1, $0x4  }
0x260: {  	v30 =	vbroadcast v14, $0x9;
	[tilespmem:$0x1F950] =	vst v6;
	v6 =	vbroadcast v1, $0xE  }
0x261: {  	v56 =	vbroadcast v14, $0x8;
	[tilespmem:$0x1F550] =	vst v0;
	v0 =	vbroadcast v4, $0x5  }
0x262: {  	v38 =	vbroadcast v14, $0x7;
	[tilespmem:$0x1F450] =	vst v6;
	v6 =	vbroadcast v4, $0xF  }
0x263: {  	v45 =	vbroadcast v14, $0x5;
	[tilespmem:$0x1F750] =	vst v0;
	v0 =	vbroadcast v14, $0x4  }
0x264: {  	v51 =	vbroadcast v14, $0x0;
	[tilespmem:$0x1F9F0] =	vst v6;
	v6 =	vbroadcast v3, $0xD  }
0x265: {  	v15 =	vbroadcast v7, $0xE;
	[tilespmem:$0x1F560] =	vst v0;
	v0 =	vbroadcast v7, $0x3  }
0x266: {  	v29 =	vbroadcast v7, $0xA;
	[tilespmem:$0x1F470] =	vst v6;
	v6 =	vbroadcast v7, $0xD  }
0x267: {  	v37 =	vbroadcast v7, $0x9;
	[tilespmem:$0x1F570] =	vst v0;
	v0 =	vbroadcast v11, $0x5  }
0x268: {  	v55 =	vbroadcast v7, $0x8;
	v5 =	vbroadcast v2, $0xD;
	[tilespmem:$0x1F480] =	vst v6  }
0x269: {  	v43 =	vbroadcast v7, $0x7;
	[tilespmem:$0x1FB20] =	vst v0;
	v0 =	vbroadcast v13, $0x5  }
0x26a: {  	v52 =	vadd.f32 v21, v52;
	v21 =	vbroadcast v7, $0x5;
	v6 =	vbroadcast v13, $0xF;
	[tilespmem:$0x1F970] =	vst v5  }
0x26b: {  	v50 =	vbroadcast v7, $0x1;
	[tilespmem:$0x1FBD0] =	vst v0;
	v0 =	vbroadcast v2, $0x4  }
0x26c: {  	v28 =	vbroadcast v3, $0xE;
	v5 =	vbroadcast v1, $0xC;
	[tilespmem:$0x1FB30] =	vst v6  }
0x26d: {  	v57 =	vbroadcast v3, $0xA;
	[tilespmem:$0x1F680] =	vst v0;
	v0 =	vbroadcast v4, $0x4  }
0x26e: {  	v59 =	vbroadcast v3, $0x8;
	v6 =	vbroadcast v2, $0xE;
	[tilespmem:$0x1F4B0] =	vst v5  }
0x26f: {  	v34 =	vbroadcast v3, $0x7;
	[tilespmem:$0x1F690] =	vst v0;
	v0 =	vbroadcast v11, $0x4  }
0x270: {  	v23 =	vbroadcast v3, $0x6;
	v5 =	vbroadcast v3, $0xB;
	[tilespmem:$0x1F960] =	vst v6  }
0x271: {  	v42 =	vadd.f32 v9, v42;
	v9 =	vld [tilespmem:$0x1FFA0];
	v44 =	vbroadcast v3, $0x5;
	[tilespmem:$0x1F6A0] =	vst v0;
	v0 =	vbroadcast v13, $0x4  }
0x272: {  	v58 =	vadd.f32 v26, v63;
	v26 =	vbroadcast v3, $0x4;
	[tilespmem:$0x1F4C0] =	vst v5;
	v5 =	vbroadcast v11, $0xB  }
0x273: {  	v27 =	vbroadcast v3, $0x3;
	[tilespmem:$0x1F6D0] =	vst v0;
	v0 =	vbroadcast v2, $0x3  }
0x274: {  	v10 =	vbroadcast v3, $0x2;
	v6 =	vbroadcast v4, $0xE;
	[tilespmem:$0x1FAC0] =	vst v5  }
0x275: {  	v18 =	vbroadcast v3, $0x0;
	v5 =	vbroadcast v13, $0xB;
	[tilespmem:$0x1F630] =	vst v0;
	v0 =	vld [tilespmem:$0x1FF90]  }
0x276: {  	v24 =	vor.u32 s14, v9;
	v9 =	vbroadcast v7, $0x0;
	[tilespmem:$0x1FA00] =	vst v6;
	v31 =	vadd.f32 v35, v31  }
0x277: {  	v40 =	vbroadcast v1, $0xD;
	[tilespmem:$0x1FB70] =	vst v5;
	v5 =	vbroadcast v2, $0xA  }
0x278: {  	v60 =	vbroadcast v1, $0xA;
	[tilespmem:$0x1F720] =	vst v31;
	v31 =	vbroadcast v11, $0x3  }
0x279: {  	v36 =	vbroadcast v1, $0x9;
	v6 =	vbroadcast v3, $0xC;
	[tilespmem:$0x1F9A0] =	vst v5  }
0x27a: {  	v5 =	vbroadcast v3, $0x1;
	[tilespmem:$0x1F660] =	vst v31;
	v31 =	vbroadcast v13, $0x3;
	v3 =	vor.u32 s14, v0  }
0x27b: {  	v47 =	vbroadcast v1, $0x8;
	[tilespmem:$0x1F490] =	vst v6;
	v6 =	vbroadcast v7, $0xC  }
0x27c: {  	v41 =	vbroadcast v1, $0x7;
	[tilespmem:$0x1F670] =	vst v31;
	v31 =	vbroadcast v2, $0x2  }
0x27d: {  	v8 =	vbroadcast v2, $0xF;
	v17 =	vbroadcast v7, $0x2;
	[tilespmem:$0x1F4A0] =	vst v6;
	v7 =	vld [tilespmem:$0x1FF80]  }
0x27e: {  	v53 =	vadd.f32 v19, v53;
	v19 =	vbroadcast v1, $0x5;
	v6 =	vbroadcast v11, $0xE;
	[tilespmem:$0x1F5C0] =	vst v31;
	v31 =	vld [tilespmem:$0x1FF70]  }
0x27f: {  	v49 =	vadd.f32 v25, v49;
	v25 =	vbroadcast v1, $0x3;
	[tilespmem:$0x1F440] =	vst v8;
	v8 =	vbroadcast v14, $0xE;
	v61 =	vld.idx.msk [tilespmem:v3+s3+$0x0], $0xffff  }
0x280: {  	v46 =	vbroadcast v1, $0x0;
	[tilespmem:$0x1FA90] =	vst v6;
	v6 =	vbroadcast v13, $0xE;
	v3 =	vld [tilespmem:$0x1FF60]  }
0x281: {  	v54 =	vbroadcast v1, $0x1;
	[tilespmem:$0x1F460] =	vst v8;
	v8 =	vbroadcast v1, $0x2  }
0x282: {  	[tilespmem:$0x1FB40] =	vst v6;
	v6 =	vbroadcast v1, $0x6;
	v1 =	vbroadcast v11, $0x2;
	v7 =	vor.u32 s14, v7  }
0x283: {  	[tilespmem:$0x1F580] =	vst v53;
	v53 =	vbroadcast v14, $0x1;
	v63 =	vor.u32 s14, v31;
	v0 =	vbroadcast v4, $0x3  }
0x284: {  	v32 =	vadd.f32 v16, v32;
	v16 =	vbroadcast v14, $0x3;
	[tilespmem:$0x1F5E0] =	vst v1;
	v1 =	vbroadcast v13, $0x2  }
0x285: {  	v12 =	vbroadcast v14, $0x6;
	v33 =	vld.idx.msk [tilespmem:v24+s3+$0x0], $0xffff;
	[tilespmem:$0x1F650] =	vst v0;
	v0 =	vbroadcast v14, $0x2;
	v14 =	vor.u32 s14, v3  }
0x286: {  	[tilespmem:$0x1F5F0] =	vst v1;
	v1 =	vld [tilespmem:$0x1F440]  }
0x287: {  	v62 =	vld.idx.msk [tilespmem:v7+s3+$0x0], $0xffff  }
0x288: {  	[tilespmem:$0x1F610] =	vst v42;
	v42 =	vbroadcast v2, $0x0;
	v7 =	vld.idx.msk [tilespmem:v63+s3+$0x0], $0xffff  }
0x289: {  	v48 =	vadd.f32 v20, v48;
	v20 =	vbroadcast v11, $0xF;
	[tilespmem:$0x1F620] =	vst v39;
	v39 =	vbroadcast v2, $0x1;
	v2 =	vld [tilespmem:$0x1FF50]  }
0x28a: {  	[tilespmem:$0x1F740] =	vst v32;
	v32 =	vbroadcast v11, $0x1;
	v63 =	vbroadcast v11, $0x0;
	v11 =	vld.idx.msk [tilespmem:v14+s3+$0x0], $0xffff  }
0x28b: {  	v14 =	vmul.f32 v15, v61;
	v15 =	vmul.f32 v1, v33;
	v1 =	vld [tilespmem:$0x1F450];
	_ =	sdelay $0x3  }
0x28c: {  	v2 =	vor.u32 s14, v2  }
0x28d: {  	[tilespmem:$0x1FC00] =	vst v15;
	v15 =	vmul.f32 v1, v61;
	v1 =	vld [tilespmem:$0x1F460];
	_ =	sdelay $0x3  }
0x28e: {  	[tilespmem:$0x1FC10] =	vst v15;
	v15 =	vld.idx.msk [tilespmem:v2+s3+$0x0], $0xffff  }
0x28f: {  	v2 =	vmul.f32 v1, v61;
	v1 =	vld [tilespmem:$0x1F470]  }
0x290: {  	v31 =	vbroadcast v4, $0x2  }
0x291: {  	[tilespmem:$0x1F5B0] =	vst v52  }
0x292: {  	v52 =	vbroadcast v4, $0x0;
	[tilespmem:$0x1F5D0] =	vst v31;
	v31 =	vbroadcast v4, $0x1;
	v4 =	vld [tilespmem:$0x1FF40];
	_ =	sdelay $0x1  }
0x293: {  	[tilespmem:$0x1FC20] =	vst v2;
	v2 =	vmul.f32 v1, v62;
	v1 =	vld [tilespmem:$0x1F480];
	_ =	sdelay $0x2  }
0x294: {  	v20 =	vmul.f32 v20, v33;
	v4 =	vor.u32 s14, v4;
	_ =	sdelay $0x1  }
0x295: {  	[tilespmem:$0x1FC40] =	vst v20;
	v20 =	vmul.f32 v1, v62;
	v1 =	vld [tilespmem:$0x1F490];
	_ =	sdelay $0x1  }
0x296: {  	[tilespmem:$0x1FBE0] =	vst v14;
	v14 =	vmul.f32 v28, v61  }
0x297: {  	[tilespmem:$0x1FC50] =	vst v20;
	v20 =	vld.idx.msk [tilespmem:v4+s3+$0x0], $0xffff;
	v4 =	vmul.f32 v40, v62  }
0x298: {  	[tilespmem:$0x1FBF0] =	vst v14;
	v14 =	vld [tilespmem:$0x1FF30]  }
0x299: {  	[tilespmem:$0x1FC60] =	vst v4;
	v4 =	vmul.f32 v1, v7;
	v1 =	vld [tilespmem:$0x1F4A0];
	_ =	sdelay $0x2  }
0x29a: {  	v22 =	vmul.f32 v22, v62  }
0x29b: {  	v14 =	vor.u32 s14, v14  }
0x29c: {  	[tilespmem:$0x1FC80] =	vst v22;
	v22 =	vmul.f32 v1, v7;
	v1 =	vld [tilespmem:$0x1F4B0];
	_ =	sdelay $0x3  }
0x29d: {  	[tilespmem:$0x1FC90] =	vst v22;
	v22 =	vld.idx.msk [tilespmem:v14+s3+$0x0], $0xffff  }
0x29e: {  	v14 =	vmul.f32 v1, v7;
	v1 =	vld [tilespmem:$0x1F4C0];
	_ =	sdelay $0x4  }
0x29f: {  	[tilespmem:$0x1FCA0] =	vst v14;
	v14 =	vmul.f32 v1, v11;
	v1 =	vld [tilespmem:$0x1F4D0];
	_ =	sdelay $0x3  }
0x2a0: {  	[tilespmem:$0x1FC30] =	vst v2;
	v2 =	vld [tilespmem:$0x1FF20]  }
0x2a1: {  	v28 =	vmul.f32 v1, v7;
	v1 =	vld [tilespmem:$0x1F4E0];
	_ =	sdelay $0x3  }
0x2a2: {  	v2 =	vor.u32 s14, v2  }
0x2a3: {  	[tilespmem:$0x1FCC0] =	vst v28;
	v28 =	vmul.f32 v1, v11;
	v1 =	vld [tilespmem:$0x1F4F0];
	_ =	sdelay $0x3  }
0x2a4: {  	[tilespmem:$0x1FCD0] =	vst v28;
	v28 =	vld.idx.msk [tilespmem:v2+s3+$0x0], $0xffff  }
0x2a5: {  	v2 =	vmul.f32 v1, v11;
	v1 =	vld [tilespmem:$0x1F500];
	_ =	sdelay $0x2  }
0x2a6: {  	[tilespmem:$0x1FC70] =	vst v4;
	v4 =	vld [tilespmem:$0x1FF10];
	_ =	sdelay $0x1  }
0x2a7: {  	v40 =	vmul.f32 v1, v11;
	v1 =	vld [tilespmem:$0x1F510]  }
0x2a8: {  	[tilespmem:$0x1FCF0] =	vst v2;
	v2 =	vmul.f32 v57, v15;
	_ =	sdelay $0x1  }
0x2a9: {  	v4 =	vor.u32 s14, v4;
	[tilespmem:$0x1FD10] =	vst v2;
	v2 =	vld [tilespmem:$0x1FEF0];
	_ =	sdelay $0x1  }
0x2aa: {  	v1 =	vmul.f32 v1, v20  }
0x2ab: {  	v29 =	vmul.f32 v29, v15  }
0x2ac: {  	[tilespmem:$0x1F6B0] =	vst v1;
	v1 =	vld [tilespmem:$0x1F520]  }
0x2ad: {  	[tilespmem:$0x1FD40] =	vst v29;
	v29 =	vld.idx.msk [tilespmem:v4+s3+$0x0], $0xffff;
	v2 =	vor.u32 s14, v2  }
0x2ae: {  	v4 =	vmul.f32 v60, v15;
	[tilespmem:$0x1FCB0] =	vst v14;
	v14 =	vld [tilespmem:$0x1FF00];
	_ =	sdelay $0x1  }
0x2af: {  	[tilespmem:$0x1FD50] =	vst v4;
	v4 =	vld [tilespmem:$0x1FFE0]  }
0x2b0: {  	v60 =	vmul.f32 v1, v15  }
0x2b1: {  	v1 =	vmul.f32 v30, v20;
	v30 =	vld.idx.msk [tilespmem:v2+s3+$0x0], $0xffff;
	v2 =	vmul.f32 v34, v28  }
0x2b2: {  	v14 =	vor.u32 s14, v14  }
0x2b3: {  	[tilespmem:$0x1FDF0] =	vst v2;
	v2 =	vld [tilespmem:$0x1FFB0]  }
0x2b4: {  	v4 =	vor.u32 s14, v4  }
0x2b5: {  	v37 =	vmul.f32 v37, v20;
	_ =	sdelay $0x1  }
0x2b6: {  	[tilespmem:$0x1FD80] =	vst v37;
	v37 =	vld.idx.msk [tilespmem:v14+s3+$0x0], $0xffff;
	v14 =	vmul.f32 v36, v20  }
0x2b7: {  	v36 =	vmul.f32 v55, v22;
	v55 =	vor.u32 s14, v2;
	v2 =	vmul.f32 v56, v22  }
0x2b8: {  	v34 =	vld.idx.msk [tilespmem:v4+s3+$0x0], $0xffff  }
0x2b9: {  	[tilespmem:$0x1F6F0] =	vst v2;
	v2 =	vld [tilespmem:$0x1FFF0]  }
0x2ba: {  	v4 =	vmul.f32 v23, v29;
	v23 =	vld [tilespmem:$0x1FFC0];
	_ =	sdelay $0x3  }
0x2bb: {  	v2 =	vor.u32 s14, v2  }
0x2bc: {  	v57 =	vmov v48;
	v48 =	vand.u32 v23, v2;
	v23 =	vld [tilespmem:$0x1F530];
	_ =	sdelay $0x3  }
0x2bd: {  	[tilespmem:$0x1FD90] =	vst v14;
	v14 =	vld [tilespmem:$0x1FFD0]  }
0x2be: {  	v2 =	vmul.f32 v38, v28;
	v38 =	vmul.f32 v23, v29  }
0x2bf: {  	v23 =	vmul.f32 v44, v37;
	v44 =	vmul.f32 v21, v37;
	v21 =	vld.idx.msk [tilespmem:v55+s3+$0x0], $0xffff  }
0x2c0: {  	v55 =	vmul.f32 v26, v30;
	v26 =	vld [tilespmem:$0x1F540];
	_ =	sdelay $0x1  }
0x2c1: {  	v14 =	vor.u32 s14, v14;
	_ =	sdelay $0x2  }
0x2c2: {  	[tilespmem:$0x1FD20] =	vst v40;
	v40 =	vmul.f32 v59, v22;
	v59 =	vmul.f32 v26, v30;
	v26 =	vld.idx.msk [tilespmem:v48+s3+$0x0], $0xffff;
	_ =	sdelay $0x1  }
0x2c3: {  	v14 =	vld.idx.msk [tilespmem:v14+s3+$0x0], $0xffff;
	_ =	sdelay $0x2  }
0x2c4: {  	v48 =	vld [tilespmem:$0x1F550];
	v5 =	vmul.f32 v5, v21;
	v18 =	vmul.f32 v18, v26  }
0x2c5: {  	v24 =	vbroadcast v13, $0x0;
	v13 =	vbroadcast v13, $0x1  }
0x2c6: {  	v3 =	vmul.f32 v47, v22;
	v10 =	vmul.f32 v10, v14;
	v5 =	vadd.f32 v5, v18  }
0x2c7: {  	v56 =	vld [tilespmem:$0x1F560];
	v50 =	vmul.f32 v50, v21;
	v53 =	vmul.f32 v53, v21  }
0x2c8: {  	v32 =	vmul.f32 v32, v21;
	v51 =	vmul.f32 v51, v26;
	v5 =	vadd.f32 v5, v10;
	v10 =	vld [tilespmem:$0x1F5F0]  }
0x2c9: {  	v47 =	vmul.f32 v48, v30;
	v48 =	vld [tilespmem:$0x1F570];
	v9 =	vmul.f32 v9, v26  }
0x2ca: {  	v63 =	vmul.f32 v63, v26;
	v18 =	vmul.f32 v24, v26;
	v24 =	vadd.f32 v53, v51;
	v53 =	vld [tilespmem:$0x1F580]  }
0x2cb: {  	v17 =	vmul.f32 v17, v14;
	v13 =	vmul.f32 v13, v21;
	v9 =	vadd.f32 v50, v9;
	v50 =	vld [tilespmem:$0x1F5C0]  }
0x2cc: {  	v0 =	vmul.f32 v0, v14;
	v27 =	vmul.f32 v27, v34;
	v32 =	vadd.f32 v32, v63;
	v63 =	vld [tilespmem:$0x1F5E0]  }
0x2cd: {  	v16 =	vmul.f32 v16, v34;
	v13 =	vadd.f32 v13, v18;
	v18 =	vld [tilespmem:$0x1F5D0];
	v10 =	vmul.f32 v10, v14  }
0x2ce: {  	v54 =	vmul.f32 v54, v21;
	v46 =	vmul.f32 v46, v26;
	v0 =	vadd.f32 v24, v0;
	v24 =	vld [tilespmem:$0x1F630]  }
0x2cf: {  	v31 =	vmul.f32 v31, v21;
	v52 =	vmul.f32 v52, v26;
	v10 =	vadd.f32 v13, v10;
	v13 =	vld [tilespmem:$0x1F650]  }
0x2d0: {  	v39 =	vmul.f32 v39, v21;
	v42 =	vmul.f32 v42, v26;
	v51 =	vld [tilespmem:$0x1F590];
	v46 =	vadd.f32 v54, v46  }
0x2d1: {  	v31 =	vadd.f32 v31, v52;
	v48 =	vmul.f32 v48, v34;
	v16 =	vadd.f32 v0, v16;
	v0 =	vld [tilespmem:$0x1F680]  }
0x2d2: {  	v54 =	vld [tilespmem:$0x1F5A0];
	v39 =	vadd.f32 v39, v42;
	v42 =	vmul.f32 v50, v14;
	v18 =	vmul.f32 v18, v14  }
0x2d3: {  	v52 =	vld [tilespmem:$0x1F5B0];
	v9 =	vadd.f32 v9, v17;
	v50 =	vmul.f32 v63, v14;
	v24 =	vmul.f32 v24, v34  }
0x2d4: {  	v63 =	vld [tilespmem:$0x1F660];
	v17 =	vadd.f32 v31, v18;
	v18 =	vadd.f32 v39, v42;
	v13 =	vmul.f32 v13, v34  }
0x2d5: {  	v8 =	vmul.f32 v8, v14;
	v27 =	vadd.f32 v5, v27;
	v5 =	vld [tilespmem:$0x1F670]  }
0x2d6: {  	v13 =	vadd.f32 v17, v13;
	v17 =	vadd.f32 v18, v24;
	v18 =	vmul.f32 v0, v30;
	v0 =	vld [tilespmem:$0x1F690]  }
0x2d7: {  	v8 =	vadd.f32 v46, v8;
	v46 =	vld [tilespmem:$0x1F600]  }
0x2d8: {  	v9 =	vadd.f32 v9, v48;
	v48 =	vmov v57;
	v57 =	vld [tilespmem:$0x1F710]  }
0x2d9: {  	v25 =	vmul.f32 v25, v34;
	v42 =	vld [tilespmem:$0x1F610];
	v31 =	vadd.f32 v32, v50;
	v32 =	vmul.f32 v63, v34  }
0x2da: {  	v39 =	vld [tilespmem:$0x1F620];
	v5 =	vmul.f32 v5, v34  }
0x2db: {  	v8 =	vadd.f32 v8, v25;
	v24 =	vadd.f32 v31, v32;
	v31 =	vmul.f32 v0, v30;
	v0 =	vld [tilespmem:$0x1F6A0]  }
0x2dc: {  	v25 =	vadd.f32 v10, v5;
	v5 =	vadd.f32 v9, v59;
	v9 =	vld [tilespmem:$0x1F6D0]  }
0x2dd: {  	v50 =	vld [tilespmem:$0x1F640]  }
0x2de: {  	v63 =	vmov v58;
	v58 =	vmov v1;
	v1 =	vmov v40;
	v40 =	vld [tilespmem:$0x1F700]  }
0x2df: {  	v56 =	vmul.f32 v56, v30;
	v59 =	vmov v60;
	v60 =	vld [tilespmem:$0x1F6B0]  }
0x2e0: {  	v10 =	vadd.f32 v8, v47;
	v8 =	vld [tilespmem:$0x1F730];
	v32 =	vmul.f32 v0, v30;
	v0 =	vadd.f32 v27, v55  }
0x2e1: {  	p0 =	sne.s32 s14, $0x3F00;
	v27 =	vmul.f32 v9, v30;
	v9 =	vadd.f32 v16, v56;
	v16 =	vadd.f32 v13, v31;
	v13 =	vld [tilespmem:$0x1F750]  }
.Ltmp0:
0x2e2: {  	v6 =	vmul.f32 v6, v29;
	v47 =	vld [tilespmem:$0x1F6F0];
	(pc) =	sbr.rel @p0 .LBB2_2-.Ltmp0, $4  }
0x2e3: {  	v12 =	vmul.f32 v12, v29;
	v43 =	vmul.f32 v43, v28;
	v55 =	vld [tilespmem:$0x1F6C0]  }
0x2e4: {  	v41 =	vmul.f32 v41, v28;
	v19 =	vmul.f32 v19, v37;
	v56 =	vld [tilespmem:$0x1F6E0]  }
0x2e5: {  	v45 =	vmul.f32 v45, v37;
	v8 =	vmul.f32 v8, v37;
	v17 =	vadd.f32 v17, v18;
	v31 =	vld [tilespmem:$0x1F720]  }
0x2e6: {  	s14 =	sadd.s32 $0x100, s14;
	v18 =	vadd.f32 v24, v32;
	v32 =	vld [tilespmem:$0x1F740];
	v25 =	vadd.f32 v25, v27;
	v24 =	vmul.f32 v13, v37  }
0x2e7: {  	v13 =	vld [tilespmem:$0x1FB20]  }
0x2e8: {  	v0 =	vadd.f32 v0, v23;
	v9 =	vadd.f32 v9, v45;
	v27 =	vld [tilespmem:$0x1FA80]  }
0x2e9: {  	v5 =	vadd.f32 v5, v44;
	v23 =	vld [tilespmem:$0x1FBD0]  }
0x2ea: {  	v44 =	vld [tilespmem:$0x1FBC0];
	v0 =	vadd.f32 v0, v4;
	v4 =	vadd.f32 v9, v12  }
0x2eb: {  	v5 =	vadd.f32 v5, v38;
	v38 =	vld [tilespmem:$0x1FB10]  }
0x2ec: {  	v2 =	vadd.f32 v4, v2;
	v4 =	vld [tilespmem:$0x1F9D0]  }
0x2ed: {  	v5 =	vadd.f32 v5, v43;
	v12 =	vmul.f32 v27, v29;
	v27 =	vld [tilespmem:$0x1FB00]  }
0x2ee: {  	v10 =	vadd.f32 v10, v19;
	v19 =	vmul.f32 v23, v37;
	v2 =	vadd.f32 v2, v47;
	v47 =	vld [tilespmem:$0x1FAF0]  }
0x2ef: {  	v5 =	vadd.f32 v5, v36;
	v36 =	vld [tilespmem:$0x1FD90]  }
0x2f0: {  	v16 =	vadd.f32 v16, v24;
	v13 =	vmul.f32 v13, v37;
	v24 =	vadd.f32 v25, v19;
	v25 =	vld [tilespmem:$0x1F9E0]  }
0x2f1: {  	v6 =	vadd.f32 v10, v6;
	v10 =	vmul.f32 v38, v29;
	v38 =	vld [tilespmem:$0x1FBB0]  }
0x2f2: {  	v13 =	vadd.f32 v18, v13;
	v18 =	vmul.f32 v44, v29;
	v44 =	vld [tilespmem:$0x1F9C0]  }
0x2f3: {  	v19 =	vld [tilespmem:$0x1FCB0]  }
0x2f4: {  	v2 =	vadd.f32 v2, v58;
	v58 =	vld [tilespmem:$0x1FD50]  }
0x2f5: {  	v6 =	vadd.f32 v6, v41;
	v23 =	vadd.f32 v24, v18;
	v24 =	vld [tilespmem:$0x1FDF0]  }
0x2f6: {  	v18 =	vld [tilespmem:$0x1FCD0]  }
0x2f7: {  	v6 =	vadd.f32 v6, v3;
	v12 =	vadd.f32 v16, v12;
	v16 =	vmul.f32 v27, v28;
	v27 =	vld [tilespmem:$0x1FA50]  }
0x2f8: {  	v2 =	vadd.f32 v2, v59;
	v59 =	vld [tilespmem:$0x1FAD0]  }
0x2f9: {  	v45 =	vadd.f32 v13, v10;
	v6 =	vadd.f32 v6, v36;
	v36 =	vld [tilespmem:$0x1FAC0]  }
0x2fa: {  	v9 =	vmul.f32 v25, v29;
	v25 =	vld [tilespmem:$0x1FA70]  }
0x2fb: {  	v41 =	vadd.f32 v45, v16;
	v45 =	vld [tilespmem:$0x1FA60]  }
0x2fc: {  	v8 =	vadd.f32 v17, v8;
	v17 =	vmul.f32 v38, v28;
	v38 =	vld [tilespmem:$0x1FAE0]  }
0x2fd: {  	v10 =	vmul.f32 v44, v22;
	v44 =	vld [tilespmem:$0x1FD10]  }
0x2fe: {  	v16 =	vmul.f32 v47, v22;
	v47 =	vld [tilespmem:$0x1FA40]  }
0x2ff: {  	v6 =	vadd.f32 v6, v58;
	v58 =	vld [tilespmem:$0x1FCA0]  }
0x300: {  	v4 =	vmul.f32 v4, v28;
	v8 =	vadd.f32 v8, v9;
	v43 =	vadd.f32 v23, v17;
	v23 =	vld [tilespmem:$0x1FBA0]  }
0x301: {  	v0 =	vadd.f32 v0, v24;
	v24 =	vld [tilespmem:$0x1FD80]  }
0x302: {  	v4 =	vadd.f32 v8, v4;
	v8 =	vadd.f32 v41, v16;
	v41 =	vld [tilespmem:$0x1FB90]  }
0x303: {  	v0 =	vadd.f32 v0, v1;
	v13 =	vmul.f32 v25, v28;
	v25 =	vld [tilespmem:$0x1F9B0]  }
0x304: {  	v16 =	vmul.f32 v38, v20;
	v38 =	vld [tilespmem:$0x1FB70]  }
0x305: {  	v0 =	vadd.f32 v0, v60;
	v60 =	vld [tilespmem:$0x1FB80]  }
0x306: {  	v12 =	vadd.f32 v12, v13;
	v13 =	vmul.f32 v45, v22;
	v45 =	vld [tilespmem:$0x1F9A0]  }
0x307: {  	v17 =	vmul.f32 v23, v22;
	v23 =	vld [tilespmem:$0x1FD20]  }
0x308: {  	v5 =	vadd.f32 v5, v24;
	v24 =	vld [tilespmem:$0x1F990]  }
0x309: {  	v8 =	vadd.f32 v8, v16;
	v16 =	vmul.f32 v59, v15;
	v59 =	vld [tilespmem:$0x1FAB0]  }
0x30a: {  	v0 =	vadd.f32 v0, v44;
	v44 =	vld [tilespmem:$0x1FCC0]  }
0x30b: {  	v9 =	vadd.f32 v43, v17;
	v43 =	vld [tilespmem:$0x1FD40]  }
0x30c: {  	v12 =	vadd.f32 v12, v13;
	v13 =	vmul.f32 v27, v20;
	v27 =	vld [tilespmem:$0x1FCF0]  }
0x30d: {  	v17 =	vmul.f32 v41, v20;
	v41 =	vld [tilespmem:$0x1FC90]  }
0x30e: {  	v8 =	vadd.f32 v8, v16;
	v16 =	vmul.f32 v36, v11;
	v36 =	vld [tilespmem:$0x1FAA0]  }
0x30f: {  	v4 =	vadd.f32 v4, v10;
	v10 =	vmul.f32 v25, v20;
	v25 =	vld [tilespmem:$0x1FA30]  }
0x310: {  	v0 =	vadd.f32 v0, v19;
	v19 =	vld [tilespmem:$0x1FC50]  }
0x311: {  	v12 =	vadd.f32 v12, v13;
	v13 =	vmul.f32 v47, v15;
	v47 =	vld [tilespmem:$0x1FA20]  }
0x312: {  	v9 =	vadd.f32 v9, v17;
	v17 =	vmul.f32 v60, v15;
	v60 =	vld [tilespmem:$0x1FB60]  }
0x313: {  	v4 =	vadd.f32 v4, v10;
	v10 =	vmul.f32 v45, v15;
	v45 =	vld [tilespmem:$0x1F980]  }
0x314: {  	v2 =	vadd.f32 v2, v23;
	v23 =	vld [tilespmem:$0x1FC30]  }
0x315: {  	v8 =	vadd.f32 v8, v16;
	v16 =	vmul.f32 v59, v7;
	v59 =	vld [tilespmem:$0x1FC10]  }
0x316: {  	v9 =	vadd.f32 v9, v17;
	v17 =	vmul.f32 v38, v11;
	v38 =	vld [tilespmem:$0x1FC60]  }
0x317: {  	v5 =	vadd.f32 v5, v43;
	v43 =	vld [tilespmem:$0x1FC70]  }
0x318: {  	v4 =	vadd.f32 v4, v10;
	v10 =	vmul.f32 v24, v11;
	v24 =	vld [tilespmem:$0x1FA10]  }
0x319: {  	v6 =	vadd.f32 v6, v27;
	v27 =	vld [tilespmem:$0x1F970]  }
0x31a: {  	v2 =	vadd.f32 v2, v44;
	v44 =	vld [tilespmem:$0x1FBF0]  }
0x31b: {  	v8 =	vadd.f32 v8, v16;
	v16 =	vmul.f32 v36, v62;
	v36 =	vld [tilespmem:$0x1F950]  }
0x31c: {  	v12 =	vadd.f32 v12, v13;
	v13 =	vmul.f32 v25, v11;
	v25 =	vld [tilespmem:$0x1FC80]  }
0x31d: {  	v6 =	vadd.f32 v6, v58;
	v58 =	vld [tilespmem:$0x1FC20]  }
0x31e: {  	v9 =	vadd.f32 v9, v17;
	v17 =	vmul.f32 v60, v7;
	v60 =	vld [tilespmem:$0x1FA00]  }
0x31f: {  	v5 =	vadd.f32 v5, v18;
	v18 =	vld [tilespmem:$0x1F960]  }
0x320: {  	v4 =	vadd.f32 v4, v10;
	v10 =	vmul.f32 v45, v7;
	v45 =	vld [tilespmem:$0x1FA90]  }
0x321: {  	v12 =	vadd.f32 v12, v13;
	v13 =	vmul.f32 v47, v7;
	v47 =	vld [tilespmem:$0x1FB40]  }
0x322: {  	v5 =	vadd.f32 v5, v41;
	v41 =	vld [tilespmem:$0x1FB50]  }
0x323: {  	v6 =	vadd.f32 v6, v38;
	v38 =	vld [tilespmem:$0x1F930]  }
0x324: {  	v8 =	vadd.f32 v8, v16;
	v0 =	vadd.f32 v0, v43;
	v43 =	vld [tilespmem:$0x1FBE0]  }
0x325: {  	v9 =	vadd.f32 v9, v17;
	v4 =	vadd.f32 v4, v10;
	v10 =	vmul.f32 v24, v62;
	v24 =	vld [tilespmem:$0x1FC40]  }
0x326: {  	v12 =	vadd.f32 v12, v13;
	v13 =	vmul.f32 v27, v62;
	v27 =	vld [tilespmem:$0x1F910];
	v5 =	vadd.f32 v5, v19  }
0x327: {  	v2 =	vadd.f32 v2, v25;
	v0 =	vadd.f32 v0, v23;
	v23 =	vld [tilespmem:$0x1F9F0]  }
0x328: {  	v6 =	vadd.f32 v6, v59;
	v19 =	vld [tilespmem:$0x1FB30];
	v10 =	vadd.f32 v12, v10;
	v12 =	vmul.f32 v41, v62  }
0x329: {  	v25 =	vld [tilespmem:$0x1FC00];
	v4 =	vadd.f32 v4, v13;
	v16 =	vmul.f32 v60, v61;
	v13 =	vmul.f32 v47, v61  }
0x32a: {  	v2 =	vadd.f32 v2, v58;
	v47 =	vld [tilespmem:$0x1F900];
	v9 =	vadd.f32 v9, v12;
	v12 =	vmul.f32 v45, v61  }
0x32b: {  	v10 =	vadd.f32 v10, v16;
	v41 =	vld [tilespmem:$0x1F8F0];
	v5 =	vadd.f32 v5, v43  }
0x32c: {  	v43 =	vld [tilespmem:$0x1F940];
	v16 =	vmul.f32 v23, v33;
	v8 =	vadd.f32 v8, v12;
	v12 =	vmul.f32 v18, v61  }
0x32d: {  	v0 =	vadd.f32 v0, v44;
	v45 =	vld [tilespmem:$0x1F920];
	v9 =	vadd.f32 v9, v13;
	v13 =	vmul.f32 v19, v33  }
0x32e: {  	v44 =	vld [tilespmem:$0x1F8D0];
	v10 =	vadd.f32 v10, v16;
	v4 =	vadd.f32 v4, v12  }
0x32f: {  	v59 =	vld [tilespmem:$0x1F8E0];
	v8 =	vadd.f32 v8, v24;
	v9 =	vadd.f32 v9, v13  }
0x330: {  	v17 =	vld [tilespmem:$0x1F8B0];
	v16 =	vmul.f32 v47, v33;
	v12 =	vmul.f32 v36, v33;
	v4 =	vadd.f32 v4, v25  }
0x331: {  	v18 =	vld [tilespmem:$0x1F8C0];
	v13 =	vmul.f32 v43, v33;
	v8 =	vadd.f32 v8, v27;
	v9 =	vadd.f32 v9, v38  }
0x332: {  	v19 =	vld [tilespmem:$0x1F8A0];
	v10 =	vadd.f32 v10, v41;
	v2 =	vadd.f32 v2, v12;
	v12 =	vmul.f32 v45, v33  }
0x333: {  	v6 =	vadd.f32 v6, v13;
	v4 =	vadd.f32 v4, v44;
	v58 =	vmax.f32 v8, v9  }
0x334: {  	v2 =	vadd.f32 v2, v59;
	v5 =	vadd.f32 v5, v12;
	v60 =	vmax.f32 v58, v10  }
0x335: {  	v0 =	vadd.f32 v0, v16;
	v6 =	vadd.f32 v6, v17;
	v12 =	vmax.f32 v60, v4  }
0x336: {  	v5 =	vadd.f32 v5, v18;
	v12 =	vmax.f32 v12, v2  }
0x337: {  	v0 =	vadd.f32 v0, v19;
	v12 =	vmax.f32 v12, v6  }
0x338: {  	v12 =	vmax.f32 v12, v5  }
0x339: {  	v12 =	vmax.f32 v12, v0  }
0x33a: {  	v8 =	vsub.f32 v8, v12  }
0x33b: {  	v9 =	vsub.f32 v9, v12  }
0x33c: {  	v8 =	vmul.f32 $1.442695020e+00, v8  }
0x33d: {  	v10 =	vsub.f32 v10, v12;
	v9 =	vmul.f32 $1.442695020e+00, v9  }
0x33e: {  	v4 =	vsub.f32 v4, v12;
	(erf) = vpow2.f32 v8  }
0x33f: {  	v23 =	vmul.f32 $1.442695020e+00, v10;
	(erf) = vpow2.f32 v9  }
0x340: {  	v2 =	vsub.f32 v2, v12;
	v4 =	vmul.f32 $1.442695020e+00, v4  }
0x341: {  	(erf) = vpow2.f32 v23  }
0x342: {  	v2 =	vmul.f32 $1.442695020e+00, v2;
	(erf) = vpow2.f32 v4;
	v4 =	vsub.f32 v6, v12;
	_ =	sdelay $0x1  }
0x343: {  	(erf) = vpow2.f32 v2;
	v2 =	vmul.f32 $1.442695020e+00, v4;
	v4 =	vsub.f32 v5, v12;
	_ =	sdelay $0x1  }
0x344: {  	v4 =	vmul.f32 $1.442695020e+00, v4  }
0x345: {  	v0 =	vsub.f32 v0, v12;
	v5 =	vpop (erf)  }
0x346: {  	(erf) = vpow2.f32 v2;
	v2 =	vpop (erf)  }
0x347: {  	v0 =	vmul.f32 $1.442695020e+00, v0;
	v2 =	vadd.f32 v2, v5  }
0x348: {  	(erf) = vpow2.f32 v4;
	v4 =	vpop (erf)  }
0x349: {  	v2 =	vadd.f32 v2, v4  }
0x34a: {  	(erf) = vpow2.f32 v0  }
0x34b: {  	v0 =	vpop (erf)  }
0x34c: {  	v0 =	vadd.f32 v2, v0  }
0x34d: {  	v2 =	vpop (erf)  }
0x34e: {  	v0 =	vadd.f32 v0, v2  }
0x34f: {  	v2 =	vpop (erf)  }
0x350: {  	v0 =	vadd.f32 v0, v2  }
0x351: {  	v2 =	vpop (erf)  }
0x352: {  	v0 =	vadd.f32 v0, v2  }
0x353: {  	v2 =	vpop (erf)  }
0x354: {  	v24 =	vld [tilespmem:$0x1F7B0];
	v0 =	vadd.f32 v0, v2  }
0x355: {  	v43 =	vld [tilespmem:$0x1F810]  }
0x356: {  	v25 =	vld [tilespmem:$0x1F7C0];
	(erf) = vrcp.f32 v0  }
0x357: {  	v27 =	vld [tilespmem:$0x1F7D0]  }
0x358: {  	v6 =	vld [tilespmem:$0x1F7A0]  }
0x359: {  	v0 =	vld [tilespmem:$0x1F770]  }
0x35a: {  	v2 =	vld [tilespmem:$0x1F760]  }
0x35b: {  	v4 =	vld [tilespmem:$0x1F780]  }
0x35c: {  	v17 =	vmul.f32 v35, v43;
	v5 =	vld [tilespmem:$0x1F790]  }
0x35d: {  	v10 =	vmul.f32 v35, v27;
	v8 =	vmul.f32 v35, v24  }
0x35e: {  	v9 =	vmul.f32 v35, v25;
	v0 =	vmul.f32 v35, v0  }
0x35f: {  	v8 =	vadd.f32 v8, v52;
	v6 =	vmul.f32 v35, v6;
	v2 =	vmul.f32 v35, v2;
	v44 =	vpop (erf)  }
0x360: {  	v4 =	vmul.f32 v35, v4;
	v0 =	vadd.f32 v0, v56;
	v47 =	vmul.f32 v44, v26  }
0x361: {  	v36 =	vld [tilespmem:$0x1F7E0];
	v5 =	vmul.f32 v35, v5;
	v2 =	vadd.f32 v2, v57;
	v21 =	vmul.f32 v44, v21  }
0x362: {  	v4 =	vadd.f32 v4, v55;
	v14 =	vmul.f32 v44, v14;
	v0 =	vadd.f32 v47, v0  }
0x363: {  	v41 =	vld [tilespmem:$0x1F800];
	v5 =	vadd.f32 v5, v54;
	v57 =	vmul.f32 v44, v34;
	v2 =	vadd.f32 v21, v2  }
0x364: {  	v38 =	vld [tilespmem:$0x1F7F0];
	v6 =	vadd.f32 v6, v53;
	v4 =	vadd.f32 v14, v4;
	(xrf2) =	vadd.scan.msk.f32 $0xffff, v0;
	v0 =	vmul.f32 v44, v30  }
0x365: {  	v9 =	vadd.f32 v9, v51;
	v5 =	vadd.f32 v57, v5;
	(xrf2) =	vadd.scan.msk.f32 $0xffff, v2;
	v2 =	vmul.f32 v44, v37  }
0x366: {  	v12 =	vmul.f32 v35, v36;
	v0 =	vadd.f32 v0, v6;
	(xrf2) =	vadd.scan.msk.f32 $0xffff, v4;
	v4 =	vmul.f32 v44, v29  }
0x367: {  	v45 =	vld [tilespmem:$0x1F820];
	v6 =	vadd.f32 v10, v50;
	v2 =	vadd.f32 v2, v8;
	(xrf2) =	vadd.scan.msk.f32 $0xffff, v5;
	v5 =	vmul.f32 v44, v28  }
0x368: {  	v16 =	vmul.f32 v35, v41;
	v60 =	vadd.f32 v17, v40;
	v55 =	vld [tilespmem:$0x1F830];
	v4 =	vadd.f32 v4, v9;
	(xrf2) =	vadd.scan.msk.f32 $0xffff, v0  }
0x369: {  	v13 =	vmul.f32 v35, v38;
	v58 =	vadd.f32 v12, v49;
	v56 =	vld [tilespmem:$0x1F840];
	v5 =	vadd.f32 v5, v6;
	(xrf2) =	vadd.scan.msk.f32 $0xffff, v2  }
0x36a: {  	v0 =	vmul.f32 v44, v22;
	v6 =	vadd.f32 v16, v48;
	(xrf2) =	vadd.scan.msk.f32 $0xffff, v4;
	v4 =	vmul.f32 v44, v15  }
0x36b: {  	v59 =	vadd.f32 v13, v63;
	v2 =	vmul.f32 v44, v20;
	(xrf2) =	vadd.scan.msk.f32 $0xffff, v5;
	v5 =	vmul.f32 v44, v11  }
0x36c: {  	v19 =	vmul.f32 v35, v45;
	v0 =	vadd.f32 v0, v58;
	v4 =	vadd.f32 v4, v6  }
0x36d: {  	v24 =	vmul.f32 v35, v55;
	v2 =	vadd.f32 v2, v59;
	v5 =	vadd.f32 v5, v60  }
0x36e: {  	v63 =	vadd.f32 v19, v46;
	v25 =	vmul.f32 v35, v56;
	(xrf2) =	vadd.scan.msk.f32 $0xffff, v0;
	v0 =	vmul.f32 v44, v7  }
0x36f: {  	v6 =	vadd.f32 v24, v42;
	(xrf2) =	vadd.scan.msk.f32 $0xffff, v2;
	v2 =	vmul.f32 v44, v62  }
0x370: {  	v1 =	vmul.f32 v44, v61;
	v3 =	vadd.f32 v25, v32;
	v0 =	vadd.f32 v0, v63;
	(xrf2) =	vadd.scan.msk.f32 $0xffff, v4;
	v4, _, _ =	vpop (xrf2)  }
0x371: {  	v2 =	vadd.f32 v2, v6;
	(xrf2) =	vadd.scan.msk.f32 $0xffff, v5;
	v5, _, _ =	vpop (xrf2)  }
0x372: {  	v1 =	vadd.f32 v1, v3;
	v3 =	vbroadcast v4, $0xF;
	v4 =	vbroadcast v5, $0xF;
	_ =	sdelay $0x1  }
0x373: {  	(xrf2) =	vadd.scan.msk.f32 $0xffff, v0;
	v0, _, _ =	vpop (xrf2);
	v3 =	vsel vm0, v3, v4  }
0x374: {  	(xrf2) =	vadd.scan.msk.f32 $0xffff, v2;
	v0 =	vbroadcast v0, $0xF;
	v2, _, _ =	vpop (xrf2)  }
0x375: {  	(xrf2) =	vadd.scan.msk.f32 $0xffff, v1;
	v1, _, _ =	vpop (xrf2);
	v2 =	vbroadcast v2, $0xF  }
0x376: {  	v0 =	vsel vm1, v3, v0;
	v1 =	vbroadcast v1, $0xF;
	v3, _, _ =	vpop (xrf2)  }
0x377: {  	v0 =	vsel vm2, v0, v2;
	v2 =	vbroadcast v3, $0xF;
	_ =	sdelay $0x1  }
0x378: {  	v3, _, _ =	vpop (xrf2)  }
0x379: {  	v0 =	vsel vm3, v0, v1;
	v1, _, _ =	vpop (xrf2);
	v3 =	vbroadcast v3, $0xF  }
0x37a: {  	v6 =	vmul.f32 v44, v33;
	v0 =	vsel vm4, v0, v2;
	v1 =	vbroadcast v1, $0xF;
	v2, _, _ =	vpop (xrf2)  }
0x37b: {  	v2 =	vbroadcast v2, $0xF  }
0x37c: {  	v5 =	vadd.f32 v6, v39  }
0x37d: {  	v4 =	vadd.f32 v44, v31;
	v0 =	vsel vm5, v0, v3;
	v3, _, _ =	vpop (xrf2)  }
0x37e: {  	(xrf2) =	vadd.scan.msk.f32 $0xffff, v5;
	v0 =	vsel vm6, v0, v1;
	v1, _, _ =	vpop (xrf2);
	v3 =	vbroadcast v3, $0xF  }
0x37f: {  	(xrf2) =	vadd.scan.msk.f32 $0xffff, v4;
	v0 =	vsel vm7, v0, v2;
	v1 =	vbroadcast v1, $0xF;
	v2, _, _ =	vpop (xrf2)  }
0x380: {  	v2 =	vbroadcast v2, $0xF;
	_ =	sdelay $0x1  }
0x381: {  	v0 =	vsel vm8, v0, v3;
	v3, _, _ =	vpop (xrf2)  }
0x382: {  	v0 =	vsel vm9, v0, v1;
	v1, _, _ =	vpop (xrf2)  }
0x383: {  	v0 =	vsel vm10, v0, v2;
	v1 =	vbroadcast v1, $0xF;
	v2, _, _ =	vpop (xrf2)  }
0x384: {  	v3 =	vbroadcast v3, $0xF;
	v2 =	vbroadcast v2, $0xF;
	_ =	sdelay $0x1  }
0x385: {  	v0 =	vsel vm11, v0, v3  }
0x386: {  	v0 =	vsel vm12, v0, v1;
	v1, _, _ =	vpop (xrf2)  }
0x387: {  	v0 =	vsel vm13, v0, v2;
	v2, _, _ =	vpop (xrf2)  }
0x388: {  	v0 =	vsel vm14, v0, v1;
	v1 =	vbroadcast v2, $0xF  }
0x389: {  	[tilespmem:$0x4480] =	vst v0  }
0x38a: {  	s13 =	sadd.s32 $0x1, s13;
	[tilespmem:$0x4500] =	vst v1  }
0x38b: {  	[hbm4b:s6+s3] =	stream.linear.scatter [tilespmem:s12], [sflag:$0x2], $0x100, $0x38;
	[tilespmem:$0x4580] =	vst v63  }
0x38c: {  	p0 =	sne.s32 s13, s7;
	_ =	swait.ge [sflag:s9], $0x100  }
.Ltmp1:
0x38d: {  	v0 =	vld [tilespmem:$0x1FFF0];
	(pc) =	sbr.rel @p0 .LBB2_1-.Ltmp1, $4  }
0x38e: {  	v37 =	vld [tilespmem:$0x1FFC0]  }
0x38f: {  	v35 =	vld [tilespmem:$0x1FFB0]  }
0x390: {  	[sflag:s9] =	ssyncset.done $0x0;
	v61 =	vld [tilespmem:$0x1FFD0]  }
0x391: {  	v4 =	vld [tilespmem:$0x1FFE0];
	[sflag:s9] =	ssyncadd.s32 $0xFFFFFF00  }
0x392: {  	_ =	sfence.sel $0x180000  }
0x393: {  	[bflag:$0x0] =	sbarrier.arrive $0xFFFF  }
0x394: {  	p0 =	sne.s32 s2, $0x0;
	_ =	strace $0x90000047  }
0x395: {  	s0 =	sadd.s32 @!p0 $0x100000, s0;
	[bflag:$0x2] =	sbarrier.arrive $0xFFFF  }
0x396: {  	[sflag:s0] =	ssyncadd.tile.s32 @!p0 $0x1;
	_ =	shalt  }
.Lfunc_end2:
_tile_overlayer_lowered:
.L_overlay_start_2:
0x397: {  	(tag) =	ssettag $0x2  }
0x398: {  	s0 =	rddreg [dreg:$0x0];
	s2 =	stileid.u32  }
0x399: {  	s1 =	rddreg [dreg:$0x1];
	p0 =	sne.s32 s2, $0x0  }
0x39a: {  	s3 =	rddreg [dreg:$0x2];
	[bflag:$0x3] =	sbarrier.arrive $0xFFFF;
	s2 =	simm.s32 @!p0 $0x1C02  }
0x39b: {  	[timem:s3], [sflag:s2] =	dma.local @!p0 [hbm:s0], s1  }
0x39c: {  	s0 =	simm.s32 @!p0 $0x2  }
0x39d: {  	_ =	swait.ge @!p0 [sflag:s0], s1  }
0x39e: {  	s1 =	ssub.s32 @!p0 $0x0, s1;
	[sflag:s0] =	ssyncset.done @!p0 $0x0  }
0x39f: {  	[sflag:s0] =	ssyncadd.s32 @!p0 s1  }
0x3a0: {  	[bflag:$0x3] =	sbarrier.arrive $0xFFFF  }
0x3a1: {  	_ =	shalt  }

// kernel: kernel.7.cloned.1.call-start
scs
__scs_entry_jumppad:
0x0: {  	(pc) =	sbr.rel $0x88, $3  }
0x1: {  	(tag) =	ssettag $0x0;
	lr =	simm.s32 $0x1  }
0x2: {  	[smem:$0x3F9C] =	sst lr;
	_ =	strace $0xD0000000  }
0x3: {  	_ = 	snop  }
0x4: {  	_ = 	snop  }
0x5: {  	_ = 	snop  }
0x6: {  	_ = 	snop  }
0x7: {  	_ = 	snop  }
__scs_overlays_trampoline_lowered:
0x8: {  	[smem:$0x3FAB] =	sst s0  }
0x9: {  	[smem:$0x3FAC] =	sst s1  }
0xa: {  	[smem:$0x3FAD] =	sst s2  }
0xb: {  	[smem:$0x3FAE] =	sst s3  }
0xc: {  	[smem:$0x3FAF] =	sst s4  }
0xd: {  	[smem:$0x3FB0] =	sst s5  }
0xe: {  	[smem:$0x3FB1] =	sst s6  }
0xf: {  	[smem:$0x3FB2] =	sst s7  }
0x10: {  	[smem:$0x3FB3] =	sst s8  }
0x11: {  	[smem:$0x3FB4] =	sst s9;
	s0 =	simm.s32 @!p0 $0x0  }
0x12: {  	s1 =	sld [smem:$0x3F9A];
	s0 =	simm.s32 @p0 $0x1  }
0x13: {  	[smem:$0x3FB5] =	sst s0;
	s0 =	simm.s32 @!p1 $0x0  }
0x14: {  	s2 =	sld [smem:$0x3F99];
	s0 =	simm.s32 @p1 $0x1  }
0x15: {  	[smem:$0x3FB6] =	sst s0;
	s0 =	simm.s32 @!p2 $0x0  }
0x16: {  	s3 =	sld [smem:$0x3FDB];
	s0 =	simm.s32 @p2 $0x1  }
0x17: {  	s4 =	simm.s32 $0x1BF5;
	[smem:$0x3FB8] =	sst s0  }
0x18: {  	s0 =	sld [smem:$0x3F9B];
	_ =	swait.ge [sflag:s4], $0x0  }
0x19: {  	s7 =	sld [smem:$0x3F9C]  }
0x1a: {  	s8 =	sadd.s32 $0xFFFFE003, lr  }
0x1b: {  	s9 =	sadd.s32 $0xFFFFFEF7, lr;
	s5 =	simm.s32 $0xFFFFFFFF;
	p2 =	slt.u32 s8, $0xFFFFF086  }
0x1c: {  	p1 =	slt.u32 s9, $0xF7A;
	s5 =	simm.s32 @!p2 $0x0  }
0x1d: {  	s5 =	simm.s32 @p1 $0x1;
	p0 =	seq.s32 s7, s2  }
0x1e: {  	s7 =	smul.u32 @!p0 $0xF7A, s2;
	p2 =	seq.s32 @!p0 s5, $0x0  }
0x1f: {  	s9 =	smul.u32 $0xF7A, s1;
	s8 =	simm.s32 @!p0 $0x1BF5;
	p2 =	por !p2, p0  }
0x20: {  	[sflag:s8] =	ssyncset.s32 @!p0 $0xFFFFF086;
	s6 =	sadd.s32 @!p0 s3, s7;
	s7 =	simm.s32 @!p0 $0x108  }
0x21: {  	s3 =	sadd.s32 s3, s9;
	s6 =	sadd.s32 @!p0 $0x88, s6;
	s7 =	simm.s32 @p2 $0x1082  }
0x22: {  	[simem:s7], [sflag:s8] =	dma.local @!p0 [hbm:s6], $0xF7A  }
0x23: {  	s9 =	sor.u32 $0xD0000000, s2;
	s6 =	simm.s32 $0x108;
	_ =	swait.ge @!p0 [sflag:s8], $0x0  }
0x24: {  	s3 =	sadd.s32 $0x88, s3;
	s6 =	simm.s32 @!p1 $0x1082;
	[sflag:s4] =	ssyncset.s32 $0xFFFFF086  }
0x25: {  	[simem:s6], [sflag:s4] =	dma.local [hbm:s3], $0xF7A  }
0x26: {  	[smem:$0x3F9C] =	sst s1;
	(tag) =	ssettag s2;
	_ =	strace s9  }
0x27: {  	s1 =	sld [smem:$0x3FAC]  }
0x28: {  	s2 =	sld [smem:$0x3FAD]  }
0x29: {  	s4 =	sld [smem:$0x3FAF]  }
0x2a: {  	p0 =	seq.s32 s5, $0x0;
	s5 =	sld [smem:$0x3FB0]  }
0x2b: {  	s6 =	sld [smem:$0x3FB1]  }
0x2c: {  	s7 =	sld [smem:$0x3FB2]  }
0x2d: {  	s3 =	simm.s32 $0x108;
	s8 =	sld [smem:$0x3FB3]  }
0x2e: {  	s3 =	simm.s32 @!p0 $0x1082;
	s9 =	sld [smem:$0x3FB4]  }
0x2f: {  	lr =	sadd.s32 s0, s3;
	s0 =	sld [smem:$0x3FAB]  }
0x30: {  	s3 =	sld [smem:$0x3FAE]  }
0x31: {  	[smem:$0x3FB7] =	sst s10  }
0x32: {  	s10 =	sld [smem:$0x3FB5];
	_ =	sdelay $0x3  }
0x33: {  	p0 =	seq.s32 s10, $0x1;
	s10 =	sld [smem:$0x3FB7];
	_ =	sdelay $0x3  }
0x34: {  	[smem:$0x3FB7] =	sst s10  }
0x35: {  	s10 =	sld [smem:$0x3FB6];
	_ =	sdelay $0x3  }
0x36: {  	p1 =	seq.s32 s10, $0x1;
	s10 =	sld [smem:$0x3FB7];
	_ =	sdelay $0x3  }
0x37: {  	[smem:$0x3FB7] =	sst s10  }
0x38: {  	s10 =	sld [smem:$0x3FB8]  }
0x39: {  	_ = 	snop;
	(pc) =	sbr.ind lr, $3  }
0x3a: {  	_ = 	snop  }
0x3b: {  	_ = 	snop  }
0x3c: {  	p2 =	seq.s32 s10, $0x1;
	s10 =	sld [smem:$0x3FB7]  }
0x3d: {  	_ =	shalt  }
0x3e: {  	_ =	shalt  }
0x3f: {  	_ =	shalt  }
0x40: {  	_ =	shalt  }
0x41: {  	_ =	shalt  }
0x42: {  	_ =	shalt  }
0x43: {  	_ =	shalt  }
0x44: {  	_ =	shalt  }
0x45: {  	_ =	shalt  }
0x46: {  	_ =	shalt  }
0x47: {  	_ =	shalt  }
0x48: {  	_ =	shalt  }
0x49: {  	_ =	shalt  }
0x4a: {  	_ =	shalt  }
0x4b: {  	_ =	shalt  }
0x4c: {  	_ =	shalt  }
0x4d: {  	_ =	shalt  }
0x4e: {  	_ =	shalt  }
0x4f: {  	_ =	shalt  }
0x50: {  	_ =	shalt  }
0x51: {  	_ =	shalt  }
0x52: {  	_ =	shalt  }
0x53: {  	_ =	shalt  }
0x54: {  	_ =	shalt  }
0x55: {  	_ =	shalt  }
0x56: {  	_ =	shalt  }
0x57: {  	_ =	shalt  }
0x58: {  	_ =	shalt  }
0x59: {  	_ =	shalt  }
0x5a: {  	_ =	shalt  }
0x5b: {  	_ =	shalt  }
0x5c: {  	_ =	shalt  }
0x5d: {  	_ =	shalt  }
0x5e: {  	_ =	shalt  }
0x5f: {  	_ =	shalt  }
0x60: {  	_ =	shalt  }
0x61: {  	_ =	shalt  }
0x62: {  	_ =	shalt  }
0x63: {  	_ =	shalt  }
0x64: {  	_ =	shalt  }
0x65: {  	_ =	shalt  }
0x66: {  	_ =	shalt  }
0x67: {  	_ =	shalt  }
0x68: {  	_ =	shalt  }
0x69: {  	_ =	shalt  }
0x6a: {  	_ =	shalt  }
0x6b: {  	_ =	shalt  }
0x6c: {  	_ =	shalt  }
0x6d: {  	_ =	shalt  }
0x6e: {  	_ =	shalt  }
0x6f: {  	_ =	shalt  }
0x70: {  	_ =	shalt  }
0x71: {  	_ =	shalt  }
0x72: {  	_ =	shalt  }
0x73: {  	_ =	shalt  }
0x74: {  	_ =	shalt  }
0x75: {  	_ =	shalt  }
0x76: {  	_ =	shalt  }
0x77: {  	_ =	shalt  }
0x78: {  	_ =	shalt  }
0x79: {  	_ =	shalt  }
0x7a: {  	_ =	shalt  }
0x7b: {  	_ =	shalt  }
0x7c: {  	_ =	shalt  }
0x7d: {  	_ =	shalt  }
0x7e: {  	_ =	shalt  }
0x7f: {  	_ =	shalt  }
0x80: {  	_ =	shalt  }
0x81: {  	_ =	shalt  }
0x82: {  	_ =	shalt  }
0x83: {  	_ =	shalt  }
0x84: {  	_ =	shalt  }
0x85: {  	_ =	shalt  }
0x86: {  	_ =	shalt  }
0x87: {  	_ =	shalt  }
.Lfunc_end0:
.L_simem_size_0:
called_computation.1_lowered:
.L_overlay_start_0:
0x88: {  	s2 =	sld [smem:$0x3FD9]  }
0x89: {  	s3 =	sld [smem:$0x3FFE];
	_ =	sdelay $0x1  }
0x8a: {  	s1 =	srdreg.scid  }
0x8b: {  	s0 =	sand.u32 $0x1, s1  }
0x8c: {  	s17 =	sshll.u32 s0, $0xA;
	s2 =	sadd.s32 s3, s2  }
0x8d: {  	s2 =	sadd.s32 s2, s17  }
0x8e: {  	[smem:$0x3FC3] =	sst s2  }
0x8f: {  	_ = 	snop  }
0x90: {  	s2 =	sld [smem:$0x3FC5];
	(tm) =	ssettm $0x1  }
0x91: {  	s18 =	sld [smem:$0x3FFB];
	_ =	sdelay $0x3  }
0x92: {  	_ =	strace s18  }
0x93: {  	s3 =	sld [smem:$0x3FFC];
	_ =	sdelay $0x3  }
0x94: {  	_ =	strace s3  }
0x95: {  	s3 =	sld [smem:$0x3FFD];
	_ =	sdelay $0x3  }
0x96: {  	_ =	strace s3  }
0x97: {  	_ =	strace $0x8FFFFFFF  }
0x98: {  	s19 =	sld [smem:$0x3FDB];
	_ =	sdelay $0x1  }
0x99: {  	s4 =	simm.s32 $_scs_section_size  }
0x9a: {  	s5 =	simm.s32 $_size__tile_overlayer_lowered;
	s6 =	simm.s32 $_tile_overlayer_lowered  }
0x9b: {  	s22 =	simm.s32 $0x1BFF;
	s21 =	sshll.u32 s6, $0x1;
	s3 =	sadd.s32 s4, s19  }
0x9c: {  	s7 =	simm.s32 $0x0;
	s20 =	sshll.u32 s5, $0x1;
	s5 =	sadd.s32 s21, s3  }
0x9d: {  	[timem:s7], [sflag:s22] =	dma.local [hbm:s5], s20  }
0x9e: {  	_ =	swait.ge [sflag:s22], s20  }
0x9f: {  	s4 =	ssub.s32 $0x0, s20;
	[sflag:s22] =	ssyncset.done $0x0  }
0xa0: {  	[sflag:s22] =	ssyncadd.s32 s4;
	_ =	sdelay $0x1  }
0xa1: {  	s23 =	simm.s32 $0x1B8B  }
0xa2: {  	_ =	swait.ge [sflag:s23], $0x1  }
0xa3: {  	[sflag:s23] =	ssyncset.done $0x0  }
0xa4: {  	s25 =	simm.s32 $0x1B8E;
	s24 =	sld [smem:$0x3FFE];
	[sflag:s23] =	ssyncadd.s32 $0xFFFFFFFF  }
0xa5: {  	s26 =	simm.s32 $execute0_lowered;
	[smem:$0x3FD2] =	sst s25  }
0xa6: {  	s5 =	sshll.u32 s26, $0x1;
	_ =	strace $0x80000049;
	[dreg:$0x1] =	wrdreg $0xFFFFFFFF  }
0xa7: {  	s28 =	simm.s32 $_size_execute0_lowered;
	s3 =	sadd.s32 s3, s5;
	[dreg:$0x0] =	wrdreg $0x0  }
0xa8: {  	s5 =	sshll.u32 s28, $0x1;
	[dreg:$0x2] =	wrdreg s3  }
0xa9: {  	[dreg:$0x3] =	wrdreg s5  }
0xaa: {  	[dreg:$0x4] =	wrdreg $0xC0  }
0xab: {  	_ =	task [dreg:s7], $0x5FFFF  }
0xac: {  	[dreg:$0x1] =	wrdreg $0xFFFFFFFF  }
0xad: {  	[dreg:$0x0] =	wrdreg $0x60  }
0xae: {  	[dreg:$0x2] =	wrdreg s24  }
0xaf: {  	[dreg:$0x3] =	wrdreg s2  }
0xb0: {  	[dreg:$0x4] =	wrdreg $0x9  }
0xb1: {  	_ =	task.clear_ibuf [dreg:s7], $0x5FFFF;
	_ =	strace $0x90000049  }
0xb2: {  	s29 =	simm.s32 $0x9;
	_ =	strace $0x8000004B  }
0xb3: {  	_ =	swait.ge [sflag:s29], $0x1  }
0xb4: {  	[sflag:s29] =	ssyncadd.s32 $0xFFFFFFFF  }
0xb5: {  	_ =	strace $0x9000004B  }
0xb6: {  	_ =	sfence  }
0xb7: {  	s30 =	sld [smem:$0x0];
	_ =	sdelay $0x2  }
0xb8: {  	s31 =	sshll.u32 s1, $0xD;
	s1 =	sshrl.u32 s1, $0x2  }
0xb9: {  	s3 =	sand.u32 $0x4000, s31;
	s1 =	sadd.s32 s1, s30  }
0xba: {  	s0 =	sor.u32 s3, s0;
	s1 =	sshll.u32 s1, $0x11  }
0xbb: {  	s0 =	sor.u32 s1, s0  }
0xbc: {  	s0 =	sadd.s32 $0x8F2B, s0  }
0xbd: {  	[sflag:s0] =	ssyncadd.remote.s32 $0x1  }
0xbe: {  	_ =	sfence.sel $0xFFFF  }
0xbf: {  	[dreg:$0x0] =	wrdreg $0xFFFFFFFF;
	(pc) =	sbr.abs _section_cstart, $3  }
0xc0: {  	[dreg:$0x1] =	wrdreg $0xFFFFFFFF  }
0xc1: {  	_ =	task.clear_ibuf [dreg:s7], $0x2FFFF;
	_ =	strace $0x9FFFFFFF  }
0xc2: {  	(tm) =	ssettm $0x7FFFFFFF  }
0xc3: {  	_ =	shalt  }
tec
execute0_lowered:
.L_overlay_start_1:
0x0: {  	(tag) =	ssettag $0x1  }
0x1: {  	s6 =	rddreg [dreg:$0x0]  }
0x2: {  	s1 =	rddreg [dreg:$0x1]  }
0x3: {  	s0 =	rddreg [dreg:$0x2];
	s3 =	simm.s32 $0x0;
	s4 =	srdreg.scid  }
0x4: {  	s2 =	stileid.u32;
	s15 =	simm.s32 $0x2;
	s16 =	simm.s32 $0x2000  }
0x5: {  	s17 =	simm.s32 $0x2800;
	s18 =	simm.s32 $0x2880;
	s19 =	simm.s32 $0x1  }
0x6: {  	[smem:$0x7FF] =	sst s3;
	s5 =	sand.u32 $0x1, s4;
	s7 =	sshll.u32 s2, $0xF  }
0x7: {  	vm0 =	vmmov $0x1;
	s4 =	sadd.s32 $0xE00, s6;
	s8 =	sshll.u32 s5, $0xE;
	s30 =	ssub.s32 $0x2, s5  }
0x8: {  	vm1 =	vcmask $0x308;
	vm2 =	vcmask $0x70C;
	vm3 =	vcmask $0xB10;
	_ =	strace $0x8000004A;
	s7 =	sor.u32 s8, s7;
	s31 =	sshrl.u32 s30, $0x1  }
0x9: {  	vm4 =	vcmask $0xF14;
	vm5 =	vcmask $0x1318;
	vm6 =	vcmask $0x171C;
	s5 =	sadd.s32 $0x1200, s6;
	s13 =	sadd.s32 s7, s6;
	s14 =	ssub.s32 s30, s31  }
0xa: {  	vm7 =	vcmask $0x1B20;
	vm8 =	vcmask $0x1F24;
	vm9 =	vcmask $0x2328;
	s6 =	sadd.s32 $0x1400, s13;
	s7 =	sadd.s32 $0x1C00, s13;
	s8 =	sadd.s32 $0x2400, s13  }
0xb: {  	vm10 =	vcmask $0x272C;
	vm11 =	vcmask $0x2B30;
	vm12 =	vcmask $0x2F34;
	s9 =	sadd.s32 $0x2C00, s13;
	s10 =	sadd.s32 $0x3400, s13;
	s11 =	sadd.s32 $0x3C00, s13  }
0xc: {  	vm13 =	vcmask $0x3338;
	vm14 =	vcmask $0x373C;
	vm15 =	vmmov $0x7fff;
	s12 =	sadd.s32 $0x4400, s13;
	s13 =	sadd.s32 $0x4C00, s13;
	s14 =	smax.u32 s14, $0x1  }
.LBB2_1:
0xd: {  	[tilespmem:s3], [sflag:$0x2] =	stream.linear.gather [hbm4b:s4+s3], $0x2000, $0x38;
	[tilespmem:$0x6880] =	vst v63  }
0xe: {  	_ =	swait.ge [sflag:s15], $0x2000  }
0xf: {  	[sflag:s15] =	ssyncset.done $0x0  }
0x10: {  	[sflag:s15] =	ssyncadd.s32 $0xFFFFE000  }
0x11: {  	[tilespmem:s16], [sflag:$0x2] =	stream.linear.gather [hbm4b:s5+s3], $0x800, $0x38;
	[tilespmem:$0x6880] =	vst v63  }
0x12: {  	_ =	swait.ge [sflag:s15], $0x800  }
0x13: {  	[sflag:s15] =	ssyncset.done $0x0  }
0x14: {  	[sflag:s15] =	ssyncadd.s32 $0xFFFFF800  }
0x15: {  	[tilespmem:s17], [sflag:$0x2] =	stream.linear.gather [hbm4b:s1+s3], $0x80, $0x38;
	[tilespmem:$0x6880] =	vst v63  }
0x16: {  	_ =	swait.ge [sflag:s15], $0x80  }
0x17: {  	[sflag:s15] =	ssyncset.done $0x0  }
0x18: {  	[sflag:s15] =	ssyncadd.s32 $0xFFFFFF80  }
0x19: {  	v0 =	vld [tilespmem:$0x0]  }
0x1a: {  	v1 =	vld [tilespmem:$0x100];
	_ =	sdelay $0x1  }
0x1b: {  	v2 =	vld [tilespmem:$0x200];
	_ =	sdelay $0x1  }
0x1c: {  	v3 =	vld [tilespmem:$0x300]  }
0x1d: {  	v0 =	vadd.f32 v1, v0  }
0x1e: {  	v44 =	vld [tilespmem:$0x400]  }
0x1f: {  	v0 =	vadd.f32 v2, v0  }
0x20: {  	v45 =	vld [tilespmem:$0x500]  }
0x21: {  	v0 =	vadd.f32 v3, v0  }
0x22: {  	v46 =	vld [tilespmem:$0x600]  }
0x23: {  	v4 =	vld [tilespmem:$0x80];
	v0 =	vadd.f32 v44, v0  }
0x24: {  	v47 =	vld [tilespmem:$0x700]  }
0x25: {  	v5 =	vld [tilespmem:$0x180];
	v0 =	vadd.f32 v45, v0  }
0x26: {  	v48 =	vld [tilespmem:$0x800]  }
0x27: {  	v6 =	vld [tilespmem:$0x280];
	v0 =	vadd.f32 v46, v0  }
0x28: {  	v49 =	vld [tilespmem:$0x900]  }
0x29: {  	v7 =	vld [tilespmem:$0x380];
	v0 =	vadd.f32 v47, v0  }
0x2a: {  	v51 =	vld [tilespmem:$0xA00];
	v50 =	vadd.f32 v5, v4  }
0x2b: {  	v52 =	vld [tilespmem:$0x480];
	v0 =	vadd.f32 v48, v0  }
0x2c: {  	v53 =	vld [tilespmem:$0xB00];
	v1 =	vadd.f32 v6, v50  }
0x2d: {  	v54 =	vld [tilespmem:$0x580];
	v0 =	vadd.f32 v49, v0  }
0x2e: {  	v55 =	vld [tilespmem:$0xC00];
	v1 =	vadd.f32 v7, v1  }
0x2f: {  	v56 =	vld [tilespmem:$0x680];
	v0 =	vadd.f32 v51, v0  }
0x30: {  	v57 =	vld [tilespmem:$0xD00];
	v1 =	vadd.f32 v52, v1  }
0x31: {  	v58 =	vld [tilespmem:$0x780];
	v0 =	vadd.f32 v53, v0  }
0x32: {  	v59 =	vld [tilespmem:$0xE00];
	v1 =	vadd.f32 v54, v1  }
0x33: {  	v60 =	vld [tilespmem:$0x880];
	v0 =	vadd.f32 v55, v0  }
0x34: {  	v61 =	vld [tilespmem:$0xF00];
	v1 =	vadd.f32 v56, v1  }
0x35: {  	v62 =	vld [tilespmem:$0x980];
	v0 =	vadd.f32 v57, v0  }
0x36: {  	v63 =	vld [tilespmem:$0x1000];
	v1 =	vadd.f32 v58, v1  }
0x37: {  	v9 =	vld [tilespmem:$0xA80];
	v0 =	vadd.f32 v59, v0  }
0x38: {  	v10 =	vld [tilespmem:$0x1100];
	v1 =	vadd.f32 v60, v1  }
0x39: {  	v11 =	vld [tilespmem:$0xB80];
	v0 =	vadd.f32 v61, v0  }
0x3a: {  	v12 =	vld [tilespmem:$0x1200];
	v1 =	vadd.f32 v62, v1  }
0x3b: {  	v13 =	vld [tilespmem:$0xC80];
	v0 =	vadd.f32 v63, v0  }
0x3c: {  	v14 =	vld [tilespmem:$0x1300];
	v1 =	vadd.f32 v9, v1  }
0x3d: {  	v15 =	vld [tilespmem:$0xD80];
	v0 =	vadd.f32 v10, v0  }
0x3e: {  	v16 =	vld [tilespmem:$0x1400];
	v1 =	vadd.f32 v11, v1  }
0x3f: {  	v17 =	vld [tilespmem:$0xE80];
	v0 =	vadd.f32 v12, v0  }
0x40: {  	v18 =	vld [tilespmem:$0x1500];
	v1 =	vadd.f32 v13, v1  }
0x41: {  	v19 =	vld [tilespmem:$0xF80];
	v0 =	vadd.f32 v14, v0  }
0x42: {  	v20 =	vld [tilespmem:$0x1600];
	v1 =	vadd.f32 v15, v1  }
0x43: {  	v21 =	vld [tilespmem:$0x1080];
	v0 =	vadd.f32 v16, v0  }
0x44: {  	v22 =	vld [tilespmem:$0x1700];
	v1 =	vadd.f32 v17, v1  }
0x45: {  	v23 =	vld [tilespmem:$0x1180];
	v0 =	vadd.f32 v18, v0  }
0x46: {  	v24 =	vld [tilespmem:$0x1800];
	v1 =	vadd.f32 v19, v1  }
0x47: {  	v25 =	vld [tilespmem:$0x1280];
	v0 =	vadd.f32 v20, v0  }
0x48: {  	v26 =	vld [tilespmem:$0x1900];
	v1 =	vadd.f32 v21, v1  }
0x49: {  	v27 =	vld [tilespmem:$0x1380];
	v0 =	vadd.f32 v22, v0  }
0x4a: {  	v28 =	vld [tilespmem:$0x1A00];
	v1 =	vadd.f32 v23, v1  }
0x4b: {  	v29 =	vld [tilespmem:$0x1480];
	v0 =	vadd.f32 v24, v0  }
0x4c: {  	v30 =	vld [tilespmem:$0x1B00];
	v1 =	vadd.f32 v25, v1  }
0x4d: {  	v31 =	vld [tilespmem:$0x1580];
	v0 =	vadd.f32 v26, v0  }
0x4e: {  	v32 =	vld [tilespmem:$0x1C00];
	v1 =	vadd.f32 v27, v1  }
0x4f: {  	v33 =	vld [tilespmem:$0x1680];
	v0 =	vadd.f32 v28, v0  }
0x50: {  	v34 =	vld [tilespmem:$0x1D00];
	v1 =	vadd.f32 v29, v1  }
0x51: {  	v35 =	vld [tilespmem:$0x1780];
	v0 =	vadd.f32 v30, v0  }
0x52: {  	v36 =	vld [tilespmem:$0x1E00];
	v1 =	vadd.f32 v31, v1  }
0x53: {  	v37 =	vld [tilespmem:$0x1880];
	v0 =	vadd.f32 v32, v0  }
0x54: {  	v38 =	vld [tilespmem:$0x1F00];
	v1 =	vadd.f32 v33, v1  }
0x55: {  	v39 =	vld [tilespmem:$0x1980];
	v0 =	vadd.f32 v34, v0  }
0x56: {  	v1 =	vadd.f32 v35, v1  }
0x57: {  	v40 =	vld [tilespmem:$0x1A80];
	v0 =	vadd.f32 v36, v0  }
0x58: {  	v1 =	vadd.f32 v37, v1  }
0x59: {  	v41 =	vld [tilespmem:$0x1B80];
	v0 =	vadd.f32 v38, v0  }
0x5a: {  	v1 =	vadd.f32 v39, v1  }
0x5b: {  	v42 =	vld [tilespmem:$0x1C80];
	v43 =	vnsel vm0, $0x0, v0  }
0x5c: {  	v1 =	vadd.f32 v40, v1;
	(xrf2) =	vadd.scan.msk.f32 $0xffff, v43  }
0x5d: {  	v44 =	vld [tilespmem:$0x1D80];
	v45 =	vsel vm1, $0x0, v0  }
0x5e: {  	v1 =	vadd.f32 v41, v1;
	(xrf2) =	vadd.scan.msk.f32 $0xffff, v45  }
0x5f: {  	v46 =	vld [tilespmem:$0x1E80];
	v47 =	vsel vm2, $0x0, v0  }
0x60: {  	v1 =	vadd.f32 v42, v1;
	(xrf2) =	vadd.scan.msk.f32 $0xffff, v47  }
0x61: {  	v48 =	vld [tilespmem:$0x1F80];
	v49 =	vsel vm3, $0x0, v0  }
0x62: {  	v1 =	vadd.f32 v44, v1;
	(xrf2) =	vadd.scan.msk.f32 $0xffff, v49  }
0x63: {  	v50 =	vld [tilespmem:$0x2800];
	v51 =	vsel vm4, $0x0, v0  }
0x64: {  	v52 =	vld [tilespmem:$0x2000];
	v1 =	vadd.f32 v46, v1;
	(xrf2) =	vadd.scan.msk.f32 $0xffff, v51  }
0x65: {  	v53 =	vsel vm5, $0x0, v0  }
0x66: {  	v55 =	vld [tilespmem:$0x2080];
	v1 =	vadd.f32 v48, v1;
	v54, _, _ =	vpop (xrf2);
	(xrf2) =	vadd.scan.msk.f32 $0xffff, v53  }
0x67: {  	v56 =	vsel vm6, $0x0, v0;
	v4 =	vbroadcast v54, $0xF  }
0x68: {  	v58 =	vld [tilespmem:$0x2100];
	v1 =	vmul.f32 v1, v50;
	v57, _, _ =	vpop (xrf2);
	(xrf2) =	vadd.scan.msk.f32 $0xffff, v56  }
0x69: {  	v59 =	vsel vm7, $0x0, v0;
	v2 =	vbroadcast v57, $0xF;
	v3 =	vmul.f32 v4, v52  }
0x6a: {  	v8 =	vld [tilespmem:$0x2180];
	v12 =	vsel vm8, $0x0, v0;
	v60, _, _ =	vpop (xrf2);
	(xrf2) =	vadd.scan.msk.f32 $0xffff, v59  }
0x6b: {  	v61 =	vbroadcast v60, $0xF;
	v2 =	vmul.f32 v2, v55;
	v1 =	vadd.f32 v3, v1  }
0x6c: {  	v63 =	vld [tilespmem:$0x2200];
	v17 =	vsel vm9, $0x0, v0;
	v62, _, _ =	vpop (xrf2);
	(xrf2) =	vadd.scan.msk.f32 $0xffff, v12  }
0x6d: {  	v14 =	vbroadcast v62, $0xF;
	v13 =	vmul.f32 v58, v61;
	v1 =	vadd.f32 v1, v2  }
0x6e: {  	v16 =	vld [tilespmem:$0x2280];
	v22 =	vsel vm10, $0x0, v0;
	v15, _, _ =	vpop (xrf2);
	(xrf2) =	vadd.scan.msk.f32 $0xffff, v17  }
0x6f: {  	v19 =	vbroadcast v15, $0xF;
	v18 =	vmul.f32 v8, v14;
	v1 =	vadd.f32 v1, v13  }
0x70: {  	v21 =	vld [tilespmem:$0x2300];
	v27 =	vsel vm11, $0x0, v0;
	v20, _, _ =	vpop (xrf2);
	(xrf2) =	vadd.scan.msk.f32 $0xffff, v22  }
0x71: {  	v23 =	vmul.f32 v63, v19;
	v1 =	vadd.f32 v1, v18;
	v24 =	vbroadcast v20, $0xF  }
0x72: {  	v26 =	vld [tilespmem:$0x2380];
	v31 =	vsel vm12, $0x0, v0;
	v25, _, _ =	vpop (xrf2);
	(xrf2) =	vadd.scan.msk.f32 $0xffff, v27  }
0x73: {  	v29 =	vbroadcast v25, $0xF;
	v1 =	vadd.f32 v1, v23;
	v28 =	vmul.f32 v16, v24  }
0x74: {  	v34 =	vld [tilespmem:$0x2400];
	v35 =	vsel vm13, $0x0, v0;
	v30, _, _ =	vpop (xrf2);
	(xrf2) =	vadd.scan.msk.f32 $0xffff, v31  }
0x75: {  	v33 =	vbroadcast v30, $0xF;
	v32 =	vmul.f32 v21, v29;
	v1 =	vadd.f32 v1, v28  }
0x76: {  	v38 =	vld [tilespmem:$0x2480];
	v39 =	vsel vm14, $0x0, v0;
	v37, _, _ =	vpop (xrf2);
	(xrf2) =	vadd.scan.msk.f32 $0xffff, v35  }
0x77: {  	v3 =	vbroadcast v37, $0xF;
	v36 =	vmul.f32 v26, v33;
	v1 =	vadd.f32 v1, v32  }
0x78: {  	v41 =	vld [tilespmem:$0x2500];
	v0 =	vsel vm15, $0x0, v0;
	v40, _, _ =	vpop (xrf2);
	(xrf2) =	vadd.scan.msk.f32 $0xffff, v39  }
0x79: {  	v2 =	vbroadcast v40, $0xF;
	v3 =	vmul.f32 v34, v3;
	v1 =	vadd.f32 v1, v36  }
0x7a: {  	v43 =	vld [tilespmem:$0x2580];
	v42, _, _ =	vpop (xrf2);
	(xrf2) =	vadd.scan.msk.f32 $0xffff, v0  }
0x7b: {  	v2 =	vmul.f32 v38, v2;
	v1 =	vadd.f32 v1, v3;
	v44 =	vbroadcast v42, $0xF  }
0x7c: {  	v46 =	vld [tilespmem:$0x2600];
	v45, _, _ =	vpop (xrf2)  }
0x7d: {  	v48 =	vbroadcast v45, $0xF;
	v1 =	vadd.f32 v1, v2;
	v47 =	vmul.f32 v41, v44  }
0x7e: {  	v50 =	vld [tilespmem:$0x2680];
	v49, _, _ =	vpop (xrf2)  }
0x7f: {  	v51 =	vbroadcast v49, $0xF;
	v0 =	vmul.f32 v43, v48;
	v1 =	vadd.f32 v1, v47  }
0x80: {  	v53 =	vld [tilespmem:$0x2700];
	v52, _, _ =	vpop (xrf2)  }
0x81: {  	v55 =	vbroadcast v52, $0xF;
	v54 =	vmul.f32 v46, v51;
	v0 =	vadd.f32 v1, v0  }
0x82: {  	v57 =	vld [tilespmem:$0x2780];
	v56, _, _ =	vpop (xrf2)  }
0x83: {  	v59 =	vbroadcast v56, $0xF;
	v58 =	vmul.f32 v50, v55;
	v0 =	vadd.f32 v0, v54  }
0x84: {  	v60, _, _ =	vpop (xrf2)  }
0x85: {  	v61 =	vmul.f32 v53, v59;
	v0 =	vadd.f32 v0, v58;
	v62 =	vbroadcast v60, $0xF;
	_ =	sdelay $0x1  }
0x86: {  	v0 =	vadd.f32 v0, v61;
	v63 =	vmul.f32 v57, v62;
	_ =	sdelay $0x1  }
0x87: {  	v0 =	vadd.f32 v0, v63;
	_ =	sdelay $0x1  }
0x88: {  	[tilespmem:$0x2880] =	vst v0  }
0x89: {  	[tilespmem:$0x2900] =	vst v0  }
0x8a: {  	[tilespmem:$0x2980] =	vst v0  }
0x8b: {  	[tilespmem:$0x2A00] =	vst v0  }
0x8c: {  	[tilespmem:$0x2A80] =	vst v0  }
0x8d: {  	[tilespmem:$0x2B00] =	vst v0  }
0x8e: {  	[tilespmem:$0x2B80] =	vst v0  }
0x8f: {  	[tilespmem:$0x2C00] =	vst v0  }
0x90: {  	[tilespmem:$0x2C80] =	vst v0  }
0x91: {  	[tilespmem:$0x2D00] =	vst v0  }
0x92: {  	[tilespmem:$0x2D80] =	vst v0  }
0x93: {  	[tilespmem:$0x2E00] =	vst v0  }
0x94: {  	[tilespmem:$0x2E80] =	vst v0  }
0x95: {  	[tilespmem:$0x2F00] =	vst v0  }
0x96: {  	[tilespmem:$0x2F80] =	vst v0  }
0x97: {  	[tilespmem:$0x3000] =	vst v0  }
0x98: {  	[tilespmem:$0x3080] =	vst v0  }
0x99: {  	[tilespmem:$0x3100] =	vst v0  }
0x9a: {  	[tilespmem:$0x3180] =	vst v0  }
0x9b: {  	[tilespmem:$0x3200] =	vst v0  }
0x9c: {  	[tilespmem:$0x3280] =	vst v0  }
0x9d: {  	[tilespmem:$0x3300] =	vst v0  }
0x9e: {  	[tilespmem:$0x3380] =	vst v0  }
0x9f: {  	[tilespmem:$0x3400] =	vst v0  }
0xa0: {  	[tilespmem:$0x3480] =	vst v0  }
0xa1: {  	[tilespmem:$0x3500] =	vst v0  }
0xa2: {  	[tilespmem:$0x3580] =	vst v0  }
0xa3: {  	[tilespmem:$0x3600] =	vst v0  }
0xa4: {  	[tilespmem:$0x3680] =	vst v0  }
0xa5: {  	[tilespmem:$0x3700] =	vst v0  }
0xa6: {  	[tilespmem:$0x3780] =	vst v0  }
0xa7: {  	[tilespmem:$0x3800] =	vst v0  }
0xa8: {  	[tilespmem:$0x3880] =	vst v0  }
0xa9: {  	[tilespmem:$0x3900] =	vst v0  }
0xaa: {  	[tilespmem:$0x3980] =	vst v0  }
0xab: {  	[tilespmem:$0x3A00] =	vst v0  }
0xac: {  	[tilespmem:$0x3A80] =	vst v0  }
0xad: {  	[tilespmem:$0x3B00] =	vst v0  }
0xae: {  	[tilespmem:$0x3B80] =	vst v0  }
0xaf: {  	[tilespmem:$0x3C00] =	vst v0  }
0xb0: {  	[tilespmem:$0x3C80] =	vst v0  }
0xb1: {  	[tilespmem:$0x3D00] =	vst v0  }
0xb2: {  	[tilespmem:$0x3D80] =	vst v0  }
0xb3: {  	[tilespmem:$0x3E00] =	vst v0  }
0xb4: {  	[tilespmem:$0x3E80] =	vst v0  }
0xb5: {  	[tilespmem:$0x3F00] =	vst v0  }
0xb6: {  	[tilespmem:$0x3F80] =	vst v0  }
0xb7: {  	[tilespmem:$0x4000] =	vst v0  }
0xb8: {  	[tilespmem:$0x4080] =	vst v0  }
0xb9: {  	[tilespmem:$0x4100] =	vst v0  }
0xba: {  	[tilespmem:$0x4180] =	vst v0  }
0xbb: {  	[tilespmem:$0x4200] =	vst v0  }
0xbc: {  	[tilespmem:$0x4280] =	vst v0  }
0xbd: {  	[tilespmem:$0x4300] =	vst v0  }
0xbe: {  	[tilespmem:$0x4380] =	vst v0  }
0xbf: {  	[tilespmem:$0x4400] =	vst v0  }
0xc0: {  	[tilespmem:$0x4480] =	vst v0  }
0xc1: {  	[tilespmem:$0x4500] =	vst v0  }
0xc2: {  	[tilespmem:$0x4580] =	vst v0  }
0xc3: {  	[tilespmem:$0x4600] =	vst v0  }
0xc4: {  	[tilespmem:$0x4680] =	vst v0  }
0xc5: {  	[tilespmem:$0x4700] =	vst v0  }
0xc6: {  	[tilespmem:$0x4780] =	vst v0  }
0xc7: {  	[tilespmem:$0x4800] =	vst v0  }
0xc8: {  	[tilespmem:$0x4880] =	vst v0  }
0xc9: {  	[tilespmem:$0x4900] =	vst v0  }
0xca: {  	[tilespmem:$0x4980] =	vst v0  }
0xcb: {  	[tilespmem:$0x4A00] =	vst v0  }
0xcc: {  	[tilespmem:$0x4A80] =	vst v0  }
0xcd: {  	[tilespmem:$0x4B00] =	vst v0  }
0xce: {  	[tilespmem:$0x4B80] =	vst v0  }
0xcf: {  	[tilespmem:$0x4C00] =	vst v0  }
0xd0: {  	[tilespmem:$0x4C80] =	vst v0  }
0xd1: {  	[tilespmem:$0x4D00] =	vst v0  }
0xd2: {  	[tilespmem:$0x4D80] =	vst v0  }
0xd3: {  	[tilespmem:$0x4E00] =	vst v0  }
0xd4: {  	[tilespmem:$0x4E80] =	vst v0  }
0xd5: {  	[tilespmem:$0x4F00] =	vst v0  }
0xd6: {  	[tilespmem:$0x4F80] =	vst v0  }
0xd7: {  	[tilespmem:$0x5000] =	vst v0  }
0xd8: {  	[tilespmem:$0x5080] =	vst v0  }
0xd9: {  	[tilespmem:$0x5100] =	vst v0  }
0xda: {  	[tilespmem:$0x5180] =	vst v0  }
0xdb: {  	[tilespmem:$0x5200] =	vst v0  }
0xdc: {  	[tilespmem:$0x5280] =	vst v0  }
0xdd: {  	[tilespmem:$0x5300] =	vst v0  }
0xde: {  	[tilespmem:$0x5380] =	vst v0  }
0xdf: {  	[tilespmem:$0x5400] =	vst v0  }
0xe0: {  	[tilespmem:$0x5480] =	vst v0  }
0xe1: {  	[tilespmem:$0x5500] =	vst v0  }
0xe2: {  	[tilespmem:$0x5580] =	vst v0  }
0xe3: {  	[tilespmem:$0x5600] =	vst v0  }
0xe4: {  	[tilespmem:$0x5680] =	vst v0  }
0xe5: {  	[tilespmem:$0x5700] =	vst v0  }
0xe6: {  	[tilespmem:$0x5780] =	vst v0  }
0xe7: {  	[tilespmem:$0x5800] =	vst v0  }
0xe8: {  	[tilespmem:$0x5880] =	vst v0  }
0xe9: {  	[tilespmem:$0x5900] =	vst v0  }
0xea: {  	[tilespmem:$0x5980] =	vst v0  }
0xeb: {  	[tilespmem:$0x5A00] =	vst v0  }
0xec: {  	[tilespmem:$0x5A80] =	vst v0  }
0xed: {  	[tilespmem:$0x5B00] =	vst v0  }
0xee: {  	[tilespmem:$0x5B80] =	vst v0  }
0xef: {  	[tilespmem:$0x5C00] =	vst v0  }
0xf0: {  	[tilespmem:$0x5C80] =	vst v0  }
0xf1: {  	[tilespmem:$0x5D00] =	vst v0  }
0xf2: {  	[tilespmem:$0x5D80] =	vst v0  }
0xf3: {  	[tilespmem:$0x5E00] =	vst v0  }
0xf4: {  	[tilespmem:$0x5E80] =	vst v0  }
0xf5: {  	[tilespmem:$0x5F00] =	vst v0  }
0xf6: {  	[tilespmem:$0x5F80] =	vst v0  }
0xf7: {  	[tilespmem:$0x6000] =	vst v0  }
0xf8: {  	[tilespmem:$0x6080] =	vst v0  }
0xf9: {  	[tilespmem:$0x6100] =	vst v0  }
0xfa: {  	[tilespmem:$0x6180] =	vst v0  }
0xfb: {  	[tilespmem:$0x6200] =	vst v0  }
0xfc: {  	[tilespmem:$0x6280] =	vst v0  }
0xfd: {  	[tilespmem:$0x6300] =	vst v0  }
0xfe: {  	[tilespmem:$0x6380] =	vst v0  }
0xff: {  	[tilespmem:$0x6400] =	vst v0  }
0x100: {  	[tilespmem:$0x6480] =	vst v0  }
0x101: {  	[tilespmem:$0x6500] =	vst v0  }
0x102: {  	[tilespmem:$0x6580] =	vst v0  }
0x103: {  	[tilespmem:$0x6600] =	vst v0  }
0x104: {  	[tilespmem:$0x6680] =	vst v0  }
0x105: {  	[tilespmem:$0x6700] =	vst v0  }
0x106: {  	[tilespmem:$0x6780] =	vst v0  }
0x107: {  	[tilespmem:$0x6800] =	vst v0  }
0x108: {  	[hbm4b:s6+s3] =	stream.linear.scatter [tilespmem:s18], [sflag:$0x1], $0x4000, $0x38;
	[tilespmem:$0x6880] =	vst v63  }
0x109: {  	_ = 	snop  }
0x10a: {  	[hbm4b:s7+s3] =	stream.linear.scatter [tilespmem:s18], [sflag:$0x1], $0x4000, $0x38;
	[tilespmem:$0x6880] =	vst v63  }
0x10b: {  	_ = 	snop  }
0x10c: {  	[hbm4b:s8+s3] =	stream.linear.scatter [tilespmem:s18], [sflag:$0x1], $0x4000, $0x38;
	[tilespmem:$0x6880] =	vst v63  }
0x10d: {  	_ = 	snop  }
0x10e: {  	[hbm4b:s9+s3] =	stream.linear.scatter [tilespmem:s18], [sflag:$0x1], $0x4000, $0x38;
	[tilespmem:$0x6880] =	vst v63  }
0x10f: {  	_ = 	snop  }
0x110: {  	[hbm4b:s10+s3] =	stream.linear.scatter [tilespmem:s18], [sflag:$0x1], $0x4000, $0x38;
	[tilespmem:$0x6880] =	vst v63  }
0x111: {  	_ = 	snop  }
0x112: {  	[hbm4b:s11+s3] =	stream.linear.scatter [tilespmem:s18], [sflag:$0x1], $0x4000, $0x38;
	[tilespmem:$0x6880] =	vst v63  }
0x113: {  	_ = 	snop  }
0x114: {  	[hbm4b:s12+s3] =	stream.linear.scatter [tilespmem:s18], [sflag:$0x1], $0x4000, $0x38;
	[tilespmem:$0x6880] =	vst v63  }
0x115: {  	_ = 	snop  }
0x116: {  	[hbm4b:s13+s3] =	stream.linear.scatter [tilespmem:s18], [sflag:$0x1], $0x4000, $0x38;
	[tilespmem:$0x6880] =	vst v63  }
0x117: {  	_ =	swait.ge [sflag:s19], $0x4000  }
0x118: {  	[sflag:s19] =	ssyncset.done $0x0  }
0x119: {  	[sflag:s19] =	ssyncadd.s32 $0xFFFFC000  }
0x11a: {  	_ =	swait.ge [sflag:s19], $0x4000  }
0x11b: {  	[sflag:s19] =	ssyncset.done $0x0  }
0x11c: {  	[sflag:s19] =	ssyncadd.s32 $0xFFFFC000  }
0x11d: {  	_ =	swait.ge [sflag:s19], $0x4000  }
0x11e: {  	[sflag:s19] =	ssyncset.done $0x0  }
0x11f: {  	[sflag:s19] =	ssyncadd.s32 $0xFFFFC000  }
0x120: {  	_ =	swait.ge [sflag:s19], $0x4000  }
0x121: {  	[sflag:s19] =	ssyncset.done $0x0  }
0x122: {  	[sflag:s19] =	ssyncadd.s32 $0xFFFFC000  }
0x123: {  	_ =	swait.ge [sflag:s19], $0x4000  }
0x124: {  	[sflag:s19] =	ssyncset.done $0x0  }
0x125: {  	[sflag:s19] =	ssyncadd.s32 $0xFFFFC000  }
0x126: {  	_ =	swait.ge [sflag:s19], $0x4000  }
0x127: {  	[sflag:s19] =	ssyncset.done $0x0  }
0x128: {  	[sflag:s19] =	ssyncadd.s32 $0xFFFFC000  }
0x129: {  	p0 =	sne.s32 s14, $0x1;
	_ =	swait.ge [sflag:s19], $0x4000  }
.Ltmp0:
0x12a: {  	[sflag:s19] =	ssyncset.done $0x0;
	(pc) =	sbr.rel @p0 .LBB2_1-.Ltmp0, $4  }
0x12b: {  	[sflag:s19] =	ssyncadd.s32 $0xFFFFC000  }
0x12c: {  	_ =	swait.ge [sflag:s19], $0x4000  }
0x12d: {  	[sflag:s19] =	ssyncset.done $0x0  }
0x12e: {  	s14 =	sadd.s32 $0xFFFFFFFF, s14;
	[sflag:s19] =	ssyncadd.s32 $0xFFFFC000  }
0x12f: {  	_ =	sfence.sel $0x180000  }
0x130: {  	[bflag:$0x0] =	sbarrier.arrive $0xFFFF  }
0x131: {  	p0 =	sne.s32 s2, $0x0;
	_ =	strace $0x9000004A  }
0x132: {  	s0 =	sadd.s32 @!p0 $0x100000, s0;
	[bflag:$0x2] =	sbarrier.arrive $0xFFFF  }
0x133: {  	[sflag:s0] =	ssyncadd.tile.s32 @!p0 $0x1;
	_ =	shalt  }
.Lfunc_end2:
_tile_overlayer_lowered:
.L_overlay_start_2:
0x134: {  	(tag) =	ssettag $0x2  }
0x135: {  	s0 =	rddreg [dreg:$0x0];
	s2 =	stileid.u32  }
0x136: {  	s1 =	rddreg [dreg:$0x1];
	p0 =	sne.s32 s2, $0x0  }
0x137: {  	s3 =	rddreg [dreg:$0x2];
	[bflag:$0x3] =	sbarrier.arrive $0xFFFF;
	s2 =	simm.s32 @!p0 $0x1C02  }
0x138: {  	[timem:s3], [sflag:s2] =	dma.local @!p0 [hbm:s0], s1  }
0x139: {  	s0 =	simm.s32 @!p0 $0x2  }
0x13a: {  	_ =	swait.ge @!p0 [sflag:s0], s1  }
0x13b: {  	s1 =	ssub.s32 @!p0 $0x0, s1;
	[sflag:s0] =	ssyncset.done @!p0 $0x0  }
0x13c: {  	[sflag:s0] =	ssyncadd.s32 @!p0 s1  }
0x13d: {  	[bflag:$0x3] =	sbarrier.arrive $0xFFFF  }
0x13e: {  	_ =	shalt  }

</sc_bundles>
